<compile_context>
chip_gen: v7x
topology: tpu7x:2x2x1
jax: 0.10.2.dev20260603
libtpu: 0.0.44.dev20260713+nightly
codegen_flags: <defaults>
</compile_context>

<pallas_src>
import functools

import jax
import jax.numpy as jnp
from jax import lax
from jax.experimental import pallas as pl
from jax.experimental.pallas import tpu as pltpu
from jax.experimental.pallas import tpu_sc as plsc

N = 10000
E = 160000
GROUP = 128
NC, NS = 2, 16
NW = NC * NS
IDX_ROWS = 1280
E_PAD = IDX_ROWS * GROUP
RPW = IDX_ROWS // NW
N_PAD = 10112
ROW_BLK = 1000


def _sc_mesh():
    return plsc.VectorSubcoreMesh(core_axis_name="c", subcore_axis_name="s")


_SC_PARAMS = pltpu.CompilerParams(use_tc_tiling_on_sc=False)


NBUF_DEG, NBUF_PLAIN = 4, 4

R0, R1 = 72, 8


def _sc_segment_sum(y, src2d, dst2d, zeros_pad, D, deg_args=None):
    with_deg = deg_args is not None
    nbuf = NBUF_DEG if with_deg else NBUF_PLAIN
    agg_type = jax.ShapeDtypeStruct((NC, N_PAD, D), jnp.float32)
    out_type = [agg_type]
    rmax = max(R0, R1)
    scratch = (
        [pltpu.VMEM((rmax, GROUP), jnp.int32),
         pltpu.VMEM((rmax, GROUP), jnp.int32)]
        + [pltpu.VMEM((GROUP, D), jnp.float32)] * nbuf
        + [pltpu.VMEM_SHARED((N_PAD, D), jnp.float32)]
        + [pltpu.SemaphoreType.DMA] * nbuf
    )
    if with_deg:
        out_type.append(jax.ShapeDtypeStruct((NC, N_PAD, 16), jnp.float32))
        scratch += [pltpu.VMEM((GROUP, 16), jnp.float32),
                    pltpu.VMEM_SHARED((N_PAD, 16), jnp.float32)]
    else:
        out_type = agg_type

    @functools.partial(
        pl.kernel,
        out_type=out_type,
        mesh=_sc_mesh(),
        compiler_params=_SC_PARAMS,
        scratch_types=scratch,
    )
    def agg(*refs):
        if with_deg:
            (y_hbm, src_hbm, dst_hbm, z_hbm, ones_hbm, z16_hbm,
             out_hbm, deg_hbm) = refs[:8]
            rest = refs[8:]
        else:
            y_hbm, src_hbm, dst_hbm, z_hbm, out_hbm = refs[:5]
            rest = refs[5:]
        src_vm, dst_vm = rest[0], rest[1]
        bufs = rest[2:2 + nbuf]
        acc_sh = rest[2 + nbuf]
        sems = rest[3 + nbuf:3 + 2 * nbuf]
        if with_deg:
            ones_vm, dacc_sh = rest[3 + 2 * nbuf], rest[4 + 2 * nbuf]
        c = lax.axis_index("c")
        s = lax.axis_index("s")
        zrows = N_PAD // NS
        pltpu.sync_copy(z_hbm.at[pl.ds(s * zrows, zrows)],
                        acc_sh.at[pl.ds(s * zrows, zrows)])
        if with_deg:
            pltpu.sync_copy(z16_hbm.at[pl.ds(s * zrows, zrows)],
                            dacc_sh.at[pl.ds(s * zrows, zrows)])
            pltpu.sync_copy(ones_hbm, ones_vm)

        def edge_loop(base, rpw):
            pltpu.sync_copy(src_hbm.at[pl.ds(base, rpw)],
                            src_vm.at[pl.ds(0, rpw)])
            pltpu.sync_copy(dst_hbm.at[pl.ds(base, rpw)],
                            dst_vm.at[pl.ds(0, rpw)])
            plsc.subcore_barrier()

            for b in range(nbuf):
                pltpu.async_copy(y_hbm.at[src_vm.at[b]], bufs[b], sems[b])

            @pl.loop(0, rpw, step=nbuf)
            def _(g):
                for b in range(nbuf):
                    @pl.when(g + b < rpw)
                    def _():
                        pltpu.make_async_copy(
                            y_hbm.at[src_vm.at[g + b]], bufs[b],
                            sems[b]).wait()
                        pltpu.sync_copy(bufs[b],
                                        acc_sh.at[dst_vm.at[g + b]],
                                        add=True)
                        if with_deg:
                            pltpu.sync_copy(ones_vm,
                                            dacc_sh.at[dst_vm.at[g + b]],
                                            add=True)

                        @pl.when(g + nbuf + b < rpw)
                        def _():
                            pltpu.async_copy(
                                y_hbm.at[src_vm.at[g + nbuf + b]],
                                bufs[b], sems[b])

        @pl.when(c == 0)
        def _():
            edge_loop(s * R0, R0)

        @pl.when(c != 0)
        def _():
            edge_loop(NS * R0 + s * R1, R1)

        plsc.subcore_barrier()
        pltpu.sync_copy(acc_sh.at[pl.ds(s * zrows, zrows)],
                        out_hbm.at[c, pl.ds(s * zrows, zrows)])
        if with_deg:
            pltpu.sync_copy(dacc_sh.at[pl.ds(s * zrows, zrows)],
                            deg_hbm.at[c, pl.ds(s * zrows, zrows)])

    if with_deg:
        return agg(y, src2d, dst2d, zeros_pad, deg_args[0], deg_args[1])
    return agg(y, src2d, dst2d, zeros_pad)


def _tc_in_proj(x, wcat_t):

    def body(x_ref, w_ref, y1_ref, zr_ref):
        z = jnp.dot(x_ref[...], w_ref[...], preferred_element_type=jnp.float32)
        y1_ref[...] = z[:, :64]
        zr_ref[...] = z[:, 64:]

    return pl.pallas_call(
        body,
        grid=(N // ROW_BLK,),
        in_specs=[
            pl.BlockSpec((ROW_BLK, 256), lambda i: (i, 0)),
            pl.BlockSpec((256, 128), lambda i: (0, 0)),
        ],
        out_specs=[
            pl.BlockSpec((ROW_BLK, 64), lambda i: (i, 0)),
            pl.BlockSpec((ROW_BLK, 64), lambda i: (i, 0)),
        ],
        out_shape=[
            jax.ShapeDtypeStruct((N, 64), jnp.float32),
            jax.ShapeDtypeStruct((N, 64), jnp.float32),
        ],
    )(x, wcat_t)


def _tc_layer1(p, deg, zr, b1):

    def body(p_ref, d_ref, zr_ref, b_ref, h1_ref, inv_ref):
        d = d_ref[0] + d_ref[1]
        inv = 1.0 / jnp.maximum(d, 1.0)
        col = lax.broadcasted_iota(jnp.int32, inv.shape, 1)
        inv = jnp.where(col == 1, jnp.minimum(d[:, 0:1], 1.0), inv)
        inv_ref[...] = inv
        m = (p_ref[0] + p_ref[1]) * inv[:, 0:1]
        h1_ref[...] = jnp.maximum(m + zr_ref[...] + b_ref[...], 0.0)

    return pl.pallas_call(
        body,
        grid=(N // ROW_BLK,),
        in_specs=[
            pl.BlockSpec((2, ROW_BLK, 64), lambda i: (0, i, 0)),
            pl.BlockSpec((2, ROW_BLK, 16), lambda i: (0, i, 0)),
            pl.BlockSpec((ROW_BLK, 64), lambda i: (i, 0)),
            pl.BlockSpec((1, 64), lambda i: (0, 0)),
        ],
        out_specs=[
            pl.BlockSpec((ROW_BLK, 64), lambda i: (i, 0)),
            pl.BlockSpec((ROW_BLK, 16), lambda i: (i, 0)),
        ],
        out_shape=[
            jax.ShapeDtypeStruct((N, 64), jnp.float32),
            jax.ShapeDtypeStruct((N, 16), jnp.float32),
        ],
    )(p, deg, zr, b1)


def _tc_layer2(q, inv, h1, w2l_t, w2r_t, b2):

    def body(q_ref, inv_ref, h1_ref, wl_ref, wr_ref, b_ref, h2_ref, m1_ref):
        m1 = (q_ref[0] + q_ref[1]) * inv_ref[:, 0:1]
        m1_ref[...] = m1
        h2_ref[...] = (
            jnp.dot(m1, wl_ref[...], preferred_element_type=jnp.float32)
            + jnp.dot(h1_ref[...], wr_ref[...], preferred_element_type=jnp.float32)
            + b_ref[...]
        )

    return pl.pallas_call(
        body,
        grid=(N // ROW_BLK,),
        in_specs=[
            pl.BlockSpec((2, ROW_BLK, 64), lambda i: (0, i, 0)),
            pl.BlockSpec((ROW_BLK, 16), lambda i: (i, 0)),
            pl.BlockSpec((ROW_BLK, 64), lambda i: (i, 0)),
            pl.BlockSpec((64, 128), lambda i: (0, 0)),
            pl.BlockSpec((64, 128), lambda i: (0, 0)),
            pl.BlockSpec((1, 128), lambda i: (0, 0)),
        ],
        out_specs=[
            pl.BlockSpec((ROW_BLK, 128), lambda i: (i, 0)),
            pl.BlockSpec((ROW_BLK, 64), lambda i: (i, 0)),
        ],
        out_shape=[
            jax.ShapeDtypeStruct((N, 128), jnp.float32),
            jax.ShapeDtypeStruct((N, 64), jnp.float32),
        ],
    )(q, inv, h1, w2l_t, w2r_t, b2)


def _tc_layer3(r, inv, m1, h2, a3_t, b3_t, c3, w3r_t, b3, wlin_t, blin):

    def body(r_ref, inv_ref, m1_ref, h2_ref, wa_ref, wb_ref, c3_ref,
             wr_ref, b_ref, wo_ref, bo_ref, out_ref):
        m2 = (r_ref[0] + r_ref[1]) * inv_ref[:, 0:1]
        gate = inv_ref[:, 1:2]
        pre = (
            jnp.dot(m2, wa_ref[...], preferred_element_type=jnp.float32)
            + jnp.dot(m1_ref[...], wb_ref[...], preferred_element_type=jnp.float32)
            + jnp.dot(h2_ref[...], wr_ref[...], preferred_element_type=jnp.float32)
            + gate * c3_ref[...]
            + b_ref[...]
        )
        h3 = jnp.maximum(pre, 0.0)
        logits = jnp.dot(h3, wo_ref[...], preferred_element_type=jnp.float32)
        logits = logits + bo_ref[...]
        mx = jnp.max(logits, axis=1, keepdims=True)
        e = jnp.exp(logits - mx)
        out_ref[...] = e / jnp.sum(e, axis=1, keepdims=True)

    return pl.pallas_call(
        body,
        grid=(N // ROW_BLK,),
        in_specs=[
            pl.BlockSpec((2, ROW_BLK, 64), lambda i: (0, i, 0)),
            pl.BlockSpec((ROW_BLK, 16), lambda i: (i, 0)),
            pl.BlockSpec((ROW_BLK, 64), lambda i: (i, 0)),
            pl.BlockSpec((ROW_BLK, 128), lambda i: (i, 0)),
            pl.BlockSpec((64, 256), lambda i: (0, 0)),
            pl.BlockSpec((64, 256), lambda i: (0, 0)),
            pl.BlockSpec((1, 256), lambda i: (0, 0)),
            pl.BlockSpec((128, 256), lambda i: (0, 0)),
            pl.BlockSpec((1, 256), lambda i: (0, 0)),
            pl.BlockSpec((256, 64), lambda i: (0, 0)),
            pl.BlockSpec((1, 64), lambda i: (0, 0)),
        ],
        out_specs=pl.BlockSpec((ROW_BLK, 64), lambda i: (i, 0)),
        out_shape=jax.ShapeDtypeStruct((N, 64), jnp.float32),
    )(r, inv, m1, h2, a3_t, b3_t, c3, w3r_t, b3, wlin_t, blin)


def kernel(x, edge_index, W1l, W1r, b1, W2l, W2r, b2, W3l, W3r, b3,
           Wlin, blin):
    src = edge_index[0].astype(jnp.int32)
    dst = edge_index[1].astype(jnp.int32)
    npad = E_PAD - E
    src2d = jnp.concatenate(
        [src, jnp.zeros((npad,), jnp.int32)]).reshape(IDX_ROWS, GROUP)
    dst2d = jnp.concatenate(
        [dst, jnp.full((npad,), N, jnp.int32)]).reshape(IDX_ROWS, GROUP)

    z64 = jnp.zeros((N_PAD, 64), jnp.float32)
    z16 = jnp.zeros((N_PAD, 16), jnp.float32)
    ones_rows = jnp.zeros((GROUP, 16), jnp.float32).at[:, 0].set(1.0)

    wcat_t = jnp.concatenate([W1l, W1r], axis=0).T
    a3_t = (W3l @ W2l).T
    b3f_t = (W3l @ W2r).T
    c3 = (W3l @ b2).reshape(1, 256)

    y1, zr = _tc_in_proj(x, wcat_t)
    p, deg = _sc_segment_sum(y1, src2d, dst2d, z64, 64,
                             deg_args=(ones_rows, z16))
    h1, inv = _tc_layer1(p, deg, zr, b1.reshape(1, 64))
    q = _sc_segment_sum(h1, src2d, dst2d, z64, 64)
    h2, m1 = _tc_layer2(q, inv, h1, W2l.T, W2r.T, b2.reshape(1, 128))
    r = _sc_segment_sum(m1, src2d, dst2d, z64, 64)
    out = _tc_layer3(r, inv, m1, h2, a3_t, b3f_t, c3, W3r.T,
                     b3.reshape(1, 256), Wlin.T, blin.reshape(1, 64))
    return out

# --- scband reference (transcript-rebuilt; emitter-appended) ---
"""Pipeline reference for scband-gnn-77335181132167 (READ-ONLY COPY).

The authoritative reference and input builder live on the scoring server;
editing this copy changes nothing except your own understanding.
"""

import jax, jax.numpy as jnp
import numpy as np

N_NODES = 10000
N_EDGES = 160000
D_FEAT = 256
OUT_CH = 64


def _sage_conv(x, edge_index, W_l, W_r, b):
    # PyG-style SAGEConv with mean aggregation:
    # out_i = W_l * mean_{j in N(i)} x_j + W_r * x_i + b
    src = edge_index[0]
    dst = edge_index[1]
    msgs = x[src]
    agg = jax.ops.segment_sum(msgs, dst, num_segments=x.shape[0])
    deg = jax.ops.segment_sum(jnp.ones((edge_index.shape[1],), dtype=x.dtype), dst, num_segments=x.shape[0])
    mean = agg / jnp.maximum(deg, 1.0)[:, None]
    return mean @ W_l.T + x @ W_r.T + b


def setup_inputs(seed: int = 0) -> dict:
    key = jax.random.key(seed)
    ks = jax.random.split(key, 16)
    x = jax.random.normal(ks[0], (N_NODES, D_FEAT), dtype=jnp.float32)
    edge_index = jax.random.randint(ks[1], (2, N_EDGES), 0, N_NODES, dtype=jnp.int64)
    def w(k, o, i):
        return jax.random.normal(k, (o, i), dtype=jnp.float32) * (1.0 / np.sqrt(i))
    params = {
        "W1l": w(ks[2], 64, 256), "W1r": w(ks[3], 64, 256), "b1": jnp.zeros((64,), jnp.float32),
        "W2l": w(ks[4], 128, 64), "W2r": w(ks[5], 128, 64), "b2": jnp.zeros((128,), jnp.float32),
        "W3l": w(ks[6], 256, 128), "W3r": w(ks[7], 256, 128), "b3": jnp.zeros((256,), jnp.float32),
        "Wlin": w(ks[8], OUT_CH, 256), "blin": jnp.zeros((OUT_CH,), jnp.float32),
    }
    out = {"x": x, "edge_index": edge_index}
    out.update(params)
    return out


def reference(x, edge_index, W1l, W1r, b1, W2l, W2r, b2, W3l, W3r, b3, Wlin, blin):
    h = _sage_conv(x, edge_index, W1l, W1r, b1)
    h = jax.nn.relu(h)
    h = _sage_conv(h, edge_index, W2l, W2r, b2)
    h = _sage_conv(h, edge_index, W3l, W3r, b3)
    h = jax.nn.relu(h)
    h = h @ Wlin.T + blin
    return jax.nn.softmax(h, axis=-1)

if __name__ == "__main__":
    import jax
    _d = setup_inputs()
    print(jax.jit(kernel)(*tuple(_d.values())))

</pallas_src>

<mosaic_0001>
#map = affine_map<(d0, d1) -> (0, 0)>
#map1 = affine_map<(d0, d1) -> (0, 0, 0)>
module attributes {stable_mosaic.version = 14 : i64} {
  func.func @agg(%arg0: i32, %arg1: i32, %arg2: memref<10000x64xf32, #tpu.memory_space<hbm>>, %arg3: memref<1280x128xi32, #tpu.memory_space<hbm>>, %arg4: memref<1280x128xi32, #tpu.memory_space<hbm>>, %arg5: memref<10112x64xf32, #tpu.memory_space<hbm>>, %arg6: memref<2x10112x64xf32, #tpu.memory_space<hbm>>, %arg7: memref<72x128xi32, #tpu.memory_space<vmem>>, %arg8: memref<72x128xi32, #tpu.memory_space<vmem>>, %arg9: memref<128x64xf32, #tpu.memory_space<vmem>>, %arg10: memref<128x64xf32, #tpu.memory_space<vmem>>, %arg11: memref<128x64xf32, #tpu.memory_space<vmem>>, %arg12: memref<128x64xf32, #tpu.memory_space<vmem>>, %arg13: memref<10112x64xf32, #tpu.memory_space<vmem_shared>>, %arg14: memref<!tpu.dma_semaphore, #tpu.memory_space<semaphore_mem>>, %arg15: memref<!tpu.dma_semaphore, #tpu.memory_space<semaphore_mem>>, %arg16: memref<!tpu.dma_semaphore, #tpu.memory_space<semaphore_mem>>, %arg17: memref<!tpu.dma_semaphore, #tpu.memory_space<semaphore_mem>>) attributes {dimension_semantics = [#tpu.dimension_semantics<core_parallel>, #tpu.dimension_semantics<subcore_parallel>], iteration_bounds = array<i64: 2, 16>, scalar_prefetch = 0 : i64, scratch_operands = 11 : i64, tpu.core_type = #tpu.core_type<sc_vector_subcore>, window_params = [{transform_indices = #map}, {transform_indices = #map}, {transform_indices = #map}, {transform_indices = #map}, {transform_indices = #map1}]} {
    %mul3A = arith.constant 632 : i32
    %mul3A_0 = arith.muli %arg1, %mul3A : i32
    %mul3A_1 = arith.constant 632 : i32
    %mul3A_2 = arith.muli %arg1, %mul3A_1 : i32
    "tpu.region"() ({
      %run_scoped3A = tpu.sem_alloc : memref<!tpu.dma_semaphore, #tpu.memory_space<semaphore_mem>>
      %dma_start3A = arith.constant 0 : i32
      %dma_start3A_13 = tpu.memref_slice %arg13[%mul3A_2, %dma_start3A] : memref<10112x64xf32, #tpu.memory_space<vmem_shared>> -> memref<632x64xf32, #tpu.memory_space<vmem_shared>>
      %dma_start3A_14 = arith.constant 0 : i32
      %dma_start3A_15 = tpu.memref_slice %arg5[%mul3A_0, %dma_start3A_14] : memref<10112x64xf32, #tpu.memory_space<hbm>> -> memref<632x64xf32, #tpu.memory_space<hbm>>
      tpu.enqueue_dma source(%dma_start3A_15 : memref<632x64xf32, #tpu.memory_space<hbm>>) target(%dma_start3A_13 : memref<632x64xf32, #tpu.memory_space<vmem_shared>>) target_semaphore(%run_scoped3A : memref<!tpu.dma_semaphore, #tpu.memory_space<semaphore_mem>>)
      %dma_wait3A = arith.constant 0 : i32
      %dma_wait3A_16 = tpu.memref_slice %arg13[%mul3A_2, %dma_wait3A] : memref<10112x64xf32, #tpu.memory_space<vmem_shared>> -> memref<632x64xf32, #tpu.memory_space<vmem_shared>>
      %dma_wait3A_17 = arith.constant 0 : i32
      %dma_wait3A_18 = tpu.memref_slice %arg5[%mul3A_0, %dma_wait3A_17] : memref<10112x64xf32, #tpu.memory_space<hbm>> -> memref<632x64xf32, #tpu.memory_space<hbm>>
      tpu.wait_dma2 semaphore(%run_scoped3A : memref<!tpu.dma_semaphore, #tpu.memory_space<semaphore_mem>>) src(%dma_wait3A_18 : memref<632x64xf32, #tpu.memory_space<hbm>>) dst(%dma_wait3A_16 : memref<632x64xf32, #tpu.memory_space<vmem_shared>>)
      tpu.yield
    }) : () -> ()
    %eq3A = arith.constant 0 : i32
    %eq3A_3 = arith.cmpi eq, %arg0, %eq3A : i32
    %convert_element_type3A = arith.extui %eq3A_3 : i1 to i32
    %cond3A = arith.constant 0 : i32
    %cond3A_4 = arith.cmpi ne, %convert_element_type3A, %cond3A : i32
    scf.if %cond3A_4 {
      %mul3A_13 = arith.constant 72 : i32
      %mul3A_14 = arith.muli %arg1, %mul3A_13 : i32
      "tpu.region"() ({
        %run_scoped3A = tpu.sem_alloc : memref<!tpu.dma_semaphore, #tpu.memory_space<semaphore_mem>>
        %dma_start3A_47 = arith.constant 0 : i32
        %dma_start3A_48 = arith.constant 0 : i32
        %dma_start3A_49 = tpu.memref_slice %arg7[%dma_start3A_47, %dma_start3A_48] : memref<72x128xi32, #tpu.memory_space<vmem>> -> memref<72x128xi32, #tpu.memory_space<vmem>>
        %dma_start3A_50 = arith.constant 0 : i32
        %dma_start3A_51 = tpu.memref_slice %arg3[%mul3A_14, %dma_start3A_50] : memref<1280x128xi32, #tpu.memory_space<hbm>> -> memref<72x128xi32, #tpu.memory_space<hbm>>
        %dma_start3A_52 = arith.constant 0 : i32
        %dma_start3A_53 = arith.constant 0 : i32
        %dma_start3A_54 = tpu.memref_slice %arg7[%dma_start3A_52, %dma_start3A_53] : memref<72x128xi32, #tpu.memory_space<vmem>> -> memref<72x128xi32, #tpu.memory_space<vmem>>
        %dma_start3A_55 = arith.constant 0 : i32
        %dma_start3A_56 = tpu.memref_slice %arg3[%mul3A_14, %dma_start3A_55] : memref<1280x128xi32, #tpu.memory_space<hbm>> -> memref<72x128xi32, #tpu.memory_space<hbm>>
        tpu.enqueue_dma source(%dma_start3A_56 : memref<72x128xi32, #tpu.memory_space<hbm>>) target(%dma_start3A_54 : memref<72x128xi32, #tpu.memory_space<vmem>>) target_semaphore(%run_scoped3A : memref<!tpu.dma_semaphore, #tpu.memory_space<semaphore_mem>>)
        %dma_wait3A = arith.constant 0 : i32
        %dma_wait3A_57 = arith.constant 0 : i32
        %dma_wait3A_58 = tpu.memref_slice %arg7[%dma_wait3A, %dma_wait3A_57] : memref<72x128xi32, #tpu.memory_space<vmem>> -> memref<72x128xi32, #tpu.memory_space<vmem>>
        %dma_wait3A_59 = arith.constant 0 : i32
        %dma_wait3A_60 = tpu.memref_slice %arg3[%mul3A_14, %dma_wait3A_59] : memref<1280x128xi32, #tpu.memory_space<hbm>> -> memref<72x128xi32, #tpu.memory_space<hbm>>
        %dma_wait3A_61 = arith.constant 0 : i32
        %dma_wait3A_62 = arith.constant 0 : i32
        %dma_wait3A_63 = tpu.memref_slice %arg7[%dma_wait3A_61, %dma_wait3A_62] : memref<72x128xi32, #tpu.memory_space<vmem>> -> memref<72x128xi32, #tpu.memory_space<vmem>>
        %dma_wait3A_64 = arith.constant 0 : i32
        %dma_wait3A_65 = tpu.memref_slice %arg3[%mul3A_14, %dma_wait3A_64] : memref<1280x128xi32, #tpu.memory_space<hbm>> -> memref<72x128xi32, #tpu.memory_space<hbm>>
        tpu.wait_dma2 semaphore(%run_scoped3A : memref<!tpu.dma_semaphore, #tpu.memory_space<semaphore_mem>>) src(%dma_wait3A_65 : memref<72x128xi32, #tpu.memory_space<hbm>>) dst(%dma_wait3A_63 : memref<72x128xi32, #tpu.memory_space<vmem>>)
        tpu.yield
      }) : () -> ()
      "tpu.region"() ({
        %run_scoped3A = tpu.sem_alloc : memref<!tpu.dma_semaphore, #tpu.memory_space<semaphore_mem>>
        %dma_start3A_47 = arith.constant 0 : i32
        %dma_start3A_48 = arith.constant 0 : i32
        %dma_start3A_49 = tpu.memref_slice %arg8[%dma_start3A_47, %dma_start3A_48] : memref<72x128xi32, #tpu.memory_space<vmem>> -> memref<72x128xi32, #tpu.memory_space<vmem>>
        %dma_start3A_50 = arith.constant 0 : i32
        %dma_start3A_51 = tpu.memref_slice %arg4[%mul3A_14, %dma_start3A_50] : memref<1280x128xi32, #tpu.memory_space<hbm>> -> memref<72x128xi32, #tpu.memory_space<hbm>>
        %dma_start3A_52 = arith.constant 0 : i32
        %dma_start3A_53 = arith.constant 0 : i32
        %dma_start3A_54 = tpu.memref_slice %arg8[%dma_start3A_52, %dma_start3A_53] : memref<72x128xi32, #tpu.memory_space<vmem>> -> memref<72x128xi32, #tpu.memory_space<vmem>>
        %dma_start3A_55 = arith.constant 0 : i32
        %dma_start3A_56 = tpu.memref_slice %arg4[%mul3A_14, %dma_start3A_55] : memref<1280x128xi32, #tpu.memory_space<hbm>> -> memref<72x128xi32, #tpu.memory_space<hbm>>
        tpu.enqueue_dma source(%dma_start3A_56 : memref<72x128xi32, #tpu.memory_space<hbm>>) target(%dma_start3A_54 : memref<72x128xi32, #tpu.memory_space<vmem>>) target_semaphore(%run_scoped3A : memref<!tpu.dma_semaphore, #tpu.memory_space<semaphore_mem>>)
        %dma_wait3A = arith.constant 0 : i32
        %dma_wait3A_57 = arith.constant 0 : i32
        %dma_wait3A_58 = tpu.memref_slice %arg8[%dma_wait3A, %dma_wait3A_57] : memref<72x128xi32, #tpu.memory_space<vmem>> -> memref<72x128xi32, #tpu.memory_space<vmem>>
        %dma_wait3A_59 = arith.constant 0 : i32
        %dma_wait3A_60 = tpu.memref_slice %arg4[%mul3A_14, %dma_wait3A_59] : memref<1280x128xi32, #tpu.memory_space<hbm>> -> memref<72x128xi32, #tpu.memory_space<hbm>>
        %dma_wait3A_61 = arith.constant 0 : i32
        %dma_wait3A_62 = arith.constant 0 : i32
        %dma_wait3A_63 = tpu.memref_slice %arg8[%dma_wait3A_61, %dma_wait3A_62] : memref<72x128xi32, #tpu.memory_space<vmem>> -> memref<72x128xi32, #tpu.memory_space<vmem>>
        %dma_wait3A_64 = arith.constant 0 : i32
        %dma_wait3A_65 = tpu.memref_slice %arg4[%mul3A_14, %dma_wait3A_64] : memref<1280x128xi32, #tpu.memory_space<hbm>> -> memref<72x128xi32, #tpu.memory_space<hbm>>
        tpu.wait_dma2 semaphore(%run_scoped3A : memref<!tpu.dma_semaphore, #tpu.memory_space<semaphore_mem>>) src(%dma_wait3A_65 : memref<72x128xi32, #tpu.memory_space<hbm>>) dst(%dma_wait3A_63 : memref<72x128xi32, #tpu.memory_space<vmem>>)
        tpu.yield
      }) : () -> ()
      %barrier3A_15 = arith.constant 0 : index
      tpu.barrier barrier_id(%barrier3A_15)
      %dma_start3A = arith.constant 0 : i32
      %dma_start3A_16 = arith.constant 0 : i32
      %dma_start3A_17 = tpu.memref_slice %arg7[%dma_start3A, %dma_start3A_16] : memref<72x128xi32, #tpu.memory_space<vmem>> -> memref<1x128xi32, #tpu.memory_space<vmem>>
      %dma_start3A_18 = tpu.memref_squeeze %dma_start3A_17 : memref<1x128xi32, #tpu.memory_space<vmem>> -> memref<128xi32, #tpu.memory_space<vmem>>
      %dma_start3A_19 = arith.constant 0 : i32
      %dma_start3A_20 = arith.constant 0 : i32
      %dma_start3A_21 = tpu.memref_slice %arg2[%dma_start3A_19, %dma_start3A_20] : memref<10000x64xf32, #tpu.memory_space<hbm>> -> memref<10000x64xf32, #tpu.memory_space<hbm>>
      tpu.enqueue_indirect_dma source(%dma_start3A_21 : memref<10000x64xf32, #tpu.memory_space<hbm>>) target(%arg9 : memref<128x64xf32, #tpu.memory_space<vmem>>) offsets(%dma_start3A_18 : memref<128xi32, #tpu.memory_space<vmem>>) semaphore(%arg14 : memref<!tpu.dma_semaphore, #tpu.memory_space<semaphore_mem>>)
      %dma_start3A_22 = arith.constant 1 : i32
      %dma_start3A_23 = arith.constant 0 : i32
      %dma_start3A_24 = tpu.memref_slice %arg7[%dma_start3A_22, %dma_start3A_23] : memref<72x128xi32, #tpu.memory_space<vmem>> -> memref<1x128xi32, #tpu.memory_space<vmem>>
      %dma_start3A_25 = tpu.memref_squeeze %dma_start3A_24 : memref<1x128xi32, #tpu.memory_space<vmem>> -> memref<128xi32, #tpu.memory_space<vmem>>
      %dma_start3A_26 = arith.constant 0 : i32
      %dma_start3A_27 = arith.constant 0 : i32
      %dma_start3A_28 = tpu.memref_slice %arg2[%dma_start3A_26, %dma_start3A_27] : memref<10000x64xf32, #tpu.memory_space<hbm>> -> memref<10000x64xf32, #tpu.memory_space<hbm>>
      tpu.enqueue_indirect_dma source(%dma_start3A_28 : memref<10000x64xf32, #tpu.memory_space<hbm>>) target(%arg10 : memref<128x64xf32, #tpu.memory_space<vmem>>) offsets(%dma_start3A_25 : memref<128xi32, #tpu.memory_space<vmem>>) semaphore(%arg15 : memref<!tpu.dma_semaphore, #tpu.memory_space<semaphore_mem>>)
      %dma_start3A_29 = arith.constant 2 : i32
      %dma_start3A_30 = arith.constant 0 : i32
      %dma_start3A_31 = tpu.memref_slice %arg7[%dma_start3A_29, %dma_start3A_30] : memref<72x128xi32, #tpu.memory_space<vmem>> -> memref<1x128xi32, #tpu.memory_space<vmem>>
      %dma_start3A_32 = tpu.memref_squeeze %dma_start3A_31 : memref<1x128xi32, #tpu.memory_space<vmem>> -> memref<128xi32, #tpu.memory_space<vmem>>
      %dma_start3A_33 = arith.constant 0 : i32
      %dma_start3A_34 = arith.constant 0 : i32
      %dma_start3A_35 = tpu.memref_slice %arg2[%dma_start3A_33, %dma_start3A_34] : memref<10000x64xf32, #tpu.memory_space<hbm>> -> memref<10000x64xf32, #tpu.memory_space<hbm>>
      tpu.enqueue_indirect_dma source(%dma_start3A_35 : memref<10000x64xf32, #tpu.memory_space<hbm>>) target(%arg11 : memref<128x64xf32, #tpu.memory_space<vmem>>) offsets(%dma_start3A_32 : memref<128xi32, #tpu.memory_space<vmem>>) semaphore(%arg16 : memref<!tpu.dma_semaphore, #tpu.memory_space<semaphore_mem>>)
      %dma_start3A_36 = arith.constant 3 : i32
      %dma_start3A_37 = arith.constant 0 : i32
      %dma_start3A_38 = tpu.memref_slice %arg7[%dma_start3A_36, %dma_start3A_37] : memref<72x128xi32, #tpu.memory_space<vmem>> -> memref<1x128xi32, #tpu.memory_space<vmem>>
      %dma_start3A_39 = tpu.memref_squeeze %dma_start3A_38 : memref<1x128xi32, #tpu.memory_space<vmem>> -> memref<128xi32, #tpu.memory_space<vmem>>
      %dma_start3A_40 = arith.constant 0 : i32
      %dma_start3A_41 = arith.constant 0 : i32
      %dma_start3A_42 = tpu.memref_slice %arg2[%dma_start3A_40, %dma_start3A_41] : memref<10000x64xf32, #tpu.memory_space<hbm>> -> memref<10000x64xf32, #tpu.memory_space<hbm>>
      tpu.enqueue_indirect_dma source(%dma_start3A_42 : memref<10000x64xf32, #tpu.memory_space<hbm>>) target(%arg12 : memref<128x64xf32, #tpu.memory_space<vmem>>) offsets(%dma_start3A_39 : memref<128xi32, #tpu.memory_space<vmem>>) semaphore(%arg17 : memref<!tpu.dma_semaphore, #tpu.memory_space<semaphore_mem>>)
      %scan3A = arith.constant 0 : i32
      %scan3A_43 = arith.constant 18 : i32
      %scan3A_44 = arith.addi %scan3A, %scan3A_43 : i32
      %scan3A_45 = arith.constant 1 : i32
      scf.for %scan3A_47 = %scan3A to %scan3A_44 step %scan3A_45  : i32 {
        %mul3A_48 = arith.constant 4 : i32
        %mul3A_49 = arith.muli %scan3A_47, %mul3A_48 : i32
        %add3A = arith.constant 0 : i32
        %add3A_50 = arith.addi %add3A, %mul3A_49 : i32
        %add3A_51 = arith.constant 0 : i32
        %add3A_52 = arith.addi %add3A_50, %add3A_51 : i32
        %lt3A = arith.constant 72 : i32
        %lt3A_53 = arith.cmpi slt, %add3A_52, %lt3A : i32
        %convert_element_type3A_54 = arith.extui %lt3A_53 : i1 to i32
        %cond3A_55 = arith.constant 0 : i32
        %cond3A_56 = arith.cmpi ne, %convert_element_type3A_54, %cond3A_55 : i32
        scf.if %cond3A_56 {
          %add3A_78 = arith.constant 0 : i32
          %add3A_79 = arith.addi %add3A_50, %add3A_78 : i32
          %dma_wait3A = arith.constant 0 : i32
          %dma_wait3A_80 = tpu.memref_slice %arg7[%add3A_79, %dma_wait3A] : memref<72x128xi32, #tpu.memory_space<vmem>> -> memref<1x128xi32, #tpu.memory_space<vmem>>
          %dma_wait3A_81 = tpu.memref_squeeze %dma_wait3A_80 : memref<1x128xi32, #tpu.memory_space<vmem>> -> memref<128xi32, #tpu.memory_space<vmem>>
          %dma_wait3A_82 = arith.constant 0 : i32
          %dma_wait3A_83 = arith.constant 0 : i32
          %dma_wait3A_84 = tpu.memref_slice %arg2[%dma_wait3A_82, %dma_wait3A_83] : memref<10000x64xf32, #tpu.memory_space<hbm>> -> memref<10000x64xf32, #tpu.memory_space<hbm>>
          tpu.wait_indirect_dma semaphore(%arg14 : memref<!tpu.dma_semaphore, #tpu.memory_space<semaphore_mem>>) src(%dma_wait3A_84 : memref<10000x64xf32, #tpu.memory_space<hbm>>) dst(%arg9 : memref<128x64xf32, #tpu.memory_space<vmem>>)
          %add3A_85 = arith.constant 0 : i32
          %add3A_86 = arith.addi %add3A_50, %add3A_85 : i32
          "tpu.region"() ({
            %run_scoped3A = tpu.sem_alloc : memref<!tpu.dma_semaphore, #tpu.memory_space<semaphore_mem>>
            %dma_start3A_96 = arith.constant 0 : i32
            %dma_start3A_97 = tpu.memref_slice %arg8[%add3A_86, %dma_start3A_96] : memref<72x128xi32, #tpu.memory_space<vmem>> -> memref<1x128xi32, #tpu.memory_space<vmem>>
            %dma_start3A_98 = tpu.memref_squeeze %dma_start3A_97 : memref<1x128xi32, #tpu.memory_space<vmem>> -> memref<128xi32, #tpu.memory_space<vmem>>
            %dma_start3A_99 = arith.constant 0 : i32
            %dma_start3A_100 = arith.constant 0 : i32
            %dma_start3A_101 = tpu.memref_slice %arg13[%dma_start3A_99, %dma_start3A_100] : memref<10112x64xf32, #tpu.memory_space<vmem_shared>> -> memref<10112x64xf32, #tpu.memory_space<vmem_shared>>
            tpu.enqueue_indirect_dma source(%arg9 : memref<128x64xf32, #tpu.memory_space<vmem>>) target(%dma_start3A_101 : memref<10112x64xf32, #tpu.memory_space<vmem_shared>>) offsets(%dma_start3A_98 : memref<128xi32, #tpu.memory_space<vmem>>) semaphore(%run_scoped3A : memref<!tpu.dma_semaphore, #tpu.memory_space<semaphore_mem>>) {add = true}
            %dma_wait3A_102 = arith.constant 0 : i32
            %dma_wait3A_103 = tpu.memref_slice %arg8[%add3A_86, %dma_wait3A_102] : memref<72x128xi32, #tpu.memory_space<vmem>> -> memref<1x128xi32, #tpu.memory_space<vmem>>
            %dma_wait3A_104 = tpu.memref_squeeze %dma_wait3A_103 : memref<1x128xi32, #tpu.memory_space<vmem>> -> memref<128xi32, #tpu.memory_space<vmem>>
            %dma_wait3A_105 = arith.constant 0 : i32
            %dma_wait3A_106 = arith.constant 0 : i32
            %dma_wait3A_107 = tpu.memref_slice %arg13[%dma_wait3A_105, %dma_wait3A_106] : memref<10112x64xf32, #tpu.memory_space<vmem_shared>> -> memref<10112x64xf32, #tpu.memory_space<vmem_shared>>
            tpu.wait_indirect_dma semaphore(%run_scoped3A : memref<!tpu.dma_semaphore, #tpu.memory_space<semaphore_mem>>) src(%arg9 : memref<128x64xf32, #tpu.memory_space<vmem>>) dst(%dma_wait3A_107 : memref<10112x64xf32, #tpu.memory_space<vmem_shared>>)
            tpu.yield
          }) : () -> ()
          %add3A_87 = arith.constant 4 : i32
          %add3A_88 = arith.addi %add3A_50, %add3A_87 : i32
          %add3A_89 = arith.constant 0 : i32
          %add3A_90 = arith.addi %add3A_88, %add3A_89 : i32
          %lt3A_91 = arith.constant 72 : i32
          %lt3A_92 = arith.cmpi slt, %add3A_90, %lt3A_91 : i32
          %convert_element_type3A_93 = arith.extui %lt3A_92 : i1 to i32
          %cond3A_94 = arith.constant 0 : i32
          %cond3A_95 = arith.cmpi ne, %convert_element_type3A_93, %cond3A_94 : i32
          scf.if %cond3A_95 {
            %add3A_96 = arith.constant 4 : i32
            %add3A_97 = arith.addi %add3A_50, %add3A_96 : i32
            %add3A_98 = arith.constant 0 : i32
            %add3A_99 = arith.addi %add3A_97, %add3A_98 : i32
            %dma_start3A_100 = arith.constant 0 : i32
            %dma_start3A_101 = tpu.memref_slice %arg7[%add3A_99, %dma_start3A_100] : memref<72x128xi32, #tpu.memory_space<vmem>> -> memref<1x128xi32, #tpu.memory_space<vmem>>
            %dma_start3A_102 = tpu.memref_squeeze %dma_start3A_101 : memref<1x128xi32, #tpu.memory_space<vmem>> -> memref<128xi32, #tpu.memory_space<vmem>>
            %dma_start3A_103 = arith.constant 0 : i32
            %dma_start3A_104 = arith.constant 0 : i32
            %dma_start3A_105 = tpu.memref_slice %arg2[%dma_start3A_103, %dma_start3A_104] : memref<10000x64xf32, #tpu.memory_space<hbm>> -> memref<10000x64xf32, #tpu.memory_space<hbm>>
            tpu.enqueue_indirect_dma source(%dma_start3A_105 : memref<10000x64xf32, #tpu.memory_space<hbm>>) target(%arg9 : memref<128x64xf32, #tpu.memory_space<vmem>>) offsets(%dma_start3A_102 : memref<128xi32, #tpu.memory_space<vmem>>) semaphore(%arg14 : memref<!tpu.dma_semaphore, #tpu.memory_space<semaphore_mem>>)
          } else {
          }
        } else {
        }
        %add3A_57 = arith.constant 1 : i32
        %add3A_58 = arith.addi %add3A_50, %add3A_57 : i32
        %lt3A_59 = arith.constant 72 : i32
        %lt3A_60 = arith.cmpi slt, %add3A_58, %lt3A_59 : i32
        %convert_element_type3A_61 = arith.extui %lt3A_60 : i1 to i32
        %cond3A_62 = arith.constant 0 : i32
        %cond3A_63 = arith.cmpi ne, %convert_element_type3A_61, %cond3A_62 : i32
        scf.if %cond3A_63 {
          %add3A_78 = arith.constant 1 : i32
          %add3A_79 = arith.addi %add3A_50, %add3A_78 : i32
          %dma_wait3A = arith.constant 0 : i32
          %dma_wait3A_80 = tpu.memref_slice %arg7[%add3A_79, %dma_wait3A] : memref<72x128xi32, #tpu.memory_space<vmem>> -> memref<1x128xi32, #tpu.memory_space<vmem>>
          %dma_wait3A_81 = tpu.memref_squeeze %dma_wait3A_80 : memref<1x128xi32, #tpu.memory_space<vmem>> -> memref<128xi32, #tpu.memory_space<vmem>>
          %dma_wait3A_82 = arith.constant 0 : i32
          %dma_wait3A_83 = arith.constant 0 : i32
          %dma_wait3A_84 = tpu.memref_slice %arg2[%dma_wait3A_82, %dma_wait3A_83] : memref<10000x64xf32, #tpu.memory_space<hbm>> -> memref<10000x64xf32, #tpu.memory_space<hbm>>
          tpu.wait_indirect_dma semaphore(%arg15 : memref<!tpu.dma_semaphore, #tpu.memory_space<semaphore_mem>>) src(%dma_wait3A_84 : memref<10000x64xf32, #tpu.memory_space<hbm>>) dst(%arg10 : memref<128x64xf32, #tpu.memory_space<vmem>>)
          %add3A_85 = arith.constant 1 : i32
          %add3A_86 = arith.addi %add3A_50, %add3A_85 : i32
          "tpu.region"() ({
            %run_scoped3A = tpu.sem_alloc : memref<!tpu.dma_semaphore, #tpu.memory_space<semaphore_mem>>
            %dma_start3A_96 = arith.constant 0 : i32
            %dma_start3A_97 = tpu.memref_slice %arg8[%add3A_86, %dma_start3A_96] : memref<72x128xi32, #tpu.memory_space<vmem>> -> memref<1x128xi32, #tpu.memory_space<vmem>>
            %dma_start3A_98 = tpu.memref_squeeze %dma_start3A_97 : memref<1x128xi32, #tpu.memory_space<vmem>> -> memref<128xi32, #tpu.memory_space<vmem>>
            %dma_start3A_99 = arith.constant 0 : i32
            %dma_start3A_100 = arith.constant 0 : i32
            %dma_start3A_101 = tpu.memref_slice %arg13[%dma_start3A_99, %dma_start3A_100] : memref<10112x64xf32, #tpu.memory_space<vmem_shared>> -> memref<10112x64xf32, #tpu.memory_space<vmem_shared>>
            tpu.enqueue_indirect_dma source(%arg10 : memref<128x64xf32, #tpu.memory_space<vmem>>) target(%dma_start3A_101 : memref<10112x64xf32, #tpu.memory_space<vmem_shared>>) offsets(%dma_start3A_98 : memref<128xi32, #tpu.memory_space<vmem>>) semaphore(%run_scoped3A : memref<!tpu.dma_semaphore, #tpu.memory_space<semaphore_mem>>) {add = true}
            %dma_wait3A_102 = arith.constant 0 : i32
            %dma_wait3A_103 = tpu.memref_slice %arg8[%add3A_86, %dma_wait3A_102] : memref<72x128xi32, #tpu.memory_space<vmem>> -> memref<1x128xi32, #tpu.memory_space<vmem>>
            %dma_wait3A_104 = tpu.memref_squeeze %dma_wait3A_103 : memref<1x128xi32, #tpu.memory_space<vmem>> -> memref<128xi32, #tpu.memory_space<vmem>>
            %dma_wait3A_105 = arith.constant 0 : i32
            %dma_wait3A_106 = arith.constant 0 : i32
            %dma_wait3A_107 = tpu.memref_slice %arg13[%dma_wait3A_105, %dma_wait3A_106] : memref<10112x64xf32, #tpu.memory_space<vmem_shared>> -> memref<10112x64xf32, #tpu.memory_space<vmem_shared>>
            tpu.wait_indirect_dma semaphore(%run_scoped3A : memref<!tpu.dma_semaphore, #tpu.memory_space<semaphore_mem>>) src(%arg10 : memref<128x64xf32, #tpu.memory_space<vmem>>) dst(%dma_wait3A_107 : memref<10112x64xf32, #tpu.memory_space<vmem_shared>>)
            tpu.yield
          }) : () -> ()
          %add3A_87 = arith.constant 4 : i32
          %add3A_88 = arith.addi %add3A_50, %add3A_87 : i32
          %add3A_89 = arith.constant 1 : i32
          %add3A_90 = arith.addi %add3A_88, %add3A_89 : i32
          %lt3A_91 = arith.constant 72 : i32
          %lt3A_92 = arith.cmpi slt, %add3A_90, %lt3A_91 : i32
          %convert_element_type3A_93 = arith.extui %lt3A_92 : i1 to i32
          %cond3A_94 = arith.constant 0 : i32
          %cond3A_95 = arith.cmpi ne, %convert_element_type3A_93, %cond3A_94 : i32
          scf.if %cond3A_95 {
            %add3A_96 = arith.constant 4 : i32
            %add3A_97 = arith.addi %add3A_50, %add3A_96 : i32
            %add3A_98 = arith.constant 1 : i32
            %add3A_99 = arith.addi %add3A_97, %add3A_98 : i32
            %dma_start3A_100 = arith.constant 0 : i32
            %dma_start3A_101 = tpu.memref_slice %arg7[%add3A_99, %dma_start3A_100] : memref<72x128xi32, #tpu.memory_space<vmem>> -> memref<1x128xi32, #tpu.memory_space<vmem>>
            %dma_start3A_102 = tpu.memref_squeeze %dma_start3A_101 : memref<1x128xi32, #tpu.memory_space<vmem>> -> memref<128xi32, #tpu.memory_space<vmem>>
            %dma_start3A_103 = arith.constant 0 : i32
            %dma_start3A_104 = arith.constant 0 : i32
            %dma_start3A_105 = tpu.memref_slice %arg2[%dma_start3A_103, %dma_start3A_104] : memref<10000x64xf32, #tpu.memory_space<hbm>> -> memref<10000x64xf32, #tpu.memory_space<hbm>>
            tpu.enqueue_indirect_dma source(%dma_start3A_105 : memref<10000x64xf32, #tpu.memory_space<hbm>>) target(%arg10 : memref<128x64xf32, #tpu.memory_space<vmem>>) offsets(%dma_start3A_102 : memref<128xi32, #tpu.memory_space<vmem>>) semaphore(%arg15 : memref<!tpu.dma_semaphore, #tpu.memory_space<semaphore_mem>>)
          } else {
          }
        } else {
        }
        %add3A_64 = arith.constant 2 : i32
        %add3A_65 = arith.addi %add3A_50, %add3A_64 : i32
        %lt3A_66 = arith.constant 72 : i32
        %lt3A_67 = arith.cmpi slt, %add3A_65, %lt3A_66 : i32
        %convert_element_type3A_68 = arith.extui %lt3A_67 : i1 to i32
        %cond3A_69 = arith.constant 0 : i32
        %cond3A_70 = arith.cmpi ne, %convert_element_type3A_68, %cond3A_69 : i32
        scf.if %cond3A_70 {
          %add3A_78 = arith.constant 2 : i32
          %add3A_79 = arith.addi %add3A_50, %add3A_78 : i32
          %dma_wait3A = arith.constant 0 : i32
          %dma_wait3A_80 = tpu.memref_slice %arg7[%add3A_79, %dma_wait3A] : memref<72x128xi32, #tpu.memory_space<vmem>> -> memref<1x128xi32, #tpu.memory_space<vmem>>
          %dma_wait3A_81 = tpu.memref_squeeze %dma_wait3A_80 : memref<1x128xi32, #tpu.memory_space<vmem>> -> memref<128xi32, #tpu.memory_space<vmem>>
          %dma_wait3A_82 = arith.constant 0 : i32
          %dma_wait3A_83 = arith.constant 0 : i32
          %dma_wait3A_84 = tpu.memref_slice %arg2[%dma_wait3A_82, %dma_wait3A_83] : memref<10000x64xf32, #tpu.memory_space<hbm>> -> memref<10000x64xf32, #tpu.memory_space<hbm>>
          tpu.wait_indirect_dma semaphore(%arg16 : memref<!tpu.dma_semaphore, #tpu.memory_space<semaphore_mem>>) src(%dma_wait3A_84 : memref<10000x64xf32, #tpu.memory_space<hbm>>) dst(%arg11 : memref<128x64xf32, #tpu.memory_space<vmem>>)
          %add3A_85 = arith.constant 2 : i32
          %add3A_86 = arith.addi %add3A_50, %add3A_85 : i32
          "tpu.region"() ({
            %run_scoped3A = tpu.sem_alloc : memref<!tpu.dma_semaphore, #tpu.memory_space<semaphore_mem>>
            %dma_start3A_96 = arith.constant 0 : i32
            %dma_start3A_97 = tpu.memref_slice %arg8[%add3A_86, %dma_start3A_96] : memref<72x128xi32, #tpu.memory_space<vmem>> -> memref<1x128xi32, #tpu.memory_space<vmem>>
            %dma_start3A_98 = tpu.memref_squeeze %dma_start3A_97 : memref<1x128xi32, #tpu.memory_space<vmem>> -> memref<128xi32, #tpu.memory_space<vmem>>
            %dma_start3A_99 = arith.constant 0 : i32
            %dma_start3A_100 = arith.constant 0 : i32
            %dma_start3A_101 = tpu.memref_slice %arg13[%dma_start3A_99, %dma_start3A_100] : memref<10112x64xf32, #tpu.memory_space<vmem_shared>> -> memref<10112x64xf32, #tpu.memory_space<vmem_shared>>
            tpu.enqueue_indirect_dma source(%arg11 : memref<128x64xf32, #tpu.memory_space<vmem>>) target(%dma_start3A_101 : memref<10112x64xf32, #tpu.memory_space<vmem_shared>>) offsets(%dma_start3A_98 : memref<128xi32, #tpu.memory_space<vmem>>) semaphore(%run_scoped3A : memref<!tpu.dma_semaphore, #tpu.memory_space<semaphore_mem>>) {add = true}
            %dma_wait3A_102 = arith.constant 0 : i32
            %dma_wait3A_103 = tpu.memref_slice %arg8[%add3A_86, %dma_wait3A_102] : memref<72x128xi32, #tpu.memory_space<vmem>> -> memref<1x128xi32, #tpu.memory_space<vmem>>
            %dma_wait3A_104 = tpu.memref_squeeze %dma_wait3A_103 : memref<1x128xi32, #tpu.memory_space<vmem>> -> memref<128xi32, #tpu.memory_space<vmem>>
            %dma_wait3A_105 = arith.constant 0 : i32
            %dma_wait3A_106 = arith.constant 0 : i32
            %dma_wait3A_107 = tpu.memref_slice %arg13[%dma_wait3A_105, %dma_wait3A_106] : memref<10112x64xf32, #tpu.memory_space<vmem_shared>> -> memref<10112x64xf32, #tpu.memory_space<vmem_shared>>
            tpu.wait_indirect_dma semaphore(%run_scoped3A : memref<!tpu.dma_semaphore, #tpu.memory_space<semaphore_mem>>) src(%arg11 : memref<128x64xf32, #tpu.memory_space<vmem>>) dst(%dma_wait3A_107 : memref<10112x64xf32, #tpu.memory_space<vmem_shared>>)
            tpu.yield
          }) : () -> ()
          %add3A_87 = arith.constant 4 : i32
          %add3A_88 = arith.addi %add3A_50, %add3A_87 : i32
          %add3A_89 = arith.constant 2 : i32
          %add3A_90 = arith.addi %add3A_88, %add3A_89 : i32
          %lt3A_91 = arith.constant 72 : i32
          %lt3A_92 = arith.cmpi slt, %add3A_90, %lt3A_91 : i32
          %convert_element_type3A_93 = arith.extui %lt3A_92 : i1 to i32
          %cond3A_94 = arith.constant 0 : i32
          %cond3A_95 = arith.cmpi ne, %convert_element_type3A_93, %cond3A_94 : i32
          scf.if %cond3A_95 {
            %add3A_96 = arith.constant 4 : i32
            %add3A_97 = arith.addi %add3A_50, %add3A_96 : i32
            %add3A_98 = arith.constant 2 : i32
            %add3A_99 = arith.addi %add3A_97, %add3A_98 : i32
            %dma_start3A_100 = arith.constant 0 : i32
            %dma_start3A_101 = tpu.memref_slice %arg7[%add3A_99, %dma_start3A_100] : memref<72x128xi32, #tpu.memory_space<vmem>> -> memref<1x128xi32, #tpu.memory_space<vmem>>
            %dma_start3A_102 = tpu.memref_squeeze %dma_start3A_101 : memref<1x128xi32, #tpu.memory_space<vmem>> -> memref<128xi32, #tpu.memory_space<vmem>>
            %dma_start3A_103 = arith.constant 0 : i32
            %dma_start3A_104 = arith.constant 0 : i32
            %dma_start3A_105 = tpu.memref_slice %arg2[%dma_start3A_103, %dma_start3A_104] : memref<10000x64xf32, #tpu.memory_space<hbm>> -> memref<10000x64xf32, #tpu.memory_space<hbm>>
            tpu.enqueue_indirect_dma source(%dma_start3A_105 : memref<10000x64xf32, #tpu.memory_space<hbm>>) target(%arg11 : memref<128x64xf32, #tpu.memory_space<vmem>>) offsets(%dma_start3A_102 : memref<128xi32, #tpu.memory_space<vmem>>) semaphore(%arg16 : memref<!tpu.dma_semaphore, #tpu.memory_space<semaphore_mem>>)
          } else {
          }
        } else {
        }
        %add3A_71 = arith.constant 3 : i32
        %add3A_72 = arith.addi %add3A_50, %add3A_71 : i32
        %lt3A_73 = arith.constant 72 : i32
        %lt3A_74 = arith.cmpi slt, %add3A_72, %lt3A_73 : i32
        %convert_element_type3A_75 = arith.extui %lt3A_74 : i1 to i32
        %cond3A_76 = arith.constant 0 : i32
        %cond3A_77 = arith.cmpi ne, %convert_element_type3A_75, %cond3A_76 : i32
        scf.if %cond3A_77 {
          %add3A_78 = arith.constant 3 : i32
          %add3A_79 = arith.addi %add3A_50, %add3A_78 : i32
          %dma_wait3A = arith.constant 0 : i32
          %dma_wait3A_80 = tpu.memref_slice %arg7[%add3A_79, %dma_wait3A] : memref<72x128xi32, #tpu.memory_space<vmem>> -> memref<1x128xi32, #tpu.memory_space<vmem>>
          %dma_wait3A_81 = tpu.memref_squeeze %dma_wait3A_80 : memref<1x128xi32, #tpu.memory_space<vmem>> -> memref<128xi32, #tpu.memory_space<vmem>>
          %dma_wait3A_82 = arith.constant 0 : i32
          %dma_wait3A_83 = arith.constant 0 : i32
          %dma_wait3A_84 = tpu.memref_slice %arg2[%dma_wait3A_82, %dma_wait3A_83] : memref<10000x64xf32, #tpu.memory_space<hbm>> -> memref<10000x64xf32, #tpu.memory_space<hbm>>
          tpu.wait_indirect_dma semaphore(%arg17 : memref<!tpu.dma_semaphore, #tpu.memory_space<semaphore_mem>>) src(%dma_wait3A_84 : memref<10000x64xf32, #tpu.memory_space<hbm>>) dst(%arg12 : memref<128x64xf32, #tpu.memory_space<vmem>>)
          %add3A_85 = arith.constant 3 : i32
          %add3A_86 = arith.addi %add3A_50, %add3A_85 : i32
          "tpu.region"() ({
            %run_scoped3A = tpu.sem_alloc : memref<!tpu.dma_semaphore, #tpu.memory_space<semaphore_mem>>
            %dma_start3A_96 = arith.constant 0 : i32
            %dma_start3A_97 = tpu.memref_slice %arg8[%add3A_86, %dma_start3A_96] : memref<72x128xi32, #tpu.memory_space<vmem>> -> memref<1x128xi32, #tpu.memory_space<vmem>>
            %dma_start3A_98 = tpu.memref_squeeze %dma_start3A_97 : memref<1x128xi32, #tpu.memory_space<vmem>> -> memref<128xi32, #tpu.memory_space<vmem>>
            %dma_start3A_99 = arith.constant 0 : i32
            %dma_start3A_100 = arith.constant 0 : i32
            %dma_start3A_101 = tpu.memref_slice %arg13[%dma_start3A_99, %dma_start3A_100] : memref<10112x64xf32, #tpu.memory_space<vmem_shared>> -> memref<10112x64xf32, #tpu.memory_space<vmem_shared>>
            tpu.enqueue_indirect_dma source(%arg12 : memref<128x64xf32, #tpu.memory_space<vmem>>) target(%dma_start3A_101 : memref<10112x64xf32, #tpu.memory_space<vmem_shared>>) offsets(%dma_start3A_98 : memref<128xi32, #tpu.memory_space<vmem>>) semaphore(%run_scoped3A : memref<!tpu.dma_semaphore, #tpu.memory_space<semaphore_mem>>) {add = true}
            %dma_wait3A_102 = arith.constant 0 : i32
            %dma_wait3A_103 = tpu.memref_slice %arg8[%add3A_86, %dma_wait3A_102] : memref<72x128xi32, #tpu.memory_space<vmem>> -> memref<1x128xi32, #tpu.memory_space<vmem>>
            %dma_wait3A_104 = tpu.memref_squeeze %dma_wait3A_103 : memref<1x128xi32, #tpu.memory_space<vmem>> -> memref<128xi32, #tpu.memory_space<vmem>>
            %dma_wait3A_105 = arith.constant 0 : i32
            %dma_wait3A_106 = arith.constant 0 : i32
            %dma_wait3A_107 = tpu.memref_slice %arg13[%dma_wait3A_105, %dma_wait3A_106] : memref<10112x64xf32, #tpu.memory_space<vmem_shared>> -> memref<10112x64xf32, #tpu.memory_space<vmem_shared>>
            tpu.wait_indirect_dma semaphore(%run_scoped3A : memref<!tpu.dma_semaphore, #tpu.memory_space<semaphore_mem>>) src(%arg12 : memref<128x64xf32, #tpu.memory_space<vmem>>) dst(%dma_wait3A_107 : memref<10112x64xf32, #tpu.memory_space<vmem_shared>>)
            tpu.yield
          }) : () -> ()
          %add3A_87 = arith.constant 4 : i32
          %add3A_88 = arith.addi %add3A_50, %add3A_87 : i32
          %add3A_89 = arith.constant 3 : i32
          %add3A_90 = arith.addi %add3A_88, %add3A_89 : i32
          %lt3A_91 = arith.constant 72 : i32
          %lt3A_92 = arith.cmpi slt, %add3A_90, %lt3A_91 : i32
          %convert_element_type3A_93 = arith.extui %lt3A_92 : i1 to i32
          %cond3A_94 = arith.constant 0 : i32
          %cond3A_95 = arith.cmpi ne, %convert_element_type3A_93, %cond3A_94 : i32
          scf.if %cond3A_95 {
            %add3A_96 = arith.constant 4 : i32
            %add3A_97 = arith.addi %add3A_50, %add3A_96 : i32
            %add3A_98 = arith.constant 3 : i32
            %add3A_99 = arith.addi %add3A_97, %add3A_98 : i32
            %dma_start3A_100 = arith.constant 0 : i32
            %dma_start3A_101 = tpu.memref_slice %arg7[%add3A_99, %dma_start3A_100] : memref<72x128xi32, #tpu.memory_space<vmem>> -> memref<1x128xi32, #tpu.memory_space<vmem>>
            %dma_start3A_102 = tpu.memref_squeeze %dma_start3A_101 : memref<1x128xi32, #tpu.memory_space<vmem>> -> memref<128xi32, #tpu.memory_space<vmem>>
            %dma_start3A_103 = arith.constant 0 : i32
            %dma_start3A_104 = arith.constant 0 : i32
            %dma_start3A_105 = tpu.memref_slice %arg2[%dma_start3A_103, %dma_start3A_104] : memref<10000x64xf32, #tpu.memory_space<hbm>> -> memref<10000x64xf32, #tpu.memory_space<hbm>>
            tpu.enqueue_indirect_dma source(%dma_start3A_105 : memref<10000x64xf32, #tpu.memory_space<hbm>>) target(%arg12 : memref<128x64xf32, #tpu.memory_space<vmem>>) offsets(%dma_start3A_102 : memref<128xi32, #tpu.memory_space<vmem>>) semaphore(%arg17 : memref<!tpu.dma_semaphore, #tpu.memory_space<semaphore_mem>>)
          } else {
          }
        } else {
        }
      }
      %scan3A_46 = arith.constant 18 : i32
    } else {
    }
    %ne3A = arith.constant 0 : i32
    %ne3A_5 = arith.cmpi ne, %arg0, %ne3A : i32
    %convert_element_type3A_6 = arith.extui %ne3A_5 : i1 to i32
    %cond3A_7 = arith.constant 0 : i32
    %cond3A_8 = arith.cmpi ne, %convert_element_type3A_6, %cond3A_7 : i32
    scf.if %cond3A_8 {
      %mul3A_13 = arith.constant 8 : i32
      %mul3A_14 = arith.muli %arg1, %mul3A_13 : i32
      %add3A = arith.constant 1152 : i32
      %add3A_15 = arith.addi %add3A, %mul3A_14 : i32
      "tpu.region"() ({
        %run_scoped3A = tpu.sem_alloc : memref<!tpu.dma_semaphore, #tpu.memory_space<semaphore_mem>>
        %dma_start3A_48 = arith.constant 0 : i32
        %dma_start3A_49 = arith.constant 0 : i32
        %dma_start3A_50 = tpu.memref_slice %arg7[%dma_start3A_48, %dma_start3A_49] : memref<72x128xi32, #tpu.memory_space<vmem>> -> memref<8x128xi32, #tpu.memory_space<vmem>>
        %dma_start3A_51 = arith.constant 0 : i32
        %dma_start3A_52 = tpu.memref_slice %arg3[%add3A_15, %dma_start3A_51] : memref<1280x128xi32, #tpu.memory_space<hbm>> -> memref<8x128xi32, #tpu.memory_space<hbm>>
        %dma_start3A_53 = arith.constant 0 : i32
        %dma_start3A_54 = arith.constant 0 : i32
        %dma_start3A_55 = tpu.memref_slice %arg7[%dma_start3A_53, %dma_start3A_54] : memref<72x128xi32, #tpu.memory_space<vmem>> -> memref<8x128xi32, #tpu.memory_space<vmem>>
        %dma_start3A_56 = arith.constant 0 : i32
        %dma_start3A_57 = tpu.memref_slice %arg3[%add3A_15, %dma_start3A_56] : memref<1280x128xi32, #tpu.memory_space<hbm>> -> memref<8x128xi32, #tpu.memory_space<hbm>>
        tpu.enqueue_dma source(%dma_start3A_57 : memref<8x128xi32, #tpu.memory_space<hbm>>) target(%dma_start3A_55 : memref<8x128xi32, #tpu.memory_space<vmem>>) target_semaphore(%run_scoped3A : memref<!tpu.dma_semaphore, #tpu.memory_space<semaphore_mem>>)
        %dma_wait3A = arith.constant 0 : i32
        %dma_wait3A_58 = arith.constant 0 : i32
        %dma_wait3A_59 = tpu.memref_slice %arg7[%dma_wait3A, %dma_wait3A_58] : memref<72x128xi32, #tpu.memory_space<vmem>> -> memref<8x128xi32, #tpu.memory_space<vmem>>
        %dma_wait3A_60 = arith.constant 0 : i32
        %dma_wait3A_61 = tpu.memref_slice %arg3[%add3A_15, %dma_wait3A_60] : memref<1280x128xi32, #tpu.memory_space<hbm>> -> memref<8x128xi32, #tpu.memory_space<hbm>>
        %dma_wait3A_62 = arith.constant 0 : i32
        %dma_wait3A_63 = arith.constant 0 : i32
        %dma_wait3A_64 = tpu.memref_slice %arg7[%dma_wait3A_62, %dma_wait3A_63] : memref<72x128xi32, #tpu.memory_space<vmem>> -> memref<8x128xi32, #tpu.memory_space<vmem>>
        %dma_wait3A_65 = arith.constant 0 : i32
        %dma_wait3A_66 = tpu.memref_slice %arg3[%add3A_15, %dma_wait3A_65] : memref<1280x128xi32, #tpu.memory_space<hbm>> -> memref<8x128xi32, #tpu.memory_space<hbm>>
        tpu.wait_dma2 semaphore(%run_scoped3A : memref<!tpu.dma_semaphore, #tpu.memory_space<semaphore_mem>>) src(%dma_wait3A_66 : memref<8x128xi32, #tpu.memory_space<hbm>>) dst(%dma_wait3A_64 : memref<8x128xi32, #tpu.memory_space<vmem>>)
        tpu.yield
      }) : () -> ()
      "tpu.region"() ({
        %run_scoped3A = tpu.sem_alloc : memref<!tpu.dma_semaphore, #tpu.memory_space<semaphore_mem>>
        %dma_start3A_48 = arith.constant 0 : i32
        %dma_start3A_49 = arith.constant 0 : i32
        %dma_start3A_50 = tpu.memref_slice %arg8[%dma_start3A_48, %dma_start3A_49] : memref<72x128xi32, #tpu.memory_space<vmem>> -> memref<8x128xi32, #tpu.memory_space<vmem>>
        %dma_start3A_51 = arith.constant 0 : i32
        %dma_start3A_52 = tpu.memref_slice %arg4[%add3A_15, %dma_start3A_51] : memref<1280x128xi32, #tpu.memory_space<hbm>> -> memref<8x128xi32, #tpu.memory_space<hbm>>
        %dma_start3A_53 = arith.constant 0 : i32
        %dma_start3A_54 = arith.constant 0 : i32
        %dma_start3A_55 = tpu.memref_slice %arg8[%dma_start3A_53, %dma_start3A_54] : memref<72x128xi32, #tpu.memory_space<vmem>> -> memref<8x128xi32, #tpu.memory_space<vmem>>
        %dma_start3A_56 = arith.constant 0 : i32
        %dma_start3A_57 = tpu.memref_slice %arg4[%add3A_15, %dma_start3A_56] : memref<1280x128xi32, #tpu.memory_space<hbm>> -> memref<8x128xi32, #tpu.memory_space<hbm>>
        tpu.enqueue_dma source(%dma_start3A_57 : memref<8x128xi32, #tpu.memory_space<hbm>>) target(%dma_start3A_55 : memref<8x128xi32, #tpu.memory_space<vmem>>) target_semaphore(%run_scoped3A : memref<!tpu.dma_semaphore, #tpu.memory_space<semaphore_mem>>)
        %dma_wait3A = arith.constant 0 : i32
        %dma_wait3A_58 = arith.constant 0 : i32
        %dma_wait3A_59 = tpu.memref_slice %arg8[%dma_wait3A, %dma_wait3A_58] : memref<72x128xi32, #tpu.memory_space<vmem>> -> memref<8x128xi32, #tpu.memory_space<vmem>>
        %dma_wait3A_60 = arith.constant 0 : i32
        %dma_wait3A_61 = tpu.memref_slice %arg4[%add3A_15, %dma_wait3A_60] : memref<1280x128xi32, #tpu.memory_space<hbm>> -> memref<8x128xi32, #tpu.memory_space<hbm>>
        %dma_wait3A_62 = arith.constant 0 : i32
        %dma_wait3A_63 = arith.constant 0 : i32
        %dma_wait3A_64 = tpu.memref_slice %arg8[%dma_wait3A_62, %dma_wait3A_63] : memref<72x128xi32, #tpu.memory_space<vmem>> -> memref<8x128xi32, #tpu.memory_space<vmem>>
        %dma_wait3A_65 = arith.constant 0 : i32
        %dma_wait3A_66 = tpu.memref_slice %arg4[%add3A_15, %dma_wait3A_65] : memref<1280x128xi32, #tpu.memory_space<hbm>> -> memref<8x128xi32, #tpu.memory_space<hbm>>
        tpu.wait_dma2 semaphore(%run_scoped3A : memref<!tpu.dma_semaphore, #tpu.memory_space<semaphore_mem>>) src(%dma_wait3A_66 : memref<8x128xi32, #tpu.memory_space<hbm>>) dst(%dma_wait3A_64 : memref<8x128xi32, #tpu.memory_space<vmem>>)
        tpu.yield
      }) : () -> ()
      %barrier3A_16 = arith.constant 0 : index
      tpu.barrier barrier_id(%barrier3A_16)
      %dma_start3A = arith.constant 0 : i32
      %dma_start3A_17 = arith.constant 0 : i32
      %dma_start3A_18 = tpu.memref_slice %arg7[%dma_start3A, %dma_start3A_17] : memref<72x128xi32, #tpu.memory_space<vmem>> -> memref<1x128xi32, #tpu.memory_space<vmem>>
      %dma_start3A_19 = tpu.memref_squeeze %dma_start3A_18 : memref<1x128xi32, #tpu.memory_space<vmem>> -> memref<128xi32, #tpu.memory_space<vmem>>
      %dma_start3A_20 = arith.constant 0 : i32
      %dma_start3A_21 = arith.constant 0 : i32
      %dma_start3A_22 = tpu.memref_slice %arg2[%dma_start3A_20, %dma_start3A_21] : memref<10000x64xf32, #tpu.memory_space<hbm>> -> memref<10000x64xf32, #tpu.memory_space<hbm>>
      tpu.enqueue_indirect_dma source(%dma_start3A_22 : memref<10000x64xf32, #tpu.memory_space<hbm>>) target(%arg9 : memref<128x64xf32, #tpu.memory_space<vmem>>) offsets(%dma_start3A_19 : memref<128xi32, #tpu.memory_space<vmem>>) semaphore(%arg14 : memref<!tpu.dma_semaphore, #tpu.memory_space<semaphore_mem>>)
      %dma_start3A_23 = arith.constant 1 : i32
      %dma_start3A_24 = arith.constant 0 : i32
      %dma_start3A_25 = tpu.memref_slice %arg7[%dma_start3A_23, %dma_start3A_24] : memref<72x128xi32, #tpu.memory_space<vmem>> -> memref<1x128xi32, #tpu.memory_space<vmem>>
      %dma_start3A_26 = tpu.memref_squeeze %dma_start3A_25 : memref<1x128xi32, #tpu.memory_space<vmem>> -> memref<128xi32, #tpu.memory_space<vmem>>
      %dma_start3A_27 = arith.constant 0 : i32
      %dma_start3A_28 = arith.constant 0 : i32
      %dma_start3A_29 = tpu.memref_slice %arg2[%dma_start3A_27, %dma_start3A_28] : memref<10000x64xf32, #tpu.memory_space<hbm>> -> memref<10000x64xf32, #tpu.memory_space<hbm>>
      tpu.enqueue_indirect_dma source(%dma_start3A_29 : memref<10000x64xf32, #tpu.memory_space<hbm>>) target(%arg10 : memref<128x64xf32, #tpu.memory_space<vmem>>) offsets(%dma_start3A_26 : memref<128xi32, #tpu.memory_space<vmem>>) semaphore(%arg15 : memref<!tpu.dma_semaphore, #tpu.memory_space<semaphore_mem>>)
      %dma_start3A_30 = arith.constant 2 : i32
      %dma_start3A_31 = arith.constant 0 : i32
      %dma_start3A_32 = tpu.memref_slice %arg7[%dma_start3A_30, %dma_start3A_31] : memref<72x128xi32, #tpu.memory_space<vmem>> -> memref<1x128xi32, #tpu.memory_space<vmem>>
      %dma_start3A_33 = tpu.memref_squeeze %dma_start3A_32 : memref<1x128xi32, #tpu.memory_space<vmem>> -> memref<128xi32, #tpu.memory_space<vmem>>
      %dma_start3A_34 = arith.constant 0 : i32
      %dma_start3A_35 = arith.constant 0 : i32
      %dma_start3A_36 = tpu.memref_slice %arg2[%dma_start3A_34, %dma_start3A_35] : memref<10000x64xf32, #tpu.memory_space<hbm>> -> memref<10000x64xf32, #tpu.memory_space<hbm>>
      tpu.enqueue_indirect_dma source(%dma_start3A_36 : memref<10000x64xf32, #tpu.memory_space<hbm>>) target(%arg11 : memref<128x64xf32, #tpu.memory_space<vmem>>) offsets(%dma_start3A_33 : memref<128xi32, #tpu.memory_space<vmem>>) semaphore(%arg16 : memref<!tpu.dma_semaphore, #tpu.memory_space<semaphore_mem>>)
      %dma_start3A_37 = arith.constant 3 : i32
      %dma_start3A_38 = arith.constant 0 : i32
      %dma_start3A_39 = tpu.memref_slice %arg7[%dma_start3A_37, %dma_start3A_38] : memref<72x128xi32, #tpu.memory_space<vmem>> -> memref<1x128xi32, #tpu.memory_space<vmem>>
      %dma_start3A_40 = tpu.memref_squeeze %dma_start3A_39 : memref<1x128xi32, #tpu.memory_space<vmem>> -> memref<128xi32, #tpu.memory_space<vmem>>
      %dma_start3A_41 = arith.constant 0 : i32
      %dma_start3A_42 = arith.constant 0 : i32
      %dma_start3A_43 = tpu.memref_slice %arg2[%dma_start3A_41, %dma_start3A_42] : memref<10000x64xf32, #tpu.memory_space<hbm>> -> memref<10000x64xf32, #tpu.memory_space<hbm>>
      tpu.enqueue_indirect_dma source(%dma_start3A_43 : memref<10000x64xf32, #tpu.memory_space<hbm>>) target(%arg12 : memref<128x64xf32, #tpu.memory_space<vmem>>) offsets(%dma_start3A_40 : memref<128xi32, #tpu.memory_space<vmem>>) semaphore(%arg17 : memref<!tpu.dma_semaphore, #tpu.memory_space<semaphore_mem>>)
      %scan3A = arith.constant 0 : i32
      %scan3A_44 = arith.constant 2 : i32
      %scan3A_45 = arith.addi %scan3A, %scan3A_44 : i32
      %scan3A_46 = arith.constant 1 : i32
      scf.for %scan3A_48 = %scan3A to %scan3A_45 step %scan3A_46  : i32 {
        %mul3A_49 = arith.constant 4 : i32
        %mul3A_50 = arith.muli %scan3A_48, %mul3A_49 : i32
        %add3A_51 = arith.constant 0 : i32
        %add3A_52 = arith.addi %add3A_51, %mul3A_50 : i32
        %add3A_53 = arith.constant 0 : i32
        %add3A_54 = arith.addi %add3A_52, %add3A_53 : i32
        %lt3A = arith.constant 8 : i32
        %lt3A_55 = arith.cmpi slt, %add3A_54, %lt3A : i32
        %convert_element_type3A_56 = arith.extui %lt3A_55 : i1 to i32
        %cond3A_57 = arith.constant 0 : i32
        %cond3A_58 = arith.cmpi ne, %convert_element_type3A_56, %cond3A_57 : i32
        scf.if %cond3A_58 {
          %add3A_80 = arith.constant 0 : i32
          %add3A_81 = arith.addi %add3A_52, %add3A_80 : i32
          %dma_wait3A = arith.constant 0 : i32
          %dma_wait3A_82 = tpu.memref_slice %arg7[%add3A_81, %dma_wait3A] : memref<72x128xi32, #tpu.memory_space<vmem>> -> memref<1x128xi32, #tpu.memory_space<vmem>>
          %dma_wait3A_83 = tpu.memref_squeeze %dma_wait3A_82 : memref<1x128xi32, #tpu.memory_space<vmem>> -> memref<128xi32, #tpu.memory_space<vmem>>
          %dma_wait3A_84 = arith.constant 0 : i32
          %dma_wait3A_85 = arith.constant 0 : i32
          %dma_wait3A_86 = tpu.memref_slice %arg2[%dma_wait3A_84, %dma_wait3A_85] : memref<10000x64xf32, #tpu.memory_space<hbm>> -> memref<10000x64xf32, #tpu.memory_space<hbm>>
          tpu.wait_indirect_dma semaphore(%arg14 : memref<!tpu.dma_semaphore, #tpu.memory_space<semaphore_mem>>) src(%dma_wait3A_86 : memref<10000x64xf32, #tpu.memory_space<hbm>>) dst(%arg9 : memref<128x64xf32, #tpu.memory_space<vmem>>)
          %add3A_87 = arith.constant 0 : i32
          %add3A_88 = arith.addi %add3A_52, %add3A_87 : i32
          "tpu.region"() ({
            %run_scoped3A = tpu.sem_alloc : memref<!tpu.dma_semaphore, #tpu.memory_space<semaphore_mem>>
            %dma_start3A_98 = arith.constant 0 : i32
            %dma_start3A_99 = tpu.memref_slice %arg8[%add3A_88, %dma_start3A_98] : memref<72x128xi32, #tpu.memory_space<vmem>> -> memref<1x128xi32, #tpu.memory_space<vmem>>
            %dma_start3A_100 = tpu.memref_squeeze %dma_start3A_99 : memref<1x128xi32, #tpu.memory_space<vmem>> -> memref<128xi32, #tpu.memory_space<vmem>>
            %dma_start3A_101 = arith.constant 0 : i32
            %dma_start3A_102 = arith.constant 0 : i32
            %dma_start3A_103 = tpu.memref_slice %arg13[%dma_start3A_101, %dma_start3A_102] : memref<10112x64xf32, #tpu.memory_space<vmem_shared>> -> memref<10112x64xf32, #tpu.memory_space<vmem_shared>>
            tpu.enqueue_indirect_dma source(%arg9 : memref<128x64xf32, #tpu.memory_space<vmem>>) target(%dma_start3A_103 : memref<10112x64xf32, #tpu.memory_space<vmem_shared>>) offsets(%dma_start3A_100 : memref<128xi32, #tpu.memory_space<vmem>>) semaphore(%run_scoped3A : memref<!tpu.dma_semaphore, #tpu.memory_space<semaphore_mem>>) {add = true}
            %dma_wait3A_104 = arith.constant 0 : i32
            %dma_wait3A_105 = tpu.memref_slice %arg8[%add3A_88, %dma_wait3A_104] : memref<72x128xi32, #tpu.memory_space<vmem>> -> memref<1x128xi32, #tpu.memory_space<vmem>>
            %dma_wait3A_106 = tpu.memref_squeeze %dma_wait3A_105 : memref<1x128xi32, #tpu.memory_space<vmem>> -> memref<128xi32, #tpu.memory_space<vmem>>
            %dma_wait3A_107 = arith.constant 0 : i32
            %dma_wait3A_108 = arith.constant 0 : i32
            %dma_wait3A_109 = tpu.memref_slice %arg13[%dma_wait3A_107, %dma_wait3A_108] : memref<10112x64xf32, #tpu.memory_space<vmem_shared>> -> memref<10112x64xf32, #tpu.memory_space<vmem_shared>>
            tpu.wait_indirect_dma semaphore(%run_scoped3A : memref<!tpu.dma_semaphore, #tpu.memory_space<semaphore_mem>>) src(%arg9 : memref<128x64xf32, #tpu.memory_space<vmem>>) dst(%dma_wait3A_109 : memref<10112x64xf32, #tpu.memory_space<vmem_shared>>)
            tpu.yield
          }) : () -> ()
          %add3A_89 = arith.constant 4 : i32
          %add3A_90 = arith.addi %add3A_52, %add3A_89 : i32
          %add3A_91 = arith.constant 0 : i32
          %add3A_92 = arith.addi %add3A_90, %add3A_91 : i32
          %lt3A_93 = arith.constant 8 : i32
          %lt3A_94 = arith.cmpi slt, %add3A_92, %lt3A_93 : i32
          %convert_element_type3A_95 = arith.extui %lt3A_94 : i1 to i32
          %cond3A_96 = arith.constant 0 : i32
          %cond3A_97 = arith.cmpi ne, %convert_element_type3A_95, %cond3A_96 : i32
          scf.if %cond3A_97 {
            %add3A_98 = arith.constant 4 : i32
            %add3A_99 = arith.addi %add3A_52, %add3A_98 : i32
            %add3A_100 = arith.constant 0 : i32
            %add3A_101 = arith.addi %add3A_99, %add3A_100 : i32
            %dma_start3A_102 = arith.constant 0 : i32
            %dma_start3A_103 = tpu.memref_slice %arg7[%add3A_101, %dma_start3A_102] : memref<72x128xi32, #tpu.memory_space<vmem>> -> memref<1x128xi32, #tpu.memory_space<vmem>>
            %dma_start3A_104 = tpu.memref_squeeze %dma_start3A_103 : memref<1x128xi32, #tpu.memory_space<vmem>> -> memref<128xi32, #tpu.memory_space<vmem>>
            %dma_start3A_105 = arith.constant 0 : i32
            %dma_start3A_106 = arith.constant 0 : i32
            %dma_start3A_107 = tpu.memref_slice %arg2[%dma_start3A_105, %dma_start3A_106] : memref<10000x64xf32, #tpu.memory_space<hbm>> -> memref<10000x64xf32, #tpu.memory_space<hbm>>
            tpu.enqueue_indirect_dma source(%dma_start3A_107 : memref<10000x64xf32, #tpu.memory_space<hbm>>) target(%arg9 : memref<128x64xf32, #tpu.memory_space<vmem>>) offsets(%dma_start3A_104 : memref<128xi32, #tpu.memory_space<vmem>>) semaphore(%arg14 : memref<!tpu.dma_semaphore, #tpu.memory_space<semaphore_mem>>)
          } else {
          }
        } else {
        }
        %add3A_59 = arith.constant 1 : i32
        %add3A_60 = arith.addi %add3A_52, %add3A_59 : i32
        %lt3A_61 = arith.constant 8 : i32
        %lt3A_62 = arith.cmpi slt, %add3A_60, %lt3A_61 : i32
        %convert_element_type3A_63 = arith.extui %lt3A_62 : i1 to i32
        %cond3A_64 = arith.constant 0 : i32
        %cond3A_65 = arith.cmpi ne, %convert_element_type3A_63, %cond3A_64 : i32
        scf.if %cond3A_65 {
          %add3A_80 = arith.constant 1 : i32
          %add3A_81 = arith.addi %add3A_52, %add3A_80 : i32
          %dma_wait3A = arith.constant 0 : i32
          %dma_wait3A_82 = tpu.memref_slice %arg7[%add3A_81, %dma_wait3A] : memref<72x128xi32, #tpu.memory_space<vmem>> -> memref<1x128xi32, #tpu.memory_space<vmem>>
          %dma_wait3A_83 = tpu.memref_squeeze %dma_wait3A_82 : memref<1x128xi32, #tpu.memory_space<vmem>> -> memref<128xi32, #tpu.memory_space<vmem>>
          %dma_wait3A_84 = arith.constant 0 : i32
          %dma_wait3A_85 = arith.constant 0 : i32
          %dma_wait3A_86 = tpu.memref_slice %arg2[%dma_wait3A_84, %dma_wait3A_85] : memref<10000x64xf32, #tpu.memory_space<hbm>> -> memref<10000x64xf32, #tpu.memory_space<hbm>>
          tpu.wait_indirect_dma semaphore(%arg15 : memref<!tpu.dma_semaphore, #tpu.memory_space<semaphore_mem>>) src(%dma_wait3A_86 : memref<10000x64xf32, #tpu.memory_space<hbm>>) dst(%arg10 : memref<128x64xf32, #tpu.memory_space<vmem>>)
          %add3A_87 = arith.constant 1 : i32
          %add3A_88 = arith.addi %add3A_52, %add3A_87 : i32
          "tpu.region"() ({
            %run_scoped3A = tpu.sem_alloc : memref<!tpu.dma_semaphore, #tpu.memory_space<semaphore_mem>>
            %dma_start3A_98 = arith.constant 0 : i32
            %dma_start3A_99 = tpu.memref_slice %arg8[%add3A_88, %dma_start3A_98] : memref<72x128xi32, #tpu.memory_space<vmem>> -> memref<1x128xi32, #tpu.memory_space<vmem>>
            %dma_start3A_100 = tpu.memref_squeeze %dma_start3A_99 : memref<1x128xi32, #tpu.memory_space<vmem>> -> memref<128xi32, #tpu.memory_space<vmem>>
            %dma_start3A_101 = arith.constant 0 : i32
            %dma_start3A_102 = arith.constant 0 : i32
            %dma_start3A_103 = tpu.memref_slice %arg13[%dma_start3A_101, %dma_start3A_102] : memref<10112x64xf32, #tpu.memory_space<vmem_shared>> -> memref<10112x64xf32, #tpu.memory_space<vmem_shared>>
            tpu.enqueue_indirect_dma source(%arg10 : memref<128x64xf32, #tpu.memory_space<vmem>>) target(%dma_start3A_103 : memref<10112x64xf32, #tpu.memory_space<vmem_shared>>) offsets(%dma_start3A_100 : memref<128xi32, #tpu.memory_space<vmem>>) semaphore(%run_scoped3A : memref<!tpu.dma_semaphore, #tpu.memory_space<semaphore_mem>>) {add = true}
            %dma_wait3A_104 = arith.constant 0 : i32
            %dma_wait3A_105 = tpu.memref_slice %arg8[%add3A_88, %dma_wait3A_104] : memref<72x128xi32, #tpu.memory_space<vmem>> -> memref<1x128xi32, #tpu.memory_space<vmem>>
            %dma_wait3A_106 = tpu.memref_squeeze %dma_wait3A_105 : memref<1x128xi32, #tpu.memory_space<vmem>> -> memref<128xi32, #tpu.memory_space<vmem>>
            %dma_wait3A_107 = arith.constant 0 : i32
            %dma_wait3A_108 = arith.constant 0 : i32
            %dma_wait3A_109 = tpu.memref_slice %arg13[%dma_wait3A_107, %dma_wait3A_108] : memref<10112x64xf32, #tpu.memory_space<vmem_shared>> -> memref<10112x64xf32, #tpu.memory_space<vmem_shared>>
            tpu.wait_indirect_dma semaphore(%run_scoped3A : memref<!tpu.dma_semaphore, #tpu.memory_space<semaphore_mem>>) src(%arg10 : memref<128x64xf32, #tpu.memory_space<vmem>>) dst(%dma_wait3A_109 : memref<10112x64xf32, #tpu.memory_space<vmem_shared>>)
            tpu.yield
          }) : () -> ()
          %add3A_89 = arith.constant 4 : i32
          %add3A_90 = arith.addi %add3A_52, %add3A_89 : i32
          %add3A_91 = arith.constant 1 : i32
          %add3A_92 = arith.addi %add3A_90, %add3A_91 : i32
          %lt3A_93 = arith.constant 8 : i32
          %lt3A_94 = arith.cmpi slt, %add3A_92, %lt3A_93 : i32
          %convert_element_type3A_95 = arith.extui %lt3A_94 : i1 to i32
          %cond3A_96 = arith.constant 0 : i32
          %cond3A_97 = arith.cmpi ne, %convert_element_type3A_95, %cond3A_96 : i32
          scf.if %cond3A_97 {
            %add3A_98 = arith.constant 4 : i32
            %add3A_99 = arith.addi %add3A_52, %add3A_98 : i32
            %add3A_100 = arith.constant 1 : i32
            %add3A_101 = arith.addi %add3A_99, %add3A_100 : i32
            %dma_start3A_102 = arith.constant 0 : i32
            %dma_start3A_103 = tpu.memref_slice %arg7[%add3A_101, %dma_start3A_102] : memref<72x128xi32, #tpu.memory_space<vmem>> -> memref<1x128xi32, #tpu.memory_space<vmem>>
            %dma_start3A_104 = tpu.memref_squeeze %dma_start3A_103 : memref<1x128xi32, #tpu.memory_space<vmem>> -> memref<128xi32, #tpu.memory_space<vmem>>
            %dma_start3A_105 = arith.constant 0 : i32
            %dma_start3A_106 = arith.constant 0 : i32
            %dma_start3A_107 = tpu.memref_slice %arg2[%dma_start3A_105, %dma_start3A_106] : memref<10000x64xf32, #tpu.memory_space<hbm>> -> memref<10000x64xf32, #tpu.memory_space<hbm>>
            tpu.enqueue_indirect_dma source(%dma_start3A_107 : memref<10000x64xf32, #tpu.memory_space<hbm>>) target(%arg10 : memref<128x64xf32, #tpu.memory_space<vmem>>) offsets(%dma_start3A_104 : memref<128xi32, #tpu.memory_space<vmem>>) semaphore(%arg15 : memref<!tpu.dma_semaphore, #tpu.memory_space<semaphore_mem>>)
          } else {
          }
        } else {
        }
        %add3A_66 = arith.constant 2 : i32
        %add3A_67 = arith.addi %add3A_52, %add3A_66 : i32
        %lt3A_68 = arith.constant 8 : i32
        %lt3A_69 = arith.cmpi slt, %add3A_67, %lt3A_68 : i32
        %convert_element_type3A_70 = arith.extui %lt3A_69 : i1 to i32
        %cond3A_71 = arith.constant 0 : i32
        %cond3A_72 = arith.cmpi ne, %convert_element_type3A_70, %cond3A_71 : i32
        scf.if %cond3A_72 {
          %add3A_80 = arith.constant 2 : i32
          %add3A_81 = arith.addi %add3A_52, %add3A_80 : i32
          %dma_wait3A = arith.constant 0 : i32
          %dma_wait3A_82 = tpu.memref_slice %arg7[%add3A_81, %dma_wait3A] : memref<72x128xi32, #tpu.memory_space<vmem>> -> memref<1x128xi32, #tpu.memory_space<vmem>>
          %dma_wait3A_83 = tpu.memref_squeeze %dma_wait3A_82 : memref<1x128xi32, #tpu.memory_space<vmem>> -> memref<128xi32, #tpu.memory_space<vmem>>
          %dma_wait3A_84 = arith.constant 0 : i32
          %dma_wait3A_85 = arith.constant 0 : i32
          %dma_wait3A_86 = tpu.memref_slice %arg2[%dma_wait3A_84, %dma_wait3A_85] : memref<10000x64xf32, #tpu.memory_space<hbm>> -> memref<10000x64xf32, #tpu.memory_space<hbm>>
          tpu.wait_indirect_dma semaphore(%arg16 : memref<!tpu.dma_semaphore, #tpu.memory_space<semaphore_mem>>) src(%dma_wait3A_86 : memref<10000x64xf32, #tpu.memory_space<hbm>>) dst(%arg11 : memref<128x64xf32, #tpu.memory_space<vmem>>)
          %add3A_87 = arith.constant 2 : i32
          %add3A_88 = arith.addi %add3A_52, %add3A_87 : i32
          "tpu.region"() ({
            %run_scoped3A = tpu.sem_alloc : memref<!tpu.dma_semaphore, #tpu.memory_space<semaphore_mem>>
            %dma_start3A_98 = arith.constant 0 : i32
            %dma_start3A_99 = tpu.memref_slice %arg8[%add3A_88, %dma_start3A_98] : memref<72x128xi32, #tpu.memory_space<vmem>> -> memref<1x128xi32, #tpu.memory_space<vmem>>
            %dma_start3A_100 = tpu.memref_squeeze %dma_start3A_99 : memref<1x128xi32, #tpu.memory_space<vmem>> -> memref<128xi32, #tpu.memory_space<vmem>>
            %dma_start3A_101 = arith.constant 0 : i32
            %dma_start3A_102 = arith.constant 0 : i32
            %dma_start3A_103 = tpu.memref_slice %arg13[%dma_start3A_101, %dma_start3A_102] : memref<10112x64xf32, #tpu.memory_space<vmem_shared>> -> memref<10112x64xf32, #tpu.memory_space<vmem_shared>>
            tpu.enqueue_indirect_dma source(%arg11 : memref<128x64xf32, #tpu.memory_space<vmem>>) target(%dma_start3A_103 : memref<10112x64xf32, #tpu.memory_space<vmem_shared>>) offsets(%dma_start3A_100 : memref<128xi32, #tpu.memory_space<vmem>>) semaphore(%run_scoped3A : memref<!tpu.dma_semaphore, #tpu.memory_space<semaphore_mem>>) {add = true}
            %dma_wait3A_104 = arith.constant 0 : i32
            %dma_wait3A_105 = tpu.memref_slice %arg8[%add3A_88, %dma_wait3A_104] : memref<72x128xi32, #tpu.memory_space<vmem>> -> memref<1x128xi32, #tpu.memory_space<vmem>>
            %dma_wait3A_106 = tpu.memref_squeeze %dma_wait3A_105 : memref<1x128xi32, #tpu.memory_space<vmem>> -> memref<128xi32, #tpu.memory_space<vmem>>
            %dma_wait3A_107 = arith.constant 0 : i32
            %dma_wait3A_108 = arith.constant 0 : i32
            %dma_wait3A_109 = tpu.memref_slice %arg13[%dma_wait3A_107, %dma_wait3A_108] : memref<10112x64xf32, #tpu.memory_space<vmem_shared>> -> memref<10112x64xf32, #tpu.memory_space<vmem_shared>>
            tpu.wait_indirect_dma semaphore(%run_scoped3A : memref<!tpu.dma_semaphore, #tpu.memory_space<semaphore_mem>>) src(%arg11 : memref<128x64xf32, #tpu.memory_space<vmem>>) dst(%dma_wait3A_109 : memref<10112x64xf32, #tpu.memory_space<vmem_shared>>)
            tpu.yield
          }) : () -> ()
          %add3A_89 = arith.constant 4 : i32
          %add3A_90 = arith.addi %add3A_52, %add3A_89 : i32
          %add3A_91 = arith.constant 2 : i32
          %add3A_92 = arith.addi %add3A_90, %add3A_91 : i32
          %lt3A_93 = arith.constant 8 : i32
          %lt3A_94 = arith.cmpi slt, %add3A_92, %lt3A_93 : i32
          %convert_element_type3A_95 = arith.extui %lt3A_94 : i1 to i32
          %cond3A_96 = arith.constant 0 : i32
          %cond3A_97 = arith.cmpi ne, %convert_element_type3A_95, %cond3A_96 : i32
          scf.if %cond3A_97 {
            %add3A_98 = arith.constant 4 : i32
            %add3A_99 = arith.addi %add3A_52, %add3A_98 : i32
            %add3A_100 = arith.constant 2 : i32
            %add3A_101 = arith.addi %add3A_99, %add3A_100 : i32
            %dma_start3A_102 = arith.constant 0 : i32
            %dma_start3A_103 = tpu.memref_slice %arg7[%add3A_101, %dma_start3A_102] : memref<72x128xi32, #tpu.memory_space<vmem>> -> memref<1x128xi32, #tpu.memory_space<vmem>>
            %dma_start3A_104 = tpu.memref_squeeze %dma_start3A_103 : memref<1x128xi32, #tpu.memory_space<vmem>> -> memref<128xi32, #tpu.memory_space<vmem>>
            %dma_start3A_105 = arith.constant 0 : i32
            %dma_start3A_106 = arith.constant 0 : i32
            %dma_start3A_107 = tpu.memref_slice %arg2[%dma_start3A_105, %dma_start3A_106] : memref<10000x64xf32, #tpu.memory_space<hbm>> -> memref<10000x64xf32, #tpu.memory_space<hbm>>
            tpu.enqueue_indirect_dma source(%dma_start3A_107 : memref<10000x64xf32, #tpu.memory_space<hbm>>) target(%arg11 : memref<128x64xf32, #tpu.memory_space<vmem>>) offsets(%dma_start3A_104 : memref<128xi32, #tpu.memory_space<vmem>>) semaphore(%arg16 : memref<!tpu.dma_semaphore, #tpu.memory_space<semaphore_mem>>)
          } else {
          }
        } else {
        }
        %add3A_73 = arith.constant 3 : i32
        %add3A_74 = arith.addi %add3A_52, %add3A_73 : i32
        %lt3A_75 = arith.constant 8 : i32
        %lt3A_76 = arith.cmpi slt, %add3A_74, %lt3A_75 : i32
        %convert_element_type3A_77 = arith.extui %lt3A_76 : i1 to i32
        %cond3A_78 = arith.constant 0 : i32
        %cond3A_79 = arith.cmpi ne, %convert_element_type3A_77, %cond3A_78 : i32
        scf.if %cond3A_79 {
          %add3A_80 = arith.constant 3 : i32
          %add3A_81 = arith.addi %add3A_52, %add3A_80 : i32
          %dma_wait3A = arith.constant 0 : i32
          %dma_wait3A_82 = tpu.memref_slice %arg7[%add3A_81, %dma_wait3A] : memref<72x128xi32, #tpu.memory_space<vmem>> -> memref<1x128xi32, #tpu.memory_space<vmem>>
          %dma_wait3A_83 = tpu.memref_squeeze %dma_wait3A_82 : memref<1x128xi32, #tpu.memory_space<vmem>> -> memref<128xi32, #tpu.memory_space<vmem>>
          %dma_wait3A_84 = arith.constant 0 : i32
          %dma_wait3A_85 = arith.constant 0 : i32
          %dma_wait3A_86 = tpu.memref_slice %arg2[%dma_wait3A_84, %dma_wait3A_85] : memref<10000x64xf32, #tpu.memory_space<hbm>> -> memref<10000x64xf32, #tpu.memory_space<hbm>>
          tpu.wait_indirect_dma semaphore(%arg17 : memref<!tpu.dma_semaphore, #tpu.memory_space<semaphore_mem>>) src(%dma_wait3A_86 : memref<10000x64xf32, #tpu.memory_space<hbm>>) dst(%arg12 : memref<128x64xf32, #tpu.memory_space<vmem>>)
          %add3A_87 = arith.constant 3 : i32
          %add3A_88 = arith.addi %add3A_52, %add3A_87 : i32
          "tpu.region"() ({
            %run_scoped3A = tpu.sem_alloc : memref<!tpu.dma_semaphore, #tpu.memory_space<semaphore_mem>>
            %dma_start3A_98 = arith.constant 0 : i32
            %dma_start3A_99 = tpu.memref_slice %arg8[%add3A_88, %dma_start3A_98] : memref<72x128xi32, #tpu.memory_space<vmem>> -> memref<1x128xi32, #tpu.memory_space<vmem>>
            %dma_start3A_100 = tpu.memref_squeeze %dma_start3A_99 : memref<1x128xi32, #tpu.memory_space<vmem>> -> memref<128xi32, #tpu.memory_space<vmem>>
            %dma_start3A_101 = arith.constant 0 : i32
            %dma_start3A_102 = arith.constant 0 : i32
            %dma_start3A_103 = tpu.memref_slice %arg13[%dma_start3A_101, %dma_start3A_102] : memref<10112x64xf32, #tpu.memory_space<vmem_shared>> -> memref<10112x64xf32, #tpu.memory_space<vmem_shared>>
            tpu.enqueue_indirect_dma source(%arg12 : memref<128x64xf32, #tpu.memory_space<vmem>>) target(%dma_start3A_103 : memref<10112x64xf32, #tpu.memory_space<vmem_shared>>) offsets(%dma_start3A_100 : memref<128xi32, #tpu.memory_space<vmem>>) semaphore(%run_scoped3A : memref<!tpu.dma_semaphore, #tpu.memory_space<semaphore_mem>>) {add = true}
            %dma_wait3A_104 = arith.constant 0 : i32
            %dma_wait3A_105 = tpu.memref_slice %arg8[%add3A_88, %dma_wait3A_104] : memref<72x128xi32, #tpu.memory_space<vmem>> -> memref<1x128xi32, #tpu.memory_space<vmem>>
            %dma_wait3A_106 = tpu.memref_squeeze %dma_wait3A_105 : memref<1x128xi32, #tpu.memory_space<vmem>> -> memref<128xi32, #tpu.memory_space<vmem>>
            %dma_wait3A_107 = arith.constant 0 : i32
            %dma_wait3A_108 = arith.constant 0 : i32
            %dma_wait3A_109 = tpu.memref_slice %arg13[%dma_wait3A_107, %dma_wait3A_108] : memref<10112x64xf32, #tpu.memory_space<vmem_shared>> -> memref<10112x64xf32, #tpu.memory_space<vmem_shared>>
            tpu.wait_indirect_dma semaphore(%run_scoped3A : memref<!tpu.dma_semaphore, #tpu.memory_space<semaphore_mem>>) src(%arg12 : memref<128x64xf32, #tpu.memory_space<vmem>>) dst(%dma_wait3A_109 : memref<10112x64xf32, #tpu.memory_space<vmem_shared>>)
            tpu.yield
          }) : () -> ()
          %add3A_89 = arith.constant 4 : i32
          %add3A_90 = arith.addi %add3A_52, %add3A_89 : i32
          %add3A_91 = arith.constant 3 : i32
          %add3A_92 = arith.addi %add3A_90, %add3A_91 : i32
          %lt3A_93 = arith.constant 8 : i32
          %lt3A_94 = arith.cmpi slt, %add3A_92, %lt3A_93 : i32
          %convert_element_type3A_95 = arith.extui %lt3A_94 : i1 to i32
          %cond3A_96 = arith.constant 0 : i32
          %cond3A_97 = arith.cmpi ne, %convert_element_type3A_95, %cond3A_96 : i32
          scf.if %cond3A_97 {
            %add3A_98 = arith.constant 4 : i32
            %add3A_99 = arith.addi %add3A_52, %add3A_98 : i32
            %add3A_100 = arith.constant 3 : i32
            %add3A_101 = arith.addi %add3A_99, %add3A_100 : i32
            %dma_start3A_102 = arith.constant 0 : i32
            %dma_start3A_103 = tpu.memref_slice %arg7[%add3A_101, %dma_start3A_102] : memref<72x128xi32, #tpu.memory_space<vmem>> -> memref<1x128xi32, #tpu.memory_space<vmem>>
            %dma_start3A_104 = tpu.memref_squeeze %dma_start3A_103 : memref<1x128xi32, #tpu.memory_space<vmem>> -> memref<128xi32, #tpu.memory_space<vmem>>
            %dma_start3A_105 = arith.constant 0 : i32
            %dma_start3A_106 = arith.constant 0 : i32
            %dma_start3A_107 = tpu.memref_slice %arg2[%dma_start3A_105, %dma_start3A_106] : memref<10000x64xf32, #tpu.memory_space<hbm>> -> memref<10000x64xf32, #tpu.memory_space<hbm>>
            tpu.enqueue_indirect_dma source(%dma_start3A_107 : memref<10000x64xf32, #tpu.memory_space<hbm>>) target(%arg12 : memref<128x64xf32, #tpu.memory_space<vmem>>) offsets(%dma_start3A_104 : memref<128xi32, #tpu.memory_space<vmem>>) semaphore(%arg17 : memref<!tpu.dma_semaphore, #tpu.memory_space<semaphore_mem>>)
          } else {
          }
        } else {
        }
      }
      %scan3A_47 = arith.constant 2 : i32
    } else {
    }
    %barrier3A = arith.constant 0 : index
    tpu.barrier barrier_id(%barrier3A)
    %mul3A_9 = arith.constant 632 : i32
    %mul3A_10 = arith.muli %arg1, %mul3A_9 : i32
    %mul3A_11 = arith.constant 632 : i32
    %mul3A_12 = arith.muli %arg1, %mul3A_11 : i32
    "tpu.region"() ({
      %run_scoped3A = tpu.sem_alloc : memref<!tpu.dma_semaphore, #tpu.memory_space<semaphore_mem>>
      %dma_start3A = arith.constant 0 : i32
      %dma_start3A_13 = tpu.memref_slice %arg6[%arg0, %mul3A_12, %dma_start3A] : memref<2x10112x64xf32, #tpu.memory_space<hbm>> -> memref<1x632x64xf32, #tpu.memory_space<hbm>>
      %dma_start3A_14 = tpu.memref_squeeze %dma_start3A_13 : memref<1x632x64xf32, #tpu.memory_space<hbm>> -> memref<632x64xf32, #tpu.memory_space<hbm>>
      %dma_start3A_15 = arith.constant 0 : i32
      %dma_start3A_16 = tpu.memref_slice %arg13[%mul3A_10, %dma_start3A_15] : memref<10112x64xf32, #tpu.memory_space<vmem_shared>> -> memref<632x64xf32, #tpu.memory_space<vmem_shared>>
      tpu.enqueue_dma source(%dma_start3A_16 : memref<632x64xf32, #tpu.memory_space<vmem_shared>>) target(%dma_start3A_14 : memref<632x64xf32, #tpu.memory_space<hbm>>) target_semaphore(%run_scoped3A : memref<!tpu.dma_semaphore, #tpu.memory_space<semaphore_mem>>)
      %dma_wait3A = arith.constant 0 : i32
      %dma_wait3A_17 = tpu.memref_slice %arg6[%arg0, %mul3A_12, %dma_wait3A] : memref<2x10112x64xf32, #tpu.memory_space<hbm>> -> memref<1x632x64xf32, #tpu.memory_space<hbm>>
      %dma_wait3A_18 = tpu.memref_squeeze %dma_wait3A_17 : memref<1x632x64xf32, #tpu.memory_space<hbm>> -> memref<632x64xf32, #tpu.memory_space<hbm>>
      %dma_wait3A_19 = arith.constant 0 : i32
      %dma_wait3A_20 = tpu.memref_slice %arg13[%mul3A_10, %dma_wait3A_19] : memref<10112x64xf32, #tpu.memory_space<vmem_shared>> -> memref<632x64xf32, #tpu.memory_space<vmem_shared>>
      tpu.wait_dma2 semaphore(%run_scoped3A : memref<!tpu.dma_semaphore, #tpu.memory_space<semaphore_mem>>) src(%dma_wait3A_20 : memref<632x64xf32, #tpu.memory_space<vmem_shared>>) dst(%dma_wait3A_18 : memref<632x64xf32, #tpu.memory_space<hbm>>)
      tpu.yield
    }) : () -> ()
    return
  }
}

#map = affine_map<(d0, d1) -> (0, 0)>
#map1 = affine_map<(d0, d1) -> (0, 0, 0)>
module attributes {stable_mosaic.version = 14 : i64} {
  func.func @agg(%arg0: i32, %arg1: i32, %arg2: memref<10000x64xf32, #tpu.memory_space<hbm>>, %arg3: memref<1280x128xi32, #tpu.memory_space<hbm>>, %arg4: memref<1280x128xi32, #tpu.memory_space<hbm>>, %arg5: memref<10112x64xf32, #tpu.memory_space<hbm>>, %arg6: memref<128x16xf32, #tpu.memory_space<hbm>>, %arg7: memref<10112x16xf32, #tpu.memory_space<hbm>>, %arg8: memref<2x10112x64xf32, #tpu.memory_space<hbm>>, %arg9: memref<2x10112x16xf32, #tpu.memory_space<hbm>>, %arg10: memref<72x128xi32, #tpu.memory_space<vmem>>, %arg11: memref<72x128xi32, #tpu.memory_space<vmem>>, %arg12: memref<128x64xf32, #tpu.memory_space<vmem>>, %arg13: memref<128x64xf32, #tpu.memory_space<vmem>>, %arg14: memref<128x64xf32, #tpu.memory_space<vmem>>, %arg15: memref<128x64xf32, #tpu.memory_space<vmem>>, %arg16: memref<10112x64xf32, #tpu.memory_space<vmem_shared>>, %arg17: memref<!tpu.dma_semaphore, #tpu.memory_space<semaphore_mem>>, %arg18: memref<!tpu.dma_semaphore, #tpu.memory_space<semaphore_mem>>, %arg19: memref<!tpu.dma_semaphore, #tpu.memory_space<semaphore_mem>>, %arg20: memref<!tpu.dma_semaphore, #tpu.memory_space<semaphore_mem>>, %arg21: memref<128x16xf32, #tpu.memory_space<vmem>>, %arg22: memref<10112x16xf32, #tpu.memory_space<vmem_shared>>) attributes {dimension_semantics = [#tpu.dimension_semantics<core_parallel>, #tpu.dimension_semantics<subcore_parallel>], iteration_bounds = array<i64: 2, 16>, scalar_prefetch = 0 : i64, scratch_operands = 13 : i64, tpu.core_type = #tpu.core_type<sc_vector_subcore>, window_params = [{transform_indices = #map}, {transform_indices = #map}, {transform_indices = #map}, {transform_indices = #map}, {transform_indices = #map}, {transform_indices = #map}, {transform_indices = #map1}, {transform_indices = #map1}]} {
    %mul3A = arith.constant 632 : i32
    %mul3A_0 = arith.muli %arg1, %mul3A : i32
    %mul3A_1 = arith.constant 632 : i32
    %mul3A_2 = arith.muli %arg1, %mul3A_1 : i32
    "tpu.region"() ({
      %run_scoped3A = tpu.sem_alloc : memref<!tpu.dma_semaphore, #tpu.memory_space<semaphore_mem>>
      %dma_start3A = arith.constant 0 : i32
      %dma_start3A_21 = tpu.memref_slice %arg16[%mul3A_2, %dma_start3A] : memref<10112x64xf32, #tpu.memory_space<vmem_shared>> -> memref<632x64xf32, #tpu.memory_space<vmem_shared>>
      %dma_start3A_22 = arith.constant 0 : i32
      %dma_start3A_23 = tpu.memref_slice %arg5[%mul3A_0, %dma_start3A_22] : memref<10112x64xf32, #tpu.memory_space<hbm>> -> memref<632x64xf32, #tpu.memory_space<hbm>>
      tpu.enqueue_dma source(%dma_start3A_23 : memref<632x64xf32, #tpu.memory_space<hbm>>) target(%dma_start3A_21 : memref<632x64xf32, #tpu.memory_space<vmem_shared>>) target_semaphore(%run_scoped3A : memref<!tpu.dma_semaphore, #tpu.memory_space<semaphore_mem>>)
      %dma_wait3A = arith.constant 0 : i32
      %dma_wait3A_24 = tpu.memref_slice %arg16[%mul3A_2, %dma_wait3A] : memref<10112x64xf32, #tpu.memory_space<vmem_shared>> -> memref<632x64xf32, #tpu.memory_space<vmem_shared>>
      %dma_wait3A_25 = arith.constant 0 : i32
      %dma_wait3A_26 = tpu.memref_slice %arg5[%mul3A_0, %dma_wait3A_25] : memref<10112x64xf32, #tpu.memory_space<hbm>> -> memref<632x64xf32, #tpu.memory_space<hbm>>
      tpu.wait_dma2 semaphore(%run_scoped3A : memref<!tpu.dma_semaphore, #tpu.memory_space<semaphore_mem>>) src(%dma_wait3A_26 : memref<632x64xf32, #tpu.memory_space<hbm>>) dst(%dma_wait3A_24 : memref<632x64xf32, #tpu.memory_space<vmem_shared>>)
      tpu.yield
    }) : () -> ()
    %mul3A_3 = arith.constant 632 : i32
    %mul3A_4 = arith.muli %arg1, %mul3A_3 : i32
    %mul3A_5 = arith.constant 632 : i32
    %mul3A_6 = arith.muli %arg1, %mul3A_5 : i32
    "tpu.region"() ({
      %run_scoped3A = tpu.sem_alloc : memref<!tpu.dma_semaphore, #tpu.memory_space<semaphore_mem>>
      %dma_start3A = arith.constant 0 : i32
      %dma_start3A_21 = tpu.memref_slice %arg22[%mul3A_6, %dma_start3A] : memref<10112x16xf32, #tpu.memory_space<vmem_shared>> -> memref<632x16xf32, #tpu.memory_space<vmem_shared>>
      %dma_start3A_22 = arith.constant 0 : i32
      %dma_start3A_23 = tpu.memref_slice %arg7[%mul3A_4, %dma_start3A_22] : memref<10112x16xf32, #tpu.memory_space<hbm>> -> memref<632x16xf32, #tpu.memory_space<hbm>>
      tpu.enqueue_dma source(%dma_start3A_23 : memref<632x16xf32, #tpu.memory_space<hbm>>) target(%dma_start3A_21 : memref<632x16xf32, #tpu.memory_space<vmem_shared>>) target_semaphore(%run_scoped3A : memref<!tpu.dma_semaphore, #tpu.memory_space<semaphore_mem>>)
      %dma_wait3A = arith.constant 0 : i32
      %dma_wait3A_24 = tpu.memref_slice %arg22[%mul3A_6, %dma_wait3A] : memref<10112x16xf32, #tpu.memory_space<vmem_shared>> -> memref<632x16xf32, #tpu.memory_space<vmem_shared>>
      %dma_wait3A_25 = arith.constant 0 : i32
      %dma_wait3A_26 = tpu.memref_slice %arg7[%mul3A_4, %dma_wait3A_25] : memref<10112x16xf32, #tpu.memory_space<hbm>> -> memref<632x16xf32, #tpu.memory_space<hbm>>
      tpu.wait_dma2 semaphore(%run_scoped3A : memref<!tpu.dma_semaphore, #tpu.memory_space<semaphore_mem>>) src(%dma_wait3A_26 : memref<632x16xf32, #tpu.memory_space<hbm>>) dst(%dma_wait3A_24 : memref<632x16xf32, #tpu.memory_space<vmem_shared>>)
      tpu.yield
    }) : () -> ()
    "tpu.region"() ({
      %run_scoped3A = tpu.sem_alloc : memref<!tpu.dma_semaphore, #tpu.memory_space<semaphore_mem>>
      tpu.enqueue_dma source(%arg6 : memref<128x16xf32, #tpu.memory_space<hbm>>) target(%arg21 : memref<128x16xf32, #tpu.memory_space<vmem>>) target_semaphore(%run_scoped3A : memref<!tpu.dma_semaphore, #tpu.memory_space<semaphore_mem>>)
      tpu.wait_dma2 semaphore(%run_scoped3A : memref<!tpu.dma_semaphore, #tpu.memory_space<semaphore_mem>>) src(%arg6 : memref<128x16xf32, #tpu.memory_space<hbm>>) dst(%arg21 : memref<128x16xf32, #tpu.memory_space<vmem>>)
      tpu.yield
    }) : () -> ()
    %eq3A = arith.constant 0 : i32
    %eq3A_7 = arith.cmpi eq, %arg0, %eq3A : i32
    %convert_element_type3A = arith.extui %eq3A_7 : i1 to i32
    %cond3A = arith.constant 0 : i32
    %cond3A_8 = arith.cmpi ne, %convert_element_type3A, %cond3A : i32
    scf.if %cond3A_8 {
      %mul3A_21 = arith.constant 72 : i32
      %mul3A_22 = arith.muli %arg1, %mul3A_21 : i32
      "tpu.region"() ({
        %run_scoped3A = tpu.sem_alloc : memref<!tpu.dma_semaphore, #tpu.memory_space<semaphore_mem>>
        %dma_start3A_55 = arith.constant 0 : i32
        %dma_start3A_56 = arith.constant 0 : i32
        %dma_start3A_57 = tpu.memref_slice %arg10[%dma_start3A_55, %dma_start3A_56] : memref<72x128xi32, #tpu.memory_space<vmem>> -> memref<72x128xi32, #tpu.memory_space<vmem>>
        %dma_start3A_58 = arith.constant 0 : i32
        %dma_start3A_59 = tpu.memref_slice %arg3[%mul3A_22, %dma_start3A_58] : memref<1280x128xi32, #tpu.memory_space<hbm>> -> memref<72x128xi32, #tpu.memory_space<hbm>>
        %dma_start3A_60 = arith.constant 0 : i32
        %dma_start3A_61 = arith.constant 0 : i32
        %dma_start3A_62 = tpu.memref_slice %arg10[%dma_start3A_60, %dma_start3A_61] : memref<72x128xi32, #tpu.memory_space<vmem>> -> memref<72x128xi32, #tpu.memory_space<vmem>>
        %dma_start3A_63 = arith.constant 0 : i32
        %dma_start3A_64 = tpu.memref_slice %arg3[%mul3A_22, %dma_start3A_63] : memref<1280x128xi32, #tpu.memory_space<hbm>> -> memref<72x128xi32, #tpu.memory_space<hbm>>
        tpu.enqueue_dma source(%dma_start3A_64 : memref<72x128xi32, #tpu.memory_space<hbm>>) target(%dma_start3A_62 : memref<72x128xi32, #tpu.memory_space<vmem>>) target_semaphore(%run_scoped3A : memref<!tpu.dma_semaphore, #tpu.memory_space<semaphore_mem>>)
        %dma_wait3A = arith.constant 0 : i32
        %dma_wait3A_65 = arith.constant 0 : i32
        %dma_wait3A_66 = tpu.memref_slice %arg10[%dma_wait3A, %dma_wait3A_65] : memref<72x128xi32, #tpu.memory_space<vmem>> -> memref<72x128xi32, #tpu.memory_space<vmem>>
        %dma_wait3A_67 = arith.constant 0 : i32
        %dma_wait3A_68 = tpu.memref_slice %arg3[%mul3A_22, %dma_wait3A_67] : memref<1280x128xi32, #tpu.memory_space<hbm>> -> memref<72x128xi32, #tpu.memory_space<hbm>>
        %dma_wait3A_69 = arith.constant 0 : i32
        %dma_wait3A_70 = arith.constant 0 : i32
        %dma_wait3A_71 = tpu.memref_slice %arg10[%dma_wait3A_69, %dma_wait3A_70] : memref<72x128xi32, #tpu.memory_space<vmem>> -> memref<72x128xi32, #tpu.memory_space<vmem>>
        %dma_wait3A_72 = arith.constant 0 : i32
        %dma_wait3A_73 = tpu.memref_slice %arg3[%mul3A_22, %dma_wait3A_72] : memref<1280x128xi32, #tpu.memory_space<hbm>> -> memref<72x128xi32, #tpu.memory_space<hbm>>
        tpu.wait_dma2 semaphore(%run_scoped3A : memref<!tpu.dma_semaphore, #tpu.memory_space<semaphore_mem>>) src(%dma_wait3A_73 : memref<72x128xi32, #tpu.memory_space<hbm>>) dst(%dma_wait3A_71 : memref<72x128xi32, #tpu.memory_space<vmem>>)
        tpu.yield
      }) : () -> ()
      "tpu.region"() ({
        %run_scoped3A = tpu.sem_alloc : memref<!tpu.dma_semaphore, #tpu.memory_space<semaphore_mem>>
        %dma_start3A_55 = arith.constant 0 : i32
        %dma_start3A_56 = arith.constant 0 : i32
        %dma_start3A_57 = tpu.memref_slice %arg11[%dma_start3A_55, %dma_start3A_56] : memref<72x128xi32, #tpu.memory_space<vmem>> -> memref<72x128xi32, #tpu.memory_space<vmem>>
        %dma_start3A_58 = arith.constant 0 : i32
        %dma_start3A_59 = tpu.memref_slice %arg4[%mul3A_22, %dma_start3A_58] : memref<1280x128xi32, #tpu.memory_space<hbm>> -> memref<72x128xi32, #tpu.memory_space<hbm>>
        %dma_start3A_60 = arith.constant 0 : i32
        %dma_start3A_61 = arith.constant 0 : i32
        %dma_start3A_62 = tpu.memref_slice %arg11[%dma_start3A_60, %dma_start3A_61] : memref<72x128xi32, #tpu.memory_space<vmem>> -> memref<72x128xi32, #tpu.memory_space<vmem>>
        %dma_start3A_63 = arith.constant 0 : i32
        %dma_start3A_64 = tpu.memref_slice %arg4[%mul3A_22, %dma_start3A_63] : memref<1280x128xi32, #tpu.memory_space<hbm>> -> memref<72x128xi32, #tpu.memory_space<hbm>>
        tpu.enqueue_dma source(%dma_start3A_64 : memref<72x128xi32, #tpu.memory_space<hbm>>) target(%dma_start3A_62 : memref<72x128xi32, #tpu.memory_space<vmem>>) target_semaphore(%run_scoped3A : memref<!tpu.dma_semaphore, #tpu.memory_space<semaphore_mem>>)
        %dma_wait3A = arith.constant 0 : i32
        %dma_wait3A_65 = arith.constant 0 : i32
        %dma_wait3A_66 = tpu.memref_slice %arg11[%dma_wait3A, %dma_wait3A_65] : memref<72x128xi32, #tpu.memory_space<vmem>> -> memref<72x128xi32, #tpu.memory_space<vmem>>
        %dma_wait3A_67 = arith.constant 0 : i32
        %dma_wait3A_68 = tpu.memref_slice %arg4[%mul3A_22, %dma_wait3A_67] : memref<1280x128xi32, #tpu.memory_space<hbm>> -> memref<72x128xi32, #tpu.memory_space<hbm>>
        %dma_wait3A_69 = arith.constant 0 : i32
        %dma_wait3A_70 = arith.constant 0 : i32
        %dma_wait3A_71 = tpu.memref_slice %arg11[%dma_wait3A_69, %dma_wait3A_70] : memref<72x128xi32, #tpu.memory_space<vmem>> -> memref<72x128xi32, #tpu.memory_space<vmem>>
        %dma_wait3A_72 = arith.constant 0 : i32
        %dma_wait3A_73 = tpu.memref_slice %arg4[%mul3A_22, %dma_wait3A_72] : memref<1280x128xi32, #tpu.memory_space<hbm>> -> memref<72x128xi32, #tpu.memory_space<hbm>>
        tpu.wait_dma2 semaphore(%run_scoped3A : memref<!tpu.dma_semaphore, #tpu.memory_space<semaphore_mem>>) src(%dma_wait3A_73 : memref<72x128xi32, #tpu.memory_space<hbm>>) dst(%dma_wait3A_71 : memref<72x128xi32, #tpu.memory_space<vmem>>)
        tpu.yield
      }) : () -> ()
      %barrier3A_23 = arith.constant 0 : index
      tpu.barrier barrier_id(%barrier3A_23)
      %dma_start3A = arith.constant 0 : i32
      %dma_start3A_24 = arith.constant 0 : i32
      %dma_start3A_25 = tpu.memref_slice %arg10[%dma_start3A, %dma_start3A_24] : memref<72x128xi32, #tpu.memory_space<vmem>> -> memref<1x128xi32, #tpu.memory_space<vmem>>
      %dma_start3A_26 = tpu.memref_squeeze %dma_start3A_25 : memref<1x128xi32, #tpu.memory_space<vmem>> -> memref<128xi32, #tpu.memory_space<vmem>>
      %dma_start3A_27 = arith.constant 0 : i32
      %dma_start3A_28 = arith.constant 0 : i32
      %dma_start3A_29 = tpu.memref_slice %arg2[%dma_start3A_27, %dma_start3A_28] : memref<10000x64xf32, #tpu.memory_space<hbm>> -> memref<10000x64xf32, #tpu.memory_space<hbm>>
      tpu.enqueue_indirect_dma source(%dma_start3A_29 : memref<10000x64xf32, #tpu.memory_space<hbm>>) target(%arg12 : memref<128x64xf32, #tpu.memory_space<vmem>>) offsets(%dma_start3A_26 : memref<128xi32, #tpu.memory_space<vmem>>) semaphore(%arg17 : memref<!tpu.dma_semaphore, #tpu.memory_space<semaphore_mem>>)
      %dma_start3A_30 = arith.constant 1 : i32
      %dma_start3A_31 = arith.constant 0 : i32
      %dma_start3A_32 = tpu.memref_slice %arg10[%dma_start3A_30, %dma_start3A_31] : memref<72x128xi32, #tpu.memory_space<vmem>> -> memref<1x128xi32, #tpu.memory_space<vmem>>
      %dma_start3A_33 = tpu.memref_squeeze %dma_start3A_32 : memref<1x128xi32, #tpu.memory_space<vmem>> -> memref<128xi32, #tpu.memory_space<vmem>>
      %dma_start3A_34 = arith.constant 0 : i32
      %dma_start3A_35 = arith.constant 0 : i32
      %dma_start3A_36 = tpu.memref_slice %arg2[%dma_start3A_34, %dma_start3A_35] : memref<10000x64xf32, #tpu.memory_space<hbm>> -> memref<10000x64xf32, #tpu.memory_space<hbm>>
      tpu.enqueue_indirect_dma source(%dma_start3A_36 : memref<10000x64xf32, #tpu.memory_space<hbm>>) target(%arg13 : memref<128x64xf32, #tpu.memory_space<vmem>>) offsets(%dma_start3A_33 : memref<128xi32, #tpu.memory_space<vmem>>) semaphore(%arg18 : memref<!tpu.dma_semaphore, #tpu.memory_space<semaphore_mem>>)
      %dma_start3A_37 = arith.constant 2 : i32
      %dma_start3A_38 = arith.constant 0 : i32
      %dma_start3A_39 = tpu.memref_slice %arg10[%dma_start3A_37, %dma_start3A_38] : memref<72x128xi32, #tpu.memory_space<vmem>> -> memref<1x128xi32, #tpu.memory_space<vmem>>
      %dma_start3A_40 = tpu.memref_squeeze %dma_start3A_39 : memref<1x128xi32, #tpu.memory_space<vmem>> -> memref<128xi32, #tpu.memory_space<vmem>>
      %dma_start3A_41 = arith.constant 0 : i32
      %dma_start3A_42 = arith.constant 0 : i32
      %dma_start3A_43 = tpu.memref_slice %arg2[%dma_start3A_41, %dma_start3A_42] : memref<10000x64xf32, #tpu.memory_space<hbm>> -> memref<10000x64xf32, #tpu.memory_space<hbm>>
      tpu.enqueue_indirect_dma source(%dma_start3A_43 : memref<10000x64xf32, #tpu.memory_space<hbm>>) target(%arg14 : memref<128x64xf32, #tpu.memory_space<vmem>>) offsets(%dma_start3A_40 : memref<128xi32, #tpu.memory_space<vmem>>) semaphore(%arg19 : memref<!tpu.dma_semaphore, #tpu.memory_space<semaphore_mem>>)
      %dma_start3A_44 = arith.constant 3 : i32
      %dma_start3A_45 = arith.constant 0 : i32
      %dma_start3A_46 = tpu.memref_slice %arg10[%dma_start3A_44, %dma_start3A_45] : memref<72x128xi32, #tpu.memory_space<vmem>> -> memref<1x128xi32, #tpu.memory_space<vmem>>
      %dma_start3A_47 = tpu.memref_squeeze %dma_start3A_46 : memref<1x128xi32, #tpu.memory_space<vmem>> -> memref<128xi32, #tpu.memory_space<vmem>>
      %dma_start3A_48 = arith.constant 0 : i32
      %dma_start3A_49 = arith.constant 0 : i32
      %dma_start3A_50 = tpu.memref_slice %arg2[%dma_start3A_48, %dma_start3A_49] : memref<10000x64xf32, #tpu.memory_space<hbm>> -> memref<10000x64xf32, #tpu.memory_space<hbm>>
      tpu.enqueue_indirect_dma source(%dma_start3A_50 : memref<10000x64xf32, #tpu.memory_space<hbm>>) target(%arg15 : memref<128x64xf32, #tpu.memory_space<vmem>>) offsets(%dma_start3A_47 : memref<128xi32, #tpu.memory_space<vmem>>) semaphore(%arg20 : memref<!tpu.dma_semaphore, #tpu.memory_space<semaphore_mem>>)
      %scan3A = arith.constant 0 : i32
      %scan3A_51 = arith.constant 18 : i32
      %scan3A_52 = arith.addi %scan3A, %scan3A_51 : i32
      %scan3A_53 = arith.constant 1 : i32
      scf.for %scan3A_55 = %scan3A to %scan3A_52 step %scan3A_53  : i32 {
        %mul3A_56 = arith.constant 4 : i32
        %mul3A_57 = arith.muli %scan3A_55, %mul3A_56 : i32
        %add3A = arith.constant 0 : i32
        %add3A_58 = arith.addi %add3A, %mul3A_57 : i32
        %add3A_59 = arith.constant 0 : i32
        %add3A_60 = arith.addi %add3A_58, %add3A_59 : i32
        %lt3A = arith.constant 72 : i32
        %lt3A_61 = arith.cmpi slt, %add3A_60, %lt3A : i32
        %convert_element_type3A_62 = arith.extui %lt3A_61 : i1 to i32
        %cond3A_63 = arith.constant 0 : i32
        %cond3A_64 = arith.cmpi ne, %convert_element_type3A_62, %cond3A_63 : i32
        scf.if %cond3A_64 {
          %add3A_86 = arith.constant 0 : i32
          %add3A_87 = arith.addi %add3A_58, %add3A_86 : i32
          %dma_wait3A = arith.constant 0 : i32
          %dma_wait3A_88 = tpu.memref_slice %arg10[%add3A_87, %dma_wait3A] : memref<72x128xi32, #tpu.memory_space<vmem>> -> memref<1x128xi32, #tpu.memory_space<vmem>>
          %dma_wait3A_89 = tpu.memref_squeeze %dma_wait3A_88 : memref<1x128xi32, #tpu.memory_space<vmem>> -> memref<128xi32, #tpu.memory_space<vmem>>
          %dma_wait3A_90 = arith.constant 0 : i32
          %dma_wait3A_91 = arith.constant 0 : i32
          %dma_wait3A_92 = tpu.memref_slice %arg2[%dma_wait3A_90, %dma_wait3A_91] : memref<10000x64xf32, #tpu.memory_space<hbm>> -> memref<10000x64xf32, #tpu.memory_space<hbm>>
          tpu.wait_indirect_dma semaphore(%arg17 : memref<!tpu.dma_semaphore, #tpu.memory_space<semaphore_mem>>) src(%dma_wait3A_92 : memref<10000x64xf32, #tpu.memory_space<hbm>>) dst(%arg12 : memref<128x64xf32, #tpu.memory_space<vmem>>)
          %add3A_93 = arith.constant 0 : i32
          %add3A_94 = arith.addi %add3A_58, %add3A_93 : i32
          "tpu.region"() ({
            %run_scoped3A = tpu.sem_alloc : memref<!tpu.dma_semaphore, #tpu.memory_space<semaphore_mem>>
            %dma_start3A_106 = arith.constant 0 : i32
            %dma_start3A_107 = tpu.memref_slice %arg11[%add3A_94, %dma_start3A_106] : memref<72x128xi32, #tpu.memory_space<vmem>> -> memref<1x128xi32, #tpu.memory_space<vmem>>
            %dma_start3A_108 = tpu.memref_squeeze %dma_start3A_107 : memref<1x128xi32, #tpu.memory_space<vmem>> -> memref<128xi32, #tpu.memory_space<vmem>>
            %dma_start3A_109 = arith.constant 0 : i32
            %dma_start3A_110 = arith.constant 0 : i32
            %dma_start3A_111 = tpu.memref_slice %arg16[%dma_start3A_109, %dma_start3A_110] : memref<10112x64xf32, #tpu.memory_space<vmem_shared>> -> memref<10112x64xf32, #tpu.memory_space<vmem_shared>>
            tpu.enqueue_indirect_dma source(%arg12 : memref<128x64xf32, #tpu.memory_space<vmem>>) target(%dma_start3A_111 : memref<10112x64xf32, #tpu.memory_space<vmem_shared>>) offsets(%dma_start3A_108 : memref<128xi32, #tpu.memory_space<vmem>>) semaphore(%run_scoped3A : memref<!tpu.dma_semaphore, #tpu.memory_space<semaphore_mem>>) {add = true}
            %dma_wait3A_112 = arith.constant 0 : i32
            %dma_wait3A_113 = tpu.memref_slice %arg11[%add3A_94, %dma_wait3A_112] : memref<72x128xi32, #tpu.memory_space<vmem>> -> memref<1x128xi32, #tpu.memory_space<vmem>>
            %dma_wait3A_114 = tpu.memref_squeeze %dma_wait3A_113 : memref<1x128xi32, #tpu.memory_space<vmem>> -> memref<128xi32, #tpu.memory_space<vmem>>
            %dma_wait3A_115 = arith.constant 0 : i32
            %dma_wait3A_116 = arith.constant 0 : i32
            %dma_wait3A_117 = tpu.memref_slice %arg16[%dma_wait3A_115, %dma_wait3A_116] : memref<10112x64xf32, #tpu.memory_space<vmem_shared>> -> memref<10112x64xf32, #tpu.memory_space<vmem_shared>>
            tpu.wait_indirect_dma semaphore(%run_scoped3A : memref<!tpu.dma_semaphore, #tpu.memory_space<semaphore_mem>>) src(%arg12 : memref<128x64xf32, #tpu.memory_space<vmem>>) dst(%dma_wait3A_117 : memref<10112x64xf32, #tpu.memory_space<vmem_shared>>)
            tpu.yield
          }) : () -> ()
          %add3A_95 = arith.constant 0 : i32
          %add3A_96 = arith.addi %add3A_58, %add3A_95 : i32
          "tpu.region"() ({
            %run_scoped3A = tpu.sem_alloc : memref<!tpu.dma_semaphore, #tpu.memory_space<semaphore_mem>>
            %dma_start3A_106 = arith.constant 0 : i32
            %dma_start3A_107 = tpu.memref_slice %arg11[%add3A_96, %dma_start3A_106] : memref<72x128xi32, #tpu.memory_space<vmem>> -> memref<1x128xi32, #tpu.memory_space<vmem>>
            %dma_start3A_108 = tpu.memref_squeeze %dma_start3A_107 : memref<1x128xi32, #tpu.memory_space<vmem>> -> memref<128xi32, #tpu.memory_space<vmem>>
            %dma_start3A_109 = arith.constant 0 : i32
            %dma_start3A_110 = arith.constant 0 : i32
            %dma_start3A_111 = tpu.memref_slice %arg22[%dma_start3A_109, %dma_start3A_110] : memref<10112x16xf32, #tpu.memory_space<vmem_shared>> -> memref<10112x16xf32, #tpu.memory_space<vmem_shared>>
            tpu.enqueue_indirect_dma source(%arg21 : memref<128x16xf32, #tpu.memory_space<vmem>>) target(%dma_start3A_111 : memref<10112x16xf32, #tpu.memory_space<vmem_shared>>) offsets(%dma_start3A_108 : memref<128xi32, #tpu.memory_space<vmem>>) semaphore(%run_scoped3A : memref<!tpu.dma_semaphore, #tpu.memory_space<semaphore_mem>>) {add = true}
            %dma_wait3A_112 = arith.constant 0 : i32
            %dma_wait3A_113 = tpu.memref_slice %arg11[%add3A_96, %dma_wait3A_112] : memref<72x128xi32, #tpu.memory_space<vmem>> -> memref<1x128xi32, #tpu.memory_space<vmem>>
            %dma_wait3A_114 = tpu.memref_squeeze %dma_wait3A_113 : memref<1x128xi32, #tpu.memory_space<vmem>> -> memref<128xi32, #tpu.memory_space<vmem>>
            %dma_wait3A_115 = arith.constant 0 : i32
            %dma_wait3A_116 = arith.constant 0 : i32
            %dma_wait3A_117 = tpu.memref_slice %arg22[%dma_wait3A_115, %dma_wait3A_116] : memref<10112x16xf32, #tpu.memory_space<vmem_shared>> -> memref<10112x16xf32, #tpu.memory_space<vmem_shared>>
            tpu.wait_indirect_dma semaphore(%run_scoped3A : memref<!tpu.dma_semaphore, #tpu.memory_space<semaphore_mem>>) src(%arg21 : memref<128x16xf32, #tpu.memory_space<vmem>>) dst(%dma_wait3A_117 : memref<10112x16xf32, #tpu.memory_space<vmem_shared>>)
            tpu.yield
          }) : () -> ()
          %add3A_97 = arith.constant 4 : i32
          %add3A_98 = arith.addi %add3A_58, %add3A_97 : i32
          %add3A_99 = arith.constant 0 : i32
          %add3A_100 = arith.addi %add3A_98, %add3A_99 : i32
          %lt3A_101 = arith.constant 72 : i32
          %lt3A_102 = arith.cmpi slt, %add3A_100, %lt3A_101 : i32
          %convert_element_type3A_103 = arith.extui %lt3A_102 : i1 to i32
          %cond3A_104 = arith.constant 0 : i32
          %cond3A_105 = arith.cmpi ne, %convert_element_type3A_103, %cond3A_104 : i32
          scf.if %cond3A_105 {
            %add3A_106 = arith.constant 4 : i32
            %add3A_107 = arith.addi %add3A_58, %add3A_106 : i32
            %add3A_108 = arith.constant 0 : i32
            %add3A_109 = arith.addi %add3A_107, %add3A_108 : i32
            %dma_start3A_110 = arith.constant 0 : i32
            %dma_start3A_111 = tpu.memref_slice %arg10[%add3A_109, %dma_start3A_110] : memref<72x128xi32, #tpu.memory_space<vmem>> -> memref<1x128xi32, #tpu.memory_space<vmem>>
            %dma_start3A_112 = tpu.memref_squeeze %dma_start3A_111 : memref<1x128xi32, #tpu.memory_space<vmem>> -> memref<128xi32, #tpu.memory_space<vmem>>
            %dma_start3A_113 = arith.constant 0 : i32
            %dma_start3A_114 = arith.constant 0 : i32
            %dma_start3A_115 = tpu.memref_slice %arg2[%dma_start3A_113, %dma_start3A_114] : memref<10000x64xf32, #tpu.memory_space<hbm>> -> memref<10000x64xf32, #tpu.memory_space<hbm>>
            tpu.enqueue_indirect_dma source(%dma_start3A_115 : memref<10000x64xf32, #tpu.memory_space<hbm>>) target(%arg12 : memref<128x64xf32, #tpu.memory_space<vmem>>) offsets(%dma_start3A_112 : memref<128xi32, #tpu.memory_space<vmem>>) semaphore(%arg17 : memref<!tpu.dma_semaphore, #tpu.memory_space<semaphore_mem>>)
          } else {
          }
        } else {
        }
        %add3A_65 = arith.constant 1 : i32
        %add3A_66 = arith.addi %add3A_58, %add3A_65 : i32
        %lt3A_67 = arith.constant 72 : i32
        %lt3A_68 = arith.cmpi slt, %add3A_66, %lt3A_67 : i32
        %convert_element_type3A_69 = arith.extui %lt3A_68 : i1 to i32
        %cond3A_70 = arith.constant 0 : i32
        %cond3A_71 = arith.cmpi ne, %convert_element_type3A_69, %cond3A_70 : i32
        scf.if %cond3A_71 {
          %add3A_86 = arith.constant 1 : i32
          %add3A_87 = arith.addi %add3A_58, %add3A_86 : i32
          %dma_wait3A = arith.constant 0 : i32
          %dma_wait3A_88 = tpu.memref_slice %arg10[%add3A_87, %dma_wait3A] : memref<72x128xi32, #tpu.memory_space<vmem>> -> memref<1x128xi32, #tpu.memory_space<vmem>>
          %dma_wait3A_89 = tpu.memref_squeeze %dma_wait3A_88 : memref<1x128xi32, #tpu.memory_space<vmem>> -> memref<128xi32, #tpu.memory_space<vmem>>
          %dma_wait3A_90 = arith.constant 0 : i32
          %dma_wait3A_91 = arith.constant 0 : i32
          %dma_wait3A_92 = tpu.memref_slice %arg2[%dma_wait3A_90, %dma_wait3A_91] : memref<10000x64xf32, #tpu.memory_space<hbm>> -> memref<10000x64xf32, #tpu.memory_space<hbm>>
          tpu.wait_indirect_dma semaphore(%arg18 : memref<!tpu.dma_semaphore, #tpu.memory_space<semaphore_mem>>) src(%dma_wait3A_92 : memref<10000x64xf32, #tpu.memory_space<hbm>>) dst(%arg13 : memref<128x64xf32, #tpu.memory_space<vmem>>)
          %add3A_93 = arith.constant 1 : i32
          %add3A_94 = arith.addi %add3A_58, %add3A_93 : i32
          "tpu.region"() ({
            %run_scoped3A = tpu.sem_alloc : memref<!tpu.dma_semaphore, #tpu.memory_space<semaphore_mem>>
            %dma_start3A_106 = arith.constant 0 : i32
            %dma_start3A_107 = tpu.memref_slice %arg11[%add3A_94, %dma_start3A_106] : memref<72x128xi32, #tpu.memory_space<vmem>> -> memref<1x128xi32, #tpu.memory_space<vmem>>
            %dma_start3A_108 = tpu.memref_squeeze %dma_start3A_107 : memref<1x128xi32, #tpu.memory_space<vmem>> -> memref<128xi32, #tpu.memory_space<vmem>>
            %dma_start3A_109 = arith.constant 0 : i32
            %dma_start3A_110 = arith.constant 0 : i32
            %dma_start3A_111 = tpu.memref_slice %arg16[%dma_start3A_109, %dma_start3A_110] : memref<10112x64xf32, #tpu.memory_space<vmem_shared>> -> memref<10112x64xf32, #tpu.memory_space<vmem_shared>>
            tpu.enqueue_indirect_dma source(%arg13 : memref<128x64xf32, #tpu.memory_space<vmem>>) target(%dma_start3A_111 : memref<10112x64xf32, #tpu.memory_space<vmem_shared>>) offsets(%dma_start3A_108 : memref<128xi32, #tpu.memory_space<vmem>>) semaphore(%run_scoped3A : memref<!tpu.dma_semaphore, #tpu.memory_space<semaphore_mem>>) {add = true}
            %dma_wait3A_112 = arith.constant 0 : i32
            %dma_wait3A_113 = tpu.memref_slice %arg11[%add3A_94, %dma_wait3A_112] : memref<72x128xi32, #tpu.memory_space<vmem>> -> memref<1x128xi32, #tpu.memory_space<vmem>>
            %dma_wait3A_114 = tpu.memref_squeeze %dma_wait3A_113 : memref<1x128xi32, #tpu.memory_space<vmem>> -> memref<128xi32, #tpu.memory_space<vmem>>
            %dma_wait3A_115 = arith.constant 0 : i32
            %dma_wait3A_116 = arith.constant 0 : i32
            %dma_wait3A_117 = tpu.memref_slice %arg16[%dma_wait3A_115, %dma_wait3A_116] : memref<10112x64xf32, #tpu.memory_space<vmem_shared>> -> memref<10112x64xf32, #tpu.memory_space<vmem_shared>>
            tpu.wait_indirect_dma semaphore(%run_scoped3A : memref<!tpu.dma_semaphore, #tpu.memory_space<semaphore_mem>>) src(%arg13 : memref<128x64xf32, #tpu.memory_space<vmem>>) dst(%dma_wait3A_117 : memref<10112x64xf32, #tpu.memory_space<vmem_shared>>)
            tpu.yield
          }) : () -> ()
          %add3A_95 = arith.constant 1 : i32
          %add3A_96 = arith.addi %add3A_58, %add3A_95 : i32
          "tpu.region"() ({
            %run_scoped3A = tpu.sem_alloc : memref<!tpu.dma_semaphore, #tpu.memory_space<semaphore_mem>>
            %dma_start3A_106 = arith.constant 0 : i32
            %dma_start3A_107 = tpu.memref_slice %arg11[%add3A_96, %dma_start3A_106] : memref<72x128xi32, #tpu.memory_space<vmem>> -> memref<1x128xi32, #tpu.memory_space<vmem>>
            %dma_start3A_108 = tpu.memref_squeeze %dma_start3A_107 : memref<1x128xi32, #tpu.memory_space<vmem>> -> memref<128xi32, #tpu.memory_space<vmem>>
            %dma_start3A_109 = arith.constant 0 : i32
            %dma_start3A_110 = arith.constant 0 : i32
            %dma_start3A_111 = tpu.memref_slice %arg22[%dma_start3A_109, %dma_start3A_110] : memref<10112x16xf32, #tpu.memory_space<vmem_shared>> -> memref<10112x16xf32, #tpu.memory_space<vmem_shared>>
            tpu.enqueue_indirect_dma source(%arg21 : memref<128x16xf32, #tpu.memory_space<vmem>>) target(%dma_start3A_111 : memref<10112x16xf32, #tpu.memory_space<vmem_shared>>) offsets(%dma_start3A_108 : memref<128xi32, #tpu.memory_space<vmem>>) semaphore(%run_scoped3A : memref<!tpu.dma_semaphore, #tpu.memory_space<semaphore_mem>>) {add = true}
            %dma_wait3A_112 = arith.constant 0 : i32
            %dma_wait3A_113 = tpu.memref_slice %arg11[%add3A_96, %dma_wait3A_112] : memref<72x128xi32, #tpu.memory_space<vmem>> -> memref<1x128xi32, #tpu.memory_space<vmem>>
            %dma_wait3A_114 = tpu.memref_squeeze %dma_wait3A_113 : memref<1x128xi32, #tpu.memory_space<vmem>> -> memref<128xi32, #tpu.memory_space<vmem>>
            %dma_wait3A_115 = arith.constant 0 : i32
            %dma_wait3A_116 = arith.constant 0 : i32
            %dma_wait3A_117 = tpu.memref_slice %arg22[%dma_wait3A_115, %dma_wait3A_116] : memref<10112x16xf32, #tpu.memory_space<vmem_shared>> -> memref<10112x16xf32, #tpu.memory_space<vmem_shared>>
            tpu.wait_indirect_dma semaphore(%run_scoped3A : memref<!tpu.dma_semaphore, #tpu.memory_space<semaphore_mem>>) src(%arg21 : memref<128x16xf32, #tpu.memory_space<vmem>>) dst(%dma_wait3A_117 : memref<10112x16xf32, #tpu.memory_space<vmem_shared>>)
            tpu.yield
          }) : () -> ()
          %add3A_97 = arith.constant 4 : i32
          %add3A_98 = arith.addi %add3A_58, %add3A_97 : i32
          %add3A_99 = arith.constant 1 : i32
          %add3A_100 = arith.addi %add3A_98, %add3A_99 : i32
          %lt3A_101 = arith.constant 72 : i32
          %lt3A_102 = arith.cmpi slt, %add3A_100, %lt3A_101 : i32
          %convert_element_type3A_103 = arith.extui %lt3A_102 : i1 to i32
          %cond3A_104 = arith.constant 0 : i32
          %cond3A_105 = arith.cmpi ne, %convert_element_type3A_103, %cond3A_104 : i32
          scf.if %cond3A_105 {
            %add3A_106 = arith.constant 4 : i32
            %add3A_107 = arith.addi %add3A_58, %add3A_106 : i32
            %add3A_108 = arith.constant 1 : i32
            %add3A_109 = arith.addi %add3A_107, %add3A_108 : i32
            %dma_start3A_110 = arith.constant 0 : i32
            %dma_start3A_111 = tpu.memref_slice %arg10[%add3A_109, %dma_start3A_110] : memref<72x128xi32, #tpu.memory_space<vmem>> -> memref<1x128xi32, #tpu.memory_space<vmem>>
            %dma_start3A_112 = tpu.memref_squeeze %dma_start3A_111 : memref<1x128xi32, #tpu.memory_space<vmem>> -> memref<128xi32, #tpu.memory_space<vmem>>
            %dma_start3A_113 = arith.constant 0 : i32
            %dma_start3A_114 = arith.constant 0 : i32
            %dma_start3A_115 = tpu.memref_slice %arg2[%dma_start3A_113, %dma_start3A_114] : memref<10000x64xf32, #tpu.memory_space<hbm>> -> memref<10000x64xf32, #tpu.memory_space<hbm>>
            tpu.enqueue_indirect_dma source(%dma_start3A_115 : memref<10000x64xf32, #tpu.memory_space<hbm>>) target(%arg13 : memref<128x64xf32, #tpu.memory_space<vmem>>) offsets(%dma_start3A_112 : memref<128xi32, #tpu.memory_space<vmem>>) semaphore(%arg18 : memref<!tpu.dma_semaphore, #tpu.memory_space<semaphore_mem>>)
          } else {
          }
        } else {
        }
        %add3A_72 = arith.constant 2 : i32
        %add3A_73 = arith.addi %add3A_58, %add3A_72 : i32
        %lt3A_74 = arith.constant 72 : i32
        %lt3A_75 = arith.cmpi slt, %add3A_73, %lt3A_74 : i32
        %convert_element_type3A_76 = arith.extui %lt3A_75 : i1 to i32
        %cond3A_77 = arith.constant 0 : i32
        %cond3A_78 = arith.cmpi ne, %convert_element_type3A_76, %cond3A_77 : i32
        scf.if %cond3A_78 {
          %add3A_86 = arith.constant 2 : i32
          %add3A_87 = arith.addi %add3A_58, %add3A_86 : i32
          %dma_wait3A = arith.constant 0 : i32
          %dma_wait3A_88 = tpu.memref_slice %arg10[%add3A_87, %dma_wait3A] : memref<72x128xi32, #tpu.memory_space<vmem>> -> memref<1x128xi32, #tpu.memory_space<vmem>>
          %dma_wait3A_89 = tpu.memref_squeeze %dma_wait3A_88 : memref<1x128xi32, #tpu.memory_space<vmem>> -> memref<128xi32, #tpu.memory_space<vmem>>
          %dma_wait3A_90 = arith.constant 0 : i32
          %dma_wait3A_91 = arith.constant 0 : i32
          %dma_wait3A_92 = tpu.memref_slice %arg2[%dma_wait3A_90, %dma_wait3A_91] : memref<10000x64xf32, #tpu.memory_space<hbm>> -> memref<10000x64xf32, #tpu.memory_space<hbm>>
          tpu.wait_indirect_dma semaphore(%arg19 : memref<!tpu.dma_semaphore, #tpu.memory_space<semaphore_mem>>) src(%dma_wait3A_92 : memref<10000x64xf32, #tpu.memory_space<hbm>>) dst(%arg14 : memref<128x64xf32, #tpu.memory_space<vmem>>)
          %add3A_93 = arith.constant 2 : i32
          %add3A_94 = arith.addi %add3A_58, %add3A_93 : i32
          "tpu.region"() ({
            %run_scoped3A = tpu.sem_alloc : memref<!tpu.dma_semaphore, #tpu.memory_space<semaphore_mem>>
            %dma_start3A_106 = arith.constant 0 : i32
            %dma_start3A_107 = tpu.memref_slice %arg11[%add3A_94, %dma_start3A_106] : memref<72x128xi32, #tpu.memory_space<vmem>> -> memref<1x128xi32, #tpu.memory_space<vmem>>
            %dma_start3A_108 = tpu.memref_squeeze %dma_start3A_107 : memref<1x128xi32, #tpu.memory_space<vmem>> -> memref<128xi32, #tpu.memory_space<vmem>>
            %dma_start3A_109 = arith.constant 0 : i32
            %dma_start3A_110 = arith.constant 0 : i32
            %dma_start3A_111 = tpu.memref_slice %arg16[%dma_start3A_109, %dma_start3A_110] : memref<10112x64xf32, #tpu.memory_space<vmem_shared>> -> memref<10112x64xf32, #tpu.memory_space<vmem_shared>>
            tpu.enqueue_indirect_dma source(%arg14 : memref<128x64xf32, #tpu.memory_space<vmem>>) target(%dma_start3A_111 : memref<10112x64xf32, #tpu.memory_space<vmem_shared>>) offsets(%dma_start3A_108 : memref<128xi32, #tpu.memory_space<vmem>>) semaphore(%run_scoped3A : memref<!tpu.dma_semaphore, #tpu.memory_space<semaphore_mem>>) {add = true}
            %dma_wait3A_112 = arith.constant 0 : i32
            %dma_wait3A_113 = tpu.memref_slice %arg11[%add3A_94, %dma_wait3A_112] : memref<72x128xi32, #tpu.memory_space<vmem>> -> memref<1x128xi32, #tpu.memory_space<vmem>>
            %dma_wait3A_114 = tpu.memref_squeeze %dma_wait3A_113 : memref<1x128xi32, #tpu.memory_space<vmem>> -> memref<128xi32, #tpu.memory_space<vmem>>
            %dma_wait3A_115 = arith.constant 0 : i32
            %dma_wait3A_116 = arith.constant 0 : i32
            %dma_wait3A_117 = tpu.memref_slice %arg16[%dma_wait3A_115, %dma_wait3A_116] : memref<10112x64xf32, #tpu.memory_space<vmem_shared>> -> memref<10112x64xf32, #tpu.memory_space<vmem_shared>>
            tpu.wait_indirect_dma semaphore(%run_scoped3A : memref<!tpu.dma_semaphore, #tpu.memory_space<semaphore_mem>>) src(%arg14 : memref<128x64xf32, #tpu.memory_space<vmem>>) dst(%dma_wait3A_117 : memref<10112x64xf32, #tpu.memory_space<vmem_shared>>)
            tpu.yield
          }) : () -> ()
          %add3A_95 = arith.constant 2 : i32
          %add3A_96 = arith.addi %add3A_58, %add3A_95 : i32
          "tpu.region"() ({
            %run_scoped3A = tpu.sem_alloc : memref<!tpu.dma_semaphore, #tpu.memory_space<semaphore_mem>>
            %dma_start3A_106 = arith.constant 0 : i32
            %dma_start3A_107 = tpu.memref_slice %arg11[%add3A_96, %dma_start3A_106] : memref<72x128xi32, #tpu.memory_space<vmem>> -> memref<1x128xi32, #tpu.memory_space<vmem>>
            %dma_start3A_108 = tpu.memref_squeeze %dma_start3A_107 : memref<1x128xi32, #tpu.memory_space<vmem>> -> memref<128xi32, #tpu.memory_space<vmem>>
            %dma_start3A_109 = arith.constant 0 : i32
            %dma_start3A_110 = arith.constant 0 : i32
            %dma_start3A_111 = tpu.memref_slice %arg22[%dma_start3A_109, %dma_start3A_110] : memref<10112x16xf32, #tpu.memory_space<vmem_shared>> -> memref<10112x16xf32, #tpu.memory_space<vmem_shared>>
            tpu.enqueue_indirect_dma source(%arg21 : memref<128x16xf32, #tpu.memory_space<vmem>>) target(%dma_start3A_111 : memref<10112x16xf32, #tpu.memory_space<vmem_shared>>) offsets(%dma_start3A_108 : memref<128xi32, #tpu.memory_space<vmem>>) semaphore(%run_scoped3A : memref<!tpu.dma_semaphore, #tpu.memory_space<semaphore_mem>>) {add = true}
            %dma_wait3A_112 = arith.constant 0 : i32
            %dma_wait3A_113 = tpu.memref_slice %arg11[%add3A_96, %dma_wait3A_112] : memref<72x128xi32, #tpu.memory_space<vmem>> -> memref<1x128xi32, #tpu.memory_space<vmem>>
            %dma_wait3A_114 = tpu.memref_squeeze %dma_wait3A_113 : memref<1x128xi32, #tpu.memory_space<vmem>> -> memref<128xi32, #tpu.memory_space<vmem>>
            %dma_wait3A_115 = arith.constant 0 : i32
            %dma_wait3A_116 = arith.constant 0 : i32
            %dma_wait3A_117 = tpu.memref_slice %arg22[%dma_wait3A_115, %dma_wait3A_116] : memref<10112x16xf32, #tpu.memory_space<vmem_shared>> -> memref<10112x16xf32, #tpu.memory_space<vmem_shared>>
            tpu.wait_indirect_dma semaphore(%run_scoped3A : memref<!tpu.dma_semaphore, #tpu.memory_space<semaphore_mem>>) src(%arg21 : memref<128x16xf32, #tpu.memory_space<vmem>>) dst(%dma_wait3A_117 : memref<10112x16xf32, #tpu.memory_space<vmem_shared>>)
            tpu.yield
          }) : () -> ()
          %add3A_97 = arith.constant 4 : i32
          %add3A_98 = arith.addi %add3A_58, %add3A_97 : i32
          %add3A_99 = arith.constant 2 : i32
          %add3A_100 = arith.addi %add3A_98, %add3A_99 : i32
          %lt3A_101 = arith.constant 72 : i32
          %lt3A_102 = arith.cmpi slt, %add3A_100, %lt3A_101 : i32
          %convert_element_type3A_103 = arith.extui %lt3A_102 : i1 to i32
          %cond3A_104 = arith.constant 0 : i32
          %cond3A_105 = arith.cmpi ne, %convert_element_type3A_103, %cond3A_104 : i32
          scf.if %cond3A_105 {
            %add3A_106 = arith.constant 4 : i32
            %add3A_107 = arith.addi %add3A_58, %add3A_106 : i32
            %add3A_108 = arith.constant 2 : i32
            %add3A_109 = arith.addi %add3A_107, %add3A_108 : i32
            %dma_start3A_110 = arith.constant 0 : i32
            %dma_start3A_111 = tpu.memref_slice %arg10[%add3A_109, %dma_start3A_110] : memref<72x128xi32, #tpu.memory_space<vmem>> -> memref<1x128xi32, #tpu.memory_space<vmem>>
            %dma_start3A_112 = tpu.memref_squeeze %dma_start3A_111 : memref<1x128xi32, #tpu.memory_space<vmem>> -> memref<128xi32, #tpu.memory_space<vmem>>
            %dma_start3A_113 = arith.constant 0 : i32
            %dma_start3A_114 = arith.constant 0 : i32
            %dma_start3A_115 = tpu.memref_slice %arg2[%dma_start3A_113, %dma_start3A_114] : memref<10000x64xf32, #tpu.memory_space<hbm>> -> memref<10000x64xf32, #tpu.memory_space<hbm>>
            tpu.enqueue_indirect_dma source(%dma_start3A_115 : memref<10000x64xf32, #tpu.memory_space<hbm>>) target(%arg14 : memref<128x64xf32, #tpu.memory_space<vmem>>) offsets(%dma_start3A_112 : memref<128xi32, #tpu.memory_space<vmem>>) semaphore(%arg19 : memref<!tpu.dma_semaphore, #tpu.memory_space<semaphore_mem>>)
          } else {
          }
        } else {
        }
        %add3A_79 = arith.constant 3 : i32
        %add3A_80 = arith.addi %add3A_58, %add3A_79 : i32
        %lt3A_81 = arith.constant 72 : i32
        %lt3A_82 = arith.cmpi slt, %add3A_80, %lt3A_81 : i32
        %convert_element_type3A_83 = arith.extui %lt3A_82 : i1 to i32
        %cond3A_84 = arith.constant 0 : i32
        %cond3A_85 = arith.cmpi ne, %convert_element_type3A_83, %cond3A_84 : i32
        scf.if %cond3A_85 {
          %add3A_86 = arith.constant 3 : i32
          %add3A_87 = arith.addi %add3A_58, %add3A_86 : i32
          %dma_wait3A = arith.constant 0 : i32
          %dma_wait3A_88 = tpu.memref_slice %arg10[%add3A_87, %dma_wait3A] : memref<72x128xi32, #tpu.memory_space<vmem>> -> memref<1x128xi32, #tpu.memory_space<vmem>>
          %dma_wait3A_89 = tpu.memref_squeeze %dma_wait3A_88 : memref<1x128xi32, #tpu.memory_space<vmem>> -> memref<128xi32, #tpu.memory_space<vmem>>
          %dma_wait3A_90 = arith.constant 0 : i32
          %dma_wait3A_91 = arith.constant 0 : i32
          %dma_wait3A_92 = tpu.memref_slice %arg2[%dma_wait3A_90, %dma_wait3A_91] : memref<10000x64xf32, #tpu.memory_space<hbm>> -> memref<10000x64xf32, #tpu.memory_space<hbm>>
          tpu.wait_indirect_dma semaphore(%arg20 : memref<!tpu.dma_semaphore, #tpu.memory_space<semaphore_mem>>) src(%dma_wait3A_92 : memref<10000x64xf32, #tpu.memory_space<hbm>>) dst(%arg15 : memref<128x64xf32, #tpu.memory_space<vmem>>)
          %add3A_93 = arith.constant 3 : i32
          %add3A_94 = arith.addi %add3A_58, %add3A_93 : i32
          "tpu.region"() ({
            %run_scoped3A = tpu.sem_alloc : memref<!tpu.dma_semaphore, #tpu.memory_space<semaphore_mem>>
            %dma_start3A_106 = arith.constant 0 : i32
            %dma_start3A_107 = tpu.memref_slice %arg11[%add3A_94, %dma_start3A_106] : memref<72x128xi32, #tpu.memory_space<vmem>> -> memref<1x128xi32, #tpu.memory_space<vmem>>
            %dma_start3A_108 = tpu.memref_squeeze %dma_start3A_107 : memref<1x128xi32, #tpu.memory_space<vmem>> -> memref<128xi32, #tpu.memory_space<vmem>>
            %dma_start3A_109 = arith.constant 0 : i32
            %dma_start3A_110 = arith.constant 0 : i32
            %dma_start3A_111 = tpu.memref_slice %arg16[%dma_start3A_109, %dma_start3A_110] : memref<10112x64xf32, #tpu.memory_space<vmem_shared>> -> memref<10112x64xf32, #tpu.memory_space<vmem_shared>>
            tpu.enqueue_indirect_dma source(%arg15 : memref<128x64xf32, #tpu.memory_space<vmem>>) target(%dma_start3A_111 : memref<10112x64xf32, #tpu.memory_space<vmem_shared>>) offsets(%dma_start3A_108 : memref<128xi32, #tpu.memory_space<vmem>>) semaphore(%run_scoped3A : memref<!tpu.dma_semaphore, #tpu.memory_space<semaphore_mem>>) {add = true}
            %dma_wait3A_112 = arith.constant 0 : i32
            %dma_wait3A_113 = tpu.memref_slice %arg11[%add3A_94, %dma_wait3A_112] : memref<72x128xi32, #tpu.memory_space<vmem>> -> memref<1x128xi32, #tpu.memory_space<vmem>>
            %dma_wait3A_114 = tpu.memref_squeeze %dma_wait3A_113 : memref<1x128xi32, #tpu.memory_space<vmem>> -> memref<128xi32, #tpu.memory_space<vmem>>
            %dma_wait3A_115 = arith.constant 0 : i32
            %dma_wait3A_116 = arith.constant 0 : i32
            %dma_wait3A_117 = tpu.memref_slice %arg16[%dma_wait3A_115, %dma_wait3A_116] : memref<10112x64xf32, #tpu.memory_space<vmem_shared>> -> memref<10112x64xf32, #tpu.memory_space<vmem_shared>>
            tpu.wait_indirect_dma semaphore(%run_scoped3A : memref<!tpu.dma_semaphore, #tpu.memory_space<semaphore_mem>>) src(%arg15 : memref<128x64xf32, #tpu.memory_space<vmem>>) dst(%dma_wait3A_117 : memref<10112x64xf32, #tpu.memory_space<vmem_shared>>)
            tpu.yield
          }) : () -> ()
          %add3A_95 = arith.constant 3 : i32
          %add3A_96 = arith.addi %add3A_58, %add3A_95 : i32
          "tpu.region"() ({
            %run_scoped3A = tpu.sem_alloc : memref<!tpu.dma_semaphore, #tpu.memory_space<semaphore_mem>>
            %dma_start3A_106 = arith.constant 0 : i32
            %dma_start3A_107 = tpu.memref_slice %arg11[%add3A_96, %dma_start3A_106] : memref<72x128xi32, #tpu.memory_space<vmem>> -> memref<1x128xi32, #tpu.memory_space<vmem>>
            %dma_start3A_108 = tpu.memref_squeeze %dma_start3A_107 : memref<1x128xi32, #tpu.memory_space<vmem>> -> memref<128xi32, #tpu.memory_space<vmem>>
            %dma_start3A_109 = arith.constant 0 : i32
            %dma_start3A_110 = arith.constant 0 : i32
            %dma_start3A_111 = tpu.memref_slice %arg22[%dma_start3A_109, %dma_start3A_110] : memref<10112x16xf32, #tpu.memory_space<vmem_shared>> -> memref<10112x16xf32, #tpu.memory_space<vmem_shared>>
            tpu.enqueue_indirect_dma source(%arg21 : memref<128x16xf32, #tpu.memory_space<vmem>>) target(%dma_start3A_111 : memref<10112x16xf32, #tpu.memory_space<vmem_shared>>) offsets(%dma_start3A_108 : memref<128xi32, #tpu.memory_space<vmem>>) semaphore(%run_scoped3A : memref<!tpu.dma_semaphore, #tpu.memory_space<semaphore_mem>>) {add = true}
            %dma_wait3A_112 = arith.constant 0 : i32
            %dma_wait3A_113 = tpu.memref_slice %arg11[%add3A_96, %dma_wait3A_112] : memref<72x128xi32, #tpu.memory_space<vmem>> -> memref<1x128xi32, #tpu.memory_space<vmem>>
            %dma_wait3A_114 = tpu.memref_squeeze %dma_wait3A_113 : memref<1x128xi32, #tpu.memory_space<vmem>> -> memref<128xi32, #tpu.memory_space<vmem>>
            %dma_wait3A_115 = arith.constant 0 : i32
            %dma_wait3A_116 = arith.constant 0 : i32
            %dma_wait3A_117 = tpu.memref_slice %arg22[%dma_wait3A_115, %dma_wait3A_116] : memref<10112x16xf32, #tpu.memory_space<vmem_shared>> -> memref<10112x16xf32, #tpu.memory_space<vmem_shared>>
            tpu.wait_indirect_dma semaphore(%run_scoped3A : memref<!tpu.dma_semaphore, #tpu.memory_space<semaphore_mem>>) src(%arg21 : memref<128x16xf32, #tpu.memory_space<vmem>>) dst(%dma_wait3A_117 : memref<10112x16xf32, #tpu.memory_space<vmem_shared>>)
            tpu.yield
          }) : () -> ()
          %add3A_97 = arith.constant 4 : i32
          %add3A_98 = arith.addi %add3A_58, %add3A_97 : i32
          %add3A_99 = arith.constant 3 : i32
          %add3A_100 = arith.addi %add3A_98, %add3A_99 : i32
          %lt3A_101 = arith.constant 72 : i32
          %lt3A_102 = arith.cmpi slt, %add3A_100, %lt3A_101 : i32
          %convert_element_type3A_103 = arith.extui %lt3A_102 : i1 to i32
          %cond3A_104 = arith.constant 0 : i32
          %cond3A_105 = arith.cmpi ne, %convert_element_type3A_103, %cond3A_104 : i32
          scf.if %cond3A_105 {
            %add3A_106 = arith.constant 4 : i32
            %add3A_107 = arith.addi %add3A_58, %add3A_106 : i32
            %add3A_108 = arith.constant 3 : i32
            %add3A_109 = arith.addi %add3A_107, %add3A_108 : i32
            %dma_start3A_110 = arith.constant 0 : i32
            %dma_start3A_111 = tpu.memref_slice %arg10[%add3A_109, %dma_start3A_110] : memref<72x128xi32, #tpu.memory_space<vmem>> -> memref<1x128xi32, #tpu.memory_space<vmem>>
            %dma_start3A_112 = tpu.memref_squeeze %dma_start3A_111 : memref<1x128xi32, #tpu.memory_space<vmem>> -> memref<128xi32, #tpu.memory_space<vmem>>
            %dma_start3A_113 = arith.constant 0 : i32
            %dma_start3A_114 = arith.constant 0 : i32
            %dma_start3A_115 = tpu.memref_slice %arg2[%dma_start3A_113, %dma_start3A_114] : memref<10000x64xf32, #tpu.memory_space<hbm>> -> memref<10000x64xf32, #tpu.memory_space<hbm>>
            tpu.enqueue_indirect_dma source(%dma_start3A_115 : memref<10000x64xf32, #tpu.memory_space<hbm>>) target(%arg15 : memref<128x64xf32, #tpu.memory_space<vmem>>) offsets(%dma_start3A_112 : memref<128xi32, #tpu.memory_space<vmem>>) semaphore(%arg20 : memref<!tpu.dma_semaphore, #tpu.memory_space<semaphore_mem>>)
          } else {
          }
        } else {
        }
      }
      %scan3A_54 = arith.constant 18 : i32
    } else {
    }
    %ne3A = arith.constant 0 : i32
    %ne3A_9 = arith.cmpi ne, %arg0, %ne3A : i32
    %convert_element_type3A_10 = arith.extui %ne3A_9 : i1 to i32
    %cond3A_11 = arith.constant 0 : i32
    %cond3A_12 = arith.cmpi ne, %convert_element_type3A_10, %cond3A_11 : i32
    scf.if %cond3A_12 {
      %mul3A_21 = arith.constant 8 : i32
      %mul3A_22 = arith.muli %arg1, %mul3A_21 : i32
      %add3A = arith.constant 1152 : i32
      %add3A_23 = arith.addi %add3A, %mul3A_22 : i32
      "tpu.region"() ({
        %run_scoped3A = tpu.sem_alloc : memref<!tpu.dma_semaphore, #tpu.memory_space<semaphore_mem>>
        %dma_start3A_56 = arith.constant 0 : i32
        %dma_start3A_57 = arith.constant 0 : i32
        %dma_start3A_58 = tpu.memref_slice %arg10[%dma_start3A_56, %dma_start3A_57] : memref<72x128xi32, #tpu.memory_space<vmem>> -> memref<8x128xi32, #tpu.memory_space<vmem>>
        %dma_start3A_59 = arith.constant 0 : i32
        %dma_start3A_60 = tpu.memref_slice %arg3[%add3A_23, %dma_start3A_59] : memref<1280x128xi32, #tpu.memory_space<hbm>> -> memref<8x128xi32, #tpu.memory_space<hbm>>
        %dma_start3A_61 = arith.constant 0 : i32
        %dma_start3A_62 = arith.constant 0 : i32
        %dma_start3A_63 = tpu.memref_slice %arg10[%dma_start3A_61, %dma_start3A_62] : memref<72x128xi32, #tpu.memory_space<vmem>> -> memref<8x128xi32, #tpu.memory_space<vmem>>
        %dma_start3A_64 = arith.constant 0 : i32
        %dma_start3A_65 = tpu.memref_slice %arg3[%add3A_23, %dma_start3A_64] : memref<1280x128xi32, #tpu.memory_space<hbm>> -> memref<8x128xi32, #tpu.memory_space<hbm>>
        tpu.enqueue_dma source(%dma_start3A_65 : memref<8x128xi32, #tpu.memory_space<hbm>>) target(%dma_start3A_63 : memref<8x128xi32, #tpu.memory_space<vmem>>) target_semaphore(%run_scoped3A : memref<!tpu.dma_semaphore, #tpu.memory_space<semaphore_mem>>)
        %dma_wait3A = arith.constant 0 : i32
        %dma_wait3A_66 = arith.constant 0 : i32
        %dma_wait3A_67 = tpu.memref_slice %arg10[%dma_wait3A, %dma_wait3A_66] : memref<72x128xi32, #tpu.memory_space<vmem>> -> memref<8x128xi32, #tpu.memory_space<vmem>>
        %dma_wait3A_68 = arith.constant 0 : i32
        %dma_wait3A_69 = tpu.memref_slice %arg3[%add3A_23, %dma_wait3A_68] : memref<1280x128xi32, #tpu.memory_space<hbm>> -> memref<8x128xi32, #tpu.memory_space<hbm>>
        %dma_wait3A_70 = arith.constant 0 : i32
        %dma_wait3A_71 = arith.constant 0 : i32
        %dma_wait3A_72 = tpu.memref_slice %arg10[%dma_wait3A_70, %dma_wait3A_71] : memref<72x128xi32, #tpu.memory_space<vmem>> -> memref<8x128xi32, #tpu.memory_space<vmem>>
        %dma_wait3A_73 = arith.constant 0 : i32
        %dma_wait3A_74 = tpu.memref_slice %arg3[%add3A_23, %dma_wait3A_73] : memref<1280x128xi32, #tpu.memory_space<hbm>> -> memref<8x128xi32, #tpu.memory_space<hbm>>
        tpu.wait_dma2 semaphore(%run_scoped3A : memref<!tpu.dma_semaphore, #tpu.memory_space<semaphore_mem>>) src(%dma_wait3A_74 : memref<8x128xi32, #tpu.memory_space<hbm>>) dst(%dma_wait3A_72 : memref<8x128xi32, #tpu.memory_space<vmem>>)
        tpu.yield
      }) : () -> ()
      "tpu.region"() ({
        %run_scoped3A = tpu.sem_alloc : memref<!tpu.dma_semaphore, #tpu.memory_space<semaphore_mem>>
        %dma_start3A_56 = arith.constant 0 : i32
        %dma_start3A_57 = arith.constant 0 : i32
        %dma_start3A_58 = tpu.memref_slice %arg11[%dma_start3A_56, %dma_start3A_57] : memref<72x128xi32, #tpu.memory_space<vmem>> -> memref<8x128xi32, #tpu.memory_space<vmem>>
        %dma_start3A_59 = arith.constant 0 : i32
        %dma_start3A_60 = tpu.memref_slice %arg4[%add3A_23, %dma_start3A_59] : memref<1280x128xi32, #tpu.memory_space<hbm>> -> memref<8x128xi32, #tpu.memory_space<hbm>>
        %dma_start3A_61 = arith.constant 0 : i32
        %dma_start3A_62 = arith.constant 0 : i32
        %dma_start3A_63 = tpu.memref_slice %arg11[%dma_start3A_61, %dma_start3A_62] : memref<72x128xi32, #tpu.memory_space<vmem>> -> memref<8x128xi32, #tpu.memory_space<vmem>>
        %dma_start3A_64 = arith.constant 0 : i32
        %dma_start3A_65 = tpu.memref_slice %arg4[%add3A_23, %dma_start3A_64] : memref<1280x128xi32, #tpu.memory_space<hbm>> -> memref<8x128xi32, #tpu.memory_space<hbm>>
        tpu.enqueue_dma source(%dma_start3A_65 : memref<8x128xi32, #tpu.memory_space<hbm>>) target(%dma_start3A_63 : memref<8x128xi32, #tpu.memory_space<vmem>>) target_semaphore(%run_scoped3A : memref<!tpu.dma_semaphore, #tpu.memory_space<semaphore_mem>>)
        %dma_wait3A = arith.constant 0 : i32
        %dma_wait3A_66 = arith.constant 0 : i32
        %dma_wait3A_67 = tpu.memref_slice %arg11[%dma_wait3A, %dma_wait3A_66] : memref<72x128xi32, #tpu.memory_space<vmem>> -> memref<8x128xi32, #tpu.memory_space<vmem>>
        %dma_wait3A_68 = arith.constant 0 : i32
        %dma_wait3A_69 = tpu.memref_slice %arg4[%add3A_23, %dma_wait3A_68] : memref<1280x128xi32, #tpu.memory_space<hbm>> -> memref<8x128xi32, #tpu.memory_space<hbm>>
        %dma_wait3A_70 = arith.constant 0 : i32
        %dma_wait3A_71 = arith.constant 0 : i32
        %dma_wait3A_72 = tpu.memref_slice %arg11[%dma_wait3A_70, %dma_wait3A_71] : memref<72x128xi32, #tpu.memory_space<vmem>> -> memref<8x128xi32, #tpu.memory_space<vmem>>
        %dma_wait3A_73 = arith.constant 0 : i32
        %dma_wait3A_74 = tpu.memref_slice %arg4[%add3A_23, %dma_wait3A_73] : memref<1280x128xi32, #tpu.memory_space<hbm>> -> memref<8x128xi32, #tpu.memory_space<hbm>>
        tpu.wait_dma2 semaphore(%run_scoped3A : memref<!tpu.dma_semaphore, #tpu.memory_space<semaphore_mem>>) src(%dma_wait3A_74 : memref<8x128xi32, #tpu.memory_space<hbm>>) dst(%dma_wait3A_72 : memref<8x128xi32, #tpu.memory_space<vmem>>)
        tpu.yield
      }) : () -> ()
      %barrier3A_24 = arith.constant 0 : index
      tpu.barrier barrier_id(%barrier3A_24)
      %dma_start3A = arith.constant 0 : i32
      %dma_start3A_25 = arith.constant 0 : i32
      %dma_start3A_26 = tpu.memref_slice %arg10[%dma_start3A, %dma_start3A_25] : memref<72x128xi32, #tpu.memory_space<vmem>> -> memref<1x128xi32, #tpu.memory_space<vmem>>
      %dma_start3A_27 = tpu.memref_squeeze %dma_start3A_26 : memref<1x128xi32, #tpu.memory_space<vmem>> -> memref<128xi32, #tpu.memory_space<vmem>>
      %dma_start3A_28 = arith.constant 0 : i32
      %dma_start3A_29 = arith.constant 0 : i32
      %dma_start3A_30 = tpu.memref_slice %arg2[%dma_start3A_28, %dma_start3A_29] : memref<10000x64xf32, #tpu.memory_space<hbm>> -> memref<10000x64xf32, #tpu.memory_space<hbm>>
      tpu.enqueue_indirect_dma source(%dma_start3A_30 : memref<10000x64xf32, #tpu.memory_space<hbm>>) target(%arg12 : memref<128x64xf32, #tpu.memory_space<vmem>>) offsets(%dma_start3A_27 : memref<128xi32, #tpu.memory_space<vmem>>) semaphore(%arg17 : memref<!tpu.dma_semaphore, #tpu.memory_space<semaphore_mem>>)
      %dma_start3A_31 = arith.constant 1 : i32
      %dma_start3A_32 = arith.constant 0 : i32
      %dma_start3A_33 = tpu.memref_slice %arg10[%dma_start3A_31, %dma_start3A_32] : memref<72x128xi32, #tpu.memory_space<vmem>> -> memref<1x128xi32, #tpu.memory_space<vmem>>
      %dma_start3A_34 = tpu.memref_squeeze %dma_start3A_33 : memref<1x128xi32, #tpu.memory_space<vmem>> -> memref<128xi32, #tpu.memory_space<vmem>>
      %dma_start3A_35 = arith.constant 0 : i32
      %dma_start3A_36 = arith.constant 0 : i32
      %dma_start3A_37 = tpu.memref_slice %arg2[%dma_start3A_35, %dma_start3A_36] : memref<10000x64xf32, #tpu.memory_space<hbm>> -> memref<10000x64xf32, #tpu.memory_space<hbm>>
      tpu.enqueue_indirect_dma source(%dma_start3A_37 : memref<10000x64xf32, #tpu.memory_space<hbm>>) target(%arg13 : memref<128x64xf32, #tpu.memory_space<vmem>>) offsets(%dma_start3A_34 : memref<128xi32, #tpu.memory_space<vmem>>) semaphore(%arg18 : memref<!tpu.dma_semaphore, #tpu.memory_space<semaphore_mem>>)
      %dma_start3A_38 = arith.constant 2 : i32
      %dma_start3A_39 = arith.constant 0 : i32
      %dma_start3A_40 = tpu.memref_slice %arg10[%dma_start3A_38, %dma_start3A_39] : memref<72x128xi32, #tpu.memory_space<vmem>> -> memref<1x128xi32, #tpu.memory_space<vmem>>
      %dma_start3A_41 = tpu.memref_squeeze %dma_start3A_40 : memref<1x128xi32, #tpu.memory_space<vmem>> -> memref<128xi32, #tpu.memory_space<vmem>>
      %dma_start3A_42 = arith.constant 0 : i32
      %dma_start3A_43 = arith.constant 0 : i32
      %dma_start3A_44 = tpu.memref_slice %arg2[%dma_start3A_42, %dma_start3A_43] : memref<10000x64xf32, #tpu.memory_space<hbm>> -> memref<10000x64xf32, #tpu.memory_space<hbm>>
      tpu.enqueue_indirect_dma source(%dma_start3A_44 : memref<10000x64xf32, #tpu.memory_space<hbm>>) target(%arg14 : memref<128x64xf32, #tpu.memory_space<vmem>>) offsets(%dma_start3A_41 : memref<128xi32, #tpu.memory_space<vmem>>) semaphore(%arg19 : memref<!tpu.dma_semaphore, #tpu.memory_space<semaphore_mem>>)
      %dma_start3A_45 = arith.constant 3 : i32
      %dma_start3A_46 = arith.constant 0 : i32
      %dma_start3A_47 = tpu.memref_slice %arg10[%dma_start3A_45, %dma_start3A_46] : memref<72x128xi32, #tpu.memory_space<vmem>> -> memref<1x128xi32, #tpu.memory_space<vmem>>
      %dma_start3A_48 = tpu.memref_squeeze %dma_start3A_47 : memref<1x128xi32, #tpu.memory_space<vmem>> -> memref<128xi32, #tpu.memory_space<vmem>>
      %dma_start3A_49 = arith.constant 0 : i32
      %dma_start3A_50 = arith.constant 0 : i32
      %dma_start3A_51 = tpu.memref_slice %arg2[%dma_start3A_49, %dma_start3A_50] : memref<10000x64xf32, #tpu.memory_space<hbm>> -> memref<10000x64xf32, #tpu.memory_space<hbm>>
      tpu.enqueue_indirect_dma source(%dma_start3A_51 : memref<10000x64xf32, #tpu.memory_space<hbm>>) target(%arg15 : memref<128x64xf32, #tpu.memory_space<vmem>>) offsets(%dma_start3A_48 : memref<128xi32, #tpu.memory_space<vmem>>) semaphore(%arg20 : memref<!tpu.dma_semaphore, #tpu.memory_space<semaphore_mem>>)
      %scan3A = arith.constant 0 : i32
      %scan3A_52 = arith.constant 2 : i32
      %scan3A_53 = arith.addi %scan3A, %scan3A_52 : i32
      %scan3A_54 = arith.constant 1 : i32
      scf.for %scan3A_56 = %scan3A to %scan3A_53 step %scan3A_54  : i32 {
        %mul3A_57 = arith.constant 4 : i32
        %mul3A_58 = arith.muli %scan3A_56, %mul3A_57 : i32
        %add3A_59 = arith.constant 0 : i32
        %add3A_60 = arith.addi %add3A_59, %mul3A_58 : i32
        %add3A_61 = arith.constant 0 : i32
        %add3A_62 = arith.addi %add3A_60, %add3A_61 : i32
        %lt3A = arith.constant 8 : i32
        %lt3A_63 = arith.cmpi slt, %add3A_62, %lt3A : i32
        %convert_element_type3A_64 = arith.extui %lt3A_63 : i1 to i32
        %cond3A_65 = arith.constant 0 : i32
        %cond3A_66 = arith.cmpi ne, %convert_element_type3A_64, %cond3A_65 : i32
        scf.if %cond3A_66 {
          %add3A_88 = arith.constant 0 : i32
          %add3A_89 = arith.addi %add3A_60, %add3A_88 : i32
          %dma_wait3A = arith.constant 0 : i32
          %dma_wait3A_90 = tpu.memref_slice %arg10[%add3A_89, %dma_wait3A] : memref<72x128xi32, #tpu.memory_space<vmem>> -> memref<1x128xi32, #tpu.memory_space<vmem>>
          %dma_wait3A_91 = tpu.memref_squeeze %dma_wait3A_90 : memref<1x128xi32, #tpu.memory_space<vmem>> -> memref<128xi32, #tpu.memory_space<vmem>>
          %dma_wait3A_92 = arith.constant 0 : i32
          %dma_wait3A_93 = arith.constant 0 : i32
          %dma_wait3A_94 = tpu.memref_slice %arg2[%dma_wait3A_92, %dma_wait3A_93] : memref<10000x64xf32, #tpu.memory_space<hbm>> -> memref<10000x64xf32, #tpu.memory_space<hbm>>
          tpu.wait_indirect_dma semaphore(%arg17 : memref<!tpu.dma_semaphore, #tpu.memory_space<semaphore_mem>>) src(%dma_wait3A_94 : memref<10000x64xf32, #tpu.memory_space<hbm>>) dst(%arg12 : memref<128x64xf32, #tpu.memory_space<vmem>>)
          %add3A_95 = arith.constant 0 : i32
          %add3A_96 = arith.addi %add3A_60, %add3A_95 : i32
          "tpu.region"() ({
            %run_scoped3A = tpu.sem_alloc : memref<!tpu.dma_semaphore, #tpu.memory_space<semaphore_mem>>
            %dma_start3A_108 = arith.constant 0 : i32
            %dma_start3A_109 = tpu.memref_slice %arg11[%add3A_96, %dma_start3A_108] : memref<72x128xi32, #tpu.memory_space<vmem>> -> memref<1x128xi32, #tpu.memory_space<vmem>>
            %dma_start3A_110 = tpu.memref_squeeze %dma_start3A_109 : memref<1x128xi32, #tpu.memory_space<vmem>> -> memref<128xi32, #tpu.memory_space<vmem>>
            %dma_start3A_111 = arith.constant 0 : i32
            %dma_start3A_112 = arith.constant 0 : i32
            %dma_start3A_113 = tpu.memref_slice %arg16[%dma_start3A_111, %dma_start3A_112] : memref<10112x64xf32, #tpu.memory_space<vmem_shared>> -> memref<10112x64xf32, #tpu.memory_space<vmem_shared>>
            tpu.enqueue_indirect_dma source(%arg12 : memref<128x64xf32, #tpu.memory_space<vmem>>) target(%dma_start3A_113 : memref<10112x64xf32, #tpu.memory_space<vmem_shared>>) offsets(%dma_start3A_110 : memref<128xi32, #tpu.memory_space<vmem>>) semaphore(%run_scoped3A : memref<!tpu.dma_semaphore, #tpu.memory_space<semaphore_mem>>) {add = true}
            %dma_wait3A_114 = arith.constant 0 : i32
            %dma_wait3A_115 = tpu.memref_slice %arg11[%add3A_96, %dma_wait3A_114] : memref<72x128xi32, #tpu.memory_space<vmem>> -> memref<1x128xi32, #tpu.memory_space<vmem>>
            %dma_wait3A_116 = tpu.memref_squeeze %dma_wait3A_115 : memref<1x128xi32, #tpu.memory_space<vmem>> -> memref<128xi32, #tpu.memory_space<vmem>>
            %dma_wait3A_117 = arith.constant 0 : i32
            %dma_wait3A_118 = arith.constant 0 : i32
            %dma_wait3A_119 = tpu.memref_slice %arg16[%dma_wait3A_117, %dma_wait3A_118] : memref<10112x64xf32, #tpu.memory_space<vmem_shared>> -> memref<10112x64xf32, #tpu.memory_space<vmem_shared>>
            tpu.wait_indirect_dma semaphore(%run_scoped3A : memref<!tpu.dma_semaphore, #tpu.memory_space<semaphore_mem>>) src(%arg12 : memref<128x64xf32, #tpu.memory_space<vmem>>) dst(%dma_wait3A_119 : memref<10112x64xf32, #tpu.memory_space<vmem_shared>>)
            tpu.yield
          }) : () -> ()
          %add3A_97 = arith.constant 0 : i32
          %add3A_98 = arith.addi %add3A_60, %add3A_97 : i32
          "tpu.region"() ({
            %run_scoped3A = tpu.sem_alloc : memref<!tpu.dma_semaphore, #tpu.memory_space<semaphore_mem>>
            %dma_start3A_108 = arith.constant 0 : i32
            %dma_start3A_109 = tpu.memref_slice %arg11[%add3A_98, %dma_start3A_108] : memref<72x128xi32, #tpu.memory_space<vmem>> -> memref<1x128xi32, #tpu.memory_space<vmem>>
            %dma_start3A_110 = tpu.memref_squeeze %dma_start3A_109 : memref<1x128xi32, #tpu.memory_space<vmem>> -> memref<128xi32, #tpu.memory_space<vmem>>
            %dma_start3A_111 = arith.constant 0 : i32
            %dma_start3A_112 = arith.constant 0 : i32
            %dma_start3A_113 = tpu.memref_slice %arg22[%dma_start3A_111, %dma_start3A_112] : memref<10112x16xf32, #tpu.memory_space<vmem_shared>> -> memref<10112x16xf32, #tpu.memory_space<vmem_shared>>
            tpu.enqueue_indirect_dma source(%arg21 : memref<128x16xf32, #tpu.memory_space<vmem>>) target(%dma_start3A_113 : memref<10112x16xf32, #tpu.memory_space<vmem_shared>>) offsets(%dma_start3A_110 : memref<128xi32, #tpu.memory_space<vmem>>) semaphore(%run_scoped3A : memref<!tpu.dma_semaphore, #tpu.memory_space<semaphore_mem>>) {add = true}
            %dma_wait3A_114 = arith.constant 0 : i32
            %dma_wait3A_115 = tpu.memref_slice %arg11[%add3A_98, %dma_wait3A_114] : memref<72x128xi32, #tpu.memory_space<vmem>> -> memref<1x128xi32, #tpu.memory_space<vmem>>
            %dma_wait3A_116 = tpu.memref_squeeze %dma_wait3A_115 : memref<1x128xi32, #tpu.memory_space<vmem>> -> memref<128xi32, #tpu.memory_space<vmem>>
            %dma_wait3A_117 = arith.constant 0 : i32
            %dma_wait3A_118 = arith.constant 0 : i32
            %dma_wait3A_119 = tpu.memref_slice %arg22[%dma_wait3A_117, %dma_wait3A_118] : memref<10112x16xf32, #tpu.memory_space<vmem_shared>> -> memref<10112x16xf32, #tpu.memory_space<vmem_shared>>
            tpu.wait_indirect_dma semaphore(%run_scoped3A : memref<!tpu.dma_semaphore, #tpu.memory_space<semaphore_mem>>) src(%arg21 : memref<128x16xf32, #tpu.memory_space<vmem>>) dst(%dma_wait3A_119 : memref<10112x16xf32, #tpu.memory_space<vmem_shared>>)
            tpu.yield
          }) : () -> ()
          %add3A_99 = arith.constant 4 : i32
          %add3A_100 = arith.addi %add3A_60, %add3A_99 : i32
          %add3A_101 = arith.constant 0 : i32
          %add3A_102 = arith.addi %add3A_100, %add3A_101 : i32
          %lt3A_103 = arith.constant 8 : i32
          %lt3A_104 = arith.cmpi slt, %add3A_102, %lt3A_103 : i32
          %convert_element_type3A_105 = arith.extui %lt3A_104 : i1 to i32
          %cond3A_106 = arith.constant 0 : i32
          %cond3A_107 = arith.cmpi ne, %convert_element_type3A_105, %cond3A_106 : i32
          scf.if %cond3A_107 {
            %add3A_108 = arith.constant 4 : i32
            %add3A_109 = arith.addi %add3A_60, %add3A_108 : i32
            %add3A_110 = arith.constant 0 : i32
            %add3A_111 = arith.addi %add3A_109, %add3A_110 : i32
            %dma_start3A_112 = arith.constant 0 : i32
            %dma_start3A_113 = tpu.memref_slice %arg10[%add3A_111, %dma_start3A_112] : memref<72x128xi32, #tpu.memory_space<vmem>> -> memref<1x128xi32, #tpu.memory_space<vmem>>
            %dma_start3A_114 = tpu.memref_squeeze %dma_start3A_113 : memref<1x128xi32, #tpu.memory_space<vmem>> -> memref<128xi32, #tpu.memory_space<vmem>>
            %dma_start3A_115 = arith.constant 0 : i32
            %dma_start3A_116 = arith.constant 0 : i32
            %dma_start3A_117 = tpu.memref_slice %arg2[%dma_start3A_115, %dma_start3A_116] : memref<10000x64xf32, #tpu.memory_space<hbm>> -> memref<10000x64xf32, #tpu.memory_space<hbm>>
            tpu.enqueue_indirect_dma source(%dma_start3A_117 : memref<10000x64xf32, #tpu.memory_space<hbm>>) target(%arg12 : memref<128x64xf32, #tpu.memory_space<vmem>>) offsets(%dma_start3A_114 : memref<128xi32, #tpu.memory_space<vmem>>) semaphore(%arg17 : memref<!tpu.dma_semaphore, #tpu.memory_space<semaphore_mem>>)
          } else {
          }
        } else {
        }
        %add3A_67 = arith.constant 1 : i32
        %add3A_68 = arith.addi %add3A_60, %add3A_67 : i32
        %lt3A_69 = arith.constant 8 : i32
        %lt3A_70 = arith.cmpi slt, %add3A_68, %lt3A_69 : i32
        %convert_element_type3A_71 = arith.extui %lt3A_70 : i1 to i32
        %cond3A_72 = arith.constant 0 : i32
        %cond3A_73 = arith.cmpi ne, %convert_element_type3A_71, %cond3A_72 : i32
        scf.if %cond3A_73 {
          %add3A_88 = arith.constant 1 : i32
          %add3A_89 = arith.addi %add3A_60, %add3A_88 : i32
          %dma_wait3A = arith.constant 0 : i32
          %dma_wait3A_90 = tpu.memref_slice %arg10[%add3A_89, %dma_wait3A] : memref<72x128xi32, #tpu.memory_space<vmem>> -> memref<1x128xi32, #tpu.memory_space<vmem>>
          %dma_wait3A_91 = tpu.memref_squeeze %dma_wait3A_90 : memref<1x128xi32, #tpu.memory_space<vmem>> -> memref<128xi32, #tpu.memory_space<vmem>>
          %dma_wait3A_92 = arith.constant 0 : i32
          %dma_wait3A_93 = arith.constant 0 : i32
          %dma_wait3A_94 = tpu.memref_slice %arg2[%dma_wait3A_92, %dma_wait3A_93] : memref<10000x64xf32, #tpu.memory_space<hbm>> -> memref<10000x64xf32, #tpu.memory_space<hbm>>
          tpu.wait_indirect_dma semaphore(%arg18 : memref<!tpu.dma_semaphore, #tpu.memory_space<semaphore_mem>>) src(%dma_wait3A_94 : memref<10000x64xf32, #tpu.memory_space<hbm>>) dst(%arg13 : memref<128x64xf32, #tpu.memory_space<vmem>>)
          %add3A_95 = arith.constant 1 : i32
          %add3A_96 = arith.addi %add3A_60, %add3A_95 : i32
          "tpu.region"() ({
            %run_scoped3A = tpu.sem_alloc : memref<!tpu.dma_semaphore, #tpu.memory_space<semaphore_mem>>
            %dma_start3A_108 = arith.constant 0 : i32
            %dma_start3A_109 = tpu.memref_slice %arg11[%add3A_96, %dma_start3A_108] : memref<72x128xi32, #tpu.memory_space<vmem>> -> memref<1x128xi32, #tpu.memory_space<vmem>>
            %dma_start3A_110 = tpu.memref_squeeze %dma_start3A_109 : memref<1x128xi32, #tpu.memory_space<vmem>> -> memref<128xi32, #tpu.memory_space<vmem>>
            %dma_start3A_111 = arith.constant 0 : i32
            %dma_start3A_112 = arith.constant 0 : i32
            %dma_start3A_113 = tpu.memref_slice %arg16[%dma_start3A_111, %dma_start3A_112] : memref<10112x64xf32, #tpu.memory_space<vmem_shared>> -> memref<10112x64xf32, #tpu.memory_space<vmem_shared>>
            tpu.enqueue_indirect_dma source(%arg13 : memref<128x64xf32, #tpu.memory_space<vmem>>) target(%dma_start3A_113 : memref<10112x64xf32, #tpu.memory_space<vmem_shared>>) offsets(%dma_start3A_110 : memref<128xi32, #tpu.memory_space<vmem>>) semaphore(%run_scoped3A : memref<!tpu.dma_semaphore, #tpu.memory_space<semaphore_mem>>) {add = true}
            %dma_wait3A_114 = arith.constant 0 : i32
            %dma_wait3A_115 = tpu.memref_slice %arg11[%add3A_96, %dma_wait3A_114] : memref<72x128xi32, #tpu.memory_space<vmem>> -> memref<1x128xi32, #tpu.memory_space<vmem>>
            %dma_wait3A_116 = tpu.memref_squeeze %dma_wait3A_115 : memref<1x128xi32, #tpu.memory_space<vmem>> -> memref<128xi32, #tpu.memory_space<vmem>>
            %dma_wait3A_117 = arith.constant 0 : i32
            %dma_wait3A_118 = arith.constant 0 : i32
            %dma_wait3A_119 = tpu.memref_slice %arg16[%dma_wait3A_117, %dma_wait3A_118] : memref<10112x64xf32, #tpu.memory_space<vmem_shared>> -> memref<10112x64xf32, #tpu.memory_space<vmem_shared>>
            tpu.wait_indirect_dma semaphore(%run_scoped3A : memref<!tpu.dma_semaphore, #tpu.memory_space<semaphore_mem>>) src(%arg13 : memref<128x64xf32, #tpu.memory_space<vmem>>) dst(%dma_wait3A_119 : memref<10112x64xf32, #tpu.memory_space<vmem_shared>>)
            tpu.yield
          }) : () -> ()
          %add3A_97 = arith.constant 1 : i32
          %add3A_98 = arith.addi %add3A_60, %add3A_97 : i32
          "tpu.region"() ({
            %run_scoped3A = tpu.sem_alloc : memref<!tpu.dma_semaphore, #tpu.memory_space<semaphore_mem>>
            %dma_start3A_108 = arith.constant 0 : i32
            %dma_start3A_109 = tpu.memref_slice %arg11[%add3A_98, %dma_start3A_108] : memref<72x128xi32, #tpu.memory_space<vmem>> -> memref<1x128xi32, #tpu.memory_space<vmem>>
            %dma_start3A_110 = tpu.memref_squeeze %dma_start3A_109 : memref<1x128xi32, #tpu.memory_space<vmem>> -> memref<128xi32, #tpu.memory_space<vmem>>
            %dma_start3A_111 = arith.constant 0 : i32
            %dma_start3A_112 = arith.constant 0 : i32
            %dma_start3A_113 = tpu.memref_slice %arg22[%dma_start3A_111, %dma_start3A_112] : memref<10112x16xf32, #tpu.memory_space<vmem_shared>> -> memref<10112x16xf32, #tpu.memory_space<vmem_shared>>
            tpu.enqueue_indirect_dma source(%arg21 : memref<128x16xf32, #tpu.memory_space<vmem>>) target(%dma_start3A_113 : memref<10112x16xf32, #tpu.memory_space<vmem_shared>>) offsets(%dma_start3A_110 : memref<128xi32, #tpu.memory_space<vmem>>) semaphore(%run_scoped3A : memref<!tpu.dma_semaphore, #tpu.memory_space<semaphore_mem>>) {add = true}
            %dma_wait3A_114 = arith.constant 0 : i32
            %dma_wait3A_115 = tpu.memref_slice %arg11[%add3A_98, %dma_wait3A_114] : memref<72x128xi32, #tpu.memory_space<vmem>> -> memref<1x128xi32, #tpu.memory_space<vmem>>
            %dma_wait3A_116 = tpu.memref_squeeze %dma_wait3A_115 : memref<1x128xi32, #tpu.memory_space<vmem>> -> memref<128xi32, #tpu.memory_space<vmem>>
            %dma_wait3A_117 = arith.constant 0 : i32
            %dma_wait3A_118 = arith.constant 0 : i32
            %dma_wait3A_119 = tpu.memref_slice %arg22[%dma_wait3A_117, %dma_wait3A_118] : memref<10112x16xf32, #tpu.memory_space<vmem_shared>> -> memref<10112x16xf32, #tpu.memory_space<vmem_shared>>
            tpu.wait_indirect_dma semaphore(%run_scoped3A : memref<!tpu.dma_semaphore, #tpu.memory_space<semaphore_mem>>) src(%arg21 : memref<128x16xf32, #tpu.memory_space<vmem>>) dst(%dma_wait3A_119 : memref<10112x16xf32, #tpu.memory_space<vmem_shared>>)
            tpu.yield
          }) : () -> ()
          %add3A_99 = arith.constant 4 : i32
          %add3A_100 = arith.addi %add3A_60, %add3A_99 : i32
          %add3A_101 = arith.constant 1 : i32
          %add3A_102 = arith.addi %add3A_100, %add3A_101 : i32
          %lt3A_103 = arith.constant 8 : i32
          %lt3A_104 = arith.cmpi slt, %add3A_102, %lt3A_103 : i32
          %convert_element_type3A_105 = arith.extui %lt3A_104 : i1 to i32
          %cond3A_106 = arith.constant 0 : i32
          %cond3A_107 = arith.cmpi ne, %convert_element_type3A_105, %cond3A_106 : i32
          scf.if %cond3A_107 {
            %add3A_108 = arith.constant 4 : i32
            %add3A_109 = arith.addi %add3A_60, %add3A_108 : i32
            %add3A_110 = arith.constant 1 : i32
            %add3A_111 = arith.addi %add3A_109, %add3A_110 : i32
            %dma_start3A_112 = arith.constant 0 : i32
            %dma_start3A_113 = tpu.memref_slice %arg10[%add3A_111, %dma_start3A_112] : memref<72x128xi32, #tpu.memory_space<vmem>> -> memref<1x128xi32, #tpu.memory_space<vmem>>
            %dma_start3A_114 = tpu.memref_squeeze %dma_start3A_113 : memref<1x128xi32, #tpu.memory_space<vmem>> -> memref<128xi32, #tpu.memory_space<vmem>>
            %dma_start3A_115 = arith.constant 0 : i32
            %dma_start3A_116 = arith.constant 0 : i32
            %dma_start3A_117 = tpu.memref_slice %arg2[%dma_start3A_115, %dma_start3A_116] : memref<10000x64xf32, #tpu.memory_space<hbm>> -> memref<10000x64xf32, #tpu.memory_space<hbm>>
            tpu.enqueue_indirect_dma source(%dma_start3A_117 : memref<10000x64xf32, #tpu.memory_space<hbm>>) target(%arg13 : memref<128x64xf32, #tpu.memory_space<vmem>>) offsets(%dma_start3A_114 : memref<128xi32, #tpu.memory_space<vmem>>) semaphore(%arg18 : memref<!tpu.dma_semaphore, #tpu.memory_space<semaphore_mem>>)
          } else {
          }
        } else {
        }
        %add3A_74 = arith.constant 2 : i32
        %add3A_75 = arith.addi %add3A_60, %add3A_74 : i32
        %lt3A_76 = arith.constant 8 : i32
        %lt3A_77 = arith.cmpi slt, %add3A_75, %lt3A_76 : i32
        %convert_element_type3A_78 = arith.extui %lt3A_77 : i1 to i32
        %cond3A_79 = arith.constant 0 : i32
        %cond3A_80 = arith.cmpi ne, %convert_element_type3A_78, %cond3A_79 : i32
        scf.if %cond3A_80 {
          %add3A_88 = arith.constant 2 : i32
          %add3A_89 = arith.addi %add3A_60, %add3A_88 : i32
          %dma_wait3A = arith.constant 0 : i32
          %dma_wait3A_90 = tpu.memref_slice %arg10[%add3A_89, %dma_wait3A] : memref<72x128xi32, #tpu.memory_space<vmem>> -> memref<1x128xi32, #tpu.memory_space<vmem>>
          %dma_wait3A_91 = tpu.memref_squeeze %dma_wait3A_90 : memref<1x128xi32, #tpu.memory_space<vmem>> -> memref<128xi32, #tpu.memory_space<vmem>>
          %dma_wait3A_92 = arith.constant 0 : i32
          %dma_wait3A_93 = arith.constant 0 : i32
          %dma_wait3A_94 = tpu.memref_slice %arg2[%dma_wait3A_92, %dma_wait3A_93] : memref<10000x64xf32, #tpu.memory_space<hbm>> -> memref<10000x64xf32, #tpu.memory_space<hbm>>
          tpu.wait_indirect_dma semaphore(%arg19 : memref<!tpu.dma_semaphore, #tpu.memory_space<semaphore_mem>>) src(%dma_wait3A_94 : memref<10000x64xf32, #tpu.memory_space<hbm>>) dst(%arg14 : memref<128x64xf32, #tpu.memory_space<vmem>>)
          %add3A_95 = arith.constant 2 : i32
          %add3A_96 = arith.addi %add3A_60, %add3A_95 : i32
          "tpu.region"() ({
            %run_scoped3A = tpu.sem_alloc : memref<!tpu.dma_semaphore, #tpu.memory_space<semaphore_mem>>
            %dma_start3A_108 = arith.constant 0 : i32
            %dma_start3A_109 = tpu.memref_slice %arg11[%add3A_96, %dma_start3A_108] : memref<72x128xi32, #tpu.memory_space<vmem>> -> memref<1x128xi32, #tpu.memory_space<vmem>>
            %dma_start3A_110 = tpu.memref_squeeze %dma_start3A_109 : memref<1x128xi32, #tpu.memory_space<vmem>> -> memref<128xi32, #tpu.memory_space<vmem>>
            %dma_start3A_111 = arith.constant 0 : i32
            %dma_start3A_112 = arith.constant 0 : i32
            %dma_start3A_113 = tpu.memref_slice %arg16[%dma_start3A_111, %dma_start3A_112] : memref<10112x64xf32, #tpu.memory_space<vmem_shared>> -> memref<10112x64xf32, #tpu.memory_space<vmem_shared>>
            tpu.enqueue_indirect_dma source(%arg14 : memref<128x64xf32, #tpu.memory_space<vmem>>) target(%dma_start3A_113 : memref<10112x64xf32, #tpu.memory_space<vmem_shared>>) offsets(%dma_start3A_110 : memref<128xi32, #tpu.memory_space<vmem>>) semaphore(%run_scoped3A : memref<!tpu.dma_semaphore, #tpu.memory_space<semaphore_mem>>) {add = true}
            %dma_wait3A_114 = arith.constant 0 : i32
            %dma_wait3A_115 = tpu.memref_slice %arg11[%add3A_96, %dma_wait3A_114] : memref<72x128xi32, #tpu.memory_space<vmem>> -> memref<1x128xi32, #tpu.memory_space<vmem>>
            %dma_wait3A_116 = tpu.memref_squeeze %dma_wait3A_115 : memref<1x128xi32, #tpu.memory_space<vmem>> -> memref<128xi32, #tpu.memory_space<vmem>>
            %dma_wait3A_117 = arith.constant 0 : i32
            %dma_wait3A_118 = arith.constant 0 : i32
            %dma_wait3A_119 = tpu.memref_slice %arg16[%dma_wait3A_117, %dma_wait3A_118] : memref<10112x64xf32, #tpu.memory_space<vmem_shared>> -> memref<10112x64xf32, #tpu.memory_space<vmem_shared>>
            tpu.wait_indirect_dma semaphore(%run_scoped3A : memref<!tpu.dma_semaphore, #tpu.memory_space<semaphore_mem>>) src(%arg14 : memref<128x64xf32, #tpu.memory_space<vmem>>) dst(%dma_wait3A_119 : memref<10112x64xf32, #tpu.memory_space<vmem_shared>>)
            tpu.yield
          }) : () -> ()
          %add3A_97 = arith.constant 2 : i32
          %add3A_98 = arith.addi %add3A_60, %add3A_97 : i32
          "tpu.region"() ({
            %run_scoped3A = tpu.sem_alloc : memref<!tpu.dma_semaphore, #tpu.memory_space<semaphore_mem>>
            %dma_start3A_108 = arith.constant 0 : i32
            %dma_start3A_109 = tpu.memref_slice %arg11[%add3A_98, %dma_start3A_108] : memref<72x128xi32, #tpu.memory_space<vmem>> -> memref<1x128xi32, #tpu.memory_space<vmem>>
            %dma_start3A_110 = tpu.memref_squeeze %dma_start3A_109 : memref<1x128xi32, #tpu.memory_space<vmem>> -> memref<128xi32, #tpu.memory_space<vmem>>
            %dma_start3A_111 = arith.constant 0 : i32
            %dma_start3A_112 = arith.constant 0 : i32
            %dma_start3A_113 = tpu.memref_slice %arg22[%dma_start3A_111, %dma_start3A_112] : memref<10112x16xf32, #tpu.memory_space<vmem_shared>> -> memref<10112x16xf32, #tpu.memory_space<vmem_shared>>
            tpu.enqueue_indirect_dma source(%arg21 : memref<128x16xf32, #tpu.memory_space<vmem>>) target(%dma_start3A_113 : memref<10112x16xf32, #tpu.memory_space<vmem_shared>>) offsets(%dma_start3A_110 : memref<128xi32, #tpu.memory_space<vmem>>) semaphore(%run_scoped3A : memref<!tpu.dma_semaphore, #tpu.memory_space<semaphore_mem>>) {add = true}
            %dma_wait3A_114 = arith.constant 0 : i32
            %dma_wait3A_115 = tpu.memref_slice %arg11[%add3A_98, %dma_wait3A_114] : memref<72x128xi32, #tpu.memory_space<vmem>> -> memref<1x128xi32, #tpu.memory_space<vmem>>
            %dma_wait3A_116 = tpu.memref_squeeze %dma_wait3A_115 : memref<1x128xi32, #tpu.memory_space<vmem>> -> memref<128xi32, #tpu.memory_space<vmem>>
            %dma_wait3A_117 = arith.constant 0 : i32
            %dma_wait3A_118 = arith.constant 0 : i32
            %dma_wait3A_119 = tpu.memref_slice %arg22[%dma_wait3A_117, %dma_wait3A_118] : memref<10112x16xf32, #tpu.memory_space<vmem_shared>> -> memref<10112x16xf32, #tpu.memory_space<vmem_shared>>
            tpu.wait_indirect_dma semaphore(%run_scoped3A : memref<!tpu.dma_semaphore, #tpu.memory_space<semaphore_mem>>) src(%arg21 : memref<128x16xf32, #tpu.memory_space<vmem>>) dst(%dma_wait3A_119 : memref<10112x16xf32, #tpu.memory_space<vmem_shared>>)
            tpu.yield
          }) : () -> ()
          %add3A_99 = arith.constant 4 : i32
          %add3A_100 = arith.addi %add3A_60, %add3A_99 : i32
          %add3A_101 = arith.constant 2 : i32
          %add3A_102 = arith.addi %add3A_100, %add3A_101 : i32
          %lt3A_103 = arith.constant 8 : i32
          %lt3A_104 = arith.cmpi slt, %add3A_102, %lt3A_103 : i32
          %convert_element_type3A_105 = arith.extui %lt3A_104 : i1 to i32
          %cond3A_106 = arith.constant 0 : i32
          %cond3A_107 = arith.cmpi ne, %convert_element_type3A_105, %cond3A_106 : i32
          scf.if %cond3A_107 {
            %add3A_108 = arith.constant 4 : i32
            %add3A_109 = arith.addi %add3A_60, %add3A_108 : i32
            %add3A_110 = arith.constant 2 : i32
            %add3A_111 = arith.addi %add3A_109, %add3A_110 : i32
            %dma_start3A_112 = arith.constant 0 : i32
            %dma_start3A_113 = tpu.memref_slice %arg10[%add3A_111, %dma_start3A_112] : memref<72x128xi32, #tpu.memory_space<vmem>> -> memref<1x128xi32, #tpu.memory_space<vmem>>
            %dma_start3A_114 = tpu.memref_squeeze %dma_start3A_113 : memref<1x128xi32, #tpu.memory_space<vmem>> -> memref<128xi32, #tpu.memory_space<vmem>>
            %dma_start3A_115 = arith.constant 0 : i32
            %dma_start3A_116 = arith.constant 0 : i32
            %dma_start3A_117 = tpu.memref_slice %arg2[%dma_start3A_115, %dma_start3A_116] : memref<10000x64xf32, #tpu.memory_space<hbm>> -> memref<10000x64xf32, #tpu.memory_space<hbm>>
            tpu.enqueue_indirect_dma source(%dma_start3A_117 : memref<10000x64xf32, #tpu.memory_space<hbm>>) target(%arg14 : memref<128x64xf32, #tpu.memory_space<vmem>>) offsets(%dma_start3A_114 : memref<128xi32, #tpu.memory_space<vmem>>) semaphore(%arg19 : memref<!tpu.dma_semaphore, #tpu.memory_space<semaphore_mem>>)
          } else {
          }
        } else {
        }
        %add3A_81 = arith.constant 3 : i32
        %add3A_82 = arith.addi %add3A_60, %add3A_81 : i32
        %lt3A_83 = arith.constant 8 : i32
        %lt3A_84 = arith.cmpi slt, %add3A_82, %lt3A_83 : i32
        %convert_element_type3A_85 = arith.extui %lt3A_84 : i1 to i32
        %cond3A_86 = arith.constant 0 : i32
        %cond3A_87 = arith.cmpi ne, %convert_element_type3A_85, %cond3A_86 : i32
        scf.if %cond3A_87 {
          %add3A_88 = arith.constant 3 : i32
          %add3A_89 = arith.addi %add3A_60, %add3A_88 : i32
          %dma_wait3A = arith.constant 0 : i32
          %dma_wait3A_90 = tpu.memref_slice %arg10[%add3A_89, %dma_wait3A] : memref<72x128xi32, #tpu.memory_space<vmem>> -> memref<1x128xi32, #tpu.memory_space<vmem>>
          %dma_wait3A_91 = tpu.memref_squeeze %dma_wait3A_90 : memref<1x128xi32, #tpu.memory_space<vmem>> -> memref<128xi32, #tpu.memory_space<vmem>>
          %dma_wait3A_92 = arith.constant 0 : i32
          %dma_wait3A_93 = arith.constant 0 : i32
          %dma_wait3A_94 = tpu.memref_slice %arg2[%dma_wait3A_92, %dma_wait3A_93] : memref<10000x64xf32, #tpu.memory_space<hbm>> -> memref<10000x64xf32, #tpu.memory_space<hbm>>
          tpu.wait_indirect_dma semaphore(%arg20 : memref<!tpu.dma_semaphore, #tpu.memory_space<semaphore_mem>>) src(%dma_wait3A_94 : memref<10000x64xf32, #tpu.memory_space<hbm>>) dst(%arg15 : memref<128x64xf32, #tpu.memory_space<vmem>>)
          %add3A_95 = arith.constant 3 : i32
          %add3A_96 = arith.addi %add3A_60, %add3A_95 : i32
          "tpu.region"() ({
            %run_scoped3A = tpu.sem_alloc : memref<!tpu.dma_semaphore, #tpu.memory_space<semaphore_mem>>
            %dma_start3A_108 = arith.constant 0 : i32
            %dma_start3A_109 = tpu.memref_slice %arg11[%add3A_96, %dma_start3A_108] : memref<72x128xi32, #tpu.memory_space<vmem>> -> memref<1x128xi32, #tpu.memory_space<vmem>>
            %dma_start3A_110 = tpu.memref_squeeze %dma_start3A_109 : memref<1x128xi32, #tpu.memory_space<vmem>> -> memref<128xi32, #tpu.memory_space<vmem>>
            %dma_start3A_111 = arith.constant 0 : i32
            %dma_start3A_112 = arith.constant 0 : i32
            %dma_start3A_113 = tpu.memref_slice %arg16[%dma_start3A_111, %dma_start3A_112] : memref<10112x64xf32, #tpu.memory_space<vmem_shared>> -> memref<10112x64xf32, #tpu.memory_space<vmem_shared>>
            tpu.enqueue_indirect_dma source(%arg15 : memref<128x64xf32, #tpu.memory_space<vmem>>) target(%dma_start3A_113 : memref<10112x64xf32, #tpu.memory_space<vmem_shared>>) offsets(%dma_start3A_110 : memref<128xi32, #tpu.memory_space<vmem>>) semaphore(%run_scoped3A : memref<!tpu.dma_semaphore, #tpu.memory_space<semaphore_mem>>) {add = true}
            %dma_wait3A_114 = arith.constant 0 : i32
            %dma_wait3A_115 = tpu.memref_slice %arg11[%add3A_96, %dma_wait3A_114] : memref<72x128xi32, #tpu.memory_space<vmem>> -> memref<1x128xi32, #tpu.memory_space<vmem>>
            %dma_wait3A_116 = tpu.memref_squeeze %dma_wait3A_115 : memref<1x128xi32, #tpu.memory_space<vmem>> -> memref<128xi32, #tpu.memory_space<vmem>>
            %dma_wait3A_117 = arith.constant 0 : i32
            %dma_wait3A_118 = arith.constant 0 : i32
            %dma_wait3A_119 = tpu.memref_slice %arg16[%dma_wait3A_117, %dma_wait3A_118] : memref<10112x64xf32, #tpu.memory_space<vmem_shared>> -> memref<10112x64xf32, #tpu.memory_space<vmem_shared>>
            tpu.wait_indirect_dma semaphore(%run_scoped3A : memref<!tpu.dma_semaphore, #tpu.memory_space<semaphore_mem>>) src(%arg15 : memref<128x64xf32, #tpu.memory_space<vmem>>) dst(%dma_wait3A_119 : memref<10112x64xf32, #tpu.memory_space<vmem_shared>>)
            tpu.yield
          }) : () -> ()
          %add3A_97 = arith.constant 3 : i32
          %add3A_98 = arith.addi %add3A_60, %add3A_97 : i32
          "tpu.region"() ({
            %run_scoped3A = tpu.sem_alloc : memref<!tpu.dma_semaphore, #tpu.memory_space<semaphore_mem>>
            %dma_start3A_108 = arith.constant 0 : i32
            %dma_start3A_109 = tpu.memref_slice %arg11[%add3A_98, %dma_start3A_108] : memref<72x128xi32, #tpu.memory_space<vmem>> -> memref<1x128xi32, #tpu.memory_space<vmem>>
            %dma_start3A_110 = tpu.memref_squeeze %dma_start3A_109 : memref<1x128xi32, #tpu.memory_space<vmem>> -> memref<128xi32, #tpu.memory_space<vmem>>
            %dma_start3A_111 = arith.constant 0 : i32
            %dma_start3A_112 = arith.constant 0 : i32
            %dma_start3A_113 = tpu.memref_slice %arg22[%dma_start3A_111, %dma_start3A_112] : memref<10112x16xf32, #tpu.memory_space<vmem_shared>> -> memref<10112x16xf32, #tpu.memory_space<vmem_shared>>
            tpu.enqueue_indirect_dma source(%arg21 : memref<128x16xf32, #tpu.memory_space<vmem>>) target(%dma_start3A_113 : memref<10112x16xf32, #tpu.memory_space<vmem_shared>>) offsets(%dma_start3A_110 : memref<128xi32, #tpu.memory_space<vmem>>) semaphore(%run_scoped3A : memref<!tpu.dma_semaphore, #tpu.memory_space<semaphore_mem>>) {add = true}
            %dma_wait3A_114 = arith.constant 0 : i32
            %dma_wait3A_115 = tpu.memref_slice %arg11[%add3A_98, %dma_wait3A_114] : memref<72x128xi32, #tpu.memory_space<vmem>> -> memref<1x128xi32, #tpu.memory_space<vmem>>
            %dma_wait3A_116 = tpu.memref_squeeze %dma_wait3A_115 : memref<1x128xi32, #tpu.memory_space<vmem>> -> memref<128xi32, #tpu.memory_space<vmem>>
            %dma_wait3A_117 = arith.constant 0 : i32
            %dma_wait3A_118 = arith.constant 0 : i32
            %dma_wait3A_119 = tpu.memref_slice %arg22[%dma_wait3A_117, %dma_wait3A_118] : memref<10112x16xf32, #tpu.memory_space<vmem_shared>> -> memref<10112x16xf32, #tpu.memory_space<vmem_shared>>
            tpu.wait_indirect_dma semaphore(%run_scoped3A : memref<!tpu.dma_semaphore, #tpu.memory_space<semaphore_mem>>) src(%arg21 : memref<128x16xf32, #tpu.memory_space<vmem>>) dst(%dma_wait3A_119 : memref<10112x16xf32, #tpu.memory_space<vmem_shared>>)
            tpu.yield
          }) : () -> ()
          %add3A_99 = arith.constant 4 : i32
          %add3A_100 = arith.addi %add3A_60, %add3A_99 : i32
          %add3A_101 = arith.constant 3 : i32
          %add3A_102 = arith.addi %add3A_100, %add3A_101 : i32
          %lt3A_103 = arith.constant 8 : i32
          %lt3A_104 = arith.cmpi slt, %add3A_102, %lt3A_103 : i32
          %convert_element_type3A_105 = arith.extui %lt3A_104 : i1 to i32
          %cond3A_106 = arith.constant 0 : i32
          %cond3A_107 = arith.cmpi ne, %convert_element_type3A_105, %cond3A_106 : i32
          scf.if %cond3A_107 {
            %add3A_108 = arith.constant 4 : i32
            %add3A_109 = arith.addi %add3A_60, %add3A_108 : i32
            %add3A_110 = arith.constant 3 : i32
            %add3A_111 = arith.addi %add3A_109, %add3A_110 : i32
            %dma_start3A_112 = arith.constant 0 : i32
            %dma_start3A_113 = tpu.memref_slice %arg10[%add3A_111, %dma_start3A_112] : memref<72x128xi32, #tpu.memory_space<vmem>> -> memref<1x128xi32, #tpu.memory_space<vmem>>
            %dma_start3A_114 = tpu.memref_squeeze %dma_start3A_113 : memref<1x128xi32, #tpu.memory_space<vmem>> -> memref<128xi32, #tpu.memory_space<vmem>>
            %dma_start3A_115 = arith.constant 0 : i32
            %dma_start3A_116 = arith.constant 0 : i32
            %dma_start3A_117 = tpu.memref_slice %arg2[%dma_start3A_115, %dma_start3A_116] : memref<10000x64xf32, #tpu.memory_space<hbm>> -> memref<10000x64xf32, #tpu.memory_space<hbm>>
            tpu.enqueue_indirect_dma source(%dma_start3A_117 : memref<10000x64xf32, #tpu.memory_space<hbm>>) target(%arg15 : memref<128x64xf32, #tpu.memory_space<vmem>>) offsets(%dma_start3A_114 : memref<128xi32, #tpu.memory_space<vmem>>) semaphore(%arg20 : memref<!tpu.dma_semaphore, #tpu.memory_space<semaphore_mem>>)
          } else {
          }
        } else {
        }
      }
      %scan3A_55 = arith.constant 2 : i32
    } else {
    }
    %barrier3A = arith.constant 0 : index
    tpu.barrier barrier_id(%barrier3A)
    %mul3A_13 = arith.constant 632 : i32
    %mul3A_14 = arith.muli %arg1, %mul3A_13 : i32
    %mul3A_15 = arith.constant 632 : i32
    %mul3A_16 = arith.muli %arg1, %mul3A_15 : i32
    "tpu.region"() ({
      %run_scoped3A = tpu.sem_alloc : memref<!tpu.dma_semaphore, #tpu.memory_space<semaphore_mem>>
      %dma_start3A = arith.constant 0 : i32
      %dma_start3A_21 = tpu.memref_slice %arg8[%arg0, %mul3A_16, %dma_start3A] : memref<2x10112x64xf32, #tpu.memory_space<hbm>> -> memref<1x632x64xf32, #tpu.memory_space<hbm>>
      %dma_start3A_22 = tpu.memref_squeeze %dma_start3A_21 : memref<1x632x64xf32, #tpu.memory_space<hbm>> -> memref<632x64xf32, #tpu.memory_space<hbm>>
      %dma_start3A_23 = arith.constant 0 : i32
      %dma_start3A_24 = tpu.memref_slice %arg16[%mul3A_14, %dma_start3A_23] : memref<10112x64xf32, #tpu.memory_space<vmem_shared>> -> memref<632x64xf32, #tpu.memory_space<vmem_shared>>
      tpu.enqueue_dma source(%dma_start3A_24 : memref<632x64xf32, #tpu.memory_space<vmem_shared>>) target(%dma_start3A_22 : memref<632x64xf32, #tpu.memory_space<hbm>>) target_semaphore(%run_scoped3A : memref<!tpu.dma_semaphore, #tpu.memory_space<semaphore_mem>>)
      %dma_wait3A = arith.constant 0 : i32
      %dma_wait3A_25 = tpu.memref_slice %arg8[%arg0, %mul3A_16, %dma_wait3A] : memref<2x10112x64xf32, #tpu.memory_space<hbm>> -> memref<1x632x64xf32, #tpu.memory_space<hbm>>
      %dma_wait3A_26 = tpu.memref_squeeze %dma_wait3A_25 : memref<1x632x64xf32, #tpu.memory_space<hbm>> -> memref<632x64xf32, #tpu.memory_space<hbm>>
      %dma_wait3A_27 = arith.constant 0 : i32
      %dma_wait3A_28 = tpu.memref_slice %arg16[%mul3A_14, %dma_wait3A_27] : memref<10112x64xf32, #tpu.memory_space<vmem_shared>> -> memref<632x64xf32, #tpu.memory_space<vmem_shared>>
      tpu.wait_dma2 semaphore(%run_scoped3A : memref<!tpu.dma_semaphore, #tpu.memory_space<semaphore_mem>>) src(%dma_wait3A_28 : memref<632x64xf32, #tpu.memory_space<vmem_shared>>) dst(%dma_wait3A_26 : memref<632x64xf32, #tpu.memory_space<hbm>>)
      tpu.yield
    }) : () -> ()
    %mul3A_17 = arith.constant 632 : i32
    %mul3A_18 = arith.muli %arg1, %mul3A_17 : i32
    %mul3A_19 = arith.constant 632 : i32
    %mul3A_20 = arith.muli %arg1, %mul3A_19 : i32
    "tpu.region"() ({
      %run_scoped3A = tpu.sem_alloc : memref<!tpu.dma_semaphore, #tpu.memory_space<semaphore_mem>>
      %dma_start3A = arith.constant 0 : i32
      %dma_start3A_21 = tpu.memref_slice %arg9[%arg0, %mul3A_20, %dma_start3A] : memref<2x10112x16xf32, #tpu.memory_space<hbm>> -> memref<1x632x16xf32, #tpu.memory_space<hbm>>
      %dma_start3A_22 = tpu.memref_squeeze %dma_start3A_21 : memref<1x632x16xf32, #tpu.memory_space<hbm>> -> memref<632x16xf32, #tpu.memory_space<hbm>>
      %dma_start3A_23 = arith.constant 0 : i32
      %dma_start3A_24 = tpu.memref_slice %arg22[%mul3A_18, %dma_start3A_23] : memref<10112x16xf32, #tpu.memory_space<vmem_shared>> -> memref<632x16xf32, #tpu.memory_space<vmem_shared>>
      tpu.enqueue_dma source(%dma_start3A_24 : memref<632x16xf32, #tpu.memory_space<vmem_shared>>) target(%dma_start3A_22 : memref<632x16xf32, #tpu.memory_space<hbm>>) target_semaphore(%run_scoped3A : memref<!tpu.dma_semaphore, #tpu.memory_space<semaphore_mem>>)
      %dma_wait3A = arith.constant 0 : i32
      %dma_wait3A_25 = tpu.memref_slice %arg9[%arg0, %mul3A_20, %dma_wait3A] : memref<2x10112x16xf32, #tpu.memory_space<hbm>> -> memref<1x632x16xf32, #tpu.memory_space<hbm>>
      %dma_wait3A_26 = tpu.memref_squeeze %dma_wait3A_25 : memref<1x632x16xf32, #tpu.memory_space<hbm>> -> memref<632x16xf32, #tpu.memory_space<hbm>>
      %dma_wait3A_27 = arith.constant 0 : i32
      %dma_wait3A_28 = tpu.memref_slice %arg22[%mul3A_18, %dma_wait3A_27] : memref<10112x16xf32, #tpu.memory_space<vmem_shared>> -> memref<632x16xf32, #tpu.memory_space<vmem_shared>>
      tpu.wait_dma2 semaphore(%run_scoped3A : memref<!tpu.dma_semaphore, #tpu.memory_space<semaphore_mem>>) src(%dma_wait3A_28 : memref<632x16xf32, #tpu.memory_space<vmem_shared>>) dst(%dma_wait3A_26 : memref<632x16xf32, #tpu.memory_space<hbm>>)
      tpu.yield
    }) : () -> ()
    return
  }
}

#map = affine_map<(d0, d1) -> (0, 0)>
#map1 = affine_map<(d0, d1) -> (0, 0, 0)>
module attributes {stable_mosaic.version = 14 : i64} {
  func.func @agg(%arg0: i32, %arg1: i32, %arg2: memref<10000x64xf32, #tpu.memory_space<hbm>>, %arg3: memref<1280x128xi32, #tpu.memory_space<hbm>>, %arg4: memref<1280x128xi32, #tpu.memory_space<hbm>>, %arg5: memref<10112x64xf32, #tpu.memory_space<hbm>>, %arg6: memref<2x10112x64xf32, #tpu.memory_space<hbm>>, %arg7: memref<72x128xi32, #tpu.memory_space<vmem>>, %arg8: memref<72x128xi32, #tpu.memory_space<vmem>>, %arg9: memref<128x64xf32, #tpu.memory_space<vmem>>, %arg10: memref<128x64xf32, #tpu.memory_space<vmem>>, %arg11: memref<128x64xf32, #tpu.memory_space<vmem>>, %arg12: memref<128x64xf32, #tpu.memory_space<vmem>>, %arg13: memref<10112x64xf32, #tpu.memory_space<vmem_shared>>, %arg14: memref<!tpu.dma_semaphore, #tpu.memory_space<semaphore_mem>>, %arg15: memref<!tpu.dma_semaphore, #tpu.memory_space<semaphore_mem>>, %arg16: memref<!tpu.dma_semaphore, #tpu.memory_space<semaphore_mem>>, %arg17: memref<!tpu.dma_semaphore, #tpu.memory_space<semaphore_mem>>) attributes {dimension_semantics = [#tpu.dimension_semantics<core_parallel>, #tpu.dimension_semantics<subcore_parallel>], iteration_bounds = array<i64: 2, 16>, scalar_prefetch = 0 : i64, scratch_operands = 11 : i64, tpu.core_type = #tpu.core_type<sc_vector_subcore>, window_params = [{transform_indices = #map}, {transform_indices = #map}, {transform_indices = #map}, {transform_indices = #map}, {transform_indices = #map1}]} {
    %mul3A = arith.constant 632 : i32
    %mul3A_0 = arith.muli %arg1, %mul3A : i32
    %mul3A_1 = arith.constant 632 : i32
    %mul3A_2 = arith.muli %arg1, %mul3A_1 : i32
    "tpu.region"() ({
      %run_scoped3A = tpu.sem_alloc : memref<!tpu.dma_semaphore, #tpu.memory_space<semaphore_mem>>
      %dma_start3A = arith.constant 0 : i32
      %dma_start3A_13 = tpu.memref_slice %arg13[%mul3A_2, %dma_start3A] : memref<10112x64xf32, #tpu.memory_space<vmem_shared>> -> memref<632x64xf32, #tpu.memory_space<vmem_shared>>
      %dma_start3A_14 = arith.constant 0 : i32
      %dma_start3A_15 = tpu.memref_slice %arg5[%mul3A_0, %dma_start3A_14] : memref<10112x64xf32, #tpu.memory_space<hbm>> -> memref<632x64xf32, #tpu.memory_space<hbm>>
      tpu.enqueue_dma source(%dma_start3A_15 : memref<632x64xf32, #tpu.memory_space<hbm>>) target(%dma_start3A_13 : memref<632x64xf32, #tpu.memory_space<vmem_shared>>) target_semaphore(%run_scoped3A : memref<!tpu.dma_semaphore, #tpu.memory_space<semaphore_mem>>)
      %dma_wait3A = arith.constant 0 : i32
      %dma_wait3A_16 = tpu.memref_slice %arg13[%mul3A_2, %dma_wait3A] : memref<10112x64xf32, #tpu.memory_space<vmem_shared>> -> memref<632x64xf32, #tpu.memory_space<vmem_shared>>
      %dma_wait3A_17 = arith.constant 0 : i32
      %dma_wait3A_18 = tpu.memref_slice %arg5[%mul3A_0, %dma_wait3A_17] : memref<10112x64xf32, #tpu.memory_space<hbm>> -> memref<632x64xf32, #tpu.memory_space<hbm>>
      tpu.wait_dma2 semaphore(%run_scoped3A : memref<!tpu.dma_semaphore, #tpu.memory_space<semaphore_mem>>) src(%dma_wait3A_18 : memref<632x64xf32, #tpu.memory_space<hbm>>) dst(%dma_wait3A_16 : memref<632x64xf32, #tpu.memory_space<vmem_shared>>)
      tpu.yield
    }) : () -> ()
    %eq3A = arith.constant 0 : i32
    %eq3A_3 = arith.cmpi eq, %arg0, %eq3A : i32
    %convert_element_type3A = arith.extui %eq3A_3 : i1 to i32
    %cond3A = arith.constant 0 : i32
    %cond3A_4 = arith.cmpi ne, %convert_element_type3A, %cond3A : i32
    scf.if %cond3A_4 {
      %mul3A_13 = arith.constant 72 : i32
      %mul3A_14 = arith.muli %arg1, %mul3A_13 : i32
      "tpu.region"() ({
        %run_scoped3A = tpu.sem_alloc : memref<!tpu.dma_semaphore, #tpu.memory_space<semaphore_mem>>
        %dma_start3A_47 = arith.constant 0 : i32
        %dma_start3A_48 = arith.constant 0 : i32
        %dma_start3A_49 = tpu.memref_slice %arg7[%dma_start3A_47, %dma_start3A_48] : memref<72x128xi32, #tpu.memory_space<vmem>> -> memref<72x128xi32, #tpu.memory_space<vmem>>
        %dma_start3A_50 = arith.constant 0 : i32
        %dma_start3A_51 = tpu.memref_slice %arg3[%mul3A_14, %dma_start3A_50] : memref<1280x128xi32, #tpu.memory_space<hbm>> -> memref<72x128xi32, #tpu.memory_space<hbm>>
        %dma_start3A_52 = arith.constant 0 : i32
        %dma_start3A_53 = arith.constant 0 : i32
        %dma_start3A_54 = tpu.memref_slice %arg7[%dma_start3A_52, %dma_start3A_53] : memref<72x128xi32, #tpu.memory_space<vmem>> -> memref<72x128xi32, #tpu.memory_space<vmem>>
        %dma_start3A_55 = arith.constant 0 : i32
        %dma_start3A_56 = tpu.memref_slice %arg3[%mul3A_14, %dma_start3A_55] : memref<1280x128xi32, #tpu.memory_space<hbm>> -> memref<72x128xi32, #tpu.memory_space<hbm>>
        tpu.enqueue_dma source(%dma_start3A_56 : memref<72x128xi32, #tpu.memory_space<hbm>>) target(%dma_start3A_54 : memref<72x128xi32, #tpu.memory_space<vmem>>) target_semaphore(%run_scoped3A : memref<!tpu.dma_semaphore, #tpu.memory_space<semaphore_mem>>)
        %dma_wait3A = arith.constant 0 : i32
        %dma_wait3A_57 = arith.constant 0 : i32
        %dma_wait3A_58 = tpu.memref_slice %arg7[%dma_wait3A, %dma_wait3A_57] : memref<72x128xi32, #tpu.memory_space<vmem>> -> memref<72x128xi32, #tpu.memory_space<vmem>>
        %dma_wait3A_59 = arith.constant 0 : i32
        %dma_wait3A_60 = tpu.memref_slice %arg3[%mul3A_14, %dma_wait3A_59] : memref<1280x128xi32, #tpu.memory_space<hbm>> -> memref<72x128xi32, #tpu.memory_space<hbm>>
        %dma_wait3A_61 = arith.constant 0 : i32
        %dma_wait3A_62 = arith.constant 0 : i32
        %dma_wait3A_63 = tpu.memref_slice %arg7[%dma_wait3A_61, %dma_wait3A_62] : memref<72x128xi32, #tpu.memory_space<vmem>> -> memref<72x128xi32, #tpu.memory_space<vmem>>
        %dma_wait3A_64 = arith.constant 0 : i32
        %dma_wait3A_65 = tpu.memref_slice %arg3[%mul3A_14, %dma_wait3A_64] : memref<1280x128xi32, #tpu.memory_space<hbm>> -> memref<72x128xi32, #tpu.memory_space<hbm>>
        tpu.wait_dma2 semaphore(%run_scoped3A : memref<!tpu.dma_semaphore, #tpu.memory_space<semaphore_mem>>) src(%dma_wait3A_65 : memref<72x128xi32, #tpu.memory_space<hbm>>) dst(%dma_wait3A_63 : memref<72x128xi32, #tpu.memory_space<vmem>>)
        tpu.yield
      }) : () -> ()
      "tpu.region"() ({
        %run_scoped3A = tpu.sem_alloc : memref<!tpu.dma_semaphore, #tpu.memory_space<semaphore_mem>>
        %dma_start3A_47 = arith.constant 0 : i32
        %dma_start3A_48 = arith.constant 0 : i32
        %dma_start3A_49 = tpu.memref_slice %arg8[%dma_start3A_47, %dma_start3A_48] : memref<72x128xi32, #tpu.memory_space<vmem>> -> memref<72x128xi32, #tpu.memory_space<vmem>>
        %dma_start3A_50 = arith.constant 0 : i32
        %dma_start3A_51 = tpu.memref_slice %arg4[%mul3A_14, %dma_start3A_50] : memref<1280x128xi32, #tpu.memory_space<hbm>> -> memref<72x128xi32, #tpu.memory_space<hbm>>
        %dma_start3A_52 = arith.constant 0 : i32
        %dma_start3A_53 = arith.constant 0 : i32
        %dma_start3A_54 = tpu.memref_slice %arg8[%dma_start3A_52, %dma_start3A_53] : memref<72x128xi32, #tpu.memory_space<vmem>> -> memref<72x128xi32, #tpu.memory_space<vmem>>
        %dma_start3A_55 = arith.constant 0 : i32
        %dma_start3A_56 = tpu.memref_slice %arg4[%mul3A_14, %dma_start3A_55] : memref<1280x128xi32, #tpu.memory_space<hbm>> -> memref<72x128xi32, #tpu.memory_space<hbm>>
        tpu.enqueue_dma source(%dma_start3A_56 : memref<72x128xi32, #tpu.memory_space<hbm>>) target(%dma_start3A_54 : memref<72x128xi32, #tpu.memory_space<vmem>>) target_semaphore(%run_scoped3A : memref<!tpu.dma_semaphore, #tpu.memory_space<semaphore_mem>>)
        %dma_wait3A = arith.constant 0 : i32
        %dma_wait3A_57 = arith.constant 0 : i32
        %dma_wait3A_58 = tpu.memref_slice %arg8[%dma_wait3A, %dma_wait3A_57] : memref<72x128xi32, #tpu.memory_space<vmem>> -> memref<72x128xi32, #tpu.memory_space<vmem>>
        %dma_wait3A_59 = arith.constant 0 : i32
        %dma_wait3A_60 = tpu.memref_slice %arg4[%mul3A_14, %dma_wait3A_59] : memref<1280x128xi32, #tpu.memory_space<hbm>> -> memref<72x128xi32, #tpu.memory_space<hbm>>
        %dma_wait3A_61 = arith.constant 0 : i32
        %dma_wait3A_62 = arith.constant 0 : i32
        %dma_wait3A_63 = tpu.memref_slice %arg8[%dma_wait3A_61, %dma_wait3A_62] : memref<72x128xi32, #tpu.memory_space<vmem>> -> memref<72x128xi32, #tpu.memory_space<vmem>>
        %dma_wait3A_64 = arith.constant 0 : i32
        %dma_wait3A_65 = tpu.memref_slice %arg4[%mul3A_14, %dma_wait3A_64] : memref<1280x128xi32, #tpu.memory_space<hbm>> -> memref<72x128xi32, #tpu.memory_space<hbm>>
        tpu.wait_dma2 semaphore(%run_scoped3A : memref<!tpu.dma_semaphore, #tpu.memory_space<semaphore_mem>>) src(%dma_wait3A_65 : memref<72x128xi32, #tpu.memory_space<hbm>>) dst(%dma_wait3A_63 : memref<72x128xi32, #tpu.memory_space<vmem>>)
        tpu.yield
      }) : () -> ()
      %barrier3A_15 = arith.constant 0 : index
      tpu.barrier barrier_id(%barrier3A_15)
      %dma_start3A = arith.constant 0 : i32
      %dma_start3A_16 = arith.constant 0 : i32
      %dma_start3A_17 = tpu.memref_slice %arg7[%dma_start3A, %dma_start3A_16] : memref<72x128xi32, #tpu.memory_space<vmem>> -> memref<1x128xi32, #tpu.memory_space<vmem>>
      %dma_start3A_18 = tpu.memref_squeeze %dma_start3A_17 : memref<1x128xi32, #tpu.memory_space<vmem>> -> memref<128xi32, #tpu.memory_space<vmem>>
      %dma_start3A_19 = arith.constant 0 : i32
      %dma_start3A_20 = arith.constant 0 : i32
      %dma_start3A_21 = tpu.memref_slice %arg2[%dma_start3A_19, %dma_start3A_20] : memref<10000x64xf32, #tpu.memory_space<hbm>> -> memref<10000x64xf32, #tpu.memory_space<hbm>>
      tpu.enqueue_indirect_dma source(%dma_start3A_21 : memref<10000x64xf32, #tpu.memory_space<hbm>>) target(%arg9 : memref<128x64xf32, #tpu.memory_space<vmem>>) offsets(%dma_start3A_18 : memref<128xi32, #tpu.memory_space<vmem>>) semaphore(%arg14 : memref<!tpu.dma_semaphore, #tpu.memory_space<semaphore_mem>>)
      %dma_start3A_22 = arith.constant 1 : i32
      %dma_start3A_23 = arith.constant 0 : i32
      %dma_start3A_24 = tpu.memref_slice %arg7[%dma_start3A_22, %dma_start3A_23] : memref<72x128xi32, #tpu.memory_space<vmem>> -> memref<1x128xi32, #tpu.memory_space<vmem>>
      %dma_start3A_25 = tpu.memref_squeeze %dma_start3A_24 : memref<1x128xi32, #tpu.memory_space<vmem>> -> memref<128xi32, #tpu.memory_space<vmem>>
      %dma_start3A_26 = arith.constant 0 : i32
      %dma_start3A_27 = arith.constant 0 : i32
      %dma_start3A_28 = tpu.memref_slice %arg2[%dma_start3A_26, %dma_start3A_27] : memref<10000x64xf32, #tpu.memory_space<hbm>> -> memref<10000x64xf32, #tpu.memory_space<hbm>>
      tpu.enqueue_indirect_dma source(%dma_start3A_28 : memref<10000x64xf32, #tpu.memory_space<hbm>>) target(%arg10 : memref<128x64xf32, #tpu.memory_space<vmem>>) offsets(%dma_start3A_25 : memref<128xi32, #tpu.memory_space<vmem>>) semaphore(%arg15 : memref<!tpu.dma_semaphore, #tpu.memory_space<semaphore_mem>>)
      %dma_start3A_29 = arith.constant 2 : i32
      %dma_start3A_30 = arith.constant 0 : i32
      %dma_start3A_31 = tpu.memref_slice %arg7[%dma_start3A_29, %dma_start3A_30] : memref<72x128xi32, #tpu.memory_space<vmem>> -> memref<1x128xi32, #tpu.memory_space<vmem>>
      %dma_start3A_32 = tpu.memref_squeeze %dma_start3A_31 : memref<1x128xi32, #tpu.memory_space<vmem>> -> memref<128xi32, #tpu.memory_space<vmem>>
      %dma_start3A_33 = arith.constant 0 : i32
      %dma_start3A_34 = arith.constant 0 : i32
      %dma_start3A_35 = tpu.memref_slice %arg2[%dma_start3A_33, %dma_start3A_34] : memref<10000x64xf32, #tpu.memory_space<hbm>> -> memref<10000x64xf32, #tpu.memory_space<hbm>>
      tpu.enqueue_indirect_dma source(%dma_start3A_35 : memref<10000x64xf32, #tpu.memory_space<hbm>>) target(%arg11 : memref<128x64xf32, #tpu.memory_space<vmem>>) offsets(%dma_start3A_32 : memref<128xi32, #tpu.memory_space<vmem>>) semaphore(%arg16 : memref<!tpu.dma_semaphore, #tpu.memory_space<semaphore_mem>>)
      %dma_start3A_36 = arith.constant 3 : i32
      %dma_start3A_37 = arith.constant 0 : i32
      %dma_start3A_38 = tpu.memref_slice %arg7[%dma_start3A_36, %dma_start3A_37] : memref<72x128xi32, #tpu.memory_space<vmem>> -> memref<1x128xi32, #tpu.memory_space<vmem>>
      %dma_start3A_39 = tpu.memref_squeeze %dma_start3A_38 : memref<1x128xi32, #tpu.memory_space<vmem>> -> memref<128xi32, #tpu.memory_space<vmem>>
      %dma_start3A_40 = arith.constant 0 : i32
      %dma_start3A_41 = arith.constant 0 : i32
      %dma_start3A_42 = tpu.memref_slice %arg2[%dma_start3A_40, %dma_start3A_41] : memref<10000x64xf32, #tpu.memory_space<hbm>> -> memref<10000x64xf32, #tpu.memory_space<hbm>>
      tpu.enqueue_indirect_dma source(%dma_start3A_42 : memref<10000x64xf32, #tpu.memory_space<hbm>>) target(%arg12 : memref<128x64xf32, #tpu.memory_space<vmem>>) offsets(%dma_start3A_39 : memref<128xi32, #tpu.memory_space<vmem>>) semaphore(%arg17 : memref<!tpu.dma_semaphore, #tpu.memory_space<semaphore_mem>>)
      %scan3A = arith.constant 0 : i32
      %scan3A_43 = arith.constant 18 : i32
      %scan3A_44 = arith.addi %scan3A, %scan3A_43 : i32
      %scan3A_45 = arith.constant 1 : i32
      scf.for %scan3A_47 = %scan3A to %scan3A_44 step %scan3A_45  : i32 {
        %mul3A_48 = arith.constant 4 : i32
        %mul3A_49 = arith.muli %scan3A_47, %mul3A_48 : i32
        %add3A = arith.constant 0 : i32
        %add3A_50 = arith.addi %add3A, %mul3A_49 : i32
        %add3A_51 = arith.constant 0 : i32
        %add3A_52 = arith.addi %add3A_50, %add3A_51 : i32
        %lt3A = arith.constant 72 : i32
        %lt3A_53 = arith.cmpi slt, %add3A_52, %lt3A : i32
        %convert_element_type3A_54 = arith.extui %lt3A_53 : i1 to i32
        %cond3A_55 = arith.constant 0 : i32
        %cond3A_56 = arith.cmpi ne, %convert_element_type3A_54, %cond3A_55 : i32
        scf.if %cond3A_56 {
          %add3A_78 = arith.constant 0 : i32
          %add3A_79 = arith.addi %add3A_50, %add3A_78 : i32
          %dma_wait3A = arith.constant 0 : i32
          %dma_wait3A_80 = tpu.memref_slice %arg7[%add3A_79, %dma_wait3A] : memref<72x128xi32, #tpu.memory_space<vmem>> -> memref<1x128xi32, #tpu.memory_space<vmem>>
          %dma_wait3A_81 = tpu.memref_squeeze %dma_wait3A_80 : memref<1x128xi32, #tpu.memory_space<vmem>> -> memref<128xi32, #tpu.memory_space<vmem>>
          %dma_wait3A_82 = arith.constant 0 : i32
          %dma_wait3A_83 = arith.constant 0 : i32
          %dma_wait3A_84 = tpu.memref_slice %arg2[%dma_wait3A_82, %dma_wait3A_83] : memref<10000x64xf32, #tpu.memory_space<hbm>> -> memref<10000x64xf32, #tpu.memory_space<hbm>>
          tpu.wait_indirect_dma semaphore(%arg14 : memref<!tpu.dma_semaphore, #tpu.memory_space<semaphore_mem>>) src(%dma_wait3A_84 : memref<10000x64xf32, #tpu.memory_space<hbm>>) dst(%arg9 : memref<128x64xf32, #tpu.memory_space<vmem>>)
          %add3A_85 = arith.constant 0 : i32
          %add3A_86 = arith.addi %add3A_50, %add3A_85 : i32
          "tpu.region"() ({
            %run_scoped3A = tpu.sem_alloc : memref<!tpu.dma_semaphore, #tpu.memory_space<semaphore_mem>>
            %dma_start3A_96 = arith.constant 0 : i32
            %dma_start3A_97 = tpu.memref_slice %arg8[%add3A_86, %dma_start3A_96] : memref<72x128xi32, #tpu.memory_space<vmem>> -> memref<1x128xi32, #tpu.memory_space<vmem>>
            %dma_start3A_98 = tpu.memref_squeeze %dma_start3A_97 : memref<1x128xi32, #tpu.memory_space<vmem>> -> memref<128xi32, #tpu.memory_space<vmem>>
            %dma_start3A_99 = arith.constant 0 : i32
            %dma_start3A_100 = arith.constant 0 : i32
            %dma_start3A_101 = tpu.memref_slice %arg13[%dma_start3A_99, %dma_start3A_100] : memref<10112x64xf32, #tpu.memory_space<vmem_shared>> -> memref<10112x64xf32, #tpu.memory_space<vmem_shared>>
            tpu.enqueue_indirect_dma source(%arg9 : memref<128x64xf32, #tpu.memory_space<vmem>>) target(%dma_start3A_101 : memref<10112x64xf32, #tpu.memory_space<vmem_shared>>) offsets(%dma_start3A_98 : memref<128xi32, #tpu.memory_space<vmem>>) semaphore(%run_scoped3A : memref<!tpu.dma_semaphore, #tpu.memory_space<semaphore_mem>>) {add = true}
            %dma_wait3A_102 = arith.constant 0 : i32
            %dma_wait3A_103 = tpu.memref_slice %arg8[%add3A_86, %dma_wait3A_102] : memref<72x128xi32, #tpu.memory_space<vmem>> -> memref<1x128xi32, #tpu.memory_space<vmem>>
            %dma_wait3A_104 = tpu.memref_squeeze %dma_wait3A_103 : memref<1x128xi32, #tpu.memory_space<vmem>> -> memref<128xi32, #tpu.memory_space<vmem>>
            %dma_wait3A_105 = arith.constant 0 : i32
            %dma_wait3A_106 = arith.constant 0 : i32
            %dma_wait3A_107 = tpu.memref_slice %arg13[%dma_wait3A_105, %dma_wait3A_106] : memref<10112x64xf32, #tpu.memory_space<vmem_shared>> -> memref<10112x64xf32, #tpu.memory_space<vmem_shared>>
            tpu.wait_indirect_dma semaphore(%run_scoped3A : memref<!tpu.dma_semaphore, #tpu.memory_space<semaphore_mem>>) src(%arg9 : memref<128x64xf32, #tpu.memory_space<vmem>>) dst(%dma_wait3A_107 : memref<10112x64xf32, #tpu.memory_space<vmem_shared>>)
            tpu.yield
          }) : () -> ()
          %add3A_87 = arith.constant 4 : i32
          %add3A_88 = arith.addi %add3A_50, %add3A_87 : i32
          %add3A_89 = arith.constant 0 : i32
          %add3A_90 = arith.addi %add3A_88, %add3A_89 : i32
          %lt3A_91 = arith.constant 72 : i32
          %lt3A_92 = arith.cmpi slt, %add3A_90, %lt3A_91 : i32
          %convert_element_type3A_93 = arith.extui %lt3A_92 : i1 to i32
          %cond3A_94 = arith.constant 0 : i32
          %cond3A_95 = arith.cmpi ne, %convert_element_type3A_93, %cond3A_94 : i32
          scf.if %cond3A_95 {
            %add3A_96 = arith.constant 4 : i32
            %add3A_97 = arith.addi %add3A_50, %add3A_96 : i32
            %add3A_98 = arith.constant 0 : i32
            %add3A_99 = arith.addi %add3A_97, %add3A_98 : i32
            %dma_start3A_100 = arith.constant 0 : i32
            %dma_start3A_101 = tpu.memref_slice %arg7[%add3A_99, %dma_start3A_100] : memref<72x128xi32, #tpu.memory_space<vmem>> -> memref<1x128xi32, #tpu.memory_space<vmem>>
            %dma_start3A_102 = tpu.memref_squeeze %dma_start3A_101 : memref<1x128xi32, #tpu.memory_space<vmem>> -> memref<128xi32, #tpu.memory_space<vmem>>
            %dma_start3A_103 = arith.constant 0 : i32
            %dma_start3A_104 = arith.constant 0 : i32
            %dma_start3A_105 = tpu.memref_slice %arg2[%dma_start3A_103, %dma_start3A_104] : memref<10000x64xf32, #tpu.memory_space<hbm>> -> memref<10000x64xf32, #tpu.memory_space<hbm>>
            tpu.enqueue_indirect_dma source(%dma_start3A_105 : memref<10000x64xf32, #tpu.memory_space<hbm>>) target(%arg9 : memref<128x64xf32, #tpu.memory_space<vmem>>) offsets(%dma_start3A_102 : memref<128xi32, #tpu.memory_space<vmem>>) semaphore(%arg14 : memref<!tpu.dma_semaphore, #tpu.memory_space<semaphore_mem>>)
          } else {
          }
        } else {
        }
        %add3A_57 = arith.constant 1 : i32
        %add3A_58 = arith.addi %add3A_50, %add3A_57 : i32
        %lt3A_59 = arith.constant 72 : i32
        %lt3A_60 = arith.cmpi slt, %add3A_58, %lt3A_59 : i32
        %convert_element_type3A_61 = arith.extui %lt3A_60 : i1 to i32
        %cond3A_62 = arith.constant 0 : i32
        %cond3A_63 = arith.cmpi ne, %convert_element_type3A_61, %cond3A_62 : i32
        scf.if %cond3A_63 {
          %add3A_78 = arith.constant 1 : i32
          %add3A_79 = arith.addi %add3A_50, %add3A_78 : i32
          %dma_wait3A = arith.constant 0 : i32
          %dma_wait3A_80 = tpu.memref_slice %arg7[%add3A_79, %dma_wait3A] : memref<72x128xi32, #tpu.memory_space<vmem>> -> memref<1x128xi32, #tpu.memory_space<vmem>>
          %dma_wait3A_81 = tpu.memref_squeeze %dma_wait3A_80 : memref<1x128xi32, #tpu.memory_space<vmem>> -> memref<128xi32, #tpu.memory_space<vmem>>
          %dma_wait3A_82 = arith.constant 0 : i32
          %dma_wait3A_83 = arith.constant 0 : i32
          %dma_wait3A_84 = tpu.memref_slice %arg2[%dma_wait3A_82, %dma_wait3A_83] : memref<10000x64xf32, #tpu.memory_space<hbm>> -> memref<10000x64xf32, #tpu.memory_space<hbm>>
          tpu.wait_indirect_dma semaphore(%arg15 : memref<!tpu.dma_semaphore, #tpu.memory_space<semaphore_mem>>) src(%dma_wait3A_84 : memref<10000x64xf32, #tpu.memory_space<hbm>>) dst(%arg10 : memref<128x64xf32, #tpu.memory_space<vmem>>)
          %add3A_85 = arith.constant 1 : i32
          %add3A_86 = arith.addi %add3A_50, %add3A_85 : i32
          "tpu.region"() ({
            %run_scoped3A = tpu.sem_alloc : memref<!tpu.dma_semaphore, #tpu.memory_space<semaphore_mem>>
            %dma_start3A_96 = arith.constant 0 : i32
            %dma_start3A_97 = tpu.memref_slice %arg8[%add3A_86, %dma_start3A_96] : memref<72x128xi32, #tpu.memory_space<vmem>> -> memref<1x128xi32, #tpu.memory_space<vmem>>
            %dma_start3A_98 = tpu.memref_squeeze %dma_start3A_97 : memref<1x128xi32, #tpu.memory_space<vmem>> -> memref<128xi32, #tpu.memory_space<vmem>>
            %dma_start3A_99 = arith.constant 0 : i32
            %dma_start3A_100 = arith.constant 0 : i32
            %dma_start3A_101 = tpu.memref_slice %arg13[%dma_start3A_99, %dma_start3A_100] : memref<10112x64xf32, #tpu.memory_space<vmem_shared>> -> memref<10112x64xf32, #tpu.memory_space<vmem_shared>>
            tpu.enqueue_indirect_dma source(%arg10 : memref<128x64xf32, #tpu.memory_space<vmem>>) target(%dma_start3A_101 : memref<10112x64xf32, #tpu.memory_space<vmem_shared>>) offsets(%dma_start3A_98 : memref<128xi32, #tpu.memory_space<vmem>>) semaphore(%run_scoped3A : memref<!tpu.dma_semaphore, #tpu.memory_space<semaphore_mem>>) {add = true}
            %dma_wait3A_102 = arith.constant 0 : i32
            %dma_wait3A_103 = tpu.memref_slice %arg8[%add3A_86, %dma_wait3A_102] : memref<72x128xi32, #tpu.memory_space<vmem>> -> memref<1x128xi32, #tpu.memory_space<vmem>>
            %dma_wait3A_104 = tpu.memref_squeeze %dma_wait3A_103 : memref<1x128xi32, #tpu.memory_space<vmem>> -> memref<128xi32, #tpu.memory_space<vmem>>
            %dma_wait3A_105 = arith.constant 0 : i32
            %dma_wait3A_106 = arith.constant 0 : i32
            %dma_wait3A_107 = tpu.memref_slice %arg13[%dma_wait3A_105, %dma_wait3A_106] : memref<10112x64xf32, #tpu.memory_space<vmem_shared>> -> memref<10112x64xf32, #tpu.memory_space<vmem_shared>>
            tpu.wait_indirect_dma semaphore(%run_scoped3A : memref<!tpu.dma_semaphore, #tpu.memory_space<semaphore_mem>>) src(%arg10 : memref<128x64xf32, #tpu.memory_space<vmem>>) dst(%dma_wait3A_107 : memref<10112x64xf32, #tpu.memory_space<vmem_shared>>)
            tpu.yield
          }) : () -> ()
          %add3A_87 = arith.constant 4 : i32
          %add3A_88 = arith.addi %add3A_50, %add3A_87 : i32
          %add3A_89 = arith.constant 1 : i32
          %add3A_90 = arith.addi %add3A_88, %add3A_89 : i32
          %lt3A_91 = arith.constant 72 : i32
          %lt3A_92 = arith.cmpi slt, %add3A_90, %lt3A_91 : i32
          %convert_element_type3A_93 = arith.extui %lt3A_92 : i1 to i32
          %cond3A_94 = arith.constant 0 : i32
          %cond3A_95 = arith.cmpi ne, %convert_element_type3A_93, %cond3A_94 : i32
          scf.if %cond3A_95 {
            %add3A_96 = arith.constant 4 : i32
            %add3A_97 = arith.addi %add3A_50, %add3A_96 : i32
            %add3A_98 = arith.constant 1 : i32
            %add3A_99 = arith.addi %add3A_97, %add3A_98 : i32
            %dma_start3A_100 = arith.constant 0 : i32
            %dma_start3A_101 = tpu.memref_slice %arg7[%add3A_99, %dma_start3A_100] : memref<72x128xi32, #tpu.memory_space<vmem>> -> memref<1x128xi32, #tpu.memory_space<vmem>>
            %dma_start3A_102 = tpu.memref_squeeze %dma_start3A_101 : memref<1x128xi32, #tpu.memory_space<vmem>> -> memref<128xi32, #tpu.memory_space<vmem>>
            %dma_start3A_103 = arith.constant 0 : i32
            %dma_start3A_104 = arith.constant 0 : i32
            %dma_start3A_105 = tpu.memref_slice %arg2[%dma_start3A_103, %dma_start3A_104] : memref<10000x64xf32, #tpu.memory_space<hbm>> -> memref<10000x64xf32, #tpu.memory_space<hbm>>
            tpu.enqueue_indirect_dma source(%dma_start3A_105 : memref<10000x64xf32, #tpu.memory_space<hbm>>) target(%arg10 : memref<128x64xf32, #tpu.memory_space<vmem>>) offsets(%dma_start3A_102 : memref<128xi32, #tpu.memory_space<vmem>>) semaphore(%arg15 : memref<!tpu.dma_semaphore, #tpu.memory_space<semaphore_mem>>)
          } else {
          }
        } else {
        }
        %add3A_64 = arith.constant 2 : i32
        %add3A_65 = arith.addi %add3A_50, %add3A_64 : i32
        %lt3A_66 = arith.constant 72 : i32
        %lt3A_67 = arith.cmpi slt, %add3A_65, %lt3A_66 : i32
        %convert_element_type3A_68 = arith.extui %lt3A_67 : i1 to i32
        %cond3A_69 = arith.constant 0 : i32
        %cond3A_70 = arith.cmpi ne, %convert_element_type3A_68, %cond3A_69 : i32
        scf.if %cond3A_70 {
          %add3A_78 = arith.constant 2 : i32
          %add3A_79 = arith.addi %add3A_50, %add3A_78 : i32
          %dma_wait3A = arith.constant 0 : i32
          %dma_wait3A_80 = tpu.memref_slice %arg7[%add3A_79, %dma_wait3A] : memref<72x128xi32, #tpu.memory_space<vmem>> -> memref<1x128xi32, #tpu.memory_space<vmem>>
          %dma_wait3A_81 = tpu.memref_squeeze %dma_wait3A_80 : memref<1x128xi32, #tpu.memory_space<vmem>> -> memref<128xi32, #tpu.memory_space<vmem>>
          %dma_wait3A_82 = arith.constant 0 : i32
          %dma_wait3A_83 = arith.constant 0 : i32
          %dma_wait3A_84 = tpu.memref_slice %arg2[%dma_wait3A_82, %dma_wait3A_83] : memref<10000x64xf32, #tpu.memory_space<hbm>> -> memref<10000x64xf32, #tpu.memory_space<hbm>>
          tpu.wait_indirect_dma semaphore(%arg16 : memref<!tpu.dma_semaphore, #tpu.memory_space<semaphore_mem>>) src(%dma_wait3A_84 : memref<10000x64xf32, #tpu.memory_space<hbm>>) dst(%arg11 : memref<128x64xf32, #tpu.memory_space<vmem>>)
          %add3A_85 = arith.constant 2 : i32
          %add3A_86 = arith.addi %add3A_50, %add3A_85 : i32
          "tpu.region"() ({
            %run_scoped3A = tpu.sem_alloc : memref<!tpu.dma_semaphore, #tpu.memory_space<semaphore_mem>>
            %dma_start3A_96 = arith.constant 0 : i32
            %dma_start3A_97 = tpu.memref_slice %arg8[%add3A_86, %dma_start3A_96] : memref<72x128xi32, #tpu.memory_space<vmem>> -> memref<1x128xi32, #tpu.memory_space<vmem>>
            %dma_start3A_98 = tpu.memref_squeeze %dma_start3A_97 : memref<1x128xi32, #tpu.memory_space<vmem>> -> memref<128xi32, #tpu.memory_space<vmem>>
            %dma_start3A_99 = arith.constant 0 : i32
            %dma_start3A_100 = arith.constant 0 : i32
            %dma_start3A_101 = tpu.memref_slice %arg13[%dma_start3A_99, %dma_start3A_100] : memref<10112x64xf32, #tpu.memory_space<vmem_shared>> -> memref<10112x64xf32, #tpu.memory_space<vmem_shared>>
            tpu.enqueue_indirect_dma source(%arg11 : memref<128x64xf32, #tpu.memory_space<vmem>>) target(%dma_start3A_101 : memref<10112x64xf32, #tpu.memory_space<vmem_shared>>) offsets(%dma_start3A_98 : memref<128xi32, #tpu.memory_space<vmem>>) semaphore(%run_scoped3A : memref<!tpu.dma_semaphore, #tpu.memory_space<semaphore_mem>>) {add = true}
            %dma_wait3A_102 = arith.constant 0 : i32
            %dma_wait3A_103 = tpu.memref_slice %arg8[%add3A_86, %dma_wait3A_102] : memref<72x128xi32, #tpu.memory_space<vmem>> -> memref<1x128xi32, #tpu.memory_space<vmem>>
            %dma_wait3A_104 = tpu.memref_squeeze %dma_wait3A_103 : memref<1x128xi32, #tpu.memory_space<vmem>> -> memref<128xi32, #tpu.memory_space<vmem>>
            %dma_wait3A_105 = arith.constant 0 : i32
            %dma_wait3A_106 = arith.constant 0 : i32
            %dma_wait3A_107 = tpu.memref_slice %arg13[%dma_wait3A_105, %dma_wait3A_106] : memref<10112x64xf32, #tpu.memory_space<vmem_shared>> -> memref<10112x64xf32, #tpu.memory_space<vmem_shared>>
            tpu.wait_indirect_dma semaphore(%run_scoped3A : memref<!tpu.dma_semaphore, #tpu.memory_space<semaphore_mem>>) src(%arg11 : memref<128x64xf32, #tpu.memory_space<vmem>>) dst(%dma_wait3A_107 : memref<10112x64xf32, #tpu.memory_space<vmem_shared>>)
            tpu.yield
          }) : () -> ()
          %add3A_87 = arith.constant 4 : i32
          %add3A_88 = arith.addi %add3A_50, %add3A_87 : i32
          %add3A_89 = arith.constant 2 : i32
          %add3A_90 = arith.addi %add3A_88, %add3A_89 : i32
          %lt3A_91 = arith.constant 72 : i32
          %lt3A_92 = arith.cmpi slt, %add3A_90, %lt3A_91 : i32
          %convert_element_type3A_93 = arith.extui %lt3A_92 : i1 to i32
          %cond3A_94 = arith.constant 0 : i32
          %cond3A_95 = arith.cmpi ne, %convert_element_type3A_93, %cond3A_94 : i32
          scf.if %cond3A_95 {
            %add3A_96 = arith.constant 4 : i32
            %add3A_97 = arith.addi %add3A_50, %add3A_96 : i32
            %add3A_98 = arith.constant 2 : i32
            %add3A_99 = arith.addi %add3A_97, %add3A_98 : i32
            %dma_start3A_100 = arith.constant 0 : i32
            %dma_start3A_101 = tpu.memref_slice %arg7[%add3A_99, %dma_start3A_100] : memref<72x128xi32, #tpu.memory_space<vmem>> -> memref<1x128xi32, #tpu.memory_space<vmem>>
            %dma_start3A_102 = tpu.memref_squeeze %dma_start3A_101 : memref<1x128xi32, #tpu.memory_space<vmem>> -> memref<128xi32, #tpu.memory_space<vmem>>
            %dma_start3A_103 = arith.constant 0 : i32
            %dma_start3A_104 = arith.constant 0 : i32
            %dma_start3A_105 = tpu.memref_slice %arg2[%dma_start3A_103, %dma_start3A_104] : memref<10000x64xf32, #tpu.memory_space<hbm>> -> memref<10000x64xf32, #tpu.memory_space<hbm>>
            tpu.enqueue_indirect_dma source(%dma_start3A_105 : memref<10000x64xf32, #tpu.memory_space<hbm>>) target(%arg11 : memref<128x64xf32, #tpu.memory_space<vmem>>) offsets(%dma_start3A_102 : memref<128xi32, #tpu.memory_space<vmem>>) semaphore(%arg16 : memref<!tpu.dma_semaphore, #tpu.memory_space<semaphore_mem>>)
          } else {
          }
        } else {
        }
        %add3A_71 = arith.constant 3 : i32
        %add3A_72 = arith.addi %add3A_50, %add3A_71 : i32
        %lt3A_73 = arith.constant 72 : i32
        %lt3A_74 = arith.cmpi slt, %add3A_72, %lt3A_73 : i32
        %convert_element_type3A_75 = arith.extui %lt3A_74 : i1 to i32
        %cond3A_76 = arith.constant 0 : i32
        %cond3A_77 = arith.cmpi ne, %convert_element_type3A_75, %cond3A_76 : i32
        scf.if %cond3A_77 {
          %add3A_78 = arith.constant 3 : i32
          %add3A_79 = arith.addi %add3A_50, %add3A_78 : i32
          %dma_wait3A = arith.constant 0 : i32
          %dma_wait3A_80 = tpu.memref_slice %arg7[%add3A_79, %dma_wait3A] : memref<72x128xi32, #tpu.memory_space<vmem>> -> memref<1x128xi32, #tpu.memory_space<vmem>>
          %dma_wait3A_81 = tpu.memref_squeeze %dma_wait3A_80 : memref<1x128xi32, #tpu.memory_space<vmem>> -> memref<128xi32, #tpu.memory_space<vmem>>
          %dma_wait3A_82 = arith.constant 0 : i32
          %dma_wait3A_83 = arith.constant 0 : i32
          %dma_wait3A_84 = tpu.memref_slice %arg2[%dma_wait3A_82, %dma_wait3A_83] : memref<10000x64xf32, #tpu.memory_space<hbm>> -> memref<10000x64xf32, #tpu.memory_space<hbm>>
          tpu.wait_indirect_dma semaphore(%arg17 : memref<!tpu.dma_semaphore, #tpu.memory_space<semaphore_mem>>) src(%dma_wait3A_84 : memref<10000x64xf32, #tpu.memory_space<hbm>>) dst(%arg12 : memref<128x64xf32, #tpu.memory_space<vmem>>)
          %add3A_85 = arith.constant 3 : i32
          %add3A_86 = arith.addi %add3A_50, %add3A_85 : i32
          "tpu.region"() ({
            %run_scoped3A = tpu.sem_alloc : memref<!tpu.dma_semaphore, #tpu.memory_space<semaphore_mem>>
            %dma_start3A_96 = arith.constant 0 : i32
            %dma_start3A_97 = tpu.memref_slice %arg8[%add3A_86, %dma_start3A_96] : memref<72x128xi32, #tpu.memory_space<vmem>> -> memref<1x128xi32, #tpu.memory_space<vmem>>
            %dma_start3A_98 = tpu.memref_squeeze %dma_start3A_97 : memref<1x128xi32, #tpu.memory_space<vmem>> -> memref<128xi32, #tpu.memory_space<vmem>>
            %dma_start3A_99 = arith.constant 0 : i32
            %dma_start3A_100 = arith.constant 0 : i32
            %dma_start3A_101 = tpu.memref_slice %arg13[%dma_start3A_99, %dma_start3A_100] : memref<10112x64xf32, #tpu.memory_space<vmem_shared>> -> memref<10112x64xf32, #tpu.memory_space<vmem_shared>>
            tpu.enqueue_indirect_dma source(%arg12 : memref<128x64xf32, #tpu.memory_space<vmem>>) target(%dma_start3A_101 : memref<10112x64xf32, #tpu.memory_space<vmem_shared>>) offsets(%dma_start3A_98 : memref<128xi32, #tpu.memory_space<vmem>>) semaphore(%run_scoped3A : memref<!tpu.dma_semaphore, #tpu.memory_space<semaphore_mem>>) {add = true}
            %dma_wait3A_102 = arith.constant 0 : i32
            %dma_wait3A_103 = tpu.memref_slice %arg8[%add3A_86, %dma_wait3A_102] : memref<72x128xi32, #tpu.memory_space<vmem>> -> memref<1x128xi32, #tpu.memory_space<vmem>>
            %dma_wait3A_104 = tpu.memref_squeeze %dma_wait3A_103 : memref<1x128xi32, #tpu.memory_space<vmem>> -> memref<128xi32, #tpu.memory_space<vmem>>
            %dma_wait3A_105 = arith.constant 0 : i32
            %dma_wait3A_106 = arith.constant 0 : i32
            %dma_wait3A_107 = tpu.memref_slice %arg13[%dma_wait3A_105, %dma_wait3A_106] : memref<10112x64xf32, #tpu.memory_space<vmem_shared>> -> memref<10112x64xf32, #tpu.memory_space<vmem_shared>>
            tpu.wait_indirect_dma semaphore(%run_scoped3A : memref<!tpu.dma_semaphore, #tpu.memory_space<semaphore_mem>>) src(%arg12 : memref<128x64xf32, #tpu.memory_space<vmem>>) dst(%dma_wait3A_107 : memref<10112x64xf32, #tpu.memory_space<vmem_shared>>)
            tpu.yield
          }) : () -> ()
          %add3A_87 = arith.constant 4 : i32
          %add3A_88 = arith.addi %add3A_50, %add3A_87 : i32
          %add3A_89 = arith.constant 3 : i32
          %add3A_90 = arith.addi %add3A_88, %add3A_89 : i32
          %lt3A_91 = arith.constant 72 : i32
          %lt3A_92 = arith.cmpi slt, %add3A_90, %lt3A_91 : i32
          %convert_element_type3A_93 = arith.extui %lt3A_92 : i1 to i32
          %cond3A_94 = arith.constant 0 : i32
          %cond3A_95 = arith.cmpi ne, %convert_element_type3A_93, %cond3A_94 : i32
          scf.if %cond3A_95 {
            %add3A_96 = arith.constant 4 : i32
            %add3A_97 = arith.addi %add3A_50, %add3A_96 : i32
            %add3A_98 = arith.constant 3 : i32
            %add3A_99 = arith.addi %add3A_97, %add3A_98 : i32
            %dma_start3A_100 = arith.constant 0 : i32
            %dma_start3A_101 = tpu.memref_slice %arg7[%add3A_99, %dma_start3A_100] : memref<72x128xi32, #tpu.memory_space<vmem>> -> memref<1x128xi32, #tpu.memory_space<vmem>>
            %dma_start3A_102 = tpu.memref_squeeze %dma_start3A_101 : memref<1x128xi32, #tpu.memory_space<vmem>> -> memref<128xi32, #tpu.memory_space<vmem>>
            %dma_start3A_103 = arith.constant 0 : i32
            %dma_start3A_104 = arith.constant 0 : i32
            %dma_start3A_105 = tpu.memref_slice %arg2[%dma_start3A_103, %dma_start3A_104] : memref<10000x64xf32, #tpu.memory_space<hbm>> -> memref<10000x64xf32, #tpu.memory_space<hbm>>
            tpu.enqueue_indirect_dma source(%dma_start3A_105 : memref<10000x64xf32, #tpu.memory_space<hbm>>) target(%arg12 : memref<128x64xf32, #tpu.memory_space<vmem>>) offsets(%dma_start3A_102 : memref<128xi32, #tpu.memory_space<vmem>>) semaphore(%arg17 : memref<!tpu.dma_semaphore, #tpu.memory_space<semaphore_mem>>)
          } else {
          }
        } else {
        }
      }
      %scan3A_46 = arith.constant 18 : i32
    } else {
    }
    %ne3A = arith.constant 0 : i32
    %ne3A_5 = arith.cmpi ne, %arg0, %ne3A : i32
    %convert_element_type3A_6 = arith.extui %ne3A_5 : i1 to i32
    %cond3A_7 = arith.constant 0 : i32
    %cond3A_8 = arith.cmpi ne, %convert_element_type3A_6, %cond3A_7 : i32
    scf.if %cond3A_8 {
      %mul3A_13 = arith.constant 8 : i32
      %mul3A_14 = arith.muli %arg1, %mul3A_13 : i32
      %add3A = arith.constant 1152 : i32
      %add3A_15 = arith.addi %add3A, %mul3A_14 : i32
      "tpu.region"() ({
        %run_scoped3A = tpu.sem_alloc : memref<!tpu.dma_semaphore, #tpu.memory_space<semaphore_mem>>
        %dma_start3A_48 = arith.constant 0 : i32
        %dma_start3A_49 = arith.constant 0 : i32
        %dma_start3A_50 = tpu.memref_slice %arg7[%dma_start3A_48, %dma_start3A_49] : memref<72x128xi32, #tpu.memory_space<vmem>> -> memref<8x128xi32, #tpu.memory_space<vmem>>
        %dma_start3A_51 = arith.constant 0 : i32
        %dma_start3A_52 = tpu.memref_slice %arg3[%add3A_15, %dma_start3A_51] : memref<1280x128xi32, #tpu.memory_space<hbm>> -> memref<8x128xi32, #tpu.memory_space<hbm>>
        %dma_start3A_53 = arith.constant 0 : i32
        %dma_start3A_54 = arith.constant 0 : i32
        %dma_start3A_55 = tpu.memref_slice %arg7[%dma_start3A_53, %dma_start3A_54] : memref<72x128xi32, #tpu.memory_space<vmem>> -> memref<8x128xi32, #tpu.memory_space<vmem>>
        %dma_start3A_56 = arith.constant 0 : i32
        %dma_start3A_57 = tpu.memref_slice %arg3[%add3A_15, %dma_start3A_56] : memref<1280x128xi32, #tpu.memory_space<hbm>> -> memref<8x128xi32, #tpu.memory_space<hbm>>
        tpu.enqueue_dma source(%dma_start3A_57 : memref<8x128xi32, #tpu.memory_space<hbm>>) target(%dma_start3A_55 : memref<8x128xi32, #tpu.memory_space<vmem>>) target_semaphore(%run_scoped3A : memref<!tpu.dma_semaphore, #tpu.memory_space<semaphore_mem>>)
        %dma_wait3A = arith.constant 0 : i32
        %dma_wait3A_58 = arith.constant 0 : i32
        %dma_wait3A_59 = tpu.memref_slice %arg7[%dma_wait3A, %dma_wait3A_58] : memref<72x128xi32, #tpu.memory_space<vmem>> -> memref<8x128xi32, #tpu.memory_space<vmem>>
        %dma_wait3A_60 = arith.constant 0 : i32
        %dma_wait3A_61 = tpu.memref_slice %arg3[%add3A_15, %dma_wait3A_60] : memref<1280x128xi32, #tpu.memory_space<hbm>> -> memref<8x128xi32, #tpu.memory_space<hbm>>
        %dma_wait3A_62 = arith.constant 0 : i32
        %dma_wait3A_63 = arith.constant 0 : i32
        %dma_wait3A_64 = tpu.memref_slice %arg7[%dma_wait3A_62, %dma_wait3A_63] : memref<72x128xi32, #tpu.memory_space<vmem>> -> memref<8x128xi32, #tpu.memory_space<vmem>>
        %dma_wait3A_65 = arith.constant 0 : i32
        %dma_wait3A_66 = tpu.memref_slice %arg3[%add3A_15, %dma_wait3A_65] : memref<1280x128xi32, #tpu.memory_space<hbm>> -> memref<8x128xi32, #tpu.memory_space<hbm>>
        tpu.wait_dma2 semaphore(%run_scoped3A : memref<!tpu.dma_semaphore, #tpu.memory_space<semaphore_mem>>) src(%dma_wait3A_66 : memref<8x128xi32, #tpu.memory_space<hbm>>) dst(%dma_wait3A_64 : memref<8x128xi32, #tpu.memory_space<vmem>>)
        tpu.yield
      }) : () -> ()
      "tpu.region"() ({
        %run_scoped3A = tpu.sem_alloc : memref<!tpu.dma_semaphore, #tpu.memory_space<semaphore_mem>>
        %dma_start3A_48 = arith.constant 0 : i32
        %dma_start3A_49 = arith.constant 0 : i32
        %dma_start3A_50 = tpu.memref_slice %arg8[%dma_start3A_48, %dma_start3A_49] : memref<72x128xi32, #tpu.memory_space<vmem>> -> memref<8x128xi32, #tpu.memory_space<vmem>>
        %dma_start3A_51 = arith.constant 0 : i32
        %dma_start3A_52 = tpu.memref_slice %arg4[%add3A_15, %dma_start3A_51] : memref<1280x128xi32, #tpu.memory_space<hbm>> -> memref<8x128xi32, #tpu.memory_space<hbm>>
        %dma_start3A_53 = arith.constant 0 : i32
        %dma_start3A_54 = arith.constant 0 : i32
        %dma_start3A_55 = tpu.memref_slice %arg8[%dma_start3A_53, %dma_start3A_54] : memref<72x128xi32, #tpu.memory_space<vmem>> -> memref<8x128xi32, #tpu.memory_space<vmem>>
        %dma_start3A_56 = arith.constant 0 : i32
        %dma_start3A_57 = tpu.memref_slice %arg4[%add3A_15, %dma_start3A_56] : memref<1280x128xi32, #tpu.memory_space<hbm>> -> memref<8x128xi32, #tpu.memory_space<hbm>>
        tpu.enqueue_dma source(%dma_start3A_57 : memref<8x128xi32, #tpu.memory_space<hbm>>) target(%dma_start3A_55 : memref<8x128xi32, #tpu.memory_space<vmem>>) target_semaphore(%run_scoped3A : memref<!tpu.dma_semaphore, #tpu.memory_space<semaphore_mem>>)
        %dma_wait3A = arith.constant 0 : i32
        %dma_wait3A_58 = arith.constant 0 : i32
        %dma_wait3A_59 = tpu.memref_slice %arg8[%dma_wait3A, %dma_wait3A_58] : memref<72x128xi32, #tpu.memory_space<vmem>> -> memref<8x128xi32, #tpu.memory_space<vmem>>
        %dma_wait3A_60 = arith.constant 0 : i32
        %dma_wait3A_61 = tpu.memref_slice %arg4[%add3A_15, %dma_wait3A_60] : memref<1280x128xi32, #tpu.memory_space<hbm>> -> memref<8x128xi32, #tpu.memory_space<hbm>>
        %dma_wait3A_62 = arith.constant 0 : i32
        %dma_wait3A_63 = arith.constant 0 : i32
        %dma_wait3A_64 = tpu.memref_slice %arg8[%dma_wait3A_62, %dma_wait3A_63] : memref<72x128xi32, #tpu.memory_space<vmem>> -> memref<8x128xi32, #tpu.memory_space<vmem>>
        %dma_wait3A_65 = arith.constant 0 : i32
        %dma_wait3A_66 = tpu.memref_slice %arg4[%add3A_15, %dma_wait3A_65] : memref<1280x128xi32, #tpu.memory_space<hbm>> -> memref<8x128xi32, #tpu.memory_space<hbm>>
        tpu.wait_dma2 semaphore(%run_scoped3A : memref<!tpu.dma_semaphore, #tpu.memory_space<semaphore_mem>>) src(%dma_wait3A_66 : memref<8x128xi32, #tpu.memory_space<hbm>>) dst(%dma_wait3A_64 : memref<8x128xi32, #tpu.memory_space<vmem>>)
        tpu.yield
      }) : () -> ()
      %barrier3A_16 = arith.constant 0 : index
      tpu.barrier barrier_id(%barrier3A_16)
      %dma_start3A = arith.constant 0 : i32
      %dma_start3A_17 = arith.constant 0 : i32
      %dma_start3A_18 = tpu.memref_slice %arg7[%dma_start3A, %dma_start3A_17] : memref<72x128xi32, #tpu.memory_space<vmem>> -> memref<1x128xi32, #tpu.memory_space<vmem>>
      %dma_start3A_19 = tpu.memref_squeeze %dma_start3A_18 : memref<1x128xi32, #tpu.memory_space<vmem>> -> memref<128xi32, #tpu.memory_space<vmem>>
      %dma_start3A_20 = arith.constant 0 : i32
      %dma_start3A_21 = arith.constant 0 : i32
      %dma_start3A_22 = tpu.memref_slice %arg2[%dma_start3A_20, %dma_start3A_21] : memref<10000x64xf32, #tpu.memory_space<hbm>> -> memref<10000x64xf32, #tpu.memory_space<hbm>>
      tpu.enqueue_indirect_dma source(%dma_start3A_22 : memref<10000x64xf32, #tpu.memory_space<hbm>>) target(%arg9 : memref<128x64xf32, #tpu.memory_space<vmem>>) offsets(%dma_start3A_19 : memref<128xi32, #tpu.memory_space<vmem>>) semaphore(%arg14 : memref<!tpu.dma_semaphore, #tpu.memory_space<semaphore_mem>>)
      %dma_start3A_23 = arith.constant 1 : i32
      %dma_start3A_24 = arith.constant 0 : i32
      %dma_start3A_25 = tpu.memref_slice %arg7[%dma_start3A_23, %dma_start3A_24] : memref<72x128xi32, #tpu.memory_space<vmem>> -> memref<1x128xi32, #tpu.memory_space<vmem>>
      %dma_start3A_26 = tpu.memref_squeeze %dma_start3A_25 : memref<1x128xi32, #tpu.memory_space<vmem>> -> memref<128xi32, #tpu.memory_space<vmem>>
      %dma_start3A_27 = arith.constant 0 : i32
      %dma_start3A_28 = arith.constant 0 : i32
      %dma_start3A_29 = tpu.memref_slice %arg2[%dma_start3A_27, %dma_start3A_28] : memref<10000x64xf32, #tpu.memory_space<hbm>> -> memref<10000x64xf32, #tpu.memory_space<hbm>>
      tpu.enqueue_indirect_dma source(%dma_start3A_29 : memref<10000x64xf32, #tpu.memory_space<hbm>>) target(%arg10 : memref<128x64xf32, #tpu.memory_space<vmem>>) offsets(%dma_start3A_26 : memref<128xi32, #tpu.memory_space<vmem>>) semaphore(%arg15 : memref<!tpu.dma_semaphore, #tpu.memory_space<semaphore_mem>>)
      %dma_start3A_30 = arith.constant 2 : i32
      %dma_start3A_31 = arith.constant 0 : i32
      %dma_start3A_32 = tpu.memref_slice %arg7[%dma_start3A_30, %dma_start3A_31] : memref<72x128xi32, #tpu.memory_space<vmem>> -> memref<1x128xi32, #tpu.memory_space<vmem>>
      %dma_start3A_33 = tpu.memref_squeeze %dma_start3A_32 : memref<1x128xi32, #tpu.memory_space<vmem>> -> memref<128xi32, #tpu.memory_space<vmem>>
      %dma_start3A_34 = arith.constant 0 : i32
      %dma_start3A_35 = arith.constant 0 : i32
      %dma_start3A_36 = tpu.memref_slice %arg2[%dma_start3A_34, %dma_start3A_35] : memref<10000x64xf32, #tpu.memory_space<hbm>> -> memref<10000x64xf32, #tpu.memory_space<hbm>>
      tpu.enqueue_indirect_dma source(%dma_start3A_36 : memref<10000x64xf32, #tpu.memory_space<hbm>>) target(%arg11 : memref<128x64xf32, #tpu.memory_space<vmem>>) offsets(%dma_start3A_33 : memref<128xi32, #tpu.memory_space<vmem>>) semaphore(%arg16 : memref<!tpu.dma_semaphore, #tpu.memory_space<semaphore_mem>>)
      %dma_start3A_37 = arith.constant 3 : i32
      %dma_start3A_38 = arith.constant 0 : i32
      %dma_start3A_39 = tpu.memref_slice %arg7[%dma_start3A_37, %dma_start3A_38] : memref<72x128xi32, #tpu.memory_space<vmem>> -> memref<1x128xi32, #tpu.memory_space<vmem>>
      %dma_start3A_40 = tpu.memref_squeeze %dma_start3A_39 : memref<1x128xi32, #tpu.memory_space<vmem>> -> memref<128xi32, #tpu.memory_space<vmem>>
      %dma_start3A_41 = arith.constant 0 : i32
      %dma_start3A_42 = arith.constant 0 : i32
      %dma_start3A_43 = tpu.memref_slice %arg2[%dma_start3A_41, %dma_start3A_42] : memref<10000x64xf32, #tpu.memory_space<hbm>> -> memref<10000x64xf32, #tpu.memory_space<hbm>>
      tpu.enqueue_indirect_dma source(%dma_start3A_43 : memref<10000x64xf32, #tpu.memory_space<hbm>>) target(%arg12 : memref<128x64xf32, #tpu.memory_space<vmem>>) offsets(%dma_start3A_40 : memref<128xi32, #tpu.memory_space<vmem>>) semaphore(%arg17 : memref<!tpu.dma_semaphore, #tpu.memory_space<semaphore_mem>>)
      %scan3A = arith.constant 0 : i32
      %scan3A_44 = arith.constant 2 : i32
      %scan3A_45 = arith.addi %scan3A, %scan3A_44 : i32
      %scan3A_46 = arith.constant 1 : i32
      scf.for %scan3A_48 = %scan3A to %scan3A_45 step %scan3A_46  : i32 {
        %mul3A_49 = arith.constant 4 : i32
        %mul3A_50 = arith.muli %scan3A_48, %mul3A_49 : i32
        %add3A_51 = arith.constant 0 : i32
        %add3A_52 = arith.addi %add3A_51, %mul3A_50 : i32
        %add3A_53 = arith.constant 0 : i32
        %add3A_54 = arith.addi %add3A_52, %add3A_53 : i32
        %lt3A = arith.constant 8 : i32
        %lt3A_55 = arith.cmpi slt, %add3A_54, %lt3A : i32
        %convert_element_type3A_56 = arith.extui %lt3A_55 : i1 to i32
        %cond3A_57 = arith.constant 0 : i32
        %cond3A_58 = arith.cmpi ne, %convert_element_type3A_56, %cond3A_57 : i32
        scf.if %cond3A_58 {
          %add3A_80 = arith.constant 0 : i32
          %add3A_81 = arith.addi %add3A_52, %add3A_80 : i32
          %dma_wait3A = arith.constant 0 : i32
          %dma_wait3A_82 = tpu.memref_slice %arg7[%add3A_81, %dma_wait3A] : memref<72x128xi32, #tpu.memory_space<vmem>> -> memref<1x128xi32, #tpu.memory_space<vmem>>
          %dma_wait3A_83 = tpu.memref_squeeze %dma_wait3A_82 : memref<1x128xi32, #tpu.memory_space<vmem>> -> memref<128xi32, #tpu.memory_space<vmem>>
          %dma_wait3A_84 = arith.constant 0 : i32
          %dma_wait3A_85 = arith.constant 0 : i32
          %dma_wait3A_86 = tpu.memref_slice %arg2[%dma_wait3A_84, %dma_wait3A_85] : memref<10000x64xf32, #tpu.memory_space<hbm>> -> memref<10000x64xf32, #tpu.memory_space<hbm>>
          tpu.wait_indirect_dma semaphore(%arg14 : memref<!tpu.dma_semaphore, #tpu.memory_space<semaphore_mem>>) src(%dma_wait3A_86 : memref<10000x64xf32, #tpu.memory_space<hbm>>) dst(%arg9 : memref<128x64xf32, #tpu.memory_space<vmem>>)
          %add3A_87 = arith.constant 0 : i32
          %add3A_88 = arith.addi %add3A_52, %add3A_87 : i32
          "tpu.region"() ({
            %run_scoped3A = tpu.sem_alloc : memref<!tpu.dma_semaphore, #tpu.memory_space<semaphore_mem>>
            %dma_start3A_98 = arith.constant 0 : i32
            %dma_start3A_99 = tpu.memref_slice %arg8[%add3A_88, %dma_start3A_98] : memref<72x128xi32, #tpu.memory_space<vmem>> -> memref<1x128xi32, #tpu.memory_space<vmem>>
            %dma_start3A_100 = tpu.memref_squeeze %dma_start3A_99 : memref<1x128xi32, #tpu.memory_space<vmem>> -> memref<128xi32, #tpu.memory_space<vmem>>
            %dma_start3A_101 = arith.constant 0 : i32
            %dma_start3A_102 = arith.constant 0 : i32
            %dma_start3A_103 = tpu.memref_slice %arg13[%dma_start3A_101, %dma_start3A_102] : memref<10112x64xf32, #tpu.memory_space<vmem_shared>> -> memref<10112x64xf32, #tpu.memory_space<vmem_shared>>
            tpu.enqueue_indirect_dma source(%arg9 : memref<128x64xf32, #tpu.memory_space<vmem>>) target(%dma_start3A_103 : memref<10112x64xf32, #tpu.memory_space<vmem_shared>>) offsets(%dma_start3A_100 : memref<128xi32, #tpu.memory_space<vmem>>) semaphore(%run_scoped3A : memref<!tpu.dma_semaphore, #tpu.memory_space<semaphore_mem>>) {add = true}
            %dma_wait3A_104 = arith.constant 0 : i32
            %dma_wait3A_105 = tpu.memref_slice %arg8[%add3A_88, %dma_wait3A_104] : memref<72x128xi32, #tpu.memory_space<vmem>> -> memref<1x128xi32, #tpu.memory_space<vmem>>
            %dma_wait3A_106 = tpu.memref_squeeze %dma_wait3A_105 : memref<1x128xi32, #tpu.memory_space<vmem>> -> memref<128xi32, #tpu.memory_space<vmem>>
            %dma_wait3A_107 = arith.constant 0 : i32
            %dma_wait3A_108 = arith.constant 0 : i32
            %dma_wait3A_109 = tpu.memref_slice %arg13[%dma_wait3A_107, %dma_wait3A_108] : memref<10112x64xf32, #tpu.memory_space<vmem_shared>> -> memref<10112x64xf32, #tpu.memory_space<vmem_shared>>
            tpu.wait_indirect_dma semaphore(%run_scoped3A : memref<!tpu.dma_semaphore, #tpu.memory_space<semaphore_mem>>) src(%arg9 : memref<128x64xf32, #tpu.memory_space<vmem>>) dst(%dma_wait3A_109 : memref<10112x64xf32, #tpu.memory_space<vmem_shared>>)
            tpu.yield
          }) : () -> ()
          %add3A_89 = arith.constant 4 : i32
          %add3A_90 = arith.addi %add3A_52, %add3A_89 : i32
          %add3A_91 = arith.constant 0 : i32
          %add3A_92 = arith.addi %add3A_90, %add3A_91 : i32
          %lt3A_93 = arith.constant 8 : i32
          %lt3A_94 = arith.cmpi slt, %add3A_92, %lt3A_93 : i32
          %convert_element_type3A_95 = arith.extui %lt3A_94 : i1 to i32
          %cond3A_96 = arith.constant 0 : i32
          %cond3A_97 = arith.cmpi ne, %convert_element_type3A_95, %cond3A_96 : i32
          scf.if %cond3A_97 {
            %add3A_98 = arith.constant 4 : i32
            %add3A_99 = arith.addi %add3A_52, %add3A_98 : i32
            %add3A_100 = arith.constant 0 : i32
            %add3A_101 = arith.addi %add3A_99, %add3A_100 : i32
            %dma_start3A_102 = arith.constant 0 : i32
            %dma_start3A_103 = tpu.memref_slice %arg7[%add3A_101, %dma_start3A_102] : memref<72x128xi32, #tpu.memory_space<vmem>> -> memref<1x128xi32, #tpu.memory_space<vmem>>
            %dma_start3A_104 = tpu.memref_squeeze %dma_start3A_103 : memref<1x128xi32, #tpu.memory_space<vmem>> -> memref<128xi32, #tpu.memory_space<vmem>>
            %dma_start3A_105 = arith.constant 0 : i32
            %dma_start3A_106 = arith.constant 0 : i32
            %dma_start3A_107 = tpu.memref_slice %arg2[%dma_start3A_105, %dma_start3A_106] : memref<10000x64xf32, #tpu.memory_space<hbm>> -> memref<10000x64xf32, #tpu.memory_space<hbm>>
            tpu.enqueue_indirect_dma source(%dma_start3A_107 : memref<10000x64xf32, #tpu.memory_space<hbm>>) target(%arg9 : memref<128x64xf32, #tpu.memory_space<vmem>>) offsets(%dma_start3A_104 : memref<128xi32, #tpu.memory_space<vmem>>) semaphore(%arg14 : memref<!tpu.dma_semaphore, #tpu.memory_space<semaphore_mem>>)
          } else {
          }
        } else {
        }
        %add3A_59 = arith.constant 1 : i32
        %add3A_60 = arith.addi %add3A_52, %add3A_59 : i32
        %lt3A_61 = arith.constant 8 : i32
        %lt3A_62 = arith.cmpi slt, %add3A_60, %lt3A_61 : i32
        %convert_element_type3A_63 = arith.extui %lt3A_62 : i1 to i32
        %cond3A_64 = arith.constant 0 : i32
        %cond3A_65 = arith.cmpi ne, %convert_element_type3A_63, %cond3A_64 : i32
        scf.if %cond3A_65 {
          %add3A_80 = arith.constant 1 : i32
          %add3A_81 = arith.addi %add3A_52, %add3A_80 : i32
          %dma_wait3A = arith.constant 0 : i32
          %dma_wait3A_82 = tpu.memref_slice %arg7[%add3A_81, %dma_wait3A] : memref<72x128xi32, #tpu.memory_space<vmem>> -> memref<1x128xi32, #tpu.memory_space<vmem>>
          %dma_wait3A_83 = tpu.memref_squeeze %dma_wait3A_82 : memref<1x128xi32, #tpu.memory_space<vmem>> -> memref<128xi32, #tpu.memory_space<vmem>>
          %dma_wait3A_84 = arith.constant 0 : i32
          %dma_wait3A_85 = arith.constant 0 : i32
          %dma_wait3A_86 = tpu.memref_slice %arg2[%dma_wait3A_84, %dma_wait3A_85] : memref<10000x64xf32, #tpu.memory_space<hbm>> -> memref<10000x64xf32, #tpu.memory_space<hbm>>
          tpu.wait_indirect_dma semaphore(%arg15 : memref<!tpu.dma_semaphore, #tpu.memory_space<semaphore_mem>>) src(%dma_wait3A_86 : memref<10000x64xf32, #tpu.memory_space<hbm>>) dst(%arg10 : memref<128x64xf32, #tpu.memory_space<vmem>>)
          %add3A_87 = arith.constant 1 : i32
          %add3A_88 = arith.addi %add3A_52, %add3A_87 : i32
          "tpu.region"() ({
            %run_scoped3A = tpu.sem_alloc : memref<!tpu.dma_semaphore, #tpu.memory_space<semaphore_mem>>
            %dma_start3A_98 = arith.constant 0 : i32
            %dma_start3A_99 = tpu.memref_slice %arg8[%add3A_88, %dma_start3A_98] : memref<72x128xi32, #tpu.memory_space<vmem>> -> memref<1x128xi32, #tpu.memory_space<vmem>>
            %dma_start3A_100 = tpu.memref_squeeze %dma_start3A_99 : memref<1x128xi32, #tpu.memory_space<vmem>> -> memref<128xi32, #tpu.memory_space<vmem>>
            %dma_start3A_101 = arith.constant 0 : i32
            %dma_start3A_102 = arith.constant 0 : i32
            %dma_start3A_103 = tpu.memref_slice %arg13[%dma_start3A_101, %dma_start3A_102] : memref<10112x64xf32, #tpu.memory_space<vmem_shared>> -> memref<10112x64xf32, #tpu.memory_space<vmem_shared>>
            tpu.enqueue_indirect_dma source(%arg10 : memref<128x64xf32, #tpu.memory_space<vmem>>) target(%dma_start3A_103 : memref<10112x64xf32, #tpu.memory_space<vmem_shared>>) offsets(%dma_start3A_100 : memref<128xi32, #tpu.memory_space<vmem>>) semaphore(%run_scoped3A : memref<!tpu.dma_semaphore, #tpu.memory_space<semaphore_mem>>) {add = true}
            %dma_wait3A_104 = arith.constant 0 : i32
            %dma_wait3A_105 = tpu.memref_slice %arg8[%add3A_88, %dma_wait3A_104] : memref<72x128xi32, #tpu.memory_space<vmem>> -> memref<1x128xi32, #tpu.memory_space<vmem>>
            %dma_wait3A_106 = tpu.memref_squeeze %dma_wait3A_105 : memref<1x128xi32, #tpu.memory_space<vmem>> -> memref<128xi32, #tpu.memory_space<vmem>>
            %dma_wait3A_107 = arith.constant 0 : i32
            %dma_wait3A_108 = arith.constant 0 : i32
            %dma_wait3A_109 = tpu.memref_slice %arg13[%dma_wait3A_107, %dma_wait3A_108] : memref<10112x64xf32, #tpu.memory_space<vmem_shared>> -> memref<10112x64xf32, #tpu.memory_space<vmem_shared>>
            tpu.wait_indirect_dma semaphore(%run_scoped3A : memref<!tpu.dma_semaphore, #tpu.memory_space<semaphore_mem>>) src(%arg10 : memref<128x64xf32, #tpu.memory_space<vmem>>) dst(%dma_wait3A_109 : memref<10112x64xf32, #tpu.memory_space<vmem_shared>>)
            tpu.yield
          }) : () -> ()
          %add3A_89 = arith.constant 4 : i32
          %add3A_90 = arith.addi %add3A_52, %add3A_89 : i32
          %add3A_91 = arith.constant 1 : i32
          %add3A_92 = arith.addi %add3A_90, %add3A_91 : i32
          %lt3A_93 = arith.constant 8 : i32
          %lt3A_94 = arith.cmpi slt, %add3A_92, %lt3A_93 : i32
          %convert_element_type3A_95 = arith.extui %lt3A_94 : i1 to i32
          %cond3A_96 = arith.constant 0 : i32
          %cond3A_97 = arith.cmpi ne, %convert_element_type3A_95, %cond3A_96 : i32
          scf.if %cond3A_97 {
            %add3A_98 = arith.constant 4 : i32
            %add3A_99 = arith.addi %add3A_52, %add3A_98 : i32
            %add3A_100 = arith.constant 1 : i32
            %add3A_101 = arith.addi %add3A_99, %add3A_100 : i32
            %dma_start3A_102 = arith.constant 0 : i32
            %dma_start3A_103 = tpu.memref_slice %arg7[%add3A_101, %dma_start3A_102] : memref<72x128xi32, #tpu.memory_space<vmem>> -> memref<1x128xi32, #tpu.memory_space<vmem>>
            %dma_start3A_104 = tpu.memref_squeeze %dma_start3A_103 : memref<1x128xi32, #tpu.memory_space<vmem>> -> memref<128xi32, #tpu.memory_space<vmem>>
            %dma_start3A_105 = arith.constant 0 : i32
            %dma_start3A_106 = arith.constant 0 : i32
            %dma_start3A_107 = tpu.memref_slice %arg2[%dma_start3A_105, %dma_start3A_106] : memref<10000x64xf32, #tpu.memory_space<hbm>> -> memref<10000x64xf32, #tpu.memory_space<hbm>>
            tpu.enqueue_indirect_dma source(%dma_start3A_107 : memref<10000x64xf32, #tpu.memory_space<hbm>>) target(%arg10 : memref<128x64xf32, #tpu.memory_space<vmem>>) offsets(%dma_start3A_104 : memref<128xi32, #tpu.memory_space<vmem>>) semaphore(%arg15 : memref<!tpu.dma_semaphore, #tpu.memory_space<semaphore_mem>>)
          } else {
          }
        } else {
        }
        %add3A_66 = arith.constant 2 : i32
        %add3A_67 = arith.addi %add3A_52, %add3A_66 : i32
        %lt3A_68 = arith.constant 8 : i32
        %lt3A_69 = arith.cmpi slt, %add3A_67, %lt3A_68 : i32
        %convert_element_type3A_70 = arith.extui %lt3A_69 : i1 to i32
        %cond3A_71 = arith.constant 0 : i32
        %cond3A_72 = arith.cmpi ne, %convert_element_type3A_70, %cond3A_71 : i32
        scf.if %cond3A_72 {
          %add3A_80 = arith.constant 2 : i32
          %add3A_81 = arith.addi %add3A_52, %add3A_80 : i32
          %dma_wait3A = arith.constant 0 : i32
          %dma_wait3A_82 = tpu.memref_slice %arg7[%add3A_81, %dma_wait3A] : memref<72x128xi32, #tpu.memory_space<vmem>> -> memref<1x128xi32, #tpu.memory_space<vmem>>
          %dma_wait3A_83 = tpu.memref_squeeze %dma_wait3A_82 : memref<1x128xi32, #tpu.memory_space<vmem>> -> memref<128xi32, #tpu.memory_space<vmem>>
          %dma_wait3A_84 = arith.constant 0 : i32
          %dma_wait3A_85 = arith.constant 0 : i32
          %dma_wait3A_86 = tpu.memref_slice %arg2[%dma_wait3A_84, %dma_wait3A_85] : memref<10000x64xf32, #tpu.memory_space<hbm>> -> memref<10000x64xf32, #tpu.memory_space<hbm>>
          tpu.wait_indirect_dma semaphore(%arg16 : memref<!tpu.dma_semaphore, #tpu.memory_space<semaphore_mem>>) src(%dma_wait3A_86 : memref<10000x64xf32, #tpu.memory_space<hbm>>) dst(%arg11 : memref<128x64xf32, #tpu.memory_space<vmem>>)
          %add3A_87 = arith.constant 2 : i32
          %add3A_88 = arith.addi %add3A_52, %add3A_87 : i32
          "tpu.region"() ({
            %run_scoped3A = tpu.sem_alloc : memref<!tpu.dma_semaphore, #tpu.memory_space<semaphore_mem>>
            %dma_start3A_98 = arith.constant 0 : i32
            %dma_start3A_99 = tpu.memref_slice %arg8[%add3A_88, %dma_start3A_98] : memref<72x128xi32, #tpu.memory_space<vmem>> -> memref<1x128xi32, #tpu.memory_space<vmem>>
            %dma_start3A_100 = tpu.memref_squeeze %dma_start3A_99 : memref<1x128xi32, #tpu.memory_space<vmem>> -> memref<128xi32, #tpu.memory_space<vmem>>
            %dma_start3A_101 = arith.constant 0 : i32
            %dma_start3A_102 = arith.constant 0 : i32
            %dma_start3A_103 = tpu.memref_slice %arg13[%dma_start3A_101, %dma_start3A_102] : memref<10112x64xf32, #tpu.memory_space<vmem_shared>> -> memref<10112x64xf32, #tpu.memory_space<vmem_shared>>
            tpu.enqueue_indirect_dma source(%arg11 : memref<128x64xf32, #tpu.memory_space<vmem>>) target(%dma_start3A_103 : memref<10112x64xf32, #tpu.memory_space<vmem_shared>>) offsets(%dma_start3A_100 : memref<128xi32, #tpu.memory_space<vmem>>) semaphore(%run_scoped3A : memref<!tpu.dma_semaphore, #tpu.memory_space<semaphore_mem>>) {add = true}
            %dma_wait3A_104 = arith.constant 0 : i32
            %dma_wait3A_105 = tpu.memref_slice %arg8[%add3A_88, %dma_wait3A_104] : memref<72x128xi32, #tpu.memory_space<vmem>> -> memref<1x128xi32, #tpu.memory_space<vmem>>
            %dma_wait3A_106 = tpu.memref_squeeze %dma_wait3A_105 : memref<1x128xi32, #tpu.memory_space<vmem>> -> memref<128xi32, #tpu.memory_space<vmem>>
            %dma_wait3A_107 = arith.constant 0 : i32
            %dma_wait3A_108 = arith.constant 0 : i32
            %dma_wait3A_109 = tpu.memref_slice %arg13[%dma_wait3A_107, %dma_wait3A_108] : memref<10112x64xf32, #tpu.memory_space<vmem_shared>> -> memref<10112x64xf32, #tpu.memory_space<vmem_shared>>
            tpu.wait_indirect_dma semaphore(%run_scoped3A : memref<!tpu.dma_semaphore, #tpu.memory_space<semaphore_mem>>) src(%arg11 : memref<128x64xf32, #tpu.memory_space<vmem>>) dst(%dma_wait3A_109 : memref<10112x64xf32, #tpu.memory_space<vmem_shared>>)
            tpu.yield
          }) : () -> ()
          %add3A_89 = arith.constant 4 : i32
          %add3A_90 = arith.addi %add3A_52, %add3A_89 : i32
          %add3A_91 = arith.constant 2 : i32
          %add3A_92 = arith.addi %add3A_90, %add3A_91 : i32
          %lt3A_93 = arith.constant 8 : i32
          %lt3A_94 = arith.cmpi slt, %add3A_92, %lt3A_93 : i32
          %convert_element_type3A_95 = arith.extui %lt3A_94 : i1 to i32
          %cond3A_96 = arith.constant 0 : i32
          %cond3A_97 = arith.cmpi ne, %convert_element_type3A_95, %cond3A_96 : i32
          scf.if %cond3A_97 {
            %add3A_98 = arith.constant 4 : i32
            %add3A_99 = arith.addi %add3A_52, %add3A_98 : i32
            %add3A_100 = arith.constant 2 : i32
            %add3A_101 = arith.addi %add3A_99, %add3A_100 : i32
            %dma_start3A_102 = arith.constant 0 : i32
            %dma_start3A_103 = tpu.memref_slice %arg7[%add3A_101, %dma_start3A_102] : memref<72x128xi32, #tpu.memory_space<vmem>> -> memref<1x128xi32, #tpu.memory_space<vmem>>
            %dma_start3A_104 = tpu.memref_squeeze %dma_start3A_103 : memref<1x128xi32, #tpu.memory_space<vmem>> -> memref<128xi32, #tpu.memory_space<vmem>>
            %dma_start3A_105 = arith.constant 0 : i32
            %dma_start3A_106 = arith.constant 0 : i32
            %dma_start3A_107 = tpu.memref_slice %arg2[%dma_start3A_105, %dma_start3A_106] : memref<10000x64xf32, #tpu.memory_space<hbm>> -> memref<10000x64xf32, #tpu.memory_space<hbm>>
            tpu.enqueue_indirect_dma source(%dma_start3A_107 : memref<10000x64xf32, #tpu.memory_space<hbm>>) target(%arg11 : memref<128x64xf32, #tpu.memory_space<vmem>>) offsets(%dma_start3A_104 : memref<128xi32, #tpu.memory_space<vmem>>) semaphore(%arg16 : memref<!tpu.dma_semaphore, #tpu.memory_space<semaphore_mem>>)
          } else {
          }
        } else {
        }
        %add3A_73 = arith.constant 3 : i32
        %add3A_74 = arith.addi %add3A_52, %add3A_73 : i32
        %lt3A_75 = arith.constant 8 : i32
        %lt3A_76 = arith.cmpi slt, %add3A_74, %lt3A_75 : i32
        %convert_element_type3A_77 = arith.extui %lt3A_76 : i1 to i32
        %cond3A_78 = arith.constant 0 : i32
        %cond3A_79 = arith.cmpi ne, %convert_element_type3A_77, %cond3A_78 : i32
        scf.if %cond3A_79 {
          %add3A_80 = arith.constant 3 : i32
          %add3A_81 = arith.addi %add3A_52, %add3A_80 : i32
          %dma_wait3A = arith.constant 0 : i32
          %dma_wait3A_82 = tpu.memref_slice %arg7[%add3A_81, %dma_wait3A] : memref<72x128xi32, #tpu.memory_space<vmem>> -> memref<1x128xi32, #tpu.memory_space<vmem>>
          %dma_wait3A_83 = tpu.memref_squeeze %dma_wait3A_82 : memref<1x128xi32, #tpu.memory_space<vmem>> -> memref<128xi32, #tpu.memory_space<vmem>>
          %dma_wait3A_84 = arith.constant 0 : i32
          %dma_wait3A_85 = arith.constant 0 : i32
          %dma_wait3A_86 = tpu.memref_slice %arg2[%dma_wait3A_84, %dma_wait3A_85] : memref<10000x64xf32, #tpu.memory_space<hbm>> -> memref<10000x64xf32, #tpu.memory_space<hbm>>
          tpu.wait_indirect_dma semaphore(%arg17 : memref<!tpu.dma_semaphore, #tpu.memory_space<semaphore_mem>>) src(%dma_wait3A_86 : memref<10000x64xf32, #tpu.memory_space<hbm>>) dst(%arg12 : memref<128x64xf32, #tpu.memory_space<vmem>>)
          %add3A_87 = arith.constant 3 : i32
          %add3A_88 = arith.addi %add3A_52, %add3A_87 : i32
          "tpu.region"() ({
            %run_scoped3A = tpu.sem_alloc : memref<!tpu.dma_semaphore, #tpu.memory_space<semaphore_mem>>
            %dma_start3A_98 = arith.constant 0 : i32
            %dma_start3A_99 = tpu.memref_slice %arg8[%add3A_88, %dma_start3A_98] : memref<72x128xi32, #tpu.memory_space<vmem>> -> memref<1x128xi32, #tpu.memory_space<vmem>>
            %dma_start3A_100 = tpu.memref_squeeze %dma_start3A_99 : memref<1x128xi32, #tpu.memory_space<vmem>> -> memref<128xi32, #tpu.memory_space<vmem>>
            %dma_start3A_101 = arith.constant 0 : i32
            %dma_start3A_102 = arith.constant 0 : i32
            %dma_start3A_103 = tpu.memref_slice %arg13[%dma_start3A_101, %dma_start3A_102] : memref<10112x64xf32, #tpu.memory_space<vmem_shared>> -> memref<10112x64xf32, #tpu.memory_space<vmem_shared>>
            tpu.enqueue_indirect_dma source(%arg12 : memref<128x64xf32, #tpu.memory_space<vmem>>) target(%dma_start3A_103 : memref<10112x64xf32, #tpu.memory_space<vmem_shared>>) offsets(%dma_start3A_100 : memref<128xi32, #tpu.memory_space<vmem>>) semaphore(%run_scoped3A : memref<!tpu.dma_semaphore, #tpu.memory_space<semaphore_mem>>) {add = true}
            %dma_wait3A_104 = arith.constant 0 : i32
            %dma_wait3A_105 = tpu.memref_slice %arg8[%add3A_88, %dma_wait3A_104] : memref<72x128xi32, #tpu.memory_space<vmem>> -> memref<1x128xi32, #tpu.memory_space<vmem>>
            %dma_wait3A_106 = tpu.memref_squeeze %dma_wait3A_105 : memref<1x128xi32, #tpu.memory_space<vmem>> -> memref<128xi32, #tpu.memory_space<vmem>>
            %dma_wait3A_107 = arith.constant 0 : i32
            %dma_wait3A_108 = arith.constant 0 : i32
            %dma_wait3A_109 = tpu.memref_slice %arg13[%dma_wait3A_107, %dma_wait3A_108] : memref<10112x64xf32, #tpu.memory_space<vmem_shared>> -> memref<10112x64xf32, #tpu.memory_space<vmem_shared>>
            tpu.wait_indirect_dma semaphore(%run_scoped3A : memref<!tpu.dma_semaphore, #tpu.memory_space<semaphore_mem>>) src(%arg12 : memref<128x64xf32, #tpu.memory_space<vmem>>) dst(%dma_wait3A_109 : memref<10112x64xf32, #tpu.memory_space<vmem_shared>>)
            tpu.yield
          }) : () -> ()
          %add3A_89 = arith.constant 4 : i32
          %add3A_90 = arith.addi %add3A_52, %add3A_89 : i32
          %add3A_91 = arith.constant 3 : i32
          %add3A_92 = arith.addi %add3A_90, %add3A_91 : i32
          %lt3A_93 = arith.constant 8 : i32
          %lt3A_94 = arith.cmpi slt, %add3A_92, %lt3A_93 : i32
          %convert_element_type3A_95 = arith.extui %lt3A_94 : i1 to i32
          %cond3A_96 = arith.constant 0 : i32
          %cond3A_97 = arith.cmpi ne, %convert_element_type3A_95, %cond3A_96 : i32
          scf.if %cond3A_97 {
            %add3A_98 = arith.constant 4 : i32
            %add3A_99 = arith.addi %add3A_52, %add3A_98 : i32
            %add3A_100 = arith.constant 3 : i32
            %add3A_101 = arith.addi %add3A_99, %add3A_100 : i32
            %dma_start3A_102 = arith.constant 0 : i32
            %dma_start3A_103 = tpu.memref_slice %arg7[%add3A_101, %dma_start3A_102] : memref<72x128xi32, #tpu.memory_space<vmem>> -> memref<1x128xi32, #tpu.memory_space<vmem>>
            %dma_start3A_104 = tpu.memref_squeeze %dma_start3A_103 : memref<1x128xi32, #tpu.memory_space<vmem>> -> memref<128xi32, #tpu.memory_space<vmem>>
            %dma_start3A_105 = arith.constant 0 : i32
            %dma_start3A_106 = arith.constant 0 : i32
            %dma_start3A_107 = tpu.memref_slice %arg2[%dma_start3A_105, %dma_start3A_106] : memref<10000x64xf32, #tpu.memory_space<hbm>> -> memref<10000x64xf32, #tpu.memory_space<hbm>>
            tpu.enqueue_indirect_dma source(%dma_start3A_107 : memref<10000x64xf32, #tpu.memory_space<hbm>>) target(%arg12 : memref<128x64xf32, #tpu.memory_space<vmem>>) offsets(%dma_start3A_104 : memref<128xi32, #tpu.memory_space<vmem>>) semaphore(%arg17 : memref<!tpu.dma_semaphore, #tpu.memory_space<semaphore_mem>>)
          } else {
          }
        } else {
        }
      }
      %scan3A_47 = arith.constant 2 : i32
    } else {
    }
    %barrier3A = arith.constant 0 : index
    tpu.barrier barrier_id(%barrier3A)
    %mul3A_9 = arith.constant 632 : i32
    %mul3A_10 = arith.muli %arg1, %mul3A_9 : i32
    %mul3A_11 = arith.constant 632 : i32
    %mul3A_12 = arith.muli %arg1, %mul3A_11 : i32
    "tpu.region"() ({
      %run_scoped3A = tpu.sem_alloc : memref<!tpu.dma_semaphore, #tpu.memory_space<semaphore_mem>>
      %dma_start3A = arith.constant 0 : i32
      %dma_start3A_13 = tpu.memref_slice %arg6[%arg0, %mul3A_12, %dma_start3A] : memref<2x10112x64xf32, #tpu.memory_space<hbm>> -> memref<1x632x64xf32, #tpu.memory_space<hbm>>
      %dma_start3A_14 = tpu.memref_squeeze %dma_start3A_13 : memref<1x632x64xf32, #tpu.memory_space<hbm>> -> memref<632x64xf32, #tpu.memory_space<hbm>>
      %dma_start3A_15 = arith.constant 0 : i32
      %dma_start3A_16 = tpu.memref_slice %arg13[%mul3A_10, %dma_start3A_15] : memref<10112x64xf32, #tpu.memory_space<vmem_shared>> -> memref<632x64xf32, #tpu.memory_space<vmem_shared>>
      tpu.enqueue_dma source(%dma_start3A_16 : memref<632x64xf32, #tpu.memory_space<vmem_shared>>) target(%dma_start3A_14 : memref<632x64xf32, #tpu.memory_space<hbm>>) target_semaphore(%run_scoped3A : memref<!tpu.dma_semaphore, #tpu.memory_space<semaphore_mem>>)
      %dma_wait3A = arith.constant 0 : i32
      %dma_wait3A_17 = tpu.memref_slice %arg6[%arg0, %mul3A_12, %dma_wait3A] : memref<2x10112x64xf32, #tpu.memory_space<hbm>> -> memref<1x632x64xf32, #tpu.memory_space<hbm>>
      %dma_wait3A_18 = tpu.memref_squeeze %dma_wait3A_17 : memref<1x632x64xf32, #tpu.memory_space<hbm>> -> memref<632x64xf32, #tpu.memory_space<hbm>>
      %dma_wait3A_19 = arith.constant 0 : i32
      %dma_wait3A_20 = tpu.memref_slice %arg13[%mul3A_10, %dma_wait3A_19] : memref<10112x64xf32, #tpu.memory_space<vmem_shared>> -> memref<632x64xf32, #tpu.memory_space<vmem_shared>>
      tpu.wait_dma2 semaphore(%run_scoped3A : memref<!tpu.dma_semaphore, #tpu.memory_space<semaphore_mem>>) src(%dma_wait3A_20 : memref<632x64xf32, #tpu.memory_space<vmem_shared>>) dst(%dma_wait3A_18 : memref<632x64xf32, #tpu.memory_space<hbm>>)
      tpu.yield
    }) : () -> ()
    return
  }
}

module attributes {stable_mosaic.version = 14 : i64} {
  func.func @body(%arg0: i32, %arg1: memref<1000x256xf32, #tpu.memory_space<vmem>>, %arg2: memref<256x128xf32, #tpu.memory_space<vmem>>, %arg3: memref<1000x64xf32, #tpu.memory_space<vmem>>, %arg4: memref<1000x64xf32, #tpu.memory_space<vmem>>) attributes {dimension_semantics = [#tpu.dimension_semantics<arbitrary>], iteration_bounds = array<i64: 10>, scalar_prefetch = 0 : i64, scratch_operands = 0 : i64, tpu.core_type = #tpu.core_type<tc>, window_params = [{transform_indices = @transform_0, window_bounds = array<i64: 1000, 256>}, {pipeline_mode = #tpu.pipeline_mode<synchronous>, transform_indices = @transform_1, window_bounds = array<i64: 256, 128>}, {transform_indices = @transform_2, window_bounds = array<i64: 1000, 64>}, {transform_indices = @transform_3, window_bounds = array<i64: 1000, 64>}]} {
    %get3A = arith.constant 0 : index
    %get3A_0 = arith.constant 0 : index
    %get3A_1 = vector.load %arg1[%get3A, %get3A_0] : memref<1000x256xf32, #tpu.memory_space<vmem>>, vector<1000x256xf32>
    %get3A_2 = arith.constant 0 : index
    %get3A_3 = arith.constant 0 : index
    %get3A_4 = vector.load %arg2[%get3A_2, %get3A_3] : memref<256x128xf32, #tpu.memory_space<vmem>>, vector<256x128xf32>
    %dot_general3A = arith.constant dense<0.000000e+00> : vector<1000x128xf32>
    %dot_general3A_5 = tpu.matmul %get3A_1, %get3A_4, %dot_general3A {dimension_numbers = #tpu.dot_dimension_numbers<[1], [0], [0], [1], [0, 0, 1, 1], [], []>, transpose_lhs_hint = false} : vector<1000x256xf32>, vector<256x128xf32>, vector<1000x128xf32> -> vector<1000x128xf32>
    %slice3A = vector.extract_strided_slice %dot_general3A_5 {offsets = [0, 0], sizes = [1000, 64], strides = [1, 1]} : vector<1000x128xf32> to vector<1000x64xf32>
    %swap3A = arith.constant 0 : index
    %swap3A_6 = arith.constant 0 : index
    %swap3A_7 = vector.load %arg3[%swap3A, %swap3A_6] : memref<1000x64xf32, #tpu.memory_space<vmem>>, vector<1000x64xf32>
    tpu.vector_store %arg3[%swap3A, %swap3A_6], %slice3A {strides = array<i32>} : memref<1000x64xf32, #tpu.memory_space<vmem>>, vector<1000x64xf32>,
    %slice3A_8 = vector.extract_strided_slice %dot_general3A_5 {offsets = [0, 64], sizes = [1000, 64], strides = [1, 1]} : vector<1000x128xf32> to vector<1000x64xf32>
    %swap3A_9 = arith.constant 0 : index
    %swap3A_10 = arith.constant 0 : index
    %swap3A_11 = vector.load %arg4[%swap3A_9, %swap3A_10] : memref<1000x64xf32, #tpu.memory_space<vmem>>, vector<1000x64xf32>
    tpu.vector_store %arg4[%swap3A_9, %swap3A_10], %slice3A_8 {strides = array<i32>} : memref<1000x64xf32, #tpu.memory_space<vmem>>, vector<1000x64xf32>,
    return
  }
  func.func @transform_0(%arg0: i32) -> (i32, i32) {
    %c0_i32 = arith.constant 0 : i32
    %c0_i32_0 = arith.constant 0 : i32
    return %arg0, %c0_i32 : i32, i32
  }
  func.func @transform_1(%arg0: i32) -> (i32, i32) {
    %c0_i32 = arith.constant 0 : i32
    %c0_i32_0 = arith.constant 0 : i32
    %c0_i32_1 = arith.constant 0 : i32
    return %c0_i32, %c0_i32_0 : i32, i32
  }
  func.func @transform_2(%arg0: i32) -> (i32, i32) {
    %c0_i32 = arith.constant 0 : i32
    %c0_i32_0 = arith.constant 0 : i32
    return %arg0, %c0_i32 : i32, i32
  }
  func.func @transform_3(%arg0: i32) -> (i32, i32) {
    %c0_i32 = arith.constant 0 : i32
    %c0_i32_0 = arith.constant 0 : i32
    return %arg0, %c0_i32 : i32, i32
  }
}

module attributes {stable_mosaic.version = 14 : i64} {
  func.func @body(%arg0: i32, %arg1: memref<2x1000x64xf32, #tpu.memory_space<vmem>>, %arg2: memref<2x1000x16xf32, #tpu.memory_space<vmem>>, %arg3: memref<1000x64xf32, #tpu.memory_space<vmem>>, %arg4: memref<1x64xf32, #tpu.memory_space<vmem>>, %arg5: memref<1000x64xf32, #tpu.memory_space<vmem>>, %arg6: memref<1000x16xf32, #tpu.memory_space<vmem>>) attributes {dimension_semantics = [#tpu.dimension_semantics<arbitrary>], iteration_bounds = array<i64: 10>, scalar_prefetch = 0 : i64, scratch_operands = 0 : i64, tpu.core_type = #tpu.core_type<tc>, window_params = [{transform_indices = @transform_0, window_bounds = array<i64: 2, 1000, 64>}, {transform_indices = @transform_1, window_bounds = array<i64: 2, 1000, 16>}, {transform_indices = @transform_2, window_bounds = array<i64: 1000, 64>}, {pipeline_mode = #tpu.pipeline_mode<synchronous>, transform_indices = @transform_3, window_bounds = array<i64: 1, 64>}, {transform_indices = @transform_4, window_bounds = array<i64: 1000, 64>}, {transform_indices = @transform_5, window_bounds = array<i64: 1000, 16>}]} {
    %get3A = arith.constant 0 : index
    %get3A_0 = arith.constant 0 : index
    %get3A_1 = arith.constant 0 : index
    %get3A_2 = vector.load %arg2[%get3A, %get3A_0, %get3A_1] : memref<2x1000x16xf32, #tpu.memory_space<vmem>>, vector<1x1000x16xf32>
    %get3A_3 = vector.shape_cast %get3A_2 : vector<1x1000x16xf32> to vector<1000x16xf32>
    %get3A_4 = arith.constant 1 : index
    %get3A_5 = arith.constant 0 : index
    %get3A_6 = arith.constant 0 : index
    %get3A_7 = vector.load %arg2[%get3A_4, %get3A_5, %get3A_6] : memref<2x1000x16xf32, #tpu.memory_space<vmem>>, vector<1x1000x16xf32>
    %get3A_8 = vector.shape_cast %get3A_7 : vector<1x1000x16xf32> to vector<1000x16xf32>
    %add3A = arith.addf %get3A_3, %get3A_8 : vector<1000x16xf32>
    %max3A = arith.constant 1.000000e+00 : f32
    %max3A_9 = vector.broadcast %max3A : f32 to vector<1000x16xf32>
    %max3A_10 = arith.maximumf %add3A, %max3A_9 : vector<1000x16xf32>
    %div3A = arith.constant 1.000000e+00 : f32
    %div3A_11 = vector.broadcast %div3A : f32 to vector<1000x16xf32>
    %div3A_12 = arith.divf %div3A_11, %max3A_10 : vector<1000x16xf32>
    %iota3A = tpu.iota {dimensions = array<i32: 1>} : vector<1000x16xi32>
    %eq3A = arith.constant 1 : i32
    %eq3A_13 = vector.broadcast %eq3A : i32 to vector<1000x16xi32>
    %eq3A_14 = arith.cmpi eq, %iota3A, %eq3A_13 : vector<1000x16xi32>
    %slice3A = vector.extract_strided_slice %add3A {offsets = [0, 0], sizes = [1000, 1], strides = [1, 1]} : vector<1000x16xf32> to vector<1000x1xf32>
    %min3A = arith.constant 1.000000e+00 : f32
    %min3A_15 = vector.broadcast %min3A : f32 to vector<1000x1xf32>
    %min3A_16 = arith.minimumf %slice3A, %min3A_15 : vector<1000x1xf32>
    %broadcast_in_dim3A = vector.shape_cast %min3A_16 : vector<1000x1xf32> to vector<1000x1xf32>
    %broadcast_in_dim3A_17 = vector.broadcast %broadcast_in_dim3A : vector<1000x1xf32> to vector<1000x16xf32>
    %select_n3A = arith.select %eq3A_14, %broadcast_in_dim3A_17, %div3A_12 : vector<1000x16xi1>, vector<1000x16xf32>
    %swap3A = arith.constant 0 : index
    %swap3A_18 = arith.constant 0 : index
    %swap3A_19 = vector.load %arg6[%swap3A, %swap3A_18] : memref<1000x16xf32, #tpu.memory_space<vmem>>, vector<1000x16xf32>
    tpu.vector_store %arg6[%swap3A, %swap3A_18], %select_n3A {strides = array<i32>} : memref<1000x16xf32, #tpu.memory_space<vmem>>, vector<1000x16xf32>,
    %get3A_20 = arith.constant 0 : index
    %get3A_21 = arith.constant 0 : index
    %get3A_22 = arith.constant 0 : index
    %get3A_23 = vector.load %arg1[%get3A_20, %get3A_21, %get3A_22] : memref<2x1000x64xf32, #tpu.memory_space<vmem>>, vector<1x1000x64xf32>
    %get3A_24 = vector.shape_cast %get3A_23 : vector<1x1000x64xf32> to vector<1000x64xf32>
    %get3A_25 = arith.constant 1 : index
    %get3A_26 = arith.constant 0 : index
    %get3A_27 = arith.constant 0 : index
    %get3A_28 = vector.load %arg1[%get3A_25, %get3A_26, %get3A_27] : memref<2x1000x64xf32, #tpu.memory_space<vmem>>, vector<1x1000x64xf32>
    %get3A_29 = vector.shape_cast %get3A_28 : vector<1x1000x64xf32> to vector<1000x64xf32>
    %add3A_30 = arith.addf %get3A_24, %get3A_29 : vector<1000x64xf32>
    %slice3A_31 = vector.extract_strided_slice %select_n3A {offsets = [0, 0], sizes = [1000, 1], strides = [1, 1]} : vector<1000x16xf32> to vector<1000x1xf32>
    %mul3A = vector.broadcast %slice3A_31 : vector<1000x1xf32> to vector<1000x64xf32>
    %mul3A_32 = arith.mulf %add3A_30, %mul3A : vector<1000x64xf32>
    %get3A_33 = arith.constant 0 : index
    %get3A_34 = arith.constant 0 : index
    %get3A_35 = vector.load %arg3[%get3A_33, %get3A_34] : memref<1000x64xf32, #tpu.memory_space<vmem>>, vector<1000x64xf32>
    %add3A_36 = arith.addf %mul3A_32, %get3A_35 : vector<1000x64xf32>
    %get3A_37 = arith.constant 0 : index
    %get3A_38 = arith.constant 0 : index
    %get3A_39 = vector.load %arg4[%get3A_37, %get3A_38] : memref<1x64xf32, #tpu.memory_space<vmem>>, vector<1x64xf32>
    %add3A_40 = vector.broadcast %get3A_39 : vector<1x64xf32> to vector<1000x64xf32>
    %add3A_41 = arith.addf %add3A_36, %add3A_40 : vector<1000x64xf32>
    %max3A_42 = arith.constant 0.000000e+00 : f32
    %max3A_43 = vector.broadcast %max3A_42 : f32 to vector<1000x64xf32>
    %max3A_44 = arith.maximumf %add3A_41, %max3A_43 : vector<1000x64xf32>
    %swap3A_45 = arith.constant 0 : index
    %swap3A_46 = arith.constant 0 : index
    %swap3A_47 = vector.load %arg5[%swap3A_45, %swap3A_46] : memref<1000x64xf32, #tpu.memory_space<vmem>>, vector<1000x64xf32>
    tpu.vector_store %arg5[%swap3A_45, %swap3A_46], %max3A_44 {strides = array<i32>} : memref<1000x64xf32, #tpu.memory_space<vmem>>, vector<1000x64xf32>,
    return
  }
  func.func @transform_0(%arg0: i32) -> (i32, i32, i32) {
    %c0_i32 = arith.constant 0 : i32
    %c0_i32_0 = arith.constant 0 : i32
    %c0_i32_1 = arith.constant 0 : i32
    return %c0_i32, %arg0, %c0_i32_0 : i32, i32, i32
  }
  func.func @transform_1(%arg0: i32) -> (i32, i32, i32) {
    %c0_i32 = arith.constant 0 : i32
    %c0_i32_0 = arith.constant 0 : i32
    %c0_i32_1 = arith.constant 0 : i32
    return %c0_i32, %arg0, %c0_i32_0 : i32, i32, i32
  }
  func.func @transform_2(%arg0: i32) -> (i32, i32) {
    %c0_i32 = arith.constant 0 : i32
    %c0_i32_0 = arith.constant 0 : i32
    return %arg0, %c0_i32 : i32, i32
  }
  func.func @transform_3(%arg0: i32) -> (i32, i32) {
    %c0_i32 = arith.constant 0 : i32
    %c0_i32_0 = arith.constant 0 : i32
    %c0_i32_1 = arith.constant 0 : i32
    return %c0_i32, %c0_i32_0 : i32, i32
  }
  func.func @transform_4(%arg0: i32) -> (i32, i32) {
    %c0_i32 = arith.constant 0 : i32
    %c0_i32_0 = arith.constant 0 : i32
    return %arg0, %c0_i32 : i32, i32
  }
  func.func @transform_5(%arg0: i32) -> (i32, i32) {
    %c0_i32 = arith.constant 0 : i32
    %c0_i32_0 = arith.constant 0 : i32
    return %arg0, %c0_i32 : i32, i32
  }
}

module attributes {stable_mosaic.version = 14 : i64} {
  func.func @body(%arg0: i32, %arg1: memref<2x1000x64xf32, #tpu.memory_space<vmem>>, %arg2: memref<1000x16xf32, #tpu.memory_space<vmem>>, %arg3: memref<1000x64xf32, #tpu.memory_space<vmem>>, %arg4: memref<64x128xf32, #tpu.memory_space<vmem>>, %arg5: memref<64x128xf32, #tpu.memory_space<vmem>>, %arg6: memref<1x128xf32, #tpu.memory_space<vmem>>, %arg7: memref<1000x128xf32, #tpu.memory_space<vmem>>, %arg8: memref<1000x64xf32, #tpu.memory_space<vmem>>) attributes {dimension_semantics = [#tpu.dimension_semantics<arbitrary>], iteration_bounds = array<i64: 10>, scalar_prefetch = 0 : i64, scratch_operands = 0 : i64, tpu.core_type = #tpu.core_type<tc>, window_params = [{transform_indices = @transform_0, window_bounds = array<i64: 2, 1000, 64>}, {transform_indices = @transform_1, window_bounds = array<i64: 1000, 16>}, {transform_indices = @transform_2, window_bounds = array<i64: 1000, 64>}, {pipeline_mode = #tpu.pipeline_mode<synchronous>, transform_indices = @transform_3, window_bounds = array<i64: 64, 128>}, {pipeline_mode = #tpu.pipeline_mode<synchronous>, transform_indices = @transform_4, window_bounds = array<i64: 64, 128>}, {pipeline_mode = #tpu.pipeline_mode<synchronous>, transform_indices = @transform_5, window_bounds = array<i64: 1, 128>}, {transform_indices = @transform_6, window_bounds = array<i64: 1000, 128>}, {transform_indices = @transform_7, window_bounds = array<i64: 1000, 64>}]} {
    %get3A = arith.constant 0 : index
    %get3A_0 = arith.constant 0 : index
    %get3A_1 = arith.constant 0 : index
    %get3A_2 = vector.load %arg1[%get3A, %get3A_0, %get3A_1] : memref<2x1000x64xf32, #tpu.memory_space<vmem>>, vector<1x1000x64xf32>
    %get3A_3 = vector.shape_cast %get3A_2 : vector<1x1000x64xf32> to vector<1000x64xf32>
    %get3A_4 = arith.constant 1 : index
    %get3A_5 = arith.constant 0 : index
    %get3A_6 = arith.constant 0 : index
    %get3A_7 = vector.load %arg1[%get3A_4, %get3A_5, %get3A_6] : memref<2x1000x64xf32, #tpu.memory_space<vmem>>, vector<1x1000x64xf32>
    %get3A_8 = vector.shape_cast %get3A_7 : vector<1x1000x64xf32> to vector<1000x64xf32>
    %add3A = arith.addf %get3A_3, %get3A_8 : vector<1000x64xf32>
    %get3A_9 = arith.constant 0 : index
    %get3A_10 = arith.constant 0 : index
    %get3A_11 = vector.load %arg2[%get3A_9, %get3A_10] : memref<1000x16xf32, #tpu.memory_space<vmem>>, vector<1000x1xf32>
    %mul3A = vector.broadcast %get3A_11 : vector<1000x1xf32> to vector<1000x64xf32>
    %mul3A_12 = arith.mulf %add3A, %mul3A : vector<1000x64xf32>
    %swap3A = arith.constant 0 : index
    %swap3A_13 = arith.constant 0 : index
    %swap3A_14 = vector.load %arg8[%swap3A, %swap3A_13] : memref<1000x64xf32, #tpu.memory_space<vmem>>, vector<1000x64xf32>
    tpu.vector_store %arg8[%swap3A, %swap3A_13], %mul3A_12 {strides = array<i32>} : memref<1000x64xf32, #tpu.memory_space<vmem>>, vector<1000x64xf32>,
    %get3A_15 = arith.constant 0 : index
    %get3A_16 = arith.constant 0 : index
    %get3A_17 = vector.load %arg4[%get3A_15, %get3A_16] : memref<64x128xf32, #tpu.memory_space<vmem>>, vector<64x128xf32>
    %dot_general3A = arith.constant dense<0.000000e+00> : vector<1000x128xf32>
    %dot_general3A_18 = tpu.matmul %mul3A_12, %get3A_17, %dot_general3A {dimension_numbers = #tpu.dot_dimension_numbers<[1], [0], [0], [1], [0, 0, 1, 1], [], []>, transpose_lhs_hint = false} : vector<1000x64xf32>, vector<64x128xf32>, vector<1000x128xf32> -> vector<1000x128xf32>
    %get3A_19 = arith.constant 0 : index
    %get3A_20 = arith.constant 0 : index
    %get3A_21 = vector.load %arg3[%get3A_19, %get3A_20] : memref<1000x64xf32, #tpu.memory_space<vmem>>, vector<1000x64xf32>
    %get3A_22 = arith.constant 0 : index
    %get3A_23 = arith.constant 0 : index
    %get3A_24 = vector.load %arg5[%get3A_22, %get3A_23] : memref<64x128xf32, #tpu.memory_space<vmem>>, vector<64x128xf32>
    %dot_general3A_25 = arith.constant dense<0.000000e+00> : vector<1000x128xf32>
    %dot_general3A_26 = tpu.matmul %get3A_21, %get3A_24, %dot_general3A_25 {dimension_numbers = #tpu.dot_dimension_numbers<[1], [0], [0], [1], [0, 0, 1, 1], [], []>, transpose_lhs_hint = false} : vector<1000x64xf32>, vector<64x128xf32>, vector<1000x128xf32> -> vector<1000x128xf32>
    %add3A_27 = arith.addf %dot_general3A_18, %dot_general3A_26 : vector<1000x128xf32>
    %get3A_28 = arith.constant 0 : index
    %get3A_29 = arith.constant 0 : index
    %get3A_30 = vector.load %arg6[%get3A_28, %get3A_29] : memref<1x128xf32, #tpu.memory_space<vmem>>, vector<1x128xf32>
    %add3A_31 = vector.broadcast %get3A_30 : vector<1x128xf32> to vector<1000x128xf32>
    %add3A_32 = arith.addf %add3A_27, %add3A_31 : vector<1000x128xf32>
    %swap3A_33 = arith.constant 0 : index
    %swap3A_34 = arith.constant 0 : index
    %swap3A_35 = vector.load %arg7[%swap3A_33, %swap3A_34] : memref<1000x128xf32, #tpu.memory_space<vmem>>, vector<1000x128xf32>
    tpu.vector_store %arg7[%swap3A_33, %swap3A_34], %add3A_32 {strides = array<i32>} : memref<1000x128xf32, #tpu.memory_space<vmem>>, vector<1000x128xf32>,
    return
  }
  func.func @transform_0(%arg0: i32) -> (i32, i32, i32) {
    %c0_i32 = arith.constant 0 : i32
    %c0_i32_0 = arith.constant 0 : i32
    %c0_i32_1 = arith.constant 0 : i32
    return %c0_i32, %arg0, %c0_i32_0 : i32, i32, i32
  }
  func.func @transform_1(%arg0: i32) -> (i32, i32) {
    %c0_i32 = arith.constant 0 : i32
    %c0_i32_0 = arith.constant 0 : i32
    return %arg0, %c0_i32 : i32, i32
  }
  func.func @transform_2(%arg0: i32) -> (i32, i32) {
    %c0_i32 = arith.constant 0 : i32
    %c0_i32_0 = arith.constant 0 : i32
    return %arg0, %c0_i32 : i32, i32
  }
  func.func @transform_3(%arg0: i32) -> (i32, i32) {
    %c0_i32 = arith.constant 0 : i32
    %c0_i32_0 = arith.constant 0 : i32
    %c0_i32_1 = arith.constant 0 : i32
    return %c0_i32, %c0_i32_0 : i32, i32
  }
  func.func @transform_4(%arg0: i32) -> (i32, i32) {
    %c0_i32 = arith.constant 0 : i32
    %c0_i32_0 = arith.constant 0 : i32
    %c0_i32_1 = arith.constant 0 : i32
    return %c0_i32, %c0_i32_0 : i32, i32
  }
  func.func @transform_5(%arg0: i32) -> (i32, i32) {
    %c0_i32 = arith.constant 0 : i32
    %c0_i32_0 = arith.constant 0 : i32
    %c0_i32_1 = arith.constant 0 : i32
    return %c0_i32, %c0_i32_0 : i32, i32
  }
  func.func @transform_6(%arg0: i32) -> (i32, i32) {
    %c0_i32 = arith.constant 0 : i32
    %c0_i32_0 = arith.constant 0 : i32
    return %arg0, %c0_i32 : i32, i32
  }
  func.func @transform_7(%arg0: i32) -> (i32, i32) {
    %c0_i32 = arith.constant 0 : i32
    %c0_i32_0 = arith.constant 0 : i32
    return %arg0, %c0_i32 : i32, i32
  }
}

module attributes {stable_mosaic.version = 14 : i64} {
  func.func @body(%arg0: i32, %arg1: memref<2x1000x64xf32, #tpu.memory_space<vmem>>, %arg2: memref<1000x16xf32, #tpu.memory_space<vmem>>, %arg3: memref<1000x64xf32, #tpu.memory_space<vmem>>, %arg4: memref<1000x128xf32, #tpu.memory_space<vmem>>, %arg5: memref<64x256xf32, #tpu.memory_space<vmem>>, %arg6: memref<64x256xf32, #tpu.memory_space<vmem>>, %arg7: memref<1x256xf32, #tpu.memory_space<vmem>>, %arg8: memref<128x256xf32, #tpu.memory_space<vmem>>, %arg9: memref<1x256xf32, #tpu.memory_space<vmem>>, %arg10: memref<256x64xf32, #tpu.memory_space<vmem>>, %arg11: memref<1x64xf32, #tpu.memory_space<vmem>>, %arg12: memref<1000x64xf32, #tpu.memory_space<vmem>>) attributes {dimension_semantics = [#tpu.dimension_semantics<arbitrary>], iteration_bounds = array<i64: 10>, scalar_prefetch = 0 : i64, scratch_operands = 0 : i64, tpu.core_type = #tpu.core_type<tc>, window_params = [{transform_indices = @transform_0, window_bounds = array<i64: 2, 1000, 64>}, {transform_indices = @transform_1, window_bounds = array<i64: 1000, 16>}, {transform_indices = @transform_2, window_bounds = array<i64: 1000, 64>}, {transform_indices = @transform_3, window_bounds = array<i64: 1000, 128>}, {pipeline_mode = #tpu.pipeline_mode<synchronous>, transform_indices = @transform_4, window_bounds = array<i64: 64, 256>}, {pipeline_mode = #tpu.pipeline_mode<synchronous>, transform_indices = @transform_5, window_bounds = array<i64: 64, 256>}, {pipeline_mode = #tpu.pipeline_mode<synchronous>, transform_indices = @transform_6, window_bounds = array<i64: 1, 256>}, {pipeline_mode = #tpu.pipeline_mode<synchronous>, transform_indices = @transform_7, window_bounds = array<i64: 128, 256>}, {pipeline_mode = #tpu.pipeline_mode<synchronous>, transform_indices = @transform_8, window_bounds = array<i64: 1, 256>}, {pipeline_mode = #tpu.pipeline_mode<synchronous>, transform_indices = @transform_9, window_bounds = array<i64: 256, 64>}, {pipeline_mode = #tpu.pipeline_mode<synchronous>, transform_indices = @transform_10, window_bounds = array<i64: 1, 64>}, {transform_indices = @transform_11, window_bounds = array<i64: 1000, 64>}]} {
    %get3A = arith.constant 0 : index
    %get3A_0 = arith.constant 0 : index
    %get3A_1 = arith.constant 0 : index
    %get3A_2 = vector.load %arg1[%get3A, %get3A_0, %get3A_1] : memref<2x1000x64xf32, #tpu.memory_space<vmem>>, vector<1x1000x64xf32>
    %get3A_3 = vector.shape_cast %get3A_2 : vector<1x1000x64xf32> to vector<1000x64xf32>
    %get3A_4 = arith.constant 1 : index
    %get3A_5 = arith.constant 0 : index
    %get3A_6 = arith.constant 0 : index
    %get3A_7 = vector.load %arg1[%get3A_4, %get3A_5, %get3A_6] : memref<2x1000x64xf32, #tpu.memory_space<vmem>>, vector<1x1000x64xf32>
    %get3A_8 = vector.shape_cast %get3A_7 : vector<1x1000x64xf32> to vector<1000x64xf32>
    %add3A = arith.addf %get3A_3, %get3A_8 : vector<1000x64xf32>
    %get3A_9 = arith.constant 0 : index
    %get3A_10 = arith.constant 0 : index
    %get3A_11 = vector.load %arg2[%get3A_9, %get3A_10] : memref<1000x16xf32, #tpu.memory_space<vmem>>, vector<1000x1xf32>
    %mul3A = vector.broadcast %get3A_11 : vector<1000x1xf32> to vector<1000x64xf32>
    %mul3A_12 = arith.mulf %add3A, %mul3A : vector<1000x64xf32>
    %get3A_13 = arith.constant 0 : index
    %get3A_14 = arith.constant 1 : index
    %get3A_15 = vector.load %arg2[%get3A_13, %get3A_14] : memref<1000x16xf32, #tpu.memory_space<vmem>>, vector<1000x1xf32>
    %get3A_16 = arith.constant 0 : index
    %get3A_17 = arith.constant 0 : index
    %get3A_18 = vector.load %arg5[%get3A_16, %get3A_17] : memref<64x256xf32, #tpu.memory_space<vmem>>, vector<64x256xf32>
    %dot_general3A = arith.constant dense<0.000000e+00> : vector<1000x256xf32>
    %dot_general3A_19 = tpu.matmul %mul3A_12, %get3A_18, %dot_general3A {dimension_numbers = #tpu.dot_dimension_numbers<[1], [0], [0], [1], [0, 0, 1, 1], [], []>, transpose_lhs_hint = false} : vector<1000x64xf32>, vector<64x256xf32>, vector<1000x256xf32> -> vector<1000x256xf32>
    %get3A_20 = arith.constant 0 : index
    %get3A_21 = arith.constant 0 : index
    %get3A_22 = vector.load %arg3[%get3A_20, %get3A_21] : memref<1000x64xf32, #tpu.memory_space<vmem>>, vector<1000x64xf32>
    %get3A_23 = arith.constant 0 : index
    %get3A_24 = arith.constant 0 : index
    %get3A_25 = vector.load %arg6[%get3A_23, %get3A_24] : memref<64x256xf32, #tpu.memory_space<vmem>>, vector<64x256xf32>
    %dot_general3A_26 = arith.constant dense<0.000000e+00> : vector<1000x256xf32>
    %dot_general3A_27 = tpu.matmul %get3A_22, %get3A_25, %dot_general3A_26 {dimension_numbers = #tpu.dot_dimension_numbers<[1], [0], [0], [1], [0, 0, 1, 1], [], []>, transpose_lhs_hint = false} : vector<1000x64xf32>, vector<64x256xf32>, vector<1000x256xf32> -> vector<1000x256xf32>
    %add3A_28 = arith.addf %dot_general3A_19, %dot_general3A_27 : vector<1000x256xf32>
    %get3A_29 = arith.constant 0 : index
    %get3A_30 = arith.constant 0 : index
    %get3A_31 = vector.load %arg4[%get3A_29, %get3A_30] : memref<1000x128xf32, #tpu.memory_space<vmem>>, vector<1000x128xf32>
    %get3A_32 = arith.constant 0 : index
    %get3A_33 = arith.constant 0 : index
    %get3A_34 = vector.load %arg8[%get3A_32, %get3A_33] : memref<128x256xf32, #tpu.memory_space<vmem>>, vector<128x256xf32>
    %dot_general3A_35 = arith.constant dense<0.000000e+00> : vector<1000x256xf32>
    %dot_general3A_36 = tpu.matmul %get3A_31, %get3A_34, %dot_general3A_35 {dimension_numbers = #tpu.dot_dimension_numbers<[1], [0], [0], [1], [0, 0, 1, 1], [], []>, transpose_lhs_hint = false} : vector<1000x128xf32>, vector<128x256xf32>, vector<1000x256xf32> -> vector<1000x256xf32>
    %add3A_37 = arith.addf %add3A_28, %dot_general3A_36 : vector<1000x256xf32>
    %get3A_38 = arith.constant 0 : index
    %get3A_39 = arith.constant 0 : index
    %get3A_40 = vector.load %arg7[%get3A_38, %get3A_39] : memref<1x256xf32, #tpu.memory_space<vmem>>, vector<1x256xf32>
    %mul3A_41 = vector.broadcast %get3A_15 : vector<1000x1xf32> to vector<1000x256xf32>
    %mul3A_42 = vector.broadcast %get3A_40 : vector<1x256xf32> to vector<1000x256xf32>
    %mul3A_43 = arith.mulf %mul3A_41, %mul3A_42 : vector<1000x256xf32>
    %add3A_44 = arith.addf %add3A_37, %mul3A_43 : vector<1000x256xf32>
    %get3A_45 = arith.constant 0 : index
    %get3A_46 = arith.constant 0 : index
    %get3A_47 = vector.load %arg9[%get3A_45, %get3A_46] : memref<1x256xf32, #tpu.memory_space<vmem>>, vector<1x256xf32>
    %add3A_48 = vector.broadcast %get3A_47 : vector<1x256xf32> to vector<1000x256xf32>
    %add3A_49 = arith.addf %add3A_44, %add3A_48 : vector<1000x256xf32>
    %max3A = arith.constant 0.000000e+00 : f32
    %max3A_50 = vector.broadcast %max3A : f32 to vector<1000x256xf32>
    %max3A_51 = arith.maximumf %add3A_49, %max3A_50 : vector<1000x256xf32>
    %get3A_52 = arith.constant 0 : index
    %get3A_53 = arith.constant 0 : index
    %get3A_54 = vector.load %arg10[%get3A_52, %get3A_53] : memref<256x64xf32, #tpu.memory_space<vmem>>, vector<256x64xf32>
    %dot_general3A_55 = arith.constant dense<0.000000e+00> : vector<1000x64xf32>
    %dot_general3A_56 = tpu.matmul %max3A_51, %get3A_54, %dot_general3A_55 {dimension_numbers = #tpu.dot_dimension_numbers<[1], [0], [0], [1], [0, 0, 1, 1], [], []>, transpose_lhs_hint = false} : vector<1000x256xf32>, vector<256x64xf32>, vector<1000x64xf32> -> vector<1000x64xf32>
    %get3A_57 = arith.constant 0 : index
    %get3A_58 = arith.constant 0 : index
    %get3A_59 = vector.load %arg11[%get3A_57, %get3A_58] : memref<1x64xf32, #tpu.memory_space<vmem>>, vector<1x64xf32>
    %add3A_60 = vector.broadcast %get3A_59 : vector<1x64xf32> to vector<1000x64xf32>
    %add3A_61 = arith.addf %dot_general3A_56, %add3A_60 : vector<1000x64xf32>
    %reduce_max3A = arith.constant dense<0xFF800000> : vector<1000xf32>
    %reduce_max3A_62 = vector.multi_reduction <maximumf>, %add3A_61, %reduce_max3A [1] : vector<1000x64xf32> to vector<1000xf32>
    %broadcast_in_dim3A = vector.shape_cast %reduce_max3A_62 : vector<1000xf32> to vector<1000x1xf32>
    %sub3A = vector.broadcast %broadcast_in_dim3A : vector<1000x1xf32> to vector<1000x64xf32>
    %sub3A_63 = arith.subf %add3A_61, %sub3A : vector<1000x64xf32>
    %exp3A = math.exp %sub3A_63 : vector<1000x64xf32>
    %reduce_sum3A = arith.constant dense<0.000000e+00> : vector<1000xf32>
    %reduce_sum3A_64 = vector.multi_reduction <add>, %exp3A, %reduce_sum3A [1] : vector<1000x64xf32> to vector<1000xf32>
    %broadcast_in_dim3A_65 = vector.shape_cast %reduce_sum3A_64 : vector<1000xf32> to vector<1000x1xf32>
    %div3A = vector.broadcast %broadcast_in_dim3A_65 : vector<1000x1xf32> to vector<1000x64xf32>
    %div3A_66 = arith.divf %exp3A, %div3A : vector<1000x64xf32>
    %swap3A = arith.constant 0 : index
    %swap3A_67 = arith.constant 0 : index
    %swap3A_68 = vector.load %arg12[%swap3A, %swap3A_67] : memref<1000x64xf32, #tpu.memory_space<vmem>>, vector<1000x64xf32>
    tpu.vector_store %arg12[%swap3A, %swap3A_67], %div3A_66 {strides = array<i32>} : memref<1000x64xf32, #tpu.memory_space<vmem>>, vector<1000x64xf32>,
    return
  }
  func.func @transform_0(%arg0: i32) -> (i32, i32, i32) {
    %c0_i32 = arith.constant 0 : i32
    %c0_i32_0 = arith.constant 0 : i32
    %c0_i32_1 = arith.constant 0 : i32
    return %c0_i32, %arg0, %c0_i32_0 : i32, i32, i32
  }
  func.func @transform_1(%arg0: i32) -> (i32, i32) {
    %c0_i32 = arith.constant 0 : i32
    %c0_i32_0 = arith.constant 0 : i32
    return %arg0, %c0_i32 : i32, i32
  }
  func.func @transform_2(%arg0: i32) -> (i32, i32) {
    %c0_i32 = arith.constant 0 : i32
    %c0_i32_0 = arith.constant 0 : i32
    return %arg0, %c0_i32 : i32, i32
  }
  func.func @transform_3(%arg0: i32) -> (i32, i32) {
    %c0_i32 = arith.constant 0 : i32
    %c0_i32_0 = arith.constant 0 : i32
    return %arg0, %c0_i32 : i32, i32
  }
  func.func @transform_4(%arg0: i32) -> (i32, i32) {
    %c0_i32 = arith.constant 0 : i32
    %c0_i32_0 = arith.constant 0 : i32
    %c0_i32_1 = arith.constant 0 : i32
    return %c0_i32, %c0_i32_0 : i32, i32
  }
  func.func @transform_5(%arg0: i32) -> (i32, i32) {
    %c0_i32 = arith.constant 0 : i32
    %c0_i32_0 = arith.constant 0 : i32
    %c0_i32_1 = arith.constant 0 : i32
    return %c0_i32, %c0_i32_0 : i32, i32
  }
  func.func @transform_6(%arg0: i32) -> (i32, i32) {
    %c0_i32 = arith.constant 0 : i32
    %c0_i32_0 = arith.constant 0 : i32
    %c0_i32_1 = arith.constant 0 : i32
    return %c0_i32, %c0_i32_0 : i32, i32
  }
  func.func @transform_7(%arg0: i32) -> (i32, i32) {
    %c0_i32 = arith.constant 0 : i32
    %c0_i32_0 = arith.constant 0 : i32
    %c0_i32_1 = arith.constant 0 : i32
    return %c0_i32, %c0_i32_0 : i32, i32
  }
  func.func @transform_8(%arg0: i32) -> (i32, i32) {
    %c0_i32 = arith.constant 0 : i32
    %c0_i32_0 = arith.constant 0 : i32
    %c0_i32_1 = arith.constant 0 : i32
    return %c0_i32, %c0_i32_0 : i32, i32
  }
  func.func @transform_9(%arg0: i32) -> (i32, i32) {
    %c0_i32 = arith.constant 0 : i32
    %c0_i32_0 = arith.constant 0 : i32
    %c0_i32_1 = arith.constant 0 : i32
    return %c0_i32, %c0_i32_0 : i32, i32
  }
  func.func @transform_10(%arg0: i32) -> (i32, i32) {
    %c0_i32 = arith.constant 0 : i32
    %c0_i32_0 = arith.constant 0 : i32
    %c0_i32_1 = arith.constant 0 : i32
    return %c0_i32, %c0_i32_0 : i32, i32
  }
  func.func @transform_11(%arg0: i32) -> (i32, i32) {
    %c0_i32 = arith.constant 0 : i32
    %c0_i32_0 = arith.constant 0 : i32
    return %arg0, %c0_i32 : i32, i32
  }
}

</mosaic_0001>

<sc_bundles>
// kernel: kernel.12.cloned.1.call-start
scs
__scs_entry_jumppad:
0x0: {  	(pc) =	sbr.rel $0x88, $3  }
0x1: {  	(tag) =	ssettag $0x0;
	lr =	simm.s32 $0x1  }
0x2: {  	[smem:$0x3F94] =	sst lr;
	_ =	strace $0xD0000000  }
0x3: {  	_ = 	snop  }
0x4: {  	_ = 	snop  }
0x5: {  	_ = 	snop  }
0x6: {  	_ = 	snop  }
0x7: {  	_ = 	snop  }
__scs_overlays_trampoline_lowered:
0x8: {  	[smem:$0x3FA3] =	sst s0  }
0x9: {  	[smem:$0x3FA4] =	sst s1  }
0xa: {  	[smem:$0x3FA5] =	sst s2  }
0xb: {  	[smem:$0x3FA6] =	sst s3  }
0xc: {  	[smem:$0x3FA7] =	sst s4  }
0xd: {  	[smem:$0x3FA8] =	sst s5  }
0xe: {  	[smem:$0x3FA9] =	sst s6  }
0xf: {  	[smem:$0x3FAA] =	sst s7  }
0x10: {  	[smem:$0x3FAB] =	sst s8  }
0x11: {  	[smem:$0x3FAC] =	sst s9;
	s0 =	simm.s32 @!p0 $0x0  }
0x12: {  	s1 =	sld [smem:$0x3F92];
	s0 =	simm.s32 @p0 $0x1  }
0x13: {  	[smem:$0x3FAD] =	sst s0;
	s0 =	simm.s32 @!p1 $0x0  }
0x14: {  	s2 =	sld [smem:$0x3F91];
	s0 =	simm.s32 @p1 $0x1  }
0x15: {  	[smem:$0x3FAE] =	sst s0;
	s0 =	simm.s32 @!p2 $0x0  }
0x16: {  	s3 =	sld [smem:$0x3FDB];
	s0 =	simm.s32 @p2 $0x1  }
0x17: {  	s4 =	simm.s32 $0x1BF5;
	[smem:$0x3FB0] =	sst s0  }
0x18: {  	s0 =	sld [smem:$0x3F93];
	_ =	swait.ge [sflag:s4], $0x0  }
0x19: {  	s7 =	sld [smem:$0x3F94]  }
0x1a: {  	s8 =	sadd.s32 $0xFFFFE003, lr  }
0x1b: {  	s9 =	sadd.s32 $0xFFFFFEF7, lr;
	s5 =	simm.s32 $0xFFFFFFFF;
	p2 =	slt.u32 s8, $0xFFFFF086  }
0x1c: {  	p1 =	slt.u32 s9, $0xF7A;
	s5 =	simm.s32 @!p2 $0x0  }
0x1d: {  	s5 =	simm.s32 @p1 $0x1;
	p0 =	seq.s32 s7, s2  }
0x1e: {  	s7 =	smul.u32 @!p0 $0xF7A, s2;
	p2 =	seq.s32 @!p0 s5, $0x0  }
0x1f: {  	s9 =	smul.u32 $0xF7A, s1;
	s8 =	simm.s32 @!p0 $0x1BF5;
	p2 =	por !p2, p0  }
0x20: {  	[sflag:s8] =	ssyncset.s32 @!p0 $0xFFFFF086;
	s6 =	sadd.s32 @!p0 s3, s7;
	s7 =	simm.s32 @!p0 $0x108  }
0x21: {  	s3 =	sadd.s32 s3, s9;
	s6 =	sadd.s32 @!p0 $0x88, s6;
	s7 =	simm.s32 @p2 $0x1082  }
0x22: {  	[simem:s7], [sflag:s8] =	dma.local @!p0 [hbm:s6], $0xF7A  }
0x23: {  	s9 =	sor.u32 $0xD0000000, s2;
	s6 =	simm.s32 $0x108;
	_ =	swait.ge @!p0 [sflag:s8], $0x0  }
0x24: {  	s3 =	sadd.s32 $0x88, s3;
	s6 =	simm.s32 @!p1 $0x1082;
	[sflag:s4] =	ssyncset.s32 $0xFFFFF086  }
0x25: {  	[simem:s6], [sflag:s4] =	dma.local [hbm:s3], $0xF7A  }
0x26: {  	[smem:$0x3F94] =	sst s1;
	(tag) =	ssettag s2;
	_ =	strace s9  }
0x27: {  	s1 =	sld [smem:$0x3FA4]  }
0x28: {  	s2 =	sld [smem:$0x3FA5]  }
0x29: {  	s4 =	sld [smem:$0x3FA7]  }
0x2a: {  	p0 =	seq.s32 s5, $0x0;
	s5 =	sld [smem:$0x3FA8]  }
0x2b: {  	s6 =	sld [smem:$0x3FA9]  }
0x2c: {  	s7 =	sld [smem:$0x3FAA]  }
0x2d: {  	s3 =	simm.s32 $0x108;
	s8 =	sld [smem:$0x3FAB]  }
0x2e: {  	s3 =	simm.s32 @!p0 $0x1082;
	s9 =	sld [smem:$0x3FAC]  }
0x2f: {  	lr =	sadd.s32 s0, s3;
	s0 =	sld [smem:$0x3FA3]  }
0x30: {  	s3 =	sld [smem:$0x3FA6]  }
0x31: {  	[smem:$0x3FAF] =	sst s10  }
0x32: {  	s10 =	sld [smem:$0x3FAD];
	_ =	sdelay $0x3  }
0x33: {  	p0 =	seq.s32 s10, $0x1;
	s10 =	sld [smem:$0x3FAF];
	_ =	sdelay $0x3  }
0x34: {  	[smem:$0x3FAF] =	sst s10  }
0x35: {  	s10 =	sld [smem:$0x3FAE];
	_ =	sdelay $0x3  }
0x36: {  	p1 =	seq.s32 s10, $0x1;
	s10 =	sld [smem:$0x3FAF];
	_ =	sdelay $0x3  }
0x37: {  	[smem:$0x3FAF] =	sst s10  }
0x38: {  	s10 =	sld [smem:$0x3FB0]  }
0x39: {  	_ = 	snop;
	(pc) =	sbr.ind lr, $3  }
0x3a: {  	_ = 	snop  }
0x3b: {  	_ = 	snop  }
0x3c: {  	p2 =	seq.s32 s10, $0x1;
	s10 =	sld [smem:$0x3FAF]  }
0x3d: {  	_ =	shalt  }
0x3e: {  	_ =	shalt  }
0x3f: {  	_ =	shalt  }
0x40: {  	_ =	shalt  }
0x41: {  	_ =	shalt  }
0x42: {  	_ =	shalt  }
0x43: {  	_ =	shalt  }
0x44: {  	_ =	shalt  }
0x45: {  	_ =	shalt  }
0x46: {  	_ =	shalt  }
0x47: {  	_ =	shalt  }
0x48: {  	_ =	shalt  }
0x49: {  	_ =	shalt  }
0x4a: {  	_ =	shalt  }
0x4b: {  	_ =	shalt  }
0x4c: {  	_ =	shalt  }
0x4d: {  	_ =	shalt  }
0x4e: {  	_ =	shalt  }
0x4f: {  	_ =	shalt  }
0x50: {  	_ =	shalt  }
0x51: {  	_ =	shalt  }
0x52: {  	_ =	shalt  }
0x53: {  	_ =	shalt  }
0x54: {  	_ =	shalt  }
0x55: {  	_ =	shalt  }
0x56: {  	_ =	shalt  }
0x57: {  	_ =	shalt  }
0x58: {  	_ =	shalt  }
0x59: {  	_ =	shalt  }
0x5a: {  	_ =	shalt  }
0x5b: {  	_ =	shalt  }
0x5c: {  	_ =	shalt  }
0x5d: {  	_ =	shalt  }
0x5e: {  	_ =	shalt  }
0x5f: {  	_ =	shalt  }
0x60: {  	_ =	shalt  }
0x61: {  	_ =	shalt  }
0x62: {  	_ =	shalt  }
0x63: {  	_ =	shalt  }
0x64: {  	_ =	shalt  }
0x65: {  	_ =	shalt  }
0x66: {  	_ =	shalt  }
0x67: {  	_ =	shalt  }
0x68: {  	_ =	shalt  }
0x69: {  	_ =	shalt  }
0x6a: {  	_ =	shalt  }
0x6b: {  	_ =	shalt  }
0x6c: {  	_ =	shalt  }
0x6d: {  	_ =	shalt  }
0x6e: {  	_ =	shalt  }
0x6f: {  	_ =	shalt  }
0x70: {  	_ =	shalt  }
0x71: {  	_ =	shalt  }
0x72: {  	_ =	shalt  }
0x73: {  	_ =	shalt  }
0x74: {  	_ =	shalt  }
0x75: {  	_ =	shalt  }
0x76: {  	_ =	shalt  }
0x77: {  	_ =	shalt  }
0x78: {  	_ =	shalt  }
0x79: {  	_ =	shalt  }
0x7a: {  	_ =	shalt  }
0x7b: {  	_ =	shalt  }
0x7c: {  	_ =	shalt  }
0x7d: {  	_ =	shalt  }
0x7e: {  	_ =	shalt  }
0x7f: {  	_ =	shalt  }
0x80: {  	_ =	shalt  }
0x81: {  	_ =	shalt  }
0x82: {  	_ =	shalt  }
0x83: {  	_ =	shalt  }
0x84: {  	_ =	shalt  }
0x85: {  	_ =	shalt  }
0x86: {  	_ =	shalt  }
0x87: {  	_ =	shalt  }
.Lfunc_end0:
.L_simem_size_0:
called_computation.1_lowered:
.L_overlay_start_0:
0x88: {  	s2 =	sld [smem:$0x3FD9]  }
0x89: {  	s3 =	sld [smem:$0x3FFE];
	_ =	sdelay $0x1  }
0x8a: {  	s1 =	srdreg.scid  }
0x8b: {  	s0 =	sand.u32 $0x1, s1  }
0x8c: {  	s17 =	sshll.u32 s0, $0xA;
	s2 =	sadd.s32 s3, s2  }
0x8d: {  	s2 =	sadd.s32 s2, s17  }
0x8e: {  	[smem:$0x3FBB] =	sst s2  }
0x8f: {  	_ = 	snop  }
0x90: {  	s2 =	sld [smem:$0x3FD0];
	(tm) =	ssettm $0x1  }
0x91: {  	s18 =	sld [smem:$0x3FFB];
	_ =	sdelay $0x3  }
0x92: {  	_ =	strace s18  }
0x93: {  	s3 =	sld [smem:$0x3FFC];
	_ =	sdelay $0x3  }
0x94: {  	_ =	strace s3  }
0x95: {  	s3 =	sld [smem:$0x3FFD];
	_ =	sdelay $0x3  }
0x96: {  	_ =	strace s3  }
0x97: {  	_ =	strace $0x8FFFFFFF  }
0x98: {  	s19 =	sld [smem:$0x3FDB];
	_ =	sdelay $0x1  }
0x99: {  	s4 =	simm.s32 $_scs_section_size  }
0x9a: {  	s5 =	simm.s32 $_size__tile_overlayer_lowered;
	s6 =	simm.s32 $_tile_overlayer_lowered  }
0x9b: {  	s22 =	simm.s32 $0x1BFF;
	s21 =	sshll.u32 s6, $0x1;
	s3 =	sadd.s32 s4, s19  }
0x9c: {  	s7 =	simm.s32 $0x0;
	s20 =	sshll.u32 s5, $0x1;
	s5 =	sadd.s32 s21, s3  }
0x9d: {  	[timem:s7], [sflag:s22] =	dma.local [hbm:s5], s20  }
0x9e: {  	_ =	swait.ge [sflag:s22], s20  }
0x9f: {  	s4 =	ssub.s32 $0x0, s20;
	[sflag:s22] =	ssyncset.done $0x0  }
0xa0: {  	[sflag:s22] =	ssyncadd.s32 s4;
	_ =	sdelay $0x1  }
0xa1: {  	s23 =	simm.s32 $0x1B8B  }
0xa2: {  	_ =	swait.ge [sflag:s23], $0x1  }
0xa3: {  	[sflag:s23] =	ssyncset.done $0x0  }
0xa4: {  	s25 =	simm.s32 $0x1B8E;
	s24 =	sld [smem:$0x3FFE];
	[sflag:s23] =	ssyncadd.s32 $0xFFFFFFFF  }
0xa5: {  	s26 =	simm.s32 $execute0_lowered;
	[smem:$0x3FD2] =	sst s25  }
0xa6: {  	s5 =	sshll.u32 s26, $0x1;
	_ =	strace $0x80000049;
	[dreg:$0x1] =	wrdreg $0xFFFFFFFF  }
0xa7: {  	s28 =	simm.s32 $_size_execute0_lowered;
	s3 =	sadd.s32 s3, s5;
	[dreg:$0x0] =	wrdreg $0x0  }
0xa8: {  	s5 =	sshll.u32 s28, $0x1;
	[dreg:$0x2] =	wrdreg s3  }
0xa9: {  	[dreg:$0x3] =	wrdreg s5  }
0xaa: {  	[dreg:$0x4] =	wrdreg $0xC0  }
0xab: {  	_ =	task [dreg:s7], $0x5FFFF  }
0xac: {  	[dreg:$0x1] =	wrdreg $0xFFFFFFFF  }
0xad: {  	[dreg:$0x0] =	wrdreg $0x60  }
0xae: {  	[dreg:$0x2] =	wrdreg s24  }
0xaf: {  	[dreg:$0x3] =	wrdreg s2  }
0xb0: {  	[dreg:$0x4] =	wrdreg $0xC8000  }
0xb1: {  	[dreg:$0x5] =	wrdreg $0x9  }
0xb2: {  	_ =	task.clear_ibuf [dreg:s7], $0x6FFFF;
	_ =	strace $0x90000049  }
0xb3: {  	s29 =	simm.s32 $0x9;
	_ =	strace $0x8000004B  }
0xb4: {  	_ =	swait.ge [sflag:s29], $0x1  }
0xb5: {  	[sflag:s29] =	ssyncadd.s32 $0xFFFFFFFF  }
0xb6: {  	_ =	strace $0x9000004B  }
0xb7: {  	_ =	sfence  }
0xb8: {  	s30 =	sld [smem:$0x0];
	_ =	sdelay $0x2  }
0xb9: {  	s31 =	sshll.u32 s1, $0xD;
	s1 =	sshrl.u32 s1, $0x2  }
0xba: {  	s3 =	sand.u32 $0x4000, s31;
	s1 =	sadd.s32 s1, s30  }
0xbb: {  	s0 =	sor.u32 s3, s0;
	s1 =	sshll.u32 s1, $0x11  }
0xbc: {  	s0 =	sor.u32 s1, s0  }
0xbd: {  	s0 =	sadd.s32 $0x8F2B, s0  }
0xbe: {  	[sflag:s0] =	ssyncadd.remote.s32 $0x1  }
0xbf: {  	_ =	sfence.sel $0xFFFF  }
0xc0: {  	[dreg:$0x0] =	wrdreg $0xFFFFFFFF;
	(pc) =	sbr.abs _section_cstart, $3  }
0xc1: {  	[dreg:$0x1] =	wrdreg $0xFFFFFFFF  }
0xc2: {  	_ =	task.clear_ibuf [dreg:s7], $0x2FFFF;
	_ =	strace $0x9FFFFFFF  }
0xc3: {  	(tm) =	ssettm $0x7FFFFFFF  }
tec
execute0_lowered:
.L_overlay_start_1:
0x0: {  	(tag) =	ssettag $0x1  }
0x1: {  	s0 =	rddreg [dreg:$0x0]  }
0x2: {  	s1 =	rddreg [dreg:$0x1]  }
0x3: {  	s2 =	rddreg [dreg:$0x2];
	s4 =	srdreg.scid  }
0x4: {  	s11 =	stileid.u32;
	s3 =	simm.s32 $0x0;
	s15 =	simm.s32 $0x2400  }
0x5: {  	s16 =	simm.s32 $0x80;
	s17 =	simm.s32 $0x4800;
	s18 =	simm.s32 $0x6800  }
0x6: {  	s19 =	simm.s32 $0x100;
	s20 =	simm.s32 $0x8800;
	s21 =	simm.s32 $0x180  }
0x7: {  	s22 =	simm.s32 $0xA800;
	s23 =	simm.s32 $0x1;
	s24 =	simm.s32 $0x2  }
0x8: {  	s25 =	simm.s32 $0x3;
	s28 =	simm.s32 $0x380;
	s29 =	simm.s32 $0x0  }
0x9: {  	s13 =	sand.u32 $0x1, s4;
	s5 =	smul.u32 $0x9E00, s11;
	[smem:$0x7FF] =	sst s3  }
0xa: {  	s4 =	sadd.s32 $0x1E00, s0;
	s9 =	sadd.s32 $0x1AA00, s0;
	s10 =	sadd.s32 $0x15A00, s0  }
0xb: {  	s30 =	sshll.u32 s11, $0x7;
	s31 =	sshll.u32 s11, $0x6;
	s11 =	smul.u32 $0x480, s11  }
0xc: {  	s6 =	smul.u32 $0x9E000, s13;
	_ =	strace $0x8000004A;
	s7 =	ssub.s32 $0x2, s13  }
0xd: {  	p0 =	sne.s32 s13, $0x0;
	s8 =	sshrl.u32 s7, $0x1;
	s26 =	sshrl.u32 s5, $0x3  }
0xe: {  	s14 =	sadd.s32 s5, s2;
	s6 =	sadd.s32 s5, s6;
	s12 =	ssub.s32 s7, s8  }
.Ltmp0:
0xf: {  	s5 =	sadd.s32 s1, s26;
	s1 =	sor.u32 $0x4800, s30;
	(pc) =	sbr.rel .LBB2_1-.Ltmp0, $4  }
0x10: {  	s13 =	sshrl.u32 s14, $0x3;
	s14 =	simm.s32 $0x5;
	s26 =	simm.s32 $0x4  }
0x11: {  	s6 =	sshrl.u32 s6, $0x3;
	s7 =	sadd.s32 s9, s1;
	s8 =	sadd.s32 s10, s1  }
0x12: {  	s9 =	sadd.s32 s9, s11;
	s10 =	sadd.s32 s10, s11;
	s0 =	sadd.s32 s6, s0  }
0x13: {  	s12 =	smax.u32 s12, $0x1;
	s6 =	sor.u32 $0x1C05, s31;
	s11 =	sadd.s32 $0x1FA00, s0  }
.LBB2_5:
0x14: {  	[tilespmem:s3], [sflag:$0x5] =	stream.linear.gather [hbm4b:s7+s3], $0x400, $0x38;
	[tilespmem:$0x16600] =	vst v63  }
0x15: {  	_ =	swait.ge [sflag:s14], $0x400  }
0x16: {  	[sflag:s14] =	ssyncset.done $0x0  }
0x17: {  	[sflag:s14] =	ssyncadd.s32 $0xFFFFFC00  }
0x18: {  	[tilespmem:s15], [sflag:$0x5] =	stream.linear.gather [hbm4b:s8+s3], $0x400, $0x38;
	[tilespmem:$0x16600] =	vst v63  }
0x19: {  	_ =	swait.ge [sflag:s14], $0x400  }
0x1a: {  	[sflag:s14] =	ssyncset.done $0x0  }
0x1b: {  	[sflag:s14] =	ssyncadd.s32 $0xFFFFFC00  }
0x1c: {  	[bflag:$0x0] =	sbarrier.arrive $0xFFFF  }
0x1d: {  	[tilespmem:s17], [sflag:$0x1] =	stream.indirect.gather [hbm4b:s4+s16], $0x40, s3, s16, $0xb8;
	[tilespmem:$0x16600] =	vst v63  }
0x1e: {  	_ = 	snop  }
0x1f: {  	[tilespmem:s18], [sflag:$0x2] =	stream.indirect.gather [hbm4b:s4+s16], $0x40, s16, s16, $0xb8;
	[tilespmem:$0x16600] =	vst v63  }
0x20: {  	_ = 	snop  }
0x21: {  	[tilespmem:s20], [sflag:$0x3] =	stream.indirect.gather [hbm4b:s4+s16], $0x40, s19, s16, $0xb8;
	[tilespmem:$0x16600] =	vst v63  }
0x22: {  	_ = 	snop  }
0x23: {  	[tilespmem:s22], [sflag:$0x4] =	stream.indirect.gather [hbm4b:s4+s16], $0x40, s21, s16, $0xb8;
	[tilespmem:$0x16600] =	vst v63  }
0x24: {  	_ =	swait.ge [sflag:s23], $0x2000  }
0x25: {  	[sflag:s23] =	ssyncset.done $0x0  }
0x26: {  	[sflag:s23] =	ssyncadd.s32 $0xFFFFE000  }
0x27: {  	[spmem:s2] =	stream.indirect.scatter.add.f32 [tilespmem:s17], [sflag:$0x5], $0x40, s15, s16, $0xb8;
	[tilespmem:$0x16600] =	vst v63  }
0x28: {  	_ =	swait.ge [sflag:s14], $0x2000  }
0x29: {  	[sflag:s14] =	ssyncset.done $0x0  }
0x2a: {  	s0 =	simm.s32 $0x200;
	[sflag:s14] =	ssyncadd.s32 $0xFFFFE000  }
0x2b: {  	[tilespmem:s17], [sflag:$0x1] =	stream.indirect.gather [hbm4b:s4+s16], $0x40, s0, s16, $0xb8;
	[tilespmem:$0x16600] =	vst v63  }
0x2c: {  	_ =	swait.ge [sflag:s24], $0x2000  }
0x2d: {  	[sflag:s24] =	ssyncset.done $0x0  }
0x2e: {  	s1 =	simm.s32 $0x2480;
	[sflag:s24] =	ssyncadd.s32 $0xFFFFE000  }
0x2f: {  	[spmem:s2] =	stream.indirect.scatter.add.f32 [tilespmem:s18], [sflag:$0x5], $0x40, s1, s16, $0xb8;
	[tilespmem:$0x16600] =	vst v63  }
0x30: {  	_ =	swait.ge [sflag:s14], $0x2000  }
0x31: {  	[sflag:s14] =	ssyncset.done $0x0  }
0x32: {  	s1 =	simm.s32 $0x280;
	[sflag:s14] =	ssyncadd.s32 $0xFFFFE000  }
0x33: {  	[tilespmem:s18], [sflag:$0x2] =	stream.indirect.gather [hbm4b:s4+s16], $0x40, s1, s16, $0xb8;
	[tilespmem:$0x16600] =	vst v63  }
0x34: {  	_ =	swait.ge [sflag:s25], $0x2000  }
0x35: {  	[sflag:s25] =	ssyncset.done $0x0  }
0x36: {  	s1 =	simm.s32 $0x2500;
	[sflag:s25] =	ssyncadd.s32 $0xFFFFE000  }
0x37: {  	[spmem:s2] =	stream.indirect.scatter.add.f32 [tilespmem:s20], [sflag:$0x5], $0x40, s1, s16, $0xb8;
	[tilespmem:$0x16600] =	vst v63  }
0x38: {  	_ =	swait.ge [sflag:s14], $0x2000  }
0x39: {  	[sflag:s14] =	ssyncset.done $0x0  }
0x3a: {  	s1 =	simm.s32 $0x300;
	[sflag:s14] =	ssyncadd.s32 $0xFFFFE000  }
0x3b: {  	[tilespmem:s20], [sflag:$0x3] =	stream.indirect.gather [hbm4b:s4+s16], $0x40, s1, s16, $0xb8;
	[tilespmem:$0x16600] =	vst v63  }
0x3c: {  	_ =	swait.ge [sflag:s26], $0x2000  }
0x3d: {  	[sflag:s26] =	ssyncset.done $0x0  }
0x3e: {  	s1 =	simm.s32 $0x2580;
	[sflag:s26] =	ssyncadd.s32 $0xFFFFE000  }
0x3f: {  	[spmem:s2] =	stream.indirect.scatter.add.f32 [tilespmem:s22], [sflag:$0x5], $0x40, s1, s16, $0xb8;
	[tilespmem:$0x16600] =	vst v63  }
0x40: {  	_ =	swait.ge [sflag:s14], $0x2000  }
0x41: {  	s30 =	simm.s32 $0x2780;
	s31 =	simm.s32 $0x2700;
	[sflag:s14] =	ssyncset.done $0x0  }
0x42: {  	s0 =	simm.s32 $0x2680;
	s1 =	simm.s32 $0x2600;
	[sflag:s14] =	ssyncadd.s32 $0xFFFFE000  }
0x43: {  	[tilespmem:s22], [sflag:$0x4] =	stream.indirect.gather [hbm4b:s4+s16], $0x40, s28, s16, $0xb8;
	[tilespmem:$0x16600] =	vst v63  }
.LBB2_6:
0x44: {  	_ =	swait.ge [sflag:s23], $0x2000  }
0x45: {  	[sflag:s23] =	ssyncset.done $0x0  }
0x46: {  	[sflag:s23] =	ssyncadd.s32 $0xFFFFE000  }
0x47: {  	[spmem:s2] =	stream.indirect.scatter.add.f32 [tilespmem:s17], [sflag:$0x5], $0x40, s1, s16, $0xb8;
	[tilespmem:$0x16600] =	vst v63  }
0x48: {  	_ =	swait.ge [sflag:s14], $0x2000  }
0x49: {  	[sflag:s14] =	ssyncset.done $0x0  }
0x4a: {  	[sflag:s14] =	ssyncadd.s32 $0xFFFFE000  }
0x4b: {  	_ =	swait.ge [sflag:s24], $0x2000  }
0x4c: {  	[sflag:s24] =	ssyncset.done $0x0  }
0x4d: {  	[sflag:s24] =	ssyncadd.s32 $0xFFFFE000  }
0x4e: {  	[spmem:s2] =	stream.indirect.scatter.add.f32 [tilespmem:s18], [sflag:$0x5], $0x40, s0, s16, $0xb8;
	[tilespmem:$0x16600] =	vst v63  }
0x4f: {  	_ =	swait.ge [sflag:s14], $0x2000  }
0x50: {  	[sflag:s14] =	ssyncset.done $0x0  }
0x51: {  	[sflag:s14] =	ssyncadd.s32 $0xFFFFE000  }
0x52: {  	_ =	swait.ge [sflag:s25], $0x2000  }
0x53: {  	[sflag:s25] =	ssyncset.done $0x0  }
0x54: {  	[sflag:s25] =	ssyncadd.s32 $0xFFFFE000  }
0x55: {  	[spmem:s2] =	stream.indirect.scatter.add.f32 [tilespmem:s20], [sflag:$0x5], $0x40, s31, s16, $0xb8;
	[tilespmem:$0x16600] =	vst v63  }
0x56: {  	_ =	swait.ge [sflag:s14], $0x2000  }
0x57: {  	[sflag:s14] =	ssyncset.done $0x0  }
0x58: {  	[sflag:s14] =	ssyncadd.s32 $0xFFFFE000  }
0x59: {  	_ =	swait.ge [sflag:s26], $0x2000  }
0x5a: {  	[sflag:s26] =	ssyncset.done $0x0  }
0x5b: {  	[sflag:s26] =	ssyncadd.s32 $0xFFFFE000  }
0x5c: {  	[spmem:s2] =	stream.indirect.scatter.add.f32 [tilespmem:s22], [sflag:$0x5], $0x40, s30, s16, $0xb8;
	[tilespmem:$0x16600] =	vst v63  }
0x5d: {  	_ =	swait.ge [sflag:s14], $0x2000  }
0x5e: {  	s29 =	sadd.s32 $0x1, s29;
	[sflag:s14] =	ssyncset.done $0x0  }
0x5f: {  	p1 =	sne.s32 s29, s12;
	[sflag:s14] =	ssyncadd.s32 $0xFFFFE000  }
.Ltmp1:
0x60: {  	[bflag:$0x0] =	sbarrier.arrive $0xFFFF;
	(pc) =	sbr.rel @!p1 .LBB2_7-.Ltmp1, $4  }
0x61: {  	[hbm:s11], [sflag:s6] =	dma.local [spmem:s13], $0x13C0  }
0x62: {  	_ =	swait.ge [sflag:s14], $0x13C0  }
0x63: {  	[sflag:s14] =	ssyncset.done $0x0  }
0x64: {  	[sflag:s14] =	ssyncadd.s32 $0xFFFFEC40  }
.LBB2_1:
.Ltmp2:
0x65: {  	(pc) =	sbr.rel @p0 .LBB2_5-.Ltmp2, $4  }
0x66: {  	[spmem:s13], [sflag:s6] =	dma.local [hbm:s5], $0x13C0  }
0x67: {  	_ =	swait.ge [sflag:s14], $0x13C0  }
0x68: {  	[sflag:s14] =	ssyncset.done $0x0  }
0x69: {  	[sflag:s14] =	ssyncadd.s32 $0xFFFFEC40  }
0x6a: {  	s0 =	simm.s32 $0x0  }
0x6b: {  	[tilespmem:s0], [sflag:$0x5] =	stream.linear.gather [hbm4b:s9+s0], $0x2400, $0x38;
	[tilespmem:$0x16600] =	vst v63  }
0x6c: {  	_ =	swait.ge [sflag:s14], $0x2400  }
0x6d: {  	[sflag:s14] =	ssyncset.done $0x0  }
0x6e: {  	[sflag:s14] =	ssyncadd.s32 $0xFFFFDC00  }
0x6f: {  	[tilespmem:s15], [sflag:$0x5] =	stream.linear.gather [hbm4b:s10+s0], $0x2400, $0x38;
	[tilespmem:$0x16600] =	vst v63  }
0x70: {  	_ =	swait.ge [sflag:s14], $0x2400  }
0x71: {  	[sflag:s14] =	ssyncset.done $0x0  }
0x72: {  	[sflag:s14] =	ssyncadd.s32 $0xFFFFDC00  }
0x73: {  	[bflag:$0x0] =	sbarrier.arrive $0xFFFF  }
0x74: {  	[tilespmem:s17], [sflag:$0x1] =	stream.indirect.gather [hbm4b:s4+s16], $0x40, s0, s16, $0xb8;
	[tilespmem:$0x16600] =	vst v63  }
0x75: {  	_ = 	snop  }
0x76: {  	[tilespmem:s18], [sflag:$0x2] =	stream.indirect.gather [hbm4b:s4+s16], $0x40, s16, s16, $0xb8;
	[tilespmem:$0x16600] =	vst v63  }
0x77: {  	_ = 	snop  }
0x78: {  	[tilespmem:s20], [sflag:$0x3] =	stream.indirect.gather [hbm4b:s4+s16], $0x40, s19, s16, $0xb8;
	[tilespmem:$0x16600] =	vst v63  }
0x79: {  	_ = 	snop  }
0x7a: {  	[tilespmem:s22], [sflag:$0x4] =	stream.indirect.gather [hbm4b:s4+s16], $0x40, s21, s16, $0xb8;
	[tilespmem:$0x16600] =	vst v63  }
0x7b: {  	_ =	swait.ge [sflag:s23], $0x2000  }
0x7c: {  	[sflag:s23] =	ssyncset.done $0x0  }
0x7d: {  	s31 =	simm.s32 $0x2400;
	[sflag:s23] =	ssyncadd.s32 $0xFFFFE000  }
0x7e: {  	[spmem:s2] =	stream.indirect.scatter.add.f32 [tilespmem:s17], [sflag:$0x5], $0x40, s31, s16, $0xb8;
	[tilespmem:$0x16600] =	vst v63  }
0x7f: {  	_ =	swait.ge [sflag:s14], $0x2000  }
0x80: {  	[sflag:s14] =	ssyncset.done $0x0  }
0x81: {  	s1 =	simm.s32 $0x200;
	[sflag:s14] =	ssyncadd.s32 $0xFFFFE000  }
0x82: {  	[tilespmem:s17], [sflag:$0x1] =	stream.indirect.gather [hbm4b:s4+s16], $0x40, s1, s16, $0xb8;
	[tilespmem:$0x16600] =	vst v63  }
0x83: {  	_ =	swait.ge [sflag:s24], $0x2000  }
0x84: {  	[sflag:s24] =	ssyncset.done $0x0  }
0x85: {  	s31 =	simm.s32 $0x2480;
	[sflag:s24] =	ssyncadd.s32 $0xFFFFE000  }
0x86: {  	[spmem:s2] =	stream.indirect.scatter.add.f32 [tilespmem:s18], [sflag:$0x5], $0x40, s31, s16, $0xb8;
	[tilespmem:$0x16600] =	vst v63  }
0x87: {  	_ =	swait.ge [sflag:s14], $0x2000  }
0x88: {  	[sflag:s14] =	ssyncset.done $0x0  }
0x89: {  	s1 =	simm.s32 $0x280;
	[sflag:s14] =	ssyncadd.s32 $0xFFFFE000  }
0x8a: {  	[tilespmem:s18], [sflag:$0x2] =	stream.indirect.gather [hbm4b:s4+s16], $0x40, s1, s16, $0xb8;
	[tilespmem:$0x16600] =	vst v63  }
0x8b: {  	_ =	swait.ge [sflag:s25], $0x2000  }
0x8c: {  	[sflag:s25] =	ssyncset.done $0x0  }
0x8d: {  	s31 =	simm.s32 $0x2500;
	[sflag:s25] =	ssyncadd.s32 $0xFFFFE000  }
0x8e: {  	[spmem:s2] =	stream.indirect.scatter.add.f32 [tilespmem:s20], [sflag:$0x5], $0x40, s31, s16, $0xb8;
	[tilespmem:$0x16600] =	vst v63  }
0x8f: {  	_ =	swait.ge [sflag:s14], $0x2000  }
0x90: {  	[sflag:s14] =	ssyncset.done $0x0  }
0x91: {  	s1 =	simm.s32 $0x300;
	[sflag:s14] =	ssyncadd.s32 $0xFFFFE000  }
0x92: {  	[tilespmem:s20], [sflag:$0x3] =	stream.indirect.gather [hbm4b:s4+s16], $0x40, s1, s16, $0xb8;
	[tilespmem:$0x16600] =	vst v63  }
0x93: {  	_ =	swait.ge [sflag:s26], $0x2000  }
0x94: {  	p1 =	por $0x0, $0x0;
	[sflag:s26] =	ssyncset.done $0x0  }
.Ltmp3:
0x95: {  	s31 =	simm.s32 $0x2580;
	[sflag:s26] =	ssyncadd.s32 $0xFFFFE000;
	(pc) =	sbr.rel @p1 .LBB2_4-.Ltmp3, $4  }
0x96: {  	[spmem:s2] =	stream.indirect.scatter.add.f32 [tilespmem:s22], [sflag:$0x5], $0x40, s31, s16, $0xb8;
	[tilespmem:$0x16600] =	vst v63  }
0x97: {  	_ =	swait.ge [sflag:s14], $0x2000  }
0x98: {  	[sflag:s14] =	ssyncset.done $0x0  }
0x99: {  	s30 =	simm.s32 $0x800;
	s0 =	simm.s32 $0x380;
	[sflag:s14] =	ssyncadd.s32 $0xFFFFE000  }
.LBB2_3:
0x9a: {  	[tilespmem:s22], [sflag:$0x4] =	stream.indirect.gather [hbm4b:s4+s16], $0x40, s0, s16, $0xb8;
	[tilespmem:$0x16600] =	vst v63  }
0x9b: {  	s0 =	smov.u32 s30  }
0x9c: {  	p1 =	seq.s32 s30, $0x8000;
	s30 =	sadd.s32 $0x800, s30;
	_ =	swait.ge [sflag:s23], $0x2000  }
0x9d: {  	s31 =	sshra.s32 s0, $0x2;
	[sflag:s23] =	ssyncset.done $0x0  }
0x9e: {  	s0 =	sadd.s32 $0x2400, s31;
	[sflag:s23] =	ssyncadd.s32 $0xFFFFE000  }
0x9f: {  	[spmem:s2] =	stream.indirect.scatter.add.f32 [tilespmem:s17], [sflag:$0x5], $0x40, s0, s16, $0xb8;
	[tilespmem:$0x16600] =	vst v63  }
0xa0: {  	_ =	swait.ge [sflag:s14], $0x2000  }
0xa1: {  	[sflag:s14] =	ssyncset.done $0x0  }
0xa2: {  	s0 =	sadd.s32 $0x200, s31;
	[sflag:s14] =	ssyncadd.s32 $0xFFFFE000  }
0xa3: {  	[tilespmem:s17], [sflag:$0x1] =	stream.indirect.gather [hbm4b:s4+s16], $0x40, s0, s16, $0xb8;
	[tilespmem:$0x16600] =	vst v63  }
0xa4: {  	_ =	swait.ge [sflag:s24], $0x2000  }
0xa5: {  	[sflag:s24] =	ssyncset.done $0x0  }
0xa6: {  	s0 =	sadd.s32 $0x2480, s31;
	[sflag:s24] =	ssyncadd.s32 $0xFFFFE000  }
0xa7: {  	[spmem:s2] =	stream.indirect.scatter.add.f32 [tilespmem:s18], [sflag:$0x5], $0x40, s0, s16, $0xb8;
	[tilespmem:$0x16600] =	vst v63  }
0xa8: {  	_ =	swait.ge [sflag:s14], $0x2000  }
0xa9: {  	[sflag:s14] =	ssyncset.done $0x0  }
0xaa: {  	s0 =	sadd.s32 $0x280, s31;
	[sflag:s14] =	ssyncadd.s32 $0xFFFFE000  }
0xab: {  	[tilespmem:s18], [sflag:$0x2] =	stream.indirect.gather [hbm4b:s4+s16], $0x40, s0, s16, $0xb8;
	[tilespmem:$0x16600] =	vst v63  }
0xac: {  	_ =	swait.ge [sflag:s25], $0x2000  }
0xad: {  	[sflag:s25] =	ssyncset.done $0x0  }
0xae: {  	s0 =	sadd.s32 $0x2500, s31;
	[sflag:s25] =	ssyncadd.s32 $0xFFFFE000  }
0xaf: {  	[spmem:s2] =	stream.indirect.scatter.add.f32 [tilespmem:s20], [sflag:$0x5], $0x40, s0, s16, $0xb8;
	[tilespmem:$0x16600] =	vst v63  }
0xb0: {  	_ =	swait.ge [sflag:s14], $0x2000  }
0xb1: {  	[sflag:s14] =	ssyncset.done $0x0  }
0xb2: {  	s0 =	sadd.s32 $0x300, s31;
	[sflag:s14] =	ssyncadd.s32 $0xFFFFE000  }
0xb3: {  	[tilespmem:s20], [sflag:$0x3] =	stream.indirect.gather [hbm4b:s4+s16], $0x40, s0, s16, $0xb8;
	[tilespmem:$0x16600] =	vst v63  }
0xb4: {  	_ =	swait.ge [sflag:s26], $0x2000  }
0xb5: {  	[sflag:s26] =	ssyncset.done $0x0  }
.Ltmp4:
0xb6: {  	s0 =	sadd.s32 $0x2580, s31;
	[sflag:s26] =	ssyncadd.s32 $0xFFFFE000;
	(pc) =	sbr.rel @!p1 .LBB2_3-.Ltmp4, $4  }
0xb7: {  	[spmem:s2] =	stream.indirect.scatter.add.f32 [tilespmem:s22], [sflag:$0x5], $0x40, s0, s16, $0xb8;
	[tilespmem:$0x16600] =	vst v63  }
0xb8: {  	_ =	swait.ge [sflag:s14], $0x2000  }
0xb9: {  	[sflag:s14] =	ssyncset.done $0x0  }
0xba: {  	s0 =	sadd.s32 $0x380, s31;
	[sflag:s14] =	ssyncadd.s32 $0xFFFFE000  }
.LBB2_4:
.Ltmp5:
0xbb: {  	(pc) =	sbr.rel .LBB2_6-.Ltmp5, $4  }
0xbc: {  	_ = 	snop  }
0xbd: {  	[tilespmem:s22], [sflag:$0x4] =	stream.indirect.gather [hbm4b:s4+s16], $0x40, s0, s16, $0xb8;
	[tilespmem:$0x16600] =	vst v63  }
0xbe: {  	s30 =	simm.s32 $0x4780  }
0xbf: {  	s31 =	simm.s32 $0x4700;
	s0 =	simm.s32 $0x4680;
	s1 =	simm.s32 $0x4600  }
.LBB2_7:
0xc0: {  	_ =	sfence.sel $0x180000  }
0xc1: {  	[bflag:$0x0] =	sbarrier.arrive $0xFFFF  }
0xc2: {  	_ =	strace $0x9000004A  }
0xc3: {  	s0 =	stileid.u32;
	[bflag:$0x2] =	sbarrier.arrive $0xFFFF  }
0xc4: {  	p0 =	sne.s32 s0, $0x0;
	s0 =	rddreg [dreg:$0x3]  }
0xc5: {  	s0 =	sadd.s32 @!p0 $0x100000, s0  }
0xc6: {  	[sflag:s0] =	ssyncadd.tile.s32 @!p0 $0x1;
	_ =	shalt  }
.Lfunc_end2:
_tile_overlayer_lowered:
.L_overlay_start_2:
0xc7: {  	(tag) =	ssettag $0x2  }
0xc8: {  	s0 =	rddreg [dreg:$0x0];
	s2 =	stileid.u32  }
0xc9: {  	s1 =	rddreg [dreg:$0x1];
	p0 =	sne.s32 s2, $0x0  }
0xca: {  	s3 =	rddreg [dreg:$0x2];
	[bflag:$0x3] =	sbarrier.arrive $0xFFFF;
	s2 =	simm.s32 @!p0 $0x1C05  }
0xcb: {  	[timem:s3], [sflag:s2] =	dma.local @!p0 [hbm:s0], s1  }
0xcc: {  	s0 =	simm.s32 @!p0 $0x5  }
0xcd: {  	_ =	swait.ge @!p0 [sflag:s0], s1  }
0xce: {  	s1 =	ssub.s32 @!p0 $0x0, s1;
	[sflag:s0] =	ssyncset.done @!p0 $0x0  }
0xcf: {  	[sflag:s0] =	ssyncadd.s32 @!p0 s1  }
0xd0: {  	[bflag:$0x3] =	sbarrier.arrive $0xFFFF  }
0xd1: {  	_ =	shalt  }

// kernel: kernel.15.cloned.1.call-start
scs
__scs_entry_jumppad:
0x0: {  	(pc) =	sbr.rel $0x88, $3  }
0x1: {  	(tag) =	ssettag $0x0;
	lr =	simm.s32 $0x1  }
0x2: {  	[smem:$0x3F94] =	sst lr;
	_ =	strace $0xD0000000  }
0x3: {  	_ = 	snop  }
0x4: {  	_ = 	snop  }
0x5: {  	_ = 	snop  }
0x6: {  	_ = 	snop  }
0x7: {  	_ = 	snop  }
__scs_overlays_trampoline_lowered:
0x8: {  	[smem:$0x3FA3] =	sst s0  }
0x9: {  	[smem:$0x3FA4] =	sst s1  }
0xa: {  	[smem:$0x3FA5] =	sst s2  }
0xb: {  	[smem:$0x3FA6] =	sst s3  }
0xc: {  	[smem:$0x3FA7] =	sst s4  }
0xd: {  	[smem:$0x3FA8] =	sst s5  }
0xe: {  	[smem:$0x3FA9] =	sst s6  }
0xf: {  	[smem:$0x3FAA] =	sst s7  }
0x10: {  	[smem:$0x3FAB] =	sst s8  }
0x11: {  	[smem:$0x3FAC] =	sst s9;
	s0 =	simm.s32 @!p0 $0x0  }
0x12: {  	s1 =	sld [smem:$0x3F92];
	s0 =	simm.s32 @p0 $0x1  }
0x13: {  	[smem:$0x3FAD] =	sst s0;
	s0 =	simm.s32 @!p1 $0x0  }
0x14: {  	s2 =	sld [smem:$0x3F91];
	s0 =	simm.s32 @p1 $0x1  }
0x15: {  	[smem:$0x3FAE] =	sst s0;
	s0 =	simm.s32 @!p2 $0x0  }
0x16: {  	s3 =	sld [smem:$0x3FDB];
	s0 =	simm.s32 @p2 $0x1  }
0x17: {  	s4 =	simm.s32 $0x1BF5;
	[smem:$0x3FB0] =	sst s0  }
0x18: {  	s0 =	sld [smem:$0x3F93];
	_ =	swait.ge [sflag:s4], $0x0  }
0x19: {  	s7 =	sld [smem:$0x3F94]  }
0x1a: {  	s8 =	sadd.s32 $0xFFFFE003, lr  }
0x1b: {  	s9 =	sadd.s32 $0xFFFFFEF7, lr;
	s5 =	simm.s32 $0xFFFFFFFF;
	p2 =	slt.u32 s8, $0xFFFFF086  }
0x1c: {  	p1 =	slt.u32 s9, $0xF7A;
	s5 =	simm.s32 @!p2 $0x0  }
0x1d: {  	s5 =	simm.s32 @p1 $0x1;
	p0 =	seq.s32 s7, s2  }
0x1e: {  	s7 =	smul.u32 @!p0 $0xF7A, s2;
	p2 =	seq.s32 @!p0 s5, $0x0  }
0x1f: {  	s9 =	smul.u32 $0xF7A, s1;
	s8 =	simm.s32 @!p0 $0x1BF5;
	p2 =	por !p2, p0  }
0x20: {  	[sflag:s8] =	ssyncset.s32 @!p0 $0xFFFFF086;
	s6 =	sadd.s32 @!p0 s3, s7;
	s7 =	simm.s32 @!p0 $0x108  }
0x21: {  	s3 =	sadd.s32 s3, s9;
	s6 =	sadd.s32 @!p0 $0x88, s6;
	s7 =	simm.s32 @p2 $0x1082  }
0x22: {  	[simem:s7], [sflag:s8] =	dma.local @!p0 [hbm:s6], $0xF7A  }
0x23: {  	s9 =	sor.u32 $0xD0000000, s2;
	s6 =	simm.s32 $0x108;
	_ =	swait.ge @!p0 [sflag:s8], $0x0  }
0x24: {  	s3 =	sadd.s32 $0x88, s3;
	s6 =	simm.s32 @!p1 $0x1082;
	[sflag:s4] =	ssyncset.s32 $0xFFFFF086  }
0x25: {  	[simem:s6], [sflag:s4] =	dma.local [hbm:s3], $0xF7A  }
0x26: {  	[smem:$0x3F94] =	sst s1;
	(tag) =	ssettag s2;
	_ =	strace s9  }
0x27: {  	s1 =	sld [smem:$0x3FA4]  }
0x28: {  	s2 =	sld [smem:$0x3FA5]  }
0x29: {  	s4 =	sld [smem:$0x3FA7]  }
0x2a: {  	p0 =	seq.s32 s5, $0x0;
	s5 =	sld [smem:$0x3FA8]  }
0x2b: {  	s6 =	sld [smem:$0x3FA9]  }
0x2c: {  	s7 =	sld [smem:$0x3FAA]  }
0x2d: {  	s3 =	simm.s32 $0x108;
	s8 =	sld [smem:$0x3FAB]  }
0x2e: {  	s3 =	simm.s32 @!p0 $0x1082;
	s9 =	sld [smem:$0x3FAC]  }
0x2f: {  	lr =	sadd.s32 s0, s3;
	s0 =	sld [smem:$0x3FA3]  }
0x30: {  	s3 =	sld [smem:$0x3FA6]  }
0x31: {  	[smem:$0x3FAF] =	sst s10  }
0x32: {  	s10 =	sld [smem:$0x3FAD];
	_ =	sdelay $0x3  }
0x33: {  	p0 =	seq.s32 s10, $0x1;
	s10 =	sld [smem:$0x3FAF];
	_ =	sdelay $0x3  }
0x34: {  	[smem:$0x3FAF] =	sst s10  }
0x35: {  	s10 =	sld [smem:$0x3FAE];
	_ =	sdelay $0x3  }
0x36: {  	p1 =	seq.s32 s10, $0x1;
	s10 =	sld [smem:$0x3FAF];
	_ =	sdelay $0x3  }
0x37: {  	[smem:$0x3FAF] =	sst s10  }
0x38: {  	s10 =	sld [smem:$0x3FB0]  }
0x39: {  	_ = 	snop;
	(pc) =	sbr.ind lr, $3  }
0x3a: {  	_ = 	snop  }
0x3b: {  	_ = 	snop  }
0x3c: {  	p2 =	seq.s32 s10, $0x1;
	s10 =	sld [smem:$0x3FAF]  }
0x3d: {  	_ =	shalt  }
0x3e: {  	_ =	shalt  }
0x3f: {  	_ =	shalt  }
0x40: {  	_ =	shalt  }
0x41: {  	_ =	shalt  }
0x42: {  	_ =	shalt  }
0x43: {  	_ =	shalt  }
0x44: {  	_ =	shalt  }
0x45: {  	_ =	shalt  }
0x46: {  	_ =	shalt  }
0x47: {  	_ =	shalt  }
0x48: {  	_ =	shalt  }
0x49: {  	_ =	shalt  }
0x4a: {  	_ =	shalt  }
0x4b: {  	_ =	shalt  }
0x4c: {  	_ =	shalt  }
0x4d: {  	_ =	shalt  }
0x4e: {  	_ =	shalt  }
0x4f: {  	_ =	shalt  }
0x50: {  	_ =	shalt  }
0x51: {  	_ =	shalt  }
0x52: {  	_ =	shalt  }
0x53: {  	_ =	shalt  }
0x54: {  	_ =	shalt  }
0x55: {  	_ =	shalt  }
0x56: {  	_ =	shalt  }
0x57: {  	_ =	shalt  }
0x58: {  	_ =	shalt  }
0x59: {  	_ =	shalt  }
0x5a: {  	_ =	shalt  }
0x5b: {  	_ =	shalt  }
0x5c: {  	_ =	shalt  }
0x5d: {  	_ =	shalt  }
0x5e: {  	_ =	shalt  }
0x5f: {  	_ =	shalt  }
0x60: {  	_ =	shalt  }
0x61: {  	_ =	shalt  }
0x62: {  	_ =	shalt  }
0x63: {  	_ =	shalt  }
0x64: {  	_ =	shalt  }
0x65: {  	_ =	shalt  }
0x66: {  	_ =	shalt  }
0x67: {  	_ =	shalt  }
0x68: {  	_ =	shalt  }
0x69: {  	_ =	shalt  }
0x6a: {  	_ =	shalt  }
0x6b: {  	_ =	shalt  }
0x6c: {  	_ =	shalt  }
0x6d: {  	_ =	shalt  }
0x6e: {  	_ =	shalt  }
0x6f: {  	_ =	shalt  }
0x70: {  	_ =	shalt  }
0x71: {  	_ =	shalt  }
0x72: {  	_ =	shalt  }
0x73: {  	_ =	shalt  }
0x74: {  	_ =	shalt  }
0x75: {  	_ =	shalt  }
0x76: {  	_ =	shalt  }
0x77: {  	_ =	shalt  }
0x78: {  	_ =	shalt  }
0x79: {  	_ =	shalt  }
0x7a: {  	_ =	shalt  }
0x7b: {  	_ =	shalt  }
0x7c: {  	_ =	shalt  }
0x7d: {  	_ =	shalt  }
0x7e: {  	_ =	shalt  }
0x7f: {  	_ =	shalt  }
0x80: {  	_ =	shalt  }
0x81: {  	_ =	shalt  }
0x82: {  	_ =	shalt  }
0x83: {  	_ =	shalt  }
0x84: {  	_ =	shalt  }
0x85: {  	_ =	shalt  }
0x86: {  	_ =	shalt  }
0x87: {  	_ =	shalt  }
.Lfunc_end0:
.L_simem_size_0:
called_computation.2_lowered:
.L_overlay_start_0:
0x88: {  	s2 =	sld [smem:$0x3FD9]  }
0x89: {  	s3 =	sld [smem:$0x3FFE];
	_ =	sdelay $0x1  }
0x8a: {  	s1 =	srdreg.scid  }
0x8b: {  	s0 =	sand.u32 $0x1, s1  }
0x8c: {  	s17 =	sshll.u32 s0, $0xA;
	s2 =	sadd.s32 s3, s2  }
0x8d: {  	s2 =	sadd.s32 s2, s17  }
0x8e: {  	[smem:$0x3FBB] =	sst s2  }
0x8f: {  	_ = 	snop  }
0x90: {  	s2 =	sld [smem:$0x3FD0];
	(tm) =	ssettm $0x1  }
0x91: {  	s18 =	sld [smem:$0x3FFB];
	_ =	sdelay $0x3  }
0x92: {  	_ =	strace s18  }
0x93: {  	s3 =	sld [smem:$0x3FFC];
	_ =	sdelay $0x3  }
0x94: {  	_ =	strace s3  }
0x95: {  	s3 =	sld [smem:$0x3FFD];
	_ =	sdelay $0x3  }
0x96: {  	_ =	strace s3  }
0x97: {  	_ =	strace $0x8FFFFFFF  }
0x98: {  	s19 =	sld [smem:$0x3FDB];
	_ =	sdelay $0x1  }
0x99: {  	s4 =	simm.s32 $_scs_section_size  }
0x9a: {  	s5 =	simm.s32 $_size__tile_overlayer_lowered;
	s6 =	simm.s32 $_tile_overlayer_lowered  }
0x9b: {  	s22 =	simm.s32 $0x1BFF;
	s21 =	sshll.u32 s6, $0x1;
	s3 =	sadd.s32 s4, s19  }
0x9c: {  	s7 =	simm.s32 $0x0;
	s20 =	sshll.u32 s5, $0x1;
	s5 =	sadd.s32 s21, s3  }
0x9d: {  	[timem:s7], [sflag:s22] =	dma.local [hbm:s5], s20  }
0x9e: {  	_ =	swait.ge [sflag:s22], s20  }
0x9f: {  	s4 =	ssub.s32 $0x0, s20;
	[sflag:s22] =	ssyncset.done $0x0  }
0xa0: {  	[sflag:s22] =	ssyncadd.s32 s4;
	_ =	sdelay $0x1  }
0xa1: {  	s23 =	simm.s32 $0x1B8B  }
0xa2: {  	_ =	swait.ge [sflag:s23], $0x1  }
0xa3: {  	[sflag:s23] =	ssyncset.done $0x0  }
0xa4: {  	s25 =	simm.s32 $0x1B8E;
	s24 =	sld [smem:$0x3FFE];
	[sflag:s23] =	ssyncadd.s32 $0xFFFFFFFF  }
0xa5: {  	s26 =	simm.s32 $execute0_lowered;
	[smem:$0x3FD2] =	sst s25  }
0xa6: {  	s5 =	sshll.u32 s26, $0x1;
	_ =	strace $0x8000004C;
	[dreg:$0x1] =	wrdreg $0xFFFFFFFF  }
0xa7: {  	s28 =	simm.s32 $_size_execute0_lowered;
	s3 =	sadd.s32 s3, s5;
	[dreg:$0x0] =	wrdreg $0x0  }
0xa8: {  	s5 =	sshll.u32 s28, $0x1;
	[dreg:$0x2] =	wrdreg s3  }
0xa9: {  	[dreg:$0x3] =	wrdreg s5  }
0xaa: {  	[dreg:$0x4] =	wrdreg $0xC0  }
0xab: {  	_ =	task [dreg:s7], $0x5FFFF  }
0xac: {  	[dreg:$0x1] =	wrdreg $0xFFFFFFFF  }
0xad: {  	[dreg:$0x0] =	wrdreg $0x60  }
0xae: {  	[dreg:$0x2] =	wrdreg s24  }
0xaf: {  	[dreg:$0x3] =	wrdreg s2  }
0xb0: {  	[dreg:$0x4] =	wrdreg $0xC8000  }
0xb1: {  	[dreg:$0x5] =	wrdreg $0x9  }
0xb2: {  	_ =	task.clear_ibuf [dreg:s7], $0x6FFFF;
	_ =	strace $0x9000004C  }
0xb3: {  	s29 =	simm.s32 $0x9;
	_ =	strace $0x8000004E  }
0xb4: {  	_ =	swait.ge [sflag:s29], $0x1  }
0xb5: {  	[sflag:s29] =	ssyncadd.s32 $0xFFFFFFFF  }
0xb6: {  	_ =	strace $0x9000004E  }
0xb7: {  	_ =	sfence  }
0xb8: {  	s30 =	sld [smem:$0x0];
	_ =	sdelay $0x2  }
0xb9: {  	s31 =	sshll.u32 s1, $0xD;
	s1 =	sshrl.u32 s1, $0x2  }
0xba: {  	s3 =	sand.u32 $0x4000, s31;
	s1 =	sadd.s32 s1, s30  }
0xbb: {  	s0 =	sor.u32 s3, s0;
	s1 =	sshll.u32 s1, $0x11  }
0xbc: {  	s0 =	sor.u32 s1, s0  }
0xbd: {  	s0 =	sadd.s32 $0x8F2B, s0  }
0xbe: {  	[sflag:s0] =	ssyncadd.remote.s32 $0x1  }
0xbf: {  	_ =	sfence.sel $0xFFFF  }
0xc0: {  	[dreg:$0x0] =	wrdreg $0xFFFFFFFF;
	(pc) =	sbr.abs _section_cstart, $3  }
0xc1: {  	[dreg:$0x1] =	wrdreg $0xFFFFFFFF  }
0xc2: {  	_ =	task.clear_ibuf [dreg:s7], $0x2FFFF;
	_ =	strace $0x9FFFFFFF  }
0xc3: {  	(tm) =	ssettm $0x7FFFFFFF  }
tec
execute0_lowered:
.L_overlay_start_1:
0x0: {  	(tag) =	ssettag $0x1  }
0x1: {  	s0 =	rddreg [dreg:$0x0]  }
0x2: {  	s1 =	rddreg [dreg:$0x1]  }
0x3: {  	s2 =	rddreg [dreg:$0x2];
	s4 =	srdreg.scid  }
0x4: {  	s11 =	stileid.u32;
	s3 =	simm.s32 $0x0;
	s15 =	simm.s32 $0x2400  }
0x5: {  	s16 =	simm.s32 $0x80;
	s17 =	simm.s32 $0x4800;
	s18 =	simm.s32 $0x6800  }
0x6: {  	s19 =	simm.s32 $0x100;
	s20 =	simm.s32 $0x8800;
	s21 =	simm.s32 $0x180  }
0x7: {  	s22 =	simm.s32 $0xA800;
	s23 =	simm.s32 $0x1;
	s24 =	simm.s32 $0x2  }
0x8: {  	s25 =	simm.s32 $0x3;
	s28 =	simm.s32 $0x380;
	s29 =	simm.s32 $0x0  }
0x9: {  	s13 =	sand.u32 $0x1, s4;
	s5 =	smul.u32 $0x9E00, s11;
	[smem:$0x7FF] =	sst s3  }
0xa: {  	s4 =	sadd.s32 $0x1E00, s0;
	s9 =	sadd.s32 $0x1AA00, s0;
	s10 =	sadd.s32 $0x15A00, s0  }
0xb: {  	s30 =	sshll.u32 s11, $0x7;
	s31 =	sshll.u32 s11, $0x6;
	s11 =	smul.u32 $0x480, s11  }
0xc: {  	s6 =	smul.u32 $0x9E000, s13;
	_ =	strace $0x8000004D;
	s7 =	ssub.s32 $0x2, s13  }
0xd: {  	p0 =	sne.s32 s13, $0x0;
	s8 =	sshrl.u32 s7, $0x1;
	s26 =	sshrl.u32 s5, $0x3  }
0xe: {  	s14 =	sadd.s32 s5, s2;
	s6 =	sadd.s32 s5, s6;
	s12 =	ssub.s32 s7, s8  }
.Ltmp0:
0xf: {  	s5 =	sadd.s32 s1, s26;
	s1 =	sor.u32 $0x4800, s30;
	(pc) =	sbr.rel .LBB2_1-.Ltmp0, $4  }
0x10: {  	s13 =	sshrl.u32 s14, $0x3;
	s14 =	simm.s32 $0x5;
	s26 =	simm.s32 $0x4  }
0x11: {  	s6 =	sshrl.u32 s6, $0x3;
	s7 =	sadd.s32 s9, s1;
	s8 =	sadd.s32 s10, s1  }
0x12: {  	s9 =	sadd.s32 s9, s11;
	s10 =	sadd.s32 s10, s11;
	s0 =	sadd.s32 s6, s0  }
0x13: {  	s12 =	smax.u32 s12, $0x1;
	s6 =	sor.u32 $0x1C05, s31;
	s11 =	sadd.s32 $0x1FA00, s0  }
.LBB2_5:
0x14: {  	[tilespmem:s3], [sflag:$0x5] =	stream.linear.gather [hbm4b:s7+s3], $0x400, $0x38;
	[tilespmem:$0x16600] =	vst v63  }
0x15: {  	_ =	swait.ge [sflag:s14], $0x400  }
0x16: {  	[sflag:s14] =	ssyncset.done $0x0  }
0x17: {  	[sflag:s14] =	ssyncadd.s32 $0xFFFFFC00  }
0x18: {  	[tilespmem:s15], [sflag:$0x5] =	stream.linear.gather [hbm4b:s8+s3], $0x400, $0x38;
	[tilespmem:$0x16600] =	vst v63  }
0x19: {  	_ =	swait.ge [sflag:s14], $0x400  }
0x1a: {  	[sflag:s14] =	ssyncset.done $0x0  }
0x1b: {  	[sflag:s14] =	ssyncadd.s32 $0xFFFFFC00  }
0x1c: {  	[bflag:$0x0] =	sbarrier.arrive $0xFFFF  }
0x1d: {  	[tilespmem:s17], [sflag:$0x1] =	stream.indirect.gather [hbm4b:s4+s16], $0x40, s3, s16, $0xb8;
	[tilespmem:$0x16600] =	vst v63  }
0x1e: {  	_ = 	snop  }
0x1f: {  	[tilespmem:s18], [sflag:$0x2] =	stream.indirect.gather [hbm4b:s4+s16], $0x40, s16, s16, $0xb8;
	[tilespmem:$0x16600] =	vst v63  }
0x20: {  	_ = 	snop  }
0x21: {  	[tilespmem:s20], [sflag:$0x3] =	stream.indirect.gather [hbm4b:s4+s16], $0x40, s19, s16, $0xb8;
	[tilespmem:$0x16600] =	vst v63  }
0x22: {  	_ = 	snop  }
0x23: {  	[tilespmem:s22], [sflag:$0x4] =	stream.indirect.gather [hbm4b:s4+s16], $0x40, s21, s16, $0xb8;
	[tilespmem:$0x16600] =	vst v63  }
0x24: {  	_ =	swait.ge [sflag:s23], $0x2000  }
0x25: {  	[sflag:s23] =	ssyncset.done $0x0  }
0x26: {  	[sflag:s23] =	ssyncadd.s32 $0xFFFFE000  }
0x27: {  	[spmem:s2] =	stream.indirect.scatter.add.f32 [tilespmem:s17], [sflag:$0x5], $0x40, s15, s16, $0xb8;
	[tilespmem:$0x16600] =	vst v63  }
0x28: {  	_ =	swait.ge [sflag:s14], $0x2000  }
0x29: {  	[sflag:s14] =	ssyncset.done $0x0  }
0x2a: {  	s0 =	simm.s32 $0x200;
	[sflag:s14] =	ssyncadd.s32 $0xFFFFE000  }
0x2b: {  	[tilespmem:s17], [sflag:$0x1] =	stream.indirect.gather [hbm4b:s4+s16], $0x40, s0, s16, $0xb8;
	[tilespmem:$0x16600] =	vst v63  }
0x2c: {  	_ =	swait.ge [sflag:s24], $0x2000  }
0x2d: {  	[sflag:s24] =	ssyncset.done $0x0  }
0x2e: {  	s1 =	simm.s32 $0x2480;
	[sflag:s24] =	ssyncadd.s32 $0xFFFFE000  }
0x2f: {  	[spmem:s2] =	stream.indirect.scatter.add.f32 [tilespmem:s18], [sflag:$0x5], $0x40, s1, s16, $0xb8;
	[tilespmem:$0x16600] =	vst v63  }
0x30: {  	_ =	swait.ge [sflag:s14], $0x2000  }
0x31: {  	[sflag:s14] =	ssyncset.done $0x0  }
0x32: {  	s1 =	simm.s32 $0x280;
	[sflag:s14] =	ssyncadd.s32 $0xFFFFE000  }
0x33: {  	[tilespmem:s18], [sflag:$0x2] =	stream.indirect.gather [hbm4b:s4+s16], $0x40, s1, s16, $0xb8;
	[tilespmem:$0x16600] =	vst v63  }
0x34: {  	_ =	swait.ge [sflag:s25], $0x2000  }
0x35: {  	[sflag:s25] =	ssyncset.done $0x0  }
0x36: {  	s1 =	simm.s32 $0x2500;
	[sflag:s25] =	ssyncadd.s32 $0xFFFFE000  }
0x37: {  	[spmem:s2] =	stream.indirect.scatter.add.f32 [tilespmem:s20], [sflag:$0x5], $0x40, s1, s16, $0xb8;
	[tilespmem:$0x16600] =	vst v63  }
0x38: {  	_ =	swait.ge [sflag:s14], $0x2000  }
0x39: {  	[sflag:s14] =	ssyncset.done $0x0  }
0x3a: {  	s1 =	simm.s32 $0x300;
	[sflag:s14] =	ssyncadd.s32 $0xFFFFE000  }
0x3b: {  	[tilespmem:s20], [sflag:$0x3] =	stream.indirect.gather [hbm4b:s4+s16], $0x40, s1, s16, $0xb8;
	[tilespmem:$0x16600] =	vst v63  }
0x3c: {  	_ =	swait.ge [sflag:s26], $0x2000  }
0x3d: {  	[sflag:s26] =	ssyncset.done $0x0  }
0x3e: {  	s1 =	simm.s32 $0x2580;
	[sflag:s26] =	ssyncadd.s32 $0xFFFFE000  }
0x3f: {  	[spmem:s2] =	stream.indirect.scatter.add.f32 [tilespmem:s22], [sflag:$0x5], $0x40, s1, s16, $0xb8;
	[tilespmem:$0x16600] =	vst v63  }
0x40: {  	_ =	swait.ge [sflag:s14], $0x2000  }
0x41: {  	s30 =	simm.s32 $0x2780;
	s31 =	simm.s32 $0x2700;
	[sflag:s14] =	ssyncset.done $0x0  }
0x42: {  	s0 =	simm.s32 $0x2680;
	s1 =	simm.s32 $0x2600;
	[sflag:s14] =	ssyncadd.s32 $0xFFFFE000  }
0x43: {  	[tilespmem:s22], [sflag:$0x4] =	stream.indirect.gather [hbm4b:s4+s16], $0x40, s28, s16, $0xb8;
	[tilespmem:$0x16600] =	vst v63  }
.LBB2_6:
0x44: {  	_ =	swait.ge [sflag:s23], $0x2000  }
0x45: {  	[sflag:s23] =	ssyncset.done $0x0  }
0x46: {  	[sflag:s23] =	ssyncadd.s32 $0xFFFFE000  }
0x47: {  	[spmem:s2] =	stream.indirect.scatter.add.f32 [tilespmem:s17], [sflag:$0x5], $0x40, s1, s16, $0xb8;
	[tilespmem:$0x16600] =	vst v63  }
0x48: {  	_ =	swait.ge [sflag:s14], $0x2000  }
0x49: {  	[sflag:s14] =	ssyncset.done $0x0  }
0x4a: {  	[sflag:s14] =	ssyncadd.s32 $0xFFFFE000  }
0x4b: {  	_ =	swait.ge [sflag:s24], $0x2000  }
0x4c: {  	[sflag:s24] =	ssyncset.done $0x0  }
0x4d: {  	[sflag:s24] =	ssyncadd.s32 $0xFFFFE000  }
0x4e: {  	[spmem:s2] =	stream.indirect.scatter.add.f32 [tilespmem:s18], [sflag:$0x5], $0x40, s0, s16, $0xb8;
	[tilespmem:$0x16600] =	vst v63  }
0x4f: {  	_ =	swait.ge [sflag:s14], $0x2000  }
0x50: {  	[sflag:s14] =	ssyncset.done $0x0  }
0x51: {  	[sflag:s14] =	ssyncadd.s32 $0xFFFFE000  }
0x52: {  	_ =	swait.ge [sflag:s25], $0x2000  }
0x53: {  	[sflag:s25] =	ssyncset.done $0x0  }
0x54: {  	[sflag:s25] =	ssyncadd.s32 $0xFFFFE000  }
0x55: {  	[spmem:s2] =	stream.indirect.scatter.add.f32 [tilespmem:s20], [sflag:$0x5], $0x40, s31, s16, $0xb8;
	[tilespmem:$0x16600] =	vst v63  }
0x56: {  	_ =	swait.ge [sflag:s14], $0x2000  }
0x57: {  	[sflag:s14] =	ssyncset.done $0x0  }
0x58: {  	[sflag:s14] =	ssyncadd.s32 $0xFFFFE000  }
0x59: {  	_ =	swait.ge [sflag:s26], $0x2000  }
0x5a: {  	[sflag:s26] =	ssyncset.done $0x0  }
0x5b: {  	[sflag:s26] =	ssyncadd.s32 $0xFFFFE000  }
0x5c: {  	[spmem:s2] =	stream.indirect.scatter.add.f32 [tilespmem:s22], [sflag:$0x5], $0x40, s30, s16, $0xb8;
	[tilespmem:$0x16600] =	vst v63  }
0x5d: {  	_ =	swait.ge [sflag:s14], $0x2000  }
0x5e: {  	s29 =	sadd.s32 $0x1, s29;
	[sflag:s14] =	ssyncset.done $0x0  }
0x5f: {  	p1 =	sne.s32 s29, s12;
	[sflag:s14] =	ssyncadd.s32 $0xFFFFE000  }
.Ltmp1:
0x60: {  	[bflag:$0x0] =	sbarrier.arrive $0xFFFF;
	(pc) =	sbr.rel @!p1 .LBB2_7-.Ltmp1, $4  }
0x61: {  	[hbm:s11], [sflag:s6] =	dma.local [spmem:s13], $0x13C0  }
0x62: {  	_ =	swait.ge [sflag:s14], $0x13C0  }
0x63: {  	[sflag:s14] =	ssyncset.done $0x0  }
0x64: {  	[sflag:s14] =	ssyncadd.s32 $0xFFFFEC40  }
.LBB2_1:
.Ltmp2:
0x65: {  	(pc) =	sbr.rel @p0 .LBB2_5-.Ltmp2, $4  }
0x66: {  	[spmem:s13], [sflag:s6] =	dma.local [hbm:s5], $0x13C0  }
0x67: {  	_ =	swait.ge [sflag:s14], $0x13C0  }
0x68: {  	[sflag:s14] =	ssyncset.done $0x0  }
0x69: {  	[sflag:s14] =	ssyncadd.s32 $0xFFFFEC40  }
0x6a: {  	s0 =	simm.s32 $0x0  }
0x6b: {  	[tilespmem:s0], [sflag:$0x5] =	stream.linear.gather [hbm4b:s9+s0], $0x2400, $0x38;
	[tilespmem:$0x16600] =	vst v63  }
0x6c: {  	_ =	swait.ge [sflag:s14], $0x2400  }
0x6d: {  	[sflag:s14] =	ssyncset.done $0x0  }
0x6e: {  	[sflag:s14] =	ssyncadd.s32 $0xFFFFDC00  }
0x6f: {  	[tilespmem:s15], [sflag:$0x5] =	stream.linear.gather [hbm4b:s10+s0], $0x2400, $0x38;
	[tilespmem:$0x16600] =	vst v63  }
0x70: {  	_ =	swait.ge [sflag:s14], $0x2400  }
0x71: {  	[sflag:s14] =	ssyncset.done $0x0  }
0x72: {  	[sflag:s14] =	ssyncadd.s32 $0xFFFFDC00  }
0x73: {  	[bflag:$0x0] =	sbarrier.arrive $0xFFFF  }
0x74: {  	[tilespmem:s17], [sflag:$0x1] =	stream.indirect.gather [hbm4b:s4+s16], $0x40, s0, s16, $0xb8;
	[tilespmem:$0x16600] =	vst v63  }
0x75: {  	_ = 	snop  }
0x76: {  	[tilespmem:s18], [sflag:$0x2] =	stream.indirect.gather [hbm4b:s4+s16], $0x40, s16, s16, $0xb8;
	[tilespmem:$0x16600] =	vst v63  }
0x77: {  	_ = 	snop  }
0x78: {  	[tilespmem:s20], [sflag:$0x3] =	stream.indirect.gather [hbm4b:s4+s16], $0x40, s19, s16, $0xb8;
	[tilespmem:$0x16600] =	vst v63  }
0x79: {  	_ = 	snop  }
0x7a: {  	[tilespmem:s22], [sflag:$0x4] =	stream.indirect.gather [hbm4b:s4+s16], $0x40, s21, s16, $0xb8;
	[tilespmem:$0x16600] =	vst v63  }
0x7b: {  	_ =	swait.ge [sflag:s23], $0x2000  }
0x7c: {  	[sflag:s23] =	ssyncset.done $0x0  }
0x7d: {  	s31 =	simm.s32 $0x2400;
	[sflag:s23] =	ssyncadd.s32 $0xFFFFE000  }
0x7e: {  	[spmem:s2] =	stream.indirect.scatter.add.f32 [tilespmem:s17], [sflag:$0x5], $0x40, s31, s16, $0xb8;
	[tilespmem:$0x16600] =	vst v63  }
0x7f: {  	_ =	swait.ge [sflag:s14], $0x2000  }
0x80: {  	[sflag:s14] =	ssyncset.done $0x0  }
0x81: {  	s1 =	simm.s32 $0x200;
	[sflag:s14] =	ssyncadd.s32 $0xFFFFE000  }
0x82: {  	[tilespmem:s17], [sflag:$0x1] =	stream.indirect.gather [hbm4b:s4+s16], $0x40, s1, s16, $0xb8;
	[tilespmem:$0x16600] =	vst v63  }
0x83: {  	_ =	swait.ge [sflag:s24], $0x2000  }
0x84: {  	[sflag:s24] =	ssyncset.done $0x0  }
0x85: {  	s31 =	simm.s32 $0x2480;
	[sflag:s24] =	ssyncadd.s32 $0xFFFFE000  }
0x86: {  	[spmem:s2] =	stream.indirect.scatter.add.f32 [tilespmem:s18], [sflag:$0x5], $0x40, s31, s16, $0xb8;
	[tilespmem:$0x16600] =	vst v63  }
0x87: {  	_ =	swait.ge [sflag:s14], $0x2000  }
0x88: {  	[sflag:s14] =	ssyncset.done $0x0  }
0x89: {  	s1 =	simm.s32 $0x280;
	[sflag:s14] =	ssyncadd.s32 $0xFFFFE000  }
0x8a: {  	[tilespmem:s18], [sflag:$0x2] =	stream.indirect.gather [hbm4b:s4+s16], $0x40, s1, s16, $0xb8;
	[tilespmem:$0x16600] =	vst v63  }
0x8b: {  	_ =	swait.ge [sflag:s25], $0x2000  }
0x8c: {  	[sflag:s25] =	ssyncset.done $0x0  }
0x8d: {  	s31 =	simm.s32 $0x2500;
	[sflag:s25] =	ssyncadd.s32 $0xFFFFE000  }
0x8e: {  	[spmem:s2] =	stream.indirect.scatter.add.f32 [tilespmem:s20], [sflag:$0x5], $0x40, s31, s16, $0xb8;
	[tilespmem:$0x16600] =	vst v63  }
0x8f: {  	_ =	swait.ge [sflag:s14], $0x2000  }
0x90: {  	[sflag:s14] =	ssyncset.done $0x0  }
0x91: {  	s1 =	simm.s32 $0x300;
	[sflag:s14] =	ssyncadd.s32 $0xFFFFE000  }
0x92: {  	[tilespmem:s20], [sflag:$0x3] =	stream.indirect.gather [hbm4b:s4+s16], $0x40, s1, s16, $0xb8;
	[tilespmem:$0x16600] =	vst v63  }
0x93: {  	_ =	swait.ge [sflag:s26], $0x2000  }
0x94: {  	p1 =	por $0x0, $0x0;
	[sflag:s26] =	ssyncset.done $0x0  }
.Ltmp3:
0x95: {  	s31 =	simm.s32 $0x2580;
	[sflag:s26] =	ssyncadd.s32 $0xFFFFE000;
	(pc) =	sbr.rel @p1 .LBB2_4-.Ltmp3, $4  }
0x96: {  	[spmem:s2] =	stream.indirect.scatter.add.f32 [tilespmem:s22], [sflag:$0x5], $0x40, s31, s16, $0xb8;
	[tilespmem:$0x16600] =	vst v63  }
0x97: {  	_ =	swait.ge [sflag:s14], $0x2000  }
0x98: {  	[sflag:s14] =	ssyncset.done $0x0  }
0x99: {  	s30 =	simm.s32 $0x800;
	s0 =	simm.s32 $0x380;
	[sflag:s14] =	ssyncadd.s32 $0xFFFFE000  }
.LBB2_3:
0x9a: {  	[tilespmem:s22], [sflag:$0x4] =	stream.indirect.gather [hbm4b:s4+s16], $0x40, s0, s16, $0xb8;
	[tilespmem:$0x16600] =	vst v63  }
0x9b: {  	s0 =	smov.u32 s30  }
0x9c: {  	p1 =	seq.s32 s30, $0x8000;
	s30 =	sadd.s32 $0x800, s30;
	_ =	swait.ge [sflag:s23], $0x2000  }
0x9d: {  	s31 =	sshra.s32 s0, $0x2;
	[sflag:s23] =	ssyncset.done $0x0  }
0x9e: {  	s0 =	sadd.s32 $0x2400, s31;
	[sflag:s23] =	ssyncadd.s32 $0xFFFFE000  }
0x9f: {  	[spmem:s2] =	stream.indirect.scatter.add.f32 [tilespmem:s17], [sflag:$0x5], $0x40, s0, s16, $0xb8;
	[tilespmem:$0x16600] =	vst v63  }
0xa0: {  	_ =	swait.ge [sflag:s14], $0x2000  }
0xa1: {  	[sflag:s14] =	ssyncset.done $0x0  }
0xa2: {  	s0 =	sadd.s32 $0x200, s31;
	[sflag:s14] =	ssyncadd.s32 $0xFFFFE000  }
0xa3: {  	[tilespmem:s17], [sflag:$0x1] =	stream.indirect.gather [hbm4b:s4+s16], $0x40, s0, s16, $0xb8;
	[tilespmem:$0x16600] =	vst v63  }
0xa4: {  	_ =	swait.ge [sflag:s24], $0x2000  }
0xa5: {  	[sflag:s24] =	ssyncset.done $0x0  }
0xa6: {  	s0 =	sadd.s32 $0x2480, s31;
	[sflag:s24] =	ssyncadd.s32 $0xFFFFE000  }
0xa7: {  	[spmem:s2] =	stream.indirect.scatter.add.f32 [tilespmem:s18], [sflag:$0x5], $0x40, s0, s16, $0xb8;
	[tilespmem:$0x16600] =	vst v63  }
0xa8: {  	_ =	swait.ge [sflag:s14], $0x2000  }
0xa9: {  	[sflag:s14] =	ssyncset.done $0x0  }
0xaa: {  	s0 =	sadd.s32 $0x280, s31;
	[sflag:s14] =	ssyncadd.s32 $0xFFFFE000  }
0xab: {  	[tilespmem:s18], [sflag:$0x2] =	stream.indirect.gather [hbm4b:s4+s16], $0x40, s0, s16, $0xb8;
	[tilespmem:$0x16600] =	vst v63  }
0xac: {  	_ =	swait.ge [sflag:s25], $0x2000  }
0xad: {  	[sflag:s25] =	ssyncset.done $0x0  }
0xae: {  	s0 =	sadd.s32 $0x2500, s31;
	[sflag:s25] =	ssyncadd.s32 $0xFFFFE000  }
0xaf: {  	[spmem:s2] =	stream.indirect.scatter.add.f32 [tilespmem:s20], [sflag:$0x5], $0x40, s0, s16, $0xb8;
	[tilespmem:$0x16600] =	vst v63  }
0xb0: {  	_ =	swait.ge [sflag:s14], $0x2000  }
0xb1: {  	[sflag:s14] =	ssyncset.done $0x0  }
0xb2: {  	s0 =	sadd.s32 $0x300, s31;
	[sflag:s14] =	ssyncadd.s32 $0xFFFFE000  }
0xb3: {  	[tilespmem:s20], [sflag:$0x3] =	stream.indirect.gather [hbm4b:s4+s16], $0x40, s0, s16, $0xb8;
	[tilespmem:$0x16600] =	vst v63  }
0xb4: {  	_ =	swait.ge [sflag:s26], $0x2000  }
0xb5: {  	[sflag:s26] =	ssyncset.done $0x0  }
.Ltmp4:
0xb6: {  	s0 =	sadd.s32 $0x2580, s31;
	[sflag:s26] =	ssyncadd.s32 $0xFFFFE000;
	(pc) =	sbr.rel @!p1 .LBB2_3-.Ltmp4, $4  }
0xb7: {  	[spmem:s2] =	stream.indirect.scatter.add.f32 [tilespmem:s22], [sflag:$0x5], $0x40, s0, s16, $0xb8;
	[tilespmem:$0x16600] =	vst v63  }
0xb8: {  	_ =	swait.ge [sflag:s14], $0x2000  }
0xb9: {  	[sflag:s14] =	ssyncset.done $0x0  }
0xba: {  	s0 =	sadd.s32 $0x380, s31;
	[sflag:s14] =	ssyncadd.s32 $0xFFFFE000  }
.LBB2_4:
.Ltmp5:
0xbb: {  	(pc) =	sbr.rel .LBB2_6-.Ltmp5, $4  }
0xbc: {  	_ = 	snop  }
0xbd: {  	[tilespmem:s22], [sflag:$0x4] =	stream.indirect.gather [hbm4b:s4+s16], $0x40, s0, s16, $0xb8;
	[tilespmem:$0x16600] =	vst v63  }
0xbe: {  	s30 =	simm.s32 $0x4780  }
0xbf: {  	s31 =	simm.s32 $0x4700;
	s0 =	simm.s32 $0x4680;
	s1 =	simm.s32 $0x4600  }
.LBB2_7:
0xc0: {  	_ =	sfence.sel $0x180000  }
0xc1: {  	[bflag:$0x0] =	sbarrier.arrive $0xFFFF  }
0xc2: {  	_ =	strace $0x9000004D  }
0xc3: {  	s0 =	stileid.u32;
	[bflag:$0x2] =	sbarrier.arrive $0xFFFF  }
0xc4: {  	p0 =	sne.s32 s0, $0x0;
	s0 =	rddreg [dreg:$0x3]  }
0xc5: {  	s0 =	sadd.s32 @!p0 $0x100000, s0  }
0xc6: {  	[sflag:s0] =	ssyncadd.tile.s32 @!p0 $0x1;
	_ =	shalt  }
.Lfunc_end2:
_tile_overlayer_lowered:
.L_overlay_start_2:
0xc7: {  	(tag) =	ssettag $0x2  }
0xc8: {  	s0 =	rddreg [dreg:$0x0];
	s2 =	stileid.u32  }
0xc9: {  	s1 =	rddreg [dreg:$0x1];
	p0 =	sne.s32 s2, $0x0  }
0xca: {  	s3 =	rddreg [dreg:$0x2];
	[bflag:$0x3] =	sbarrier.arrive $0xFFFF;
	s2 =	simm.s32 @!p0 $0x1C05  }
0xcb: {  	[timem:s3], [sflag:s2] =	dma.local @!p0 [hbm:s0], s1  }
0xcc: {  	s0 =	simm.s32 @!p0 $0x5  }
0xcd: {  	_ =	swait.ge @!p0 [sflag:s0], s1  }
0xce: {  	s1 =	ssub.s32 @!p0 $0x0, s1;
	[sflag:s0] =	ssyncset.done @!p0 $0x0  }
0xcf: {  	[sflag:s0] =	ssyncadd.s32 @!p0 s1  }
0xd0: {  	[bflag:$0x3] =	sbarrier.arrive $0xFFFF  }
0xd1: {  	_ =	shalt  }

// kernel: kernel.9.cloned.1.call-start
scs
__scs_entry_jumppad:
0x0: {  	(pc) =	sbr.rel $0x88, $3  }
0x1: {  	(tag) =	ssettag $0x0;
	lr =	simm.s32 $0x1  }
0x2: {  	[smem:$0x3F94] =	sst lr;
	_ =	strace $0xD0000000  }
0x3: {  	_ = 	snop  }
0x4: {  	_ = 	snop  }
0x5: {  	_ = 	snop  }
0x6: {  	_ = 	snop  }
0x7: {  	_ = 	snop  }
__scs_overlays_trampoline_lowered:
0x8: {  	[smem:$0x3FA3] =	sst s0  }
0x9: {  	[smem:$0x3FA4] =	sst s1  }
0xa: {  	[smem:$0x3FA5] =	sst s2  }
0xb: {  	[smem:$0x3FA6] =	sst s3  }
0xc: {  	[smem:$0x3FA7] =	sst s4  }
0xd: {  	[smem:$0x3FA8] =	sst s5  }
0xe: {  	[smem:$0x3FA9] =	sst s6  }
0xf: {  	[smem:$0x3FAA] =	sst s7  }
0x10: {  	[smem:$0x3FAB] =	sst s8  }
0x11: {  	[smem:$0x3FAC] =	sst s9;
	s0 =	simm.s32 @!p0 $0x0  }
0x12: {  	s1 =	sld [smem:$0x3F92];
	s0 =	simm.s32 @p0 $0x1  }
0x13: {  	[smem:$0x3FAD] =	sst s0;
	s0 =	simm.s32 @!p1 $0x0  }
0x14: {  	s2 =	sld [smem:$0x3F91];
	s0 =	simm.s32 @p1 $0x1  }
0x15: {  	[smem:$0x3FAE] =	sst s0;
	s0 =	simm.s32 @!p2 $0x0  }
0x16: {  	s3 =	sld [smem:$0x3FDB];
	s0 =	simm.s32 @p2 $0x1  }
0x17: {  	s4 =	simm.s32 $0x1BF5;
	[smem:$0x3FB0] =	sst s0  }
0x18: {  	s0 =	sld [smem:$0x3F93];
	_ =	swait.ge [sflag:s4], $0x0  }
0x19: {  	s7 =	sld [smem:$0x3F94]  }
0x1a: {  	s8 =	sadd.s32 $0xFFFFE003, lr  }
0x1b: {  	s9 =	sadd.s32 $0xFFFFFEF7, lr;
	s5 =	simm.s32 $0xFFFFFFFF;
	p2 =	slt.u32 s8, $0xFFFFF086  }
0x1c: {  	p1 =	slt.u32 s9, $0xF7A;
	s5 =	simm.s32 @!p2 $0x0  }
0x1d: {  	s5 =	simm.s32 @p1 $0x1;
	p0 =	seq.s32 s7, s2  }
0x1e: {  	s7 =	smul.u32 @!p0 $0xF7A, s2;
	p2 =	seq.s32 @!p0 s5, $0x0  }
0x1f: {  	s9 =	smul.u32 $0xF7A, s1;
	s8 =	simm.s32 @!p0 $0x1BF5;
	p2 =	por !p2, p0  }
0x20: {  	[sflag:s8] =	ssyncset.s32 @!p0 $0xFFFFF086;
	s6 =	sadd.s32 @!p0 s3, s7;
	s7 =	simm.s32 @!p0 $0x108  }
0x21: {  	s3 =	sadd.s32 s3, s9;
	s6 =	sadd.s32 @!p0 $0x88, s6;
	s7 =	simm.s32 @p2 $0x1082  }
0x22: {  	[simem:s7], [sflag:s8] =	dma.local @!p0 [hbm:s6], $0xF7A  }
0x23: {  	s9 =	sor.u32 $0xD0000000, s2;
	s6 =	simm.s32 $0x108;
	_ =	swait.ge @!p0 [sflag:s8], $0x0  }
0x24: {  	s3 =	sadd.s32 $0x88, s3;
	s6 =	simm.s32 @!p1 $0x1082;
	[sflag:s4] =	ssyncset.s32 $0xFFFFF086  }
0x25: {  	[simem:s6], [sflag:s4] =	dma.local [hbm:s3], $0xF7A  }
0x26: {  	[smem:$0x3F94] =	sst s1;
	(tag) =	ssettag s2;
	_ =	strace s9  }
0x27: {  	s1 =	sld [smem:$0x3FA4]  }
0x28: {  	s2 =	sld [smem:$0x3FA5]  }
0x29: {  	s4 =	sld [smem:$0x3FA7]  }
0x2a: {  	p0 =	seq.s32 s5, $0x0;
	s5 =	sld [smem:$0x3FA8]  }
0x2b: {  	s6 =	sld [smem:$0x3FA9]  }
0x2c: {  	s7 =	sld [smem:$0x3FAA]  }
0x2d: {  	s3 =	simm.s32 $0x108;
	s8 =	sld [smem:$0x3FAB]  }
0x2e: {  	s3 =	simm.s32 @!p0 $0x1082;
	s9 =	sld [smem:$0x3FAC]  }
0x2f: {  	lr =	sadd.s32 s0, s3;
	s0 =	sld [smem:$0x3FA3]  }
0x30: {  	s3 =	sld [smem:$0x3FA6]  }
0x31: {  	[smem:$0x3FAF] =	sst s10  }
0x32: {  	s10 =	sld [smem:$0x3FAD];
	_ =	sdelay $0x3  }
0x33: {  	p0 =	seq.s32 s10, $0x1;
	s10 =	sld [smem:$0x3FAF];
	_ =	sdelay $0x3  }
0x34: {  	[smem:$0x3FAF] =	sst s10  }
0x35: {  	s10 =	sld [smem:$0x3FAE];
	_ =	sdelay $0x3  }
0x36: {  	p1 =	seq.s32 s10, $0x1;
	s10 =	sld [smem:$0x3FAF];
	_ =	sdelay $0x3  }
0x37: {  	[smem:$0x3FAF] =	sst s10  }
0x38: {  	s10 =	sld [smem:$0x3FB0]  }
0x39: {  	_ = 	snop;
	(pc) =	sbr.ind lr, $3  }
0x3a: {  	_ = 	snop  }
0x3b: {  	_ = 	snop  }
0x3c: {  	p2 =	seq.s32 s10, $0x1;
	s10 =	sld [smem:$0x3FAF]  }
0x3d: {  	_ =	shalt  }
0x3e: {  	_ =	shalt  }
0x3f: {  	_ =	shalt  }
0x40: {  	_ =	shalt  }
0x41: {  	_ =	shalt  }
0x42: {  	_ =	shalt  }
0x43: {  	_ =	shalt  }
0x44: {  	_ =	shalt  }
0x45: {  	_ =	shalt  }
0x46: {  	_ =	shalt  }
0x47: {  	_ =	shalt  }
0x48: {  	_ =	shalt  }
0x49: {  	_ =	shalt  }
0x4a: {  	_ =	shalt  }
0x4b: {  	_ =	shalt  }
0x4c: {  	_ =	shalt  }
0x4d: {  	_ =	shalt  }
0x4e: {  	_ =	shalt  }
0x4f: {  	_ =	shalt  }
0x50: {  	_ =	shalt  }
0x51: {  	_ =	shalt  }
0x52: {  	_ =	shalt  }
0x53: {  	_ =	shalt  }
0x54: {  	_ =	shalt  }
0x55: {  	_ =	shalt  }
0x56: {  	_ =	shalt  }
0x57: {  	_ =	shalt  }
0x58: {  	_ =	shalt  }
0x59: {  	_ =	shalt  }
0x5a: {  	_ =	shalt  }
0x5b: {  	_ =	shalt  }
0x5c: {  	_ =	shalt  }
0x5d: {  	_ =	shalt  }
0x5e: {  	_ =	shalt  }
0x5f: {  	_ =	shalt  }
0x60: {  	_ =	shalt  }
0x61: {  	_ =	shalt  }
0x62: {  	_ =	shalt  }
0x63: {  	_ =	shalt  }
0x64: {  	_ =	shalt  }
0x65: {  	_ =	shalt  }
0x66: {  	_ =	shalt  }
0x67: {  	_ =	shalt  }
0x68: {  	_ =	shalt  }
0x69: {  	_ =	shalt  }
0x6a: {  	_ =	shalt  }
0x6b: {  	_ =	shalt  }
0x6c: {  	_ =	shalt  }
0x6d: {  	_ =	shalt  }
0x6e: {  	_ =	shalt  }
0x6f: {  	_ =	shalt  }
0x70: {  	_ =	shalt  }
0x71: {  	_ =	shalt  }
0x72: {  	_ =	shalt  }
0x73: {  	_ =	shalt  }
0x74: {  	_ =	shalt  }
0x75: {  	_ =	shalt  }
0x76: {  	_ =	shalt  }
0x77: {  	_ =	shalt  }
0x78: {  	_ =	shalt  }
0x79: {  	_ =	shalt  }
0x7a: {  	_ =	shalt  }
0x7b: {  	_ =	shalt  }
0x7c: {  	_ =	shalt  }
0x7d: {  	_ =	shalt  }
0x7e: {  	_ =	shalt  }
0x7f: {  	_ =	shalt  }
0x80: {  	_ =	shalt  }
0x81: {  	_ =	shalt  }
0x82: {  	_ =	shalt  }
0x83: {  	_ =	shalt  }
0x84: {  	_ =	shalt  }
0x85: {  	_ =	shalt  }
0x86: {  	_ =	shalt  }
0x87: {  	_ =	shalt  }
.Lfunc_end0:
.L_simem_size_0:
called_computation_lowered:
.L_overlay_start_0:
0x88: {  	s2 =	sld [smem:$0x3FD9]  }
0x89: {  	s3 =	sld [smem:$0x3FFE];
	_ =	sdelay $0x1  }
0x8a: {  	s1 =	srdreg.scid  }
0x8b: {  	s0 =	sand.u32 $0x1, s1  }
0x8c: {  	s17 =	sshll.u32 s0, $0xA;
	s2 =	sadd.s32 s3, s2  }
0x8d: {  	s2 =	sadd.s32 s2, s17  }
0x8e: {  	[smem:$0x3FBB] =	sst s2  }
0x8f: {  	_ = 	snop  }
0x90: {  	s2 =	sld [smem:$0x3FD0];
	(tm) =	ssettm $0x1  }
0x91: {  	s18 =	sld [smem:$0x3FFB];
	_ =	sdelay $0x3  }
0x92: {  	_ =	strace s18  }
0x93: {  	s3 =	sld [smem:$0x3FFC];
	_ =	sdelay $0x3  }
0x94: {  	_ =	strace s3  }
0x95: {  	s3 =	sld [smem:$0x3FFD];
	_ =	sdelay $0x3  }
0x96: {  	_ =	strace s3  }
0x97: {  	_ =	strace $0x8FFFFFFF  }
0x98: {  	s19 =	sld [smem:$0x3FDB];
	_ =	sdelay $0x1  }
0x99: {  	s4 =	simm.s32 $_scs_section_size  }
0x9a: {  	s5 =	simm.s32 $_size__tile_overlayer_lowered;
	s6 =	simm.s32 $_tile_overlayer_lowered  }
0x9b: {  	s22 =	simm.s32 $0x1BFF;
	s21 =	sshll.u32 s6, $0x1;
	s3 =	sadd.s32 s4, s19  }
0x9c: {  	s7 =	simm.s32 $0x0;
	s20 =	sshll.u32 s5, $0x1;
	s5 =	sadd.s32 s21, s3  }
0x9d: {  	[timem:s7], [sflag:s22] =	dma.local [hbm:s5], s20  }
0x9e: {  	_ =	swait.ge [sflag:s22], s20  }
0x9f: {  	s4 =	ssub.s32 $0x0, s20;
	[sflag:s22] =	ssyncset.done $0x0  }
0xa0: {  	[sflag:s22] =	ssyncadd.s32 s4;
	_ =	sdelay $0x1  }
0xa1: {  	s23 =	simm.s32 $0x1B8B  }
0xa2: {  	_ =	swait.ge [sflag:s23], $0x1  }
0xa3: {  	[sflag:s23] =	ssyncset.done $0x0  }
0xa4: {  	s25 =	simm.s32 $0x1B8E;
	s24 =	sld [smem:$0x3FFE];
	[sflag:s23] =	ssyncadd.s32 $0xFFFFFFFF  }
0xa5: {  	s26 =	simm.s32 $execute0_lowered;
	[smem:$0x3FD2] =	sst s25  }
0xa6: {  	s5 =	sshll.u32 s26, $0x1;
	_ =	strace $0x80000046;
	[dreg:$0x1] =	wrdreg $0xFFFFFFFF  }
0xa7: {  	s28 =	simm.s32 $_size_execute0_lowered;
	s3 =	sadd.s32 s3, s5;
	[dreg:$0x0] =	wrdreg $0x0  }
0xa8: {  	s5 =	sshll.u32 s28, $0x1;
	[dreg:$0x2] =	wrdreg s3  }
0xa9: {  	[dreg:$0x3] =	wrdreg s5  }
0xaa: {  	[dreg:$0x4] =	wrdreg $0xC0  }
0xab: {  	_ =	task [dreg:s7], $0x5FFFF  }
0xac: {  	[dreg:$0x1] =	wrdreg $0xFFFFFFFF  }
0xad: {  	[dreg:$0x0] =	wrdreg $0x60  }
0xae: {  	[dreg:$0x2] =	wrdreg s24  }
0xaf: {  	[dreg:$0x3] =	wrdreg s2  }
0xb0: {  	[dreg:$0x4] =	wrdreg $0xC8000  }
0xb1: {  	[dreg:$0x5] =	wrdreg $0x16E000  }
0xb2: {  	[dreg:$0x6] =	wrdreg $0x9  }
0xb3: {  	_ =	task.clear_ibuf [dreg:s7], $0x7FFFF;
	_ =	strace $0x90000046  }
0xb4: {  	s29 =	simm.s32 $0x9;
	_ =	strace $0x80000048  }
0xb5: {  	_ =	swait.ge [sflag:s29], $0x1  }
0xb6: {  	[sflag:s29] =	ssyncadd.s32 $0xFFFFFFFF  }
0xb7: {  	_ =	strace $0x90000048  }
0xb8: {  	_ =	sfence  }
0xb9: {  	s30 =	sld [smem:$0x0];
	_ =	sdelay $0x2  }
0xba: {  	s31 =	sshll.u32 s1, $0xD;
	s1 =	sshrl.u32 s1, $0x2  }
0xbb: {  	s3 =	sand.u32 $0x4000, s31;
	s1 =	sadd.s32 s1, s30  }
0xbc: {  	s0 =	sor.u32 s3, s0;
	s1 =	sshll.u32 s1, $0x11  }
0xbd: {  	s0 =	sor.u32 s1, s0  }
0xbe: {  	s0 =	sadd.s32 $0x8F2B, s0  }
0xbf: {  	[sflag:s0] =	ssyncadd.remote.s32 $0x1  }
0xc0: {  	_ =	sfence.sel $0xFFFF  }
0xc1: {  	[dreg:$0x0] =	wrdreg $0xFFFFFFFF;
	(pc) =	sbr.abs _section_cstart, $3  }
0xc2: {  	[dreg:$0x1] =	wrdreg $0xFFFFFFFF  }
0xc3: {  	_ =	task.clear_ibuf [dreg:s7], $0x2FFFF;
	_ =	strace $0x9FFFFFFF  }
0xc4: {  	(tm) =	ssettm $0x7FFFFFFF  }
0xc5: {  	_ =	shalt  }
tec
execute0_lowered:
.L_overlay_start_1:
0x0: {  	(tag) =	ssettag $0x1  }
0x1: {  	s0 =	rddreg [dreg:$0x0]  }
0x2: {  	s1 =	rddreg [dreg:$0x1]  }
0x3: {  	s2 =	rddreg [dreg:$0x2]  }
0x4: {  	s3 =	rddreg [dreg:$0x3];
	s20 =	stileid.u32  }
0x5: {  	s4 =	simm.s32 $0x0;
	s5 =	srdreg.scid;
	s29 =	simm.s32 $0xA800  }
0x6: {  	s30 =	simm.s32 $0x1;
	s31 =	simm.s32 $0x2;
	s9 =	smul.u32 $0x2780, s20  }
0x7: {  	[smem:$0x7FF] =	sst s4;
	s10 =	sand.u32 $0x1, s5;
	s7 =	smul.u32 $0x9E00, s20  }
0x8: {  	s5 =	sadd.s32 $0x1E00, s0;
	s11 =	sadd.s32 $0x1AA00, s0;
	s14 =	sadd.s32 $0x15A00, s0  }
0x9: {  	s6 =	sadd.s32 $0x15800, s0;
	s22 =	sshll.u32 s20, $0x6;
	s24 =	smul.u32 $0x480, s20  }
0xa: {  	s23 =	sshll.u32 s20, $0x7;
	s20 =	simm.s32 $0x16600;
	s8 =	smul.u32 $0x9E000, s10  }
0xb: {  	_ =	strace $0x80000047;
	s13 =	smul.u32 $0x27800, s10;
	s15 =	ssub.s32 $0x2, s10  }
0xc: {  	p0 =	sne.s32 s10, $0x0;
	s12 =	sshrl.u32 s9, $0x3;
	s16 =	sshrl.u32 s15, $0x1  }
0xd: {  	s18 =	sadd.s32 s7, s2;
	s19 =	sadd.s32 s9, s3;
	s26 =	sadd.s32 s11, s24  }
0xe: {  	s28 =	sadd.s32 s14, s24;
	s24 =	simm.s32 $0x6800;
	s12 =	sadd.s32 s12, s0  }
0xf: {  	s8 =	sadd.s32 s7, s8;
	s13 =	sadd.s32 s9, s13;
	[dreg:$0x7] =	wrdreg s26  }
0x10: {  	s21 =	ssub.s32 s15, s16;
	s7 =	sshrl.u32 s7, $0x3;
	[dreg:$0x8] =	wrdreg s28  }
0x11: {  	s19 =	sshrl.u32 s19, $0x3;
	s26 =	simm.s32 $0x8800;
	s8 =	sshrl.u32 s8, $0x3  }
0x12: {  	s13 =	sshrl.u32 s13, $0x3;
	s7 =	sadd.s32 s1, s7;
	s1 =	sor.u32 $0x4800, s23  }
0x13: {  	s9 =	sadd.s32 $0x1FA00, s12;
	s16 =	smax.u32 s21, $0x1;
	s21 =	simm.s32 $0x2400  }
0x14: {  	s23 =	simm.s32 $0x4800;
	s12 =	simm.s32 $0x2580;
	s17 =	sadd.s32 s8, s0  }
.Ltmp0:
0x15: {  	s0 =	sadd.s32 s13, s0;
	s25 =	sadd.s32 s11, s1;
	(pc) =	sbr.rel .LBB2_1-.Ltmp0, $4  }
0x16: {  	s8 =	sor.u32 $0x1C05, s22;
	s1 =	sadd.s32 s14, s1;
	[dreg:$0x5] =	wrdreg s25  }
0x17: {  	s22 =	simm.s32 $0x80;
	s13 =	simm.s32 $0x0;
	[dreg:$0x6] =	wrdreg s1  }
0x18: {  	s14 =	sadd.s32 $0x2E800, s17;
	s15 =	sadd.s32 $0x24A00, s0;
	s17 =	sshrl.u32 s18, $0x3  }
0x19: {  	s18 =	simm.s32 $0x5;
	s0 =	simm.s32 $0x3;
	s1 =	simm.s32 $0x4  }
.LBB2_5:
0x1a: {  	s10 =	rddreg [dreg:$0x5]  }
0x1b: {  	[tilespmem:s4], [sflag:$0x5] =	stream.linear.gather [hbm4b:s10+s4], $0x400, $0x38;
	[tilespmem:$0x19580] =	vst v63  }
0x1c: {  	_ =	swait.ge [sflag:s18], $0x400  }
0x1d: {  	[sflag:s18] =	ssyncset.done $0x0  }
0x1e: {  	s25 =	rddreg [dreg:$0x6];
	[sflag:s18] =	ssyncadd.s32 $0xFFFFFC00  }
0x1f: {  	[tilespmem:s21], [sflag:$0x5] =	stream.linear.gather [hbm4b:s25+s4], $0x400, $0x38;
	[tilespmem:$0x19580] =	vst v63  }
0x20: {  	_ =	swait.ge [sflag:s18], $0x400  }
0x21: {  	[sflag:s18] =	ssyncset.done $0x0  }
0x22: {  	[sflag:s18] =	ssyncadd.s32 $0xFFFFFC00  }
0x23: {  	[bflag:$0x0] =	sbarrier.arrive $0xFFFF  }
0x24: {  	[tilespmem:s23], [sflag:$0x1] =	stream.indirect.gather [hbm4b:s5+s22], $0x40, s4, s22, $0xb8;
	[tilespmem:$0x19580] =	vst v63  }
0x25: {  	_ = 	snop  }
0x26: {  	[tilespmem:s24], [sflag:$0x2] =	stream.indirect.gather [hbm4b:s5+s22], $0x40, s22, s22, $0xb8;
	[tilespmem:$0x19580] =	vst v63  }
0x27: {  	s11 =	simm.s32 $0x100  }
0x28: {  	[tilespmem:s26], [sflag:$0x3] =	stream.indirect.gather [hbm4b:s5+s22], $0x40, s11, s22, $0xb8;
	[tilespmem:$0x19580] =	vst v63  }
0x29: {  	s25 =	simm.s32 $0x180  }
0x2a: {  	[tilespmem:s29], [sflag:$0x4] =	stream.indirect.gather [hbm4b:s5+s22], $0x40, s25, s22, $0xb8;
	[tilespmem:$0x19580] =	vst v63  }
0x2b: {  	_ =	swait.ge [sflag:s30], $0x2000  }
0x2c: {  	[sflag:s30] =	ssyncset.done $0x0  }
0x2d: {  	[sflag:s30] =	ssyncadd.s32 $0xFFFFE000  }
0x2e: {  	[spmem:s2] =	stream.indirect.scatter.add.f32 [tilespmem:s23], [sflag:$0x5], $0x40, s21, s22, $0xb8;
	[tilespmem:$0x19580] =	vst v63  }
0x2f: {  	_ =	swait.ge [sflag:s18], $0x2000  }
0x30: {  	[sflag:s18] =	ssyncset.done $0x0  }
0x31: {  	[sflag:s18] =	ssyncadd.s32 $0xFFFFE000  }
0x32: {  	[spmem:s3] =	stream.indirect.scatter.add.f32 [tilespmem:s20], [sflag:$0x5], $0x10, s21, s22, $0xb8;
	[tilespmem:$0x19580] =	vst v63  }
0x33: {  	_ =	swait.ge [sflag:s18], $0x800  }
0x34: {  	[sflag:s18] =	ssyncset.done $0x0  }
0x35: {  	s11 =	simm.s32 $0x200;
	[sflag:s18] =	ssyncadd.s32 $0xFFFFF800  }
0x36: {  	[tilespmem:s23], [sflag:$0x1] =	stream.indirect.gather [hbm4b:s5+s22], $0x40, s11, s22, $0xb8;
	[tilespmem:$0x19580] =	vst v63  }
0x37: {  	_ =	swait.ge [sflag:s31], $0x2000  }
0x38: {  	[sflag:s31] =	ssyncset.done $0x0  }
0x39: {  	s25 =	simm.s32 $0x2480;
	[sflag:s31] =	ssyncadd.s32 $0xFFFFE000  }
0x3a: {  	[spmem:s2] =	stream.indirect.scatter.add.f32 [tilespmem:s24], [sflag:$0x5], $0x40, s25, s22, $0xb8;
	[tilespmem:$0x19580] =	vst v63  }
0x3b: {  	_ =	swait.ge [sflag:s18], $0x2000  }
0x3c: {  	[sflag:s18] =	ssyncset.done $0x0  }
0x3d: {  	[sflag:s18] =	ssyncadd.s32 $0xFFFFE000  }
0x3e: {  	[spmem:s3] =	stream.indirect.scatter.add.f32 [tilespmem:s20], [sflag:$0x5], $0x10, s25, s22, $0xb8;
	[tilespmem:$0x19580] =	vst v63  }
0x3f: {  	_ =	swait.ge [sflag:s18], $0x800  }
0x40: {  	[sflag:s18] =	ssyncset.done $0x0  }
0x41: {  	s11 =	simm.s32 $0x280;
	[sflag:s18] =	ssyncadd.s32 $0xFFFFF800  }
0x42: {  	[tilespmem:s24], [sflag:$0x2] =	stream.indirect.gather [hbm4b:s5+s22], $0x40, s11, s22, $0xb8;
	[tilespmem:$0x19580] =	vst v63  }
0x43: {  	_ =	swait.ge [sflag:s0], $0x2000  }
0x44: {  	[sflag:s0] =	ssyncset.done $0x0  }
0x45: {  	s25 =	simm.s32 $0x2500;
	[sflag:s0] =	ssyncadd.s32 $0xFFFFE000  }
0x46: {  	[spmem:s2] =	stream.indirect.scatter.add.f32 [tilespmem:s26], [sflag:$0x5], $0x40, s25, s22, $0xb8;
	[tilespmem:$0x19580] =	vst v63  }
0x47: {  	_ =	swait.ge [sflag:s18], $0x2000  }
0x48: {  	[sflag:s18] =	ssyncset.done $0x0  }
0x49: {  	[sflag:s18] =	ssyncadd.s32 $0xFFFFE000  }
0x4a: {  	[spmem:s3] =	stream.indirect.scatter.add.f32 [tilespmem:s20], [sflag:$0x5], $0x10, s25, s22, $0xb8;
	[tilespmem:$0x19580] =	vst v63  }
0x4b: {  	_ =	swait.ge [sflag:s18], $0x800  }
0x4c: {  	[sflag:s18] =	ssyncset.done $0x0  }
0x4d: {  	s11 =	simm.s32 $0x300;
	[sflag:s18] =	ssyncadd.s32 $0xFFFFF800  }
0x4e: {  	[tilespmem:s26], [sflag:$0x3] =	stream.indirect.gather [hbm4b:s5+s22], $0x40, s11, s22, $0xb8;
	[tilespmem:$0x19580] =	vst v63  }
0x4f: {  	_ =	swait.ge [sflag:s1], $0x2000  }
0x50: {  	[sflag:s1] =	ssyncset.done $0x0  }
0x51: {  	[sflag:s1] =	ssyncadd.s32 $0xFFFFE000  }
0x52: {  	[spmem:s2] =	stream.indirect.scatter.add.f32 [tilespmem:s29], [sflag:$0x5], $0x40, s12, s22, $0xb8;
	[tilespmem:$0x19580] =	vst v63  }
0x53: {  	_ =	swait.ge [sflag:s18], $0x2000  }
0x54: {  	[sflag:s18] =	ssyncset.done $0x0  }
0x55: {  	[sflag:s18] =	ssyncadd.s32 $0xFFFFE000  }
0x56: {  	[spmem:s3] =	stream.indirect.scatter.add.f32 [tilespmem:s20], [sflag:$0x5], $0x10, s12, s22, $0xb8;
	[tilespmem:$0x19580] =	vst v63  }
0x57: {  	_ =	swait.ge [sflag:s18], $0x800  }
0x58: {  	[sflag:s18] =	ssyncset.done $0x0  }
0x59: {  	s28 =	simm.s32 $0x2700;
	s25 =	simm.s32 $0x380;
	[sflag:s18] =	ssyncadd.s32 $0xFFFFF800  }
0x5a: {  	[tilespmem:s29], [sflag:$0x4] =	stream.indirect.gather [hbm4b:s5+s22], $0x40, s25, s22, $0xb8;
	[tilespmem:$0x19580] =	vst v63  }
0x5b: {  	s10 =	simm.s32 $0x2680;
	s11 =	simm.s32 $0x2600;
	s25 =	simm.s32 $0x2780  }
.LBB2_6:
0x5c: {  	_ =	swait.ge [sflag:s30], $0x2000  }
0x5d: {  	[sflag:s30] =	ssyncset.done $0x0  }
0x5e: {  	[sflag:s30] =	ssyncadd.s32 $0xFFFFE000  }
0x5f: {  	[spmem:s2] =	stream.indirect.scatter.add.f32 [tilespmem:s23], [sflag:$0x5], $0x40, s11, s22, $0xb8;
	[tilespmem:$0x19580] =	vst v63  }
0x60: {  	_ =	swait.ge [sflag:s18], $0x2000  }
0x61: {  	[sflag:s18] =	ssyncset.done $0x0  }
0x62: {  	[sflag:s18] =	ssyncadd.s32 $0xFFFFE000  }
0x63: {  	[spmem:s3] =	stream.indirect.scatter.add.f32 [tilespmem:s20], [sflag:$0x5], $0x10, s11, s22, $0xb8;
	[tilespmem:$0x19580] =	vst v63  }
0x64: {  	_ =	swait.ge [sflag:s18], $0x800  }
0x65: {  	[sflag:s18] =	ssyncset.done $0x0  }
0x66: {  	[sflag:s18] =	ssyncadd.s32 $0xFFFFF800  }
0x67: {  	_ =	swait.ge [sflag:s31], $0x2000  }
0x68: {  	[sflag:s31] =	ssyncset.done $0x0  }
0x69: {  	[sflag:s31] =	ssyncadd.s32 $0xFFFFE000  }
0x6a: {  	[spmem:s2] =	stream.indirect.scatter.add.f32 [tilespmem:s24], [sflag:$0x5], $0x40, s10, s22, $0xb8;
	[tilespmem:$0x19580] =	vst v63  }
0x6b: {  	_ =	swait.ge [sflag:s18], $0x2000  }
0x6c: {  	[sflag:s18] =	ssyncset.done $0x0  }
0x6d: {  	[sflag:s18] =	ssyncadd.s32 $0xFFFFE000  }
0x6e: {  	[spmem:s3] =	stream.indirect.scatter.add.f32 [tilespmem:s20], [sflag:$0x5], $0x10, s10, s22, $0xb8;
	[tilespmem:$0x19580] =	vst v63  }
0x6f: {  	_ =	swait.ge [sflag:s18], $0x800  }
0x70: {  	[sflag:s18] =	ssyncset.done $0x0  }
0x71: {  	[sflag:s18] =	ssyncadd.s32 $0xFFFFF800  }
0x72: {  	_ =	swait.ge [sflag:s0], $0x2000  }
0x73: {  	[sflag:s0] =	ssyncset.done $0x0  }
0x74: {  	[sflag:s0] =	ssyncadd.s32 $0xFFFFE000  }
0x75: {  	[spmem:s2] =	stream.indirect.scatter.add.f32 [tilespmem:s26], [sflag:$0x5], $0x40, s28, s22, $0xb8;
	[tilespmem:$0x19580] =	vst v63  }
0x76: {  	_ =	swait.ge [sflag:s18], $0x2000  }
0x77: {  	[sflag:s18] =	ssyncset.done $0x0  }
0x78: {  	[sflag:s18] =	ssyncadd.s32 $0xFFFFE000  }
0x79: {  	[spmem:s3] =	stream.indirect.scatter.add.f32 [tilespmem:s20], [sflag:$0x5], $0x10, s28, s22, $0xb8;
	[tilespmem:$0x19580] =	vst v63  }
0x7a: {  	_ =	swait.ge [sflag:s18], $0x800  }
0x7b: {  	[sflag:s18] =	ssyncset.done $0x0  }
0x7c: {  	[sflag:s18] =	ssyncadd.s32 $0xFFFFF800  }
0x7d: {  	_ =	swait.ge [sflag:s1], $0x2000  }
0x7e: {  	[sflag:s1] =	ssyncset.done $0x0  }
0x7f: {  	[sflag:s1] =	ssyncadd.s32 $0xFFFFE000  }
0x80: {  	[spmem:s2] =	stream.indirect.scatter.add.f32 [tilespmem:s29], [sflag:$0x5], $0x40, s25, s22, $0xb8;
	[tilespmem:$0x19580] =	vst v63  }
0x81: {  	_ =	swait.ge [sflag:s18], $0x2000  }
0x82: {  	[sflag:s18] =	ssyncset.done $0x0  }
0x83: {  	[sflag:s18] =	ssyncadd.s32 $0xFFFFE000  }
0x84: {  	[spmem:s3] =	stream.indirect.scatter.add.f32 [tilespmem:s20], [sflag:$0x5], $0x10, s25, s22, $0xb8;
	[tilespmem:$0x19580] =	vst v63  }
0x85: {  	_ =	swait.ge [sflag:s18], $0x800  }
0x86: {  	[sflag:s18] =	ssyncset.done $0x0  }
0x87: {  	[sflag:s18] =	ssyncadd.s32 $0xFFFFF800  }
0x88: {  	[bflag:$0x0] =	sbarrier.arrive $0xFFFF  }
0x89: {  	[hbm:s14], [sflag:s8] =	dma.local [spmem:s17], $0x13C0  }
0x8a: {  	s13 =	sadd.s32 $0x1, s13;
	_ =	swait.ge [sflag:s18], $0x13C0  }
0x8b: {  	p1 =	sne.s32 s13, s16;
	[sflag:s18] =	ssyncset.done $0x0  }
.Ltmp1:
0x8c: {  	[sflag:s18] =	ssyncadd.s32 $0xFFFFEC40;
	(pc) =	sbr.rel @!p1 .LBB2_7-.Ltmp1, $4  }
0x8d: {  	[hbm:s15], [sflag:s8] =	dma.local [spmem:s19], $0x4F0  }
0x8e: {  	_ =	swait.ge [sflag:s18], $0x4F0  }
0x8f: {  	[sflag:s18] =	ssyncset.done $0x0  }
0x90: {  	[sflag:s18] =	ssyncadd.s32 $0xFFFFFB10  }
.LBB2_1:
0x91: {  	[spmem:s17], [sflag:s8] =	dma.local [hbm:s7], $0x13C0  }
0x92: {  	_ =	swait.ge [sflag:s18], $0x13C0  }
0x93: {  	[sflag:s18] =	ssyncset.done $0x0  }
0x94: {  	[sflag:s18] =	ssyncadd.s32 $0xFFFFEC40  }
0x95: {  	[spmem:s19], [sflag:s8] =	dma.local [hbm:s9], $0x4F0  }
0x96: {  	_ =	swait.ge [sflag:s18], $0x4F0  }
0x97: {  	[sflag:s18] =	ssyncset.done $0x0  }
.Ltmp2:
0x98: {  	[sflag:s18] =	ssyncadd.s32 $0xFFFFFB10;
	(pc) =	sbr.rel @p0 .LBB2_5-.Ltmp2, $4  }
0x99: {  	[tilespmem:s20], [sflag:$0x5] =	stream.linear.gather [hbm4b:s6+s4], $0x800, $0x38;
	[tilespmem:$0x19580] =	vst v63  }
0x9a: {  	_ =	swait.ge [sflag:s18], $0x800  }
0x9b: {  	[sflag:s18] =	ssyncset.done $0x0  }
0x9c: {  	[sflag:s18] =	ssyncadd.s32 $0xFFFFF800  }
0x9d: {  	s10 =	simm.s32 $0x0;
	s11 =	rddreg [dreg:$0x7]  }
0x9e: {  	[tilespmem:s10], [sflag:$0x5] =	stream.linear.gather [hbm4b:s11+s10], $0x2400, $0x38;
	[tilespmem:$0x19580] =	vst v63  }
0x9f: {  	_ =	swait.ge [sflag:s18], $0x2400  }
0xa0: {  	[sflag:s18] =	ssyncset.done $0x0  }
0xa1: {  	s28 =	rddreg [dreg:$0x8];
	[sflag:s18] =	ssyncadd.s32 $0xFFFFDC00  }
0xa2: {  	[tilespmem:s21], [sflag:$0x5] =	stream.linear.gather [hbm4b:s28+s10], $0x2400, $0x38;
	[tilespmem:$0x19580] =	vst v63  }
0xa3: {  	_ =	swait.ge [sflag:s18], $0x2400  }
0xa4: {  	[sflag:s18] =	ssyncset.done $0x0  }
0xa5: {  	[sflag:s18] =	ssyncadd.s32 $0xFFFFDC00  }
0xa6: {  	[bflag:$0x0] =	sbarrier.arrive $0xFFFF  }
0xa7: {  	[tilespmem:s23], [sflag:$0x1] =	stream.indirect.gather [hbm4b:s5+s22], $0x40, s10, s22, $0xb8;
	[tilespmem:$0x19580] =	vst v63  }
0xa8: {  	_ = 	snop  }
0xa9: {  	[tilespmem:s24], [sflag:$0x2] =	stream.indirect.gather [hbm4b:s5+s22], $0x40, s22, s22, $0xb8;
	[tilespmem:$0x19580] =	vst v63  }
0xaa: {  	s11 =	simm.s32 $0x100  }
0xab: {  	[tilespmem:s26], [sflag:$0x3] =	stream.indirect.gather [hbm4b:s5+s22], $0x40, s11, s22, $0xb8;
	[tilespmem:$0x19580] =	vst v63  }
0xac: {  	s25 =	simm.s32 $0x180  }
0xad: {  	[tilespmem:s29], [sflag:$0x4] =	stream.indirect.gather [hbm4b:s5+s22], $0x40, s25, s22, $0xb8;
	[tilespmem:$0x19580] =	vst v63  }
0xae: {  	_ =	swait.ge [sflag:s30], $0x2000  }
0xaf: {  	[sflag:s30] =	ssyncset.done $0x0  }
0xb0: {  	s28 =	simm.s32 $0x2400;
	[sflag:s30] =	ssyncadd.s32 $0xFFFFE000  }
0xb1: {  	[spmem:s2] =	stream.indirect.scatter.add.f32 [tilespmem:s23], [sflag:$0x5], $0x40, s28, s22, $0xb8;
	[tilespmem:$0x19580] =	vst v63  }
0xb2: {  	_ =	swait.ge [sflag:s18], $0x2000  }
0xb3: {  	[sflag:s18] =	ssyncset.done $0x0  }
0xb4: {  	[sflag:s18] =	ssyncadd.s32 $0xFFFFE000  }
0xb5: {  	[spmem:s3] =	stream.indirect.scatter.add.f32 [tilespmem:s20], [sflag:$0x5], $0x10, s28, s22, $0xb8;
	[tilespmem:$0x19580] =	vst v63  }
0xb6: {  	_ =	swait.ge [sflag:s18], $0x800  }
0xb7: {  	[sflag:s18] =	ssyncset.done $0x0  }
0xb8: {  	s11 =	simm.s32 $0x200;
	[sflag:s18] =	ssyncadd.s32 $0xFFFFF800  }
0xb9: {  	[tilespmem:s23], [sflag:$0x1] =	stream.indirect.gather [hbm4b:s5+s22], $0x40, s11, s22, $0xb8;
	[tilespmem:$0x19580] =	vst v63  }
0xba: {  	_ =	swait.ge [sflag:s31], $0x2000  }
0xbb: {  	[sflag:s31] =	ssyncset.done $0x0  }
0xbc: {  	s25 =	simm.s32 $0x2480;
	[sflag:s31] =	ssyncadd.s32 $0xFFFFE000  }
0xbd: {  	[spmem:s2] =	stream.indirect.scatter.add.f32 [tilespmem:s24], [sflag:$0x5], $0x40, s25, s22, $0xb8;
	[tilespmem:$0x19580] =	vst v63  }
0xbe: {  	_ =	swait.ge [sflag:s18], $0x2000  }
0xbf: {  	[sflag:s18] =	ssyncset.done $0x0  }
0xc0: {  	[sflag:s18] =	ssyncadd.s32 $0xFFFFE000  }
0xc1: {  	[spmem:s3] =	stream.indirect.scatter.add.f32 [tilespmem:s20], [sflag:$0x5], $0x10, s25, s22, $0xb8;
	[tilespmem:$0x19580] =	vst v63  }
0xc2: {  	_ =	swait.ge [sflag:s18], $0x800  }
0xc3: {  	[sflag:s18] =	ssyncset.done $0x0  }
0xc4: {  	s28 =	simm.s32 $0x280;
	[sflag:s18] =	ssyncadd.s32 $0xFFFFF800  }
0xc5: {  	[tilespmem:s24], [sflag:$0x2] =	stream.indirect.gather [hbm4b:s5+s22], $0x40, s28, s22, $0xb8;
	[tilespmem:$0x19580] =	vst v63  }
0xc6: {  	_ =	swait.ge [sflag:s0], $0x2000  }
0xc7: {  	[sflag:s0] =	ssyncset.done $0x0  }
0xc8: {  	s11 =	simm.s32 $0x2500;
	[sflag:s0] =	ssyncadd.s32 $0xFFFFE000  }
0xc9: {  	[spmem:s2] =	stream.indirect.scatter.add.f32 [tilespmem:s26], [sflag:$0x5], $0x40, s11, s22, $0xb8;
	[tilespmem:$0x19580] =	vst v63  }
0xca: {  	_ =	swait.ge [sflag:s18], $0x2000  }
0xcb: {  	[sflag:s18] =	ssyncset.done $0x0  }
0xcc: {  	[sflag:s18] =	ssyncadd.s32 $0xFFFFE000  }
0xcd: {  	[spmem:s3] =	stream.indirect.scatter.add.f32 [tilespmem:s20], [sflag:$0x5], $0x10, s11, s22, $0xb8;
	[tilespmem:$0x19580] =	vst v63  }
0xce: {  	_ =	swait.ge [sflag:s18], $0x800  }
0xcf: {  	[sflag:s18] =	ssyncset.done $0x0  }
0xd0: {  	s25 =	simm.s32 $0x300;
	[sflag:s18] =	ssyncadd.s32 $0xFFFFF800  }
0xd1: {  	[tilespmem:s26], [sflag:$0x3] =	stream.indirect.gather [hbm4b:s5+s22], $0x40, s25, s22, $0xb8;
	[tilespmem:$0x19580] =	vst v63  }
0xd2: {  	_ =	swait.ge [sflag:s1], $0x2000  }
0xd3: {  	[sflag:s1] =	ssyncset.done $0x0  }
0xd4: {  	s28 =	simm.s32 $0x2580;
	[sflag:s1] =	ssyncadd.s32 $0xFFFFE000  }
0xd5: {  	[spmem:s2] =	stream.indirect.scatter.add.f32 [tilespmem:s29], [sflag:$0x5], $0x40, s28, s22, $0xb8;
	[tilespmem:$0x19580] =	vst v63  }
0xd6: {  	_ =	swait.ge [sflag:s18], $0x2000  }
0xd7: {  	p1 =	por $0x0, $0x0;
	[sflag:s18] =	ssyncset.done $0x0  }
.Ltmp3:
0xd8: {  	[sflag:s18] =	ssyncadd.s32 $0xFFFFE000;
	(pc) =	sbr.rel @p1 .LBB2_4-.Ltmp3, $4  }
0xd9: {  	[spmem:s3] =	stream.indirect.scatter.add.f32 [tilespmem:s20], [sflag:$0x5], $0x10, s28, s22, $0xb8;
	[tilespmem:$0x19580] =	vst v63  }
0xda: {  	_ =	swait.ge [sflag:s18], $0x800  }
0xdb: {  	[sflag:s18] =	ssyncset.done $0x0  }
0xdc: {  	s10 =	simm.s32 $0x380;
	s25 =	simm.s32 $0x800;
	[sflag:s18] =	ssyncadd.s32 $0xFFFFF800  }
.LBB2_3:
0xdd: {  	[tilespmem:s29], [sflag:$0x4] =	stream.indirect.gather [hbm4b:s5+s22], $0x40, s10, s22, $0xb8;
	[tilespmem:$0x19580] =	vst v63  }
0xde: {  	s10 =	smov.u32 s25  }
0xdf: {  	p1 =	seq.s32 s25, $0x8000;
	s25 =	sadd.s32 $0x800, s25;
	_ =	swait.ge [sflag:s30], $0x2000  }
0xe0: {  	s28 =	sshra.s32 s10, $0x2;
	[sflag:s30] =	ssyncset.done $0x0  }
0xe1: {  	s10 =	sadd.s32 $0x2400, s28;
	[sflag:s30] =	ssyncadd.s32 $0xFFFFE000  }
0xe2: {  	[spmem:s2] =	stream.indirect.scatter.add.f32 [tilespmem:s23], [sflag:$0x5], $0x40, s10, s22, $0xb8;
	[tilespmem:$0x19580] =	vst v63  }
0xe3: {  	_ =	swait.ge [sflag:s18], $0x2000  }
0xe4: {  	[sflag:s18] =	ssyncset.done $0x0  }
0xe5: {  	[sflag:s18] =	ssyncadd.s32 $0xFFFFE000  }
0xe6: {  	[spmem:s3] =	stream.indirect.scatter.add.f32 [tilespmem:s20], [sflag:$0x5], $0x10, s10, s22, $0xb8;
	[tilespmem:$0x19580] =	vst v63  }
0xe7: {  	_ =	swait.ge [sflag:s18], $0x800  }
0xe8: {  	[sflag:s18] =	ssyncset.done $0x0  }
0xe9: {  	s10 =	sadd.s32 $0x200, s28;
	[sflag:s18] =	ssyncadd.s32 $0xFFFFF800  }
0xea: {  	[tilespmem:s23], [sflag:$0x1] =	stream.indirect.gather [hbm4b:s5+s22], $0x40, s10, s22, $0xb8;
	[tilespmem:$0x19580] =	vst v63  }
0xeb: {  	_ =	swait.ge [sflag:s31], $0x2000  }
0xec: {  	[sflag:s31] =	ssyncset.done $0x0  }
0xed: {  	s10 =	sadd.s32 $0x2480, s28;
	[sflag:s31] =	ssyncadd.s32 $0xFFFFE000  }
0xee: {  	[spmem:s2] =	stream.indirect.scatter.add.f32 [tilespmem:s24], [sflag:$0x5], $0x40, s10, s22, $0xb8;
	[tilespmem:$0x19580] =	vst v63  }
0xef: {  	_ =	swait.ge [sflag:s18], $0x2000  }
0xf0: {  	[sflag:s18] =	ssyncset.done $0x0  }
0xf1: {  	[sflag:s18] =	ssyncadd.s32 $0xFFFFE000  }
0xf2: {  	[spmem:s3] =	stream.indirect.scatter.add.f32 [tilespmem:s20], [sflag:$0x5], $0x10, s10, s22, $0xb8;
	[tilespmem:$0x19580] =	vst v63  }
0xf3: {  	_ =	swait.ge [sflag:s18], $0x800  }
0xf4: {  	[sflag:s18] =	ssyncset.done $0x0  }
0xf5: {  	s10 =	sadd.s32 $0x280, s28;
	[sflag:s18] =	ssyncadd.s32 $0xFFFFF800  }
0xf6: {  	[tilespmem:s24], [sflag:$0x2] =	stream.indirect.gather [hbm4b:s5+s22], $0x40, s10, s22, $0xb8;
	[tilespmem:$0x19580] =	vst v63  }
0xf7: {  	_ =	swait.ge [sflag:s0], $0x2000  }
0xf8: {  	[sflag:s0] =	ssyncset.done $0x0  }
0xf9: {  	s10 =	sadd.s32 $0x2500, s28;
	[sflag:s0] =	ssyncadd.s32 $0xFFFFE000  }
0xfa: {  	[spmem:s2] =	stream.indirect.scatter.add.f32 [tilespmem:s26], [sflag:$0x5], $0x40, s10, s22, $0xb8;
	[tilespmem:$0x19580] =	vst v63  }
0xfb: {  	_ =	swait.ge [sflag:s18], $0x2000  }
0xfc: {  	[sflag:s18] =	ssyncset.done $0x0  }
0xfd: {  	[sflag:s18] =	ssyncadd.s32 $0xFFFFE000  }
0xfe: {  	[spmem:s3] =	stream.indirect.scatter.add.f32 [tilespmem:s20], [sflag:$0x5], $0x10, s10, s22, $0xb8;
	[tilespmem:$0x19580] =	vst v63  }
0xff: {  	_ =	swait.ge [sflag:s18], $0x800  }
0x100: {  	[sflag:s18] =	ssyncset.done $0x0  }
0x101: {  	s10 =	sadd.s32 $0x300, s28;
	[sflag:s18] =	ssyncadd.s32 $0xFFFFF800  }
0x102: {  	[tilespmem:s26], [sflag:$0x3] =	stream.indirect.gather [hbm4b:s5+s22], $0x40, s10, s22, $0xb8;
	[tilespmem:$0x19580] =	vst v63  }
0x103: {  	_ =	swait.ge [sflag:s1], $0x2000  }
0x104: {  	[sflag:s1] =	ssyncset.done $0x0  }
0x105: {  	s10 =	sadd.s32 $0x2580, s28;
	[sflag:s1] =	ssyncadd.s32 $0xFFFFE000  }
0x106: {  	[spmem:s2] =	stream.indirect.scatter.add.f32 [tilespmem:s29], [sflag:$0x5], $0x40, s10, s22, $0xb8;
	[tilespmem:$0x19580] =	vst v63  }
0x107: {  	_ =	swait.ge [sflag:s18], $0x2000  }
0x108: {  	[sflag:s18] =	ssyncset.done $0x0  }
.Ltmp4:
0x109: {  	[sflag:s18] =	ssyncadd.s32 $0xFFFFE000;
	(pc) =	sbr.rel @!p1 .LBB2_3-.Ltmp4, $4  }
0x10a: {  	[spmem:s3] =	stream.indirect.scatter.add.f32 [tilespmem:s20], [sflag:$0x5], $0x10, s10, s22, $0xb8;
	[tilespmem:$0x19580] =	vst v63  }
0x10b: {  	_ =	swait.ge [sflag:s18], $0x800  }
0x10c: {  	[sflag:s18] =	ssyncset.done $0x0  }
0x10d: {  	s10 =	sadd.s32 $0x380, s28;
	[sflag:s18] =	ssyncadd.s32 $0xFFFFF800  }
.LBB2_4:
.Ltmp5:
0x10e: {  	(pc) =	sbr.rel .LBB2_6-.Ltmp5, $4  }
0x10f: {  	_ = 	snop  }
0x110: {  	[tilespmem:s29], [sflag:$0x4] =	stream.indirect.gather [hbm4b:s5+s22], $0x40, s10, s22, $0xb8;
	[tilespmem:$0x19580] =	vst v63  }
0x111: {  	s25 =	simm.s32 $0x4780  }
0x112: {  	s28 =	simm.s32 $0x4700;
	s10 =	simm.s32 $0x4680;
	s11 =	simm.s32 $0x4600  }
.LBB2_7:
0x113: {  	_ =	sfence.sel $0x180000  }
0x114: {  	[bflag:$0x0] =	sbarrier.arrive $0xFFFF  }
0x115: {  	_ =	strace $0x90000047  }
0x116: {  	s0 =	stileid.u32;
	[bflag:$0x2] =	sbarrier.arrive $0xFFFF  }
0x117: {  	p0 =	sne.s32 s0, $0x0;
	s0 =	rddreg [dreg:$0x4]  }
0x118: {  	s0 =	sadd.s32 @!p0 $0x100000, s0  }
0x119: {  	[sflag:s0] =	ssyncadd.tile.s32 @!p0 $0x1;
	_ =	shalt  }
.Lfunc_end2:
_tile_overlayer_lowered:
.L_overlay_start_2:
0x11a: {  	(tag) =	ssettag $0x2  }
0x11b: {  	s0 =	rddreg [dreg:$0x0];
	s2 =	stileid.u32  }
0x11c: {  	s1 =	rddreg [dreg:$0x1];
	p0 =	sne.s32 s2, $0x0  }
0x11d: {  	s3 =	rddreg [dreg:$0x2];
	[bflag:$0x3] =	sbarrier.arrive $0xFFFF;
	s2 =	simm.s32 @!p0 $0x1C05  }
0x11e: {  	[timem:s3], [sflag:s2] =	dma.local @!p0 [hbm:s0], s1  }
0x11f: {  	s0 =	simm.s32 @!p0 $0x5  }
0x120: {  	_ =	swait.ge @!p0 [sflag:s0], s1  }
0x121: {  	s1 =	ssub.s32 @!p0 $0x0, s1;
	[sflag:s0] =	ssyncset.done @!p0 $0x0  }
0x122: {  	[sflag:s0] =	ssyncadd.s32 @!p0 s1  }
0x123: {  	[bflag:$0x3] =	sbarrier.arrive $0xFFFF  }
0x124: {  	_ =	shalt  }

</sc_bundles>
